<compile_context>
chip_gen: v7x
topology: tpu7x:2x2x1
jax: 0.10.2.dev20260603
libtpu: 0.0.44.dev20260713+nightly
codegen_flags: <defaults>
</compile_context>

<pallas_src>
import jax
import jax.numpy as jnp
from jax.experimental import pallas as pl
from jax.experimental.pallas import tpu as pltpu

NSEL = 384
H = 768
NPAD = 1024
TB = 128


def _lex_first(ka, ia, kb, ib):
    return (ka > kb) | ((ka == kb) & (ia < ib))


def _stage(k, i, d, blk, st, drop_b=False):
    rows = k.shape[0]
    if st < 8:
        spos = jax.lax.broadcasted_iota(jnp.int32, (rows, 8, TB), 1)
        rpos = jax.lax.broadcasted_iota(jnp.int32, (rows, 8, TB), 0)
        pos = rpos * 8 + spos
        lower = (spos & st) != 0
        desc = (pos & blk) == 0
        kp = jnp.where(lower, jnp.roll(k, st, axis=1),
                       jnp.roll(k, -st, axis=1))
        ip = jnp.where(lower, jnp.roll(i, st, axis=1),
                       jnp.roll(i, -st, axis=1))
        dp = jnp.where(lower, jnp.roll(d, st, axis=1),
                       jnp.roll(d, -st, axis=1))
        self_first = _lex_first(k, i, kp, ip)
        slot_first = jnp.logical_not(lower) == desc
        keep = self_first == slot_first
        return (jnp.where(keep, k, kp), jnp.where(keep, i, ip),
                jnp.where(keep, d, dp))
    s8 = st // 8
    g = rows // (2 * s8)
    k5 = k.reshape(g, 2, s8, 8, TB)
    i5 = i.reshape(g, 2, s8, 8, TB)
    d5 = d.reshape(g, 2, s8, 8, TB)
    ka, kb = k5[:, 0], k5[:, 1]
    ia, ib = i5[:, 0], i5[:, 1]
    da, db = d5[:, 0], d5[:, 1]
    gpos = jax.lax.broadcasted_iota(jnp.int32, (g, s8, 8, TB), 0)
    desc_a = ((gpos * 2 * st) & blk) == 0
    a_first = _lex_first(ka, ia, kb, ib)
    a_stays = a_first == desc_a
    ka2 = jnp.where(a_stays, ka, kb)
    ia2 = jnp.where(a_stays, ia, ib)
    da2 = jnp.where(a_stays, da, db)
    if drop_b:
        return (ka2.reshape(rows // 2, 8, TB), ia2.reshape(rows // 2, 8, TB),
                da2.reshape(rows // 2, 8, TB))
    kb2 = jnp.where(a_stays, kb, ka)
    ib2 = jnp.where(a_stays, ib, ia)
    db2 = jnp.where(a_stays, db, da)
    return (jnp.stack((ka2, kb2), axis=1).reshape(rows, 8, TB),
            jnp.stack((ia2, ib2), axis=1).reshape(rows, 8, TB),
            jnp.stack((da2, db2), axis=1).reshape(rows, 8, TB))


def _sortnet(k, i, d):
    blk = 2
    while blk <= 256:
        st = blk // 2
        while st >= 1:
            k, i, d = _stage(k, i, d, blk, st)
            st //= 2
        blk *= 2

    zpad = jnp.zeros(((NPAD - H) // 8, 8, TB), jnp.int32)
    prpos = jax.lax.broadcasted_iota(jnp.int32, ((NPAD - H) // 8, 8, TB), 0)
    pspos = jax.lax.broadcasted_iota(jnp.int32, ((NPAD - H) // 8, 8, TB), 1)
    ipad = H + prpos * 8 + pspos
    k = jnp.concatenate([k, zpad], axis=0)
    i = jnp.concatenate([i, ipad], axis=0)
    d = jnp.concatenate(
        [d, jnp.zeros(((NPAD - H) // 8, 8, TB), jnp.float32)], axis=0)

    for st in (256, 128, 64, 32, 16, 8, 4, 2, 1):
        k, i, d = _stage(k, i, d, 512, st)

    k, i, d = _stage(k, i, d, 1024, 512, drop_b=True)
    k, i, d = _stage(k, i, d, 1024, 256)
    k, i, d = _stage(k, i, d, 1024, 128)
    k, i, d = k[:48], i[:48], d[:48]
    for st in (64, 32, 16, 8, 4, 2, 1):
        k, i, d = _stage(k, i, d, 1024, st)
    return d


def _body(xt_ref, w_ref, b_ref, o_ref):
    xt = xt_ref[...]
    w = w_ref[...]
    s = jax.lax.dot_general(w, xt, (((1,), (0,)), ((), ())))
    imp = jax.nn.sigmoid(s + b_ref[...])
    k = pltpu.bitcast(imp, jnp.int32).reshape(H // 8, 8, TB)
    d = xt.reshape(H // 8, 8, TB)
    rpos = jax.lax.broadcasted_iota(jnp.int32, (H // 8, 8, TB), 0)
    spos = jax.lax.broadcasted_iota(jnp.int32, (H // 8, 8, TB), 1)
    i = rpos * 8 + spos
    o_ref[...] = _sortnet(k, i, d).reshape(NSEL, TB)


def kernel(data, W, b):
    B, S, Hd = data.shape
    N = B * S
    xt = data.reshape(N, Hd).T
    b2 = b.reshape(Hd, 1)
    out_t = pl.pallas_call(
        _body,
        grid=(N // TB,),
        in_specs=[
            pl.BlockSpec((Hd, TB), lambda i: (0, i)),
            pl.BlockSpec((Hd, Hd), lambda i: (0, 0)),
            pl.BlockSpec((Hd, 1), lambda i: (0, 0)),
        ],
        out_specs=pl.BlockSpec((NSEL, TB), lambda i: (0, i)),
        out_shape=jax.ShapeDtypeStruct((NSEL, N), jnp.float32),
    )(xt, W, b2)
    return out_t.T.reshape(B, S, NSEL)

# --- scband reference (transcript-rebuilt; emitter-appended) ---
"""Pipeline reference for scband-feature-selector-72722386256356 (READ-ONLY COPY).

The authoritative reference and input builder live on the scoring server;
editing this copy changes nothing except your own understanding.
"""

import jax, jax.numpy as jnp
import numpy as np

HIDDEN_DIM = 768
SELECTION_RATIO = 0.5
NUM_SELECT = int(HIDDEN_DIM * SELECTION_RATIO)

def setup_inputs(seed: int = 0) -> dict:
    key = jax.random.key(seed)
    k1, k2, k3 = jax.random.split(key, 3)
    data = jax.random.normal(k1, (4, 8192, HIDDEN_DIM), dtype=jnp.float32)
    # torch nn.Linear default init: U(-1/sqrt(fan_in), 1/sqrt(fan_in))
    bound = 1.0 / np.sqrt(HIDDEN_DIM)
    W = jax.random.uniform(k2, (HIDDEN_DIM, HIDDEN_DIM), dtype=jnp.float32, minval=-bound, maxval=bound)
    b = jax.random.uniform(k3, (HIDDEN_DIM,), dtype=jnp.float32, minval=-bound, maxval=bound)
    return {"data": data, "W": W, "b": b}

def reference(data, W, b):
    # importance = sigmoid(Linear(data))  (torch Linear: x @ W.T + b)
    importance = jax.nn.sigmoid(jnp.dot(data, W.T) + b)
    # topk over last dim
    _, indices = jax.lax.top_k(importance, NUM_SELECT)
    # gather selected features along last dim
    selected = jnp.take_along_axis(data, indices, axis=-1)
    return selected

if __name__ == "__main__":
    import jax
    _d = setup_inputs()
    print(jax.jit(kernel)(*tuple(_d.values())))

</pallas_src>

<mosaic_0001>
module attributes {stable_mosaic.version = 14 : i64} {
  func.func @_body(%arg0: i32, %arg1: memref<768x128xf32, #tpu.memory_space<vmem>>, %arg2: memref<768x768xf32, #tpu.memory_space<vmem>>, %arg3: memref<768x1xf32, #tpu.memory_space<vmem>>, %arg4: memref<384x128xf32, #tpu.memory_space<vmem>>) attributes {dimension_semantics = [#tpu.dimension_semantics<arbitrary>], iteration_bounds = array<i64: 256>, scalar_prefetch = 0 : i64, scratch_operands = 0 : i64, tpu.core_type = #tpu.core_type<tc>, window_params = [{transform_indices = @transform_0, window_bounds = array<i64: 768, 128>}, {pipeline_mode = #tpu.pipeline_mode<synchronous>, transform_indices = @transform_1, window_bounds = array<i64: 768, 768>}, {pipeline_mode = #tpu.pipeline_mode<synchronous>, transform_indices = @transform_2, window_bounds = array<i64: 768, 1>}, {transform_indices = @transform_3, window_bounds = array<i64: 384, 128>}]} {
    %get3A = arith.constant 0 : index
    %get3A_0 = arith.constant 0 : index
    %get3A_1 = vector.load %arg1[%get3A, %get3A_0] : memref<768x128xf32, #tpu.memory_space<vmem>>, vector<768x128xf32>
    %get3A_2 = arith.constant 0 : index
    %get3A_3 = arith.constant 0 : index
    %get3A_4 = vector.load %arg2[%get3A_2, %get3A_3] : memref<768x768xf32, #tpu.memory_space<vmem>>, vector<768x768xf32>
    %dot_general3A = arith.constant dense<0.000000e+00> : vector<768x128xf32>
    %dot_general3A_5 = tpu.matmul %get3A_4, %get3A_1, %dot_general3A {dimension_numbers = #tpu.dot_dimension_numbers<[1], [0], [0], [1], [0, 0, 1, 1], [], []>, transpose_lhs_hint = false} : vector<768x768xf32>, vector<768x128xf32>, vector<768x128xf32> -> vector<768x128xf32>
    %get3A_6 = arith.constant 0 : index
    %get3A_7 = arith.constant 0 : index
    %get3A_8 = vector.load %arg3[%get3A_6, %get3A_7] : memref<768x1xf32, #tpu.memory_space<vmem>>, vector<768x1xf32>
    %add3A = vector.broadcast %get3A_8 : vector<768x1xf32> to vector<768x128xf32>
    %add3A_9 = arith.addf %dot_general3A_5, %add3A : vector<768x128xf32>
    %logistic3A = arith.negf %add3A_9 : vector<768x128xf32>
    %logistic3A_10 = math.exp %logistic3A : vector<768x128xf32>
    %logistic3A_11 = arith.constant 1.000000e+00 : f32
    %logistic3A_12 = vector.broadcast %logistic3A_11 : f32 to vector<768x128xf32>
    %logistic3A_13 = arith.addf %logistic3A_12, %logistic3A_10 : vector<768x128xf32>
    %logistic3A_14 = arith.divf %logistic3A_12, %logistic3A_13 : vector<768x128xf32>
    %bitcast3A = tpu.bitcast %logistic3A_14 : vector<768x128xf32> -> vector<768x128xi32>
    %reshape3A = vector.shape_cast %bitcast3A : vector<768x128xi32> to vector<96x8x128xi32>
    %reshape3A_15 = vector.shape_cast %get3A_1 : vector<768x128xf32> to vector<96x8x128xf32>
    %iota3A = tpu.iota {dimensions = array<i32: 0>} : vector<96x8x128xi32>
    %iota3A_16 = tpu.iota {dimensions = array<i32: 1>} : vector<96x8x128xi32>
    %mul3A = arith.constant 8 : i32
    %mul3A_17 = vector.broadcast %mul3A : i32 to vector<96x8x128xi32>
    %mul3A_18 = arith.muli %iota3A, %mul3A_17 : vector<96x8x128xi32>
    %add3A_19 = arith.addi %mul3A_18, %iota3A_16 : vector<96x8x128xi32>
    %iota3A_20 = tpu.iota {dimensions = array<i32: 1>} : vector<96x8x128xi32>
    %iota3A_21 = tpu.iota {dimensions = array<i32: 0>} : vector<96x8x128xi32>
    %mul3A_22 = arith.constant 8 : i32
    %mul3A_23 = vector.broadcast %mul3A_22 : i32 to vector<96x8x128xi32>
    %mul3A_24 = arith.muli %iota3A_21, %mul3A_23 : vector<96x8x128xi32>
    %add3A_25 = arith.addi %mul3A_24, %iota3A_20 : vector<96x8x128xi32>
    %and3A = arith.constant 1 : i32
    %and3A_26 = vector.broadcast %and3A : i32 to vector<96x8x128xi32>
    %and3A_27 = arith.andi %iota3A_20, %and3A_26 : vector<96x8x128xi32>
    %ne3A = arith.constant 0 : i32
    %ne3A_28 = vector.broadcast %ne3A : i32 to vector<96x8x128xi32>
    %ne3A_29 = arith.cmpi ne, %and3A_27, %ne3A_28 : vector<96x8x128xi32>
    %and3A_30 = arith.constant 2 : i32
    %and3A_31 = vector.broadcast %and3A_30 : i32 to vector<96x8x128xi32>
    %and3A_32 = arith.andi %add3A_25, %and3A_31 : vector<96x8x128xi32>
    %eq3A = arith.constant 0 : i32
    %eq3A_33 = vector.broadcast %eq3A : i32 to vector<96x8x128xi32>
    %eq3A_34 = arith.cmpi eq, %and3A_32, %eq3A_33 : vector<96x8x128xi32>
    %slice3A = vector.extract_strided_slice %reshape3A {offsets = [0, 7, 0], sizes = [96, 1, 128], strides = [1, 1, 1]} : vector<96x8x128xi32> to vector<96x1x128xi32>
    %slice3A_35 = vector.extract_strided_slice %reshape3A {offsets = [0, 0, 0], sizes = [96, 7, 128], strides = [1, 1, 1]} : vector<96x8x128xi32> to vector<96x7x128xi32>
    %concatenate3A = tpu.concatenate %slice3A, %slice3A_35 in 1 : vector<96x1x128xi32>, vector<96x7x128xi32> -> vector<96x8x128xi32>
    %slice3A_36 = vector.extract_strided_slice %reshape3A {offsets = [0, 1, 0], sizes = [96, 7, 128], strides = [1, 1, 1]} : vector<96x8x128xi32> to vector<96x7x128xi32>
    %slice3A_37 = vector.extract_strided_slice %reshape3A {offsets = [0, 0, 0], sizes = [96, 1, 128], strides = [1, 1, 1]} : vector<96x8x128xi32> to vector<96x1x128xi32>
    %concatenate3A_38 = tpu.concatenate %slice3A_36, %slice3A_37 in 1 : vector<96x7x128xi32>, vector<96x1x128xi32> -> vector<96x8x128xi32>
    %select_n3A = arith.select %ne3A_29, %concatenate3A, %concatenate3A_38 : vector<96x8x128xi1>, vector<96x8x128xi32>
    %slice3A_39 = vector.extract_strided_slice %add3A_19 {offsets = [0, 7, 0], sizes = [96, 1, 128], strides = [1, 1, 1]} : vector<96x8x128xi32> to vector<96x1x128xi32>
    %slice3A_40 = vector.extract_strided_slice %add3A_19 {offsets = [0, 0, 0], sizes = [96, 7, 128], strides = [1, 1, 1]} : vector<96x8x128xi32> to vector<96x7x128xi32>
    %concatenate3A_41 = tpu.concatenate %slice3A_39, %slice3A_40 in 1 : vector<96x1x128xi32>, vector<96x7x128xi32> -> vector<96x8x128xi32>
    %slice3A_42 = vector.extract_strided_slice %add3A_19 {offsets = [0, 1, 0], sizes = [96, 7, 128], strides = [1, 1, 1]} : vector<96x8x128xi32> to vector<96x7x128xi32>
    %slice3A_43 = vector.extract_strided_slice %add3A_19 {offsets = [0, 0, 0], sizes = [96, 1, 128], strides = [1, 1, 1]} : vector<96x8x128xi32> to vector<96x1x128xi32>
    %concatenate3A_44 = tpu.concatenate %slice3A_42, %slice3A_43 in 1 : vector<96x7x128xi32>, vector<96x1x128xi32> -> vector<96x8x128xi32>
    %select_n3A_45 = arith.select %ne3A_29, %concatenate3A_41, %concatenate3A_44 : vector<96x8x128xi1>, vector<96x8x128xi32>
    %slice3A_46 = vector.extract_strided_slice %reshape3A_15 {offsets = [0, 7, 0], sizes = [96, 1, 128], strides = [1, 1, 1]} : vector<96x8x128xf32> to vector<96x1x128xf32>
    %slice3A_47 = vector.extract_strided_slice %reshape3A_15 {offsets = [0, 0, 0], sizes = [96, 7, 128], strides = [1, 1, 1]} : vector<96x8x128xf32> to vector<96x7x128xf32>
    %concatenate3A_48 = tpu.concatenate %slice3A_46, %slice3A_47 in 1 : vector<96x1x128xf32>, vector<96x7x128xf32> -> vector<96x8x128xf32>
    %slice3A_49 = vector.extract_strided_slice %reshape3A_15 {offsets = [0, 1, 0], sizes = [96, 7, 128], strides = [1, 1, 1]} : vector<96x8x128xf32> to vector<96x7x128xf32>
    %slice3A_50 = vector.extract_strided_slice %reshape3A_15 {offsets = [0, 0, 0], sizes = [96, 1, 128], strides = [1, 1, 1]} : vector<96x8x128xf32> to vector<96x1x128xf32>
    %concatenate3A_51 = tpu.concatenate %slice3A_49, %slice3A_50 in 1 : vector<96x7x128xf32>, vector<96x1x128xf32> -> vector<96x8x128xf32>
    %select_n3A_52 = arith.select %ne3A_29, %concatenate3A_48, %concatenate3A_51 : vector<96x8x128xi1>, vector<96x8x128xf32>
    %gt3A = arith.cmpi sgt, %reshape3A, %select_n3A : vector<96x8x128xi32>
    %eq3A_53 = arith.cmpi eq, %reshape3A, %select_n3A : vector<96x8x128xi32>
    %lt3A = arith.cmpi slt, %add3A_19, %select_n3A_45 : vector<96x8x128xi32>
    %and3A_54 = arith.andi %eq3A_53, %lt3A : vector<96x8x128xi1>
    %or3A = arith.ori %gt3A, %and3A_54 : vector<96x8x128xi1>
    %not3A = arith.constant dense<true> : vector<96x8x128xi1>
    %not3A_55 = arith.xori %ne3A_29, %not3A : vector<96x8x128xi1>
    %eq3A_56 = arith.xori %not3A_55, %eq3A_34 : vector<96x8x128xi1>
    %eq3A_57 = arith.constant dense<true> : vector<96x8x128xi1>
    %eq3A_58 = arith.xori %eq3A_56, %eq3A_57 : vector<96x8x128xi1>
    %eq3A_59 = arith.xori %or3A, %eq3A_58 : vector<96x8x128xi1>
    %eq3A_60 = arith.constant dense<true> : vector<96x8x128xi1>
    %eq3A_61 = arith.xori %eq3A_59, %eq3A_60 : vector<96x8x128xi1>
    %select_n3A_62 = arith.select %eq3A_61, %reshape3A, %select_n3A : vector<96x8x128xi1>, vector<96x8x128xi32>
    %select_n3A_63 = arith.select %eq3A_61, %add3A_19, %select_n3A_45 : vector<96x8x128xi1>, vector<96x8x128xi32>
    %select_n3A_64 = arith.select %eq3A_61, %reshape3A_15, %select_n3A_52 : vector<96x8x128xi1>, vector<96x8x128xf32>
    %iota3A_65 = tpu.iota {dimensions = array<i32: 1>} : vector<96x8x128xi32>
    %iota3A_66 = tpu.iota {dimensions = array<i32: 0>} : vector<96x8x128xi32>
    %mul3A_67 = arith.constant 8 : i32
    %mul3A_68 = vector.broadcast %mul3A_67 : i32 to vector<96x8x128xi32>
    %mul3A_69 = arith.muli %iota3A_66, %mul3A_68 : vector<96x8x128xi32>
    %add3A_70 = arith.addi %mul3A_69, %iota3A_65 : vector<96x8x128xi32>
    %and3A_71 = arith.constant 2 : i32
    %and3A_72 = vector.broadcast %and3A_71 : i32 to vector<96x8x128xi32>
    %and3A_73 = arith.andi %iota3A_65, %and3A_72 : vector<96x8x128xi32>
    %ne3A_74 = arith.constant 0 : i32
    %ne3A_75 = vector.broadcast %ne3A_74 : i32 to vector<96x8x128xi32>
    %ne3A_76 = arith.cmpi ne, %and3A_73, %ne3A_75 : vector<96x8x128xi32>
    %and3A_77 = arith.constant 4 : i32
    %and3A_78 = vector.broadcast %and3A_77 : i32 to vector<96x8x128xi32>
    %and3A_79 = arith.andi %add3A_70, %and3A_78 : vector<96x8x128xi32>
    %eq3A_80 = arith.constant 0 : i32
    %eq3A_81 = vector.broadcast %eq3A_80 : i32 to vector<96x8x128xi32>
    %eq3A_82 = arith.cmpi eq, %and3A_79, %eq3A_81 : vector<96x8x128xi32>
    %slice3A_83 = vector.extract_strided_slice %select_n3A_62 {offsets = [0, 6, 0], sizes = [96, 2, 128], strides = [1, 1, 1]} : vector<96x8x128xi32> to vector<96x2x128xi32>
    %slice3A_84 = vector.extract_strided_slice %select_n3A_62 {offsets = [0, 0, 0], sizes = [96, 6, 128], strides = [1, 1, 1]} : vector<96x8x128xi32> to vector<96x6x128xi32>
    %concatenate3A_85 = tpu.concatenate %slice3A_83, %slice3A_84 in 1 : vector<96x2x128xi32>, vector<96x6x128xi32> -> vector<96x8x128xi32>
    %slice3A_86 = vector.extract_strided_slice %select_n3A_62 {offsets = [0, 2, 0], sizes = [96, 6, 128], strides = [1, 1, 1]} : vector<96x8x128xi32> to vector<96x6x128xi32>
    %slice3A_87 = vector.extract_strided_slice %select_n3A_62 {offsets = [0, 0, 0], sizes = [96, 2, 128], strides = [1, 1, 1]} : vector<96x8x128xi32> to vector<96x2x128xi32>
    %concatenate3A_88 = tpu.concatenate %slice3A_86, %slice3A_87 in 1 : vector<96x6x128xi32>, vector<96x2x128xi32> -> vector<96x8x128xi32>
    %select_n3A_89 = arith.select %ne3A_76, %concatenate3A_85, %concatenate3A_88 : vector<96x8x128xi1>, vector<96x8x128xi32>
    %slice3A_90 = vector.extract_strided_slice %select_n3A_63 {offsets = [0, 6, 0], sizes = [96, 2, 128], strides = [1, 1, 1]} : vector<96x8x128xi32> to vector<96x2x128xi32>
    %slice3A_91 = vector.extract_strided_slice %select_n3A_63 {offsets = [0, 0, 0], sizes = [96, 6, 128], strides = [1, 1, 1]} : vector<96x8x128xi32> to vector<96x6x128xi32>
    %concatenate3A_92 = tpu.concatenate %slice3A_90, %slice3A_91 in 1 : vector<96x2x128xi32>, vector<96x6x128xi32> -> vector<96x8x128xi32>
    %slice3A_93 = vector.extract_strided_slice %select_n3A_63 {offsets = [0, 2, 0], sizes = [96, 6, 128], strides = [1, 1, 1]} : vector<96x8x128xi32> to vector<96x6x128xi32>
    %slice3A_94 = vector.extract_strided_slice %select_n3A_63 {offsets = [0, 0, 0], sizes = [96, 2, 128], strides = [1, 1, 1]} : vector<96x8x128xi32> to vector<96x2x128xi32>
    %concatenate3A_95 = tpu.concatenate %slice3A_93, %slice3A_94 in 1 : vector<96x6x128xi32>, vector<96x2x128xi32> -> vector<96x8x128xi32>
    %select_n3A_96 = arith.select %ne3A_76, %concatenate3A_92, %concatenate3A_95 : vector<96x8x128xi1>, vector<96x8x128xi32>
    %slice3A_97 = vector.extract_strided_slice %select_n3A_64 {offsets = [0, 6, 0], sizes = [96, 2, 128], strides = [1, 1, 1]} : vector<96x8x128xf32> to vector<96x2x128xf32>
    %slice3A_98 = vector.extract_strided_slice %select_n3A_64 {offsets = [0, 0, 0], sizes = [96, 6, 128], strides = [1, 1, 1]} : vector<96x8x128xf32> to vector<96x6x128xf32>
    %concatenate3A_99 = tpu.concatenate %slice3A_97, %slice3A_98 in 1 : vector<96x2x128xf32>, vector<96x6x128xf32> -> vector<96x8x128xf32>
    %slice3A_100 = vector.extract_strided_slice %select_n3A_64 {offsets = [0, 2, 0], sizes = [96, 6, 128], strides = [1, 1, 1]} : vector<96x8x128xf32> to vector<96x6x128xf32>
    %slice3A_101 = vector.extract_strided_slice %select_n3A_64 {offsets = [0, 0, 0], sizes = [96, 2, 128], strides = [1, 1, 1]} : vector<96x8x128xf32> to vector<96x2x128xf32>
    %concatenate3A_102 = tpu.concatenate %slice3A_100, %slice3A_101 in 1 : vector<96x6x128xf32>, vector<96x2x128xf32> -> vector<96x8x128xf32>
    %select_n3A_103 = arith.select %ne3A_76, %concatenate3A_99, %concatenate3A_102 : vector<96x8x128xi1>, vector<96x8x128xf32>
    %gt3A_104 = arith.cmpi sgt, %select_n3A_62, %select_n3A_89 : vector<96x8x128xi32>
    %eq3A_105 = arith.cmpi eq, %select_n3A_62, %select_n3A_89 : vector<96x8x128xi32>
    %lt3A_106 = arith.cmpi slt, %select_n3A_63, %select_n3A_96 : vector<96x8x128xi32>
    %and3A_107 = arith.andi %eq3A_105, %lt3A_106 : vector<96x8x128xi1>
    %or3A_108 = arith.ori %gt3A_104, %and3A_107 : vector<96x8x128xi1>
    %not3A_109 = arith.constant dense<true> : vector<96x8x128xi1>
    %not3A_110 = arith.xori %ne3A_76, %not3A_109 : vector<96x8x128xi1>
    %eq3A_111 = arith.xori %not3A_110, %eq3A_82 : vector<96x8x128xi1>
    %eq3A_112 = arith.constant dense<true> : vector<96x8x128xi1>
    %eq3A_113 = arith.xori %eq3A_111, %eq3A_112 : vector<96x8x128xi1>
    %eq3A_114 = arith.xori %or3A_108, %eq3A_113 : vector<96x8x128xi1>
    %eq3A_115 = arith.constant dense<true> : vector<96x8x128xi1>
    %eq3A_116 = arith.xori %eq3A_114, %eq3A_115 : vector<96x8x128xi1>
    %select_n3A_117 = arith.select %eq3A_116, %select_n3A_62, %select_n3A_89 : vector<96x8x128xi1>, vector<96x8x128xi32>
    %select_n3A_118 = arith.select %eq3A_116, %select_n3A_63, %select_n3A_96 : vector<96x8x128xi1>, vector<96x8x128xi32>
    %select_n3A_119 = arith.select %eq3A_116, %select_n3A_64, %select_n3A_103 : vector<96x8x128xi1>, vector<96x8x128xf32>
    %iota3A_120 = tpu.iota {dimensions = array<i32: 1>} : vector<96x8x128xi32>
    %iota3A_121 = tpu.iota {dimensions = array<i32: 0>} : vector<96x8x128xi32>
    %mul3A_122 = arith.constant 8 : i32
    %mul3A_123 = vector.broadcast %mul3A_122 : i32 to vector<96x8x128xi32>
    %mul3A_124 = arith.muli %iota3A_121, %mul3A_123 : vector<96x8x128xi32>
    %add3A_125 = arith.addi %mul3A_124, %iota3A_120 : vector<96x8x128xi32>
    %and3A_126 = arith.constant 1 : i32
    %and3A_127 = vector.broadcast %and3A_126 : i32 to vector<96x8x128xi32>
    %and3A_128 = arith.andi %iota3A_120, %and3A_127 : vector<96x8x128xi32>
    %ne3A_129 = arith.constant 0 : i32
    %ne3A_130 = vector.broadcast %ne3A_129 : i32 to vector<96x8x128xi32>
    %ne3A_131 = arith.cmpi ne, %and3A_128, %ne3A_130 : vector<96x8x128xi32>
    %and3A_132 = arith.constant 4 : i32
    %and3A_133 = vector.broadcast %and3A_132 : i32 to vector<96x8x128xi32>
    %and3A_134 = arith.andi %add3A_125, %and3A_133 : vector<96x8x128xi32>
    %eq3A_135 = arith.constant 0 : i32
    %eq3A_136 = vector.broadcast %eq3A_135 : i32 to vector<96x8x128xi32>
    %eq3A_137 = arith.cmpi eq, %and3A_134, %eq3A_136 : vector<96x8x128xi32>
    %slice3A_138 = vector.extract_strided_slice %select_n3A_117 {offsets = [0, 7, 0], sizes = [96, 1, 128], strides = [1, 1, 1]} : vector<96x8x128xi32> to vector<96x1x128xi32>
    %slice3A_139 = vector.extract_strided_slice %select_n3A_117 {offsets = [0, 0, 0], sizes = [96, 7, 128], strides = [1, 1, 1]} : vector<96x8x128xi32> to vector<96x7x128xi32>
    %concatenate3A_140 = tpu.concatenate %slice3A_138, %slice3A_139 in 1 : vector<96x1x128xi32>, vector<96x7x128xi32> -> vector<96x8x128xi32>
    %slice3A_141 = vector.extract_strided_slice %select_n3A_117 {offsets = [0, 1, 0], sizes = [96, 7, 128], strides = [1, 1, 1]} : vector<96x8x128xi32> to vector<96x7x128xi32>
    %slice3A_142 = vector.extract_strided_slice %select_n3A_117 {offsets = [0, 0, 0], sizes = [96, 1, 128], strides = [1, 1, 1]} : vector<96x8x128xi32> to vector<96x1x128xi32>
    %concatenate3A_143 = tpu.concatenate %slice3A_141, %slice3A_142 in 1 : vector<96x7x128xi32>, vector<96x1x128xi32> -> vector<96x8x128xi32>
    %select_n3A_144 = arith.select %ne3A_131, %concatenate3A_140, %concatenate3A_143 : vector<96x8x128xi1>, vector<96x8x128xi32>
    %slice3A_145 = vector.extract_strided_slice %select_n3A_118 {offsets = [0, 7, 0], sizes = [96, 1, 128], strides = [1, 1, 1]} : vector<96x8x128xi32> to vector<96x1x128xi32>
    %slice3A_146 = vector.extract_strided_slice %select_n3A_118 {offsets = [0, 0, 0], sizes = [96, 7, 128], strides = [1, 1, 1]} : vector<96x8x128xi32> to vector<96x7x128xi32>
    %concatenate3A_147 = tpu.concatenate %slice3A_145, %slice3A_146 in 1 : vector<96x1x128xi32>, vector<96x7x128xi32> -> vector<96x8x128xi32>
    %slice3A_148 = vector.extract_strided_slice %select_n3A_118 {offsets = [0, 1, 0], sizes = [96, 7, 128], strides = [1, 1, 1]} : vector<96x8x128xi32> to vector<96x7x128xi32>
    %slice3A_149 = vector.extract_strided_slice %select_n3A_118 {offsets = [0, 0, 0], sizes = [96, 1, 128], strides = [1, 1, 1]} : vector<96x8x128xi32> to vector<96x1x128xi32>
    %concatenate3A_150 = tpu.concatenate %slice3A_148, %slice3A_149 in 1 : vector<96x7x128xi32>, vector<96x1x128xi32> -> vector<96x8x128xi32>
    %select_n3A_151 = arith.select %ne3A_131, %concatenate3A_147, %concatenate3A_150 : vector<96x8x128xi1>, vector<96x8x128xi32>
    %slice3A_152 = vector.extract_strided_slice %select_n3A_119 {offsets = [0, 7, 0], sizes = [96, 1, 128], strides = [1, 1, 1]} : vector<96x8x128xf32> to vector<96x1x128xf32>
    %slice3A_153 = vector.extract_strided_slice %select_n3A_119 {offsets = [0, 0, 0], sizes = [96, 7, 128], strides = [1, 1, 1]} : vector<96x8x128xf32> to vector<96x7x128xf32>
    %concatenate3A_154 = tpu.concatenate %slice3A_152, %slice3A_153 in 1 : vector<96x1x128xf32>, vector<96x7x128xf32> -> vector<96x8x128xf32>
    %slice3A_155 = vector.extract_strided_slice %select_n3A_119 {offsets = [0, 1, 0], sizes = [96, 7, 128], strides = [1, 1, 1]} : vector<96x8x128xf32> to vector<96x7x128xf32>
    %slice3A_156 = vector.extract_strided_slice %select_n3A_119 {offsets = [0, 0, 0], sizes = [96, 1, 128], strides = [1, 1, 1]} : vector<96x8x128xf32> to vector<96x1x128xf32>
    %concatenate3A_157 = tpu.concatenate %slice3A_155, %slice3A_156 in 1 : vector<96x7x128xf32>, vector<96x1x128xf32> -> vector<96x8x128xf32>
    %select_n3A_158 = arith.select %ne3A_131, %concatenate3A_154, %concatenate3A_157 : vector<96x8x128xi1>, vector<96x8x128xf32>
    %gt3A_159 = arith.cmpi sgt, %select_n3A_117, %select_n3A_144 : vector<96x8x128xi32>
    %eq3A_160 = arith.cmpi eq, %select_n3A_117, %select_n3A_144 : vector<96x8x128xi32>
    %lt3A_161 = arith.cmpi slt, %select_n3A_118, %select_n3A_151 : vector<96x8x128xi32>
    %and3A_162 = arith.andi %eq3A_160, %lt3A_161 : vector<96x8x128xi1>
    %or3A_163 = arith.ori %gt3A_159, %and3A_162 : vector<96x8x128xi1>
    %not3A_164 = arith.constant dense<true> : vector<96x8x128xi1>
    %not3A_165 = arith.xori %ne3A_131, %not3A_164 : vector<96x8x128xi1>
    %eq3A_166 = arith.xori %not3A_165, %eq3A_137 : vector<96x8x128xi1>
    %eq3A_167 = arith.constant dense<true> : vector<96x8x128xi1>
    %eq3A_168 = arith.xori %eq3A_166, %eq3A_167 : vector<96x8x128xi1>
    %eq3A_169 = arith.xori %or3A_163, %eq3A_168 : vector<96x8x128xi1>
    %eq3A_170 = arith.constant dense<true> : vector<96x8x128xi1>
    %eq3A_171 = arith.xori %eq3A_169, %eq3A_170 : vector<96x8x128xi1>
    %select_n3A_172 = arith.select %eq3A_171, %select_n3A_117, %select_n3A_144 : vector<96x8x128xi1>, vector<96x8x128xi32>
    %select_n3A_173 = arith.select %eq3A_171, %select_n3A_118, %select_n3A_151 : vector<96x8x128xi1>, vector<96x8x128xi32>
    %select_n3A_174 = arith.select %eq3A_171, %select_n3A_119, %select_n3A_158 : vector<96x8x128xi1>, vector<96x8x128xf32>
    %iota3A_175 = tpu.iota {dimensions = array<i32: 1>} : vector<96x8x128xi32>
    %iota3A_176 = tpu.iota {dimensions = array<i32: 0>} : vector<96x8x128xi32>
    %mul3A_177 = arith.constant 8 : i32
    %mul3A_178 = vector.broadcast %mul3A_177 : i32 to vector<96x8x128xi32>
    %mul3A_179 = arith.muli %iota3A_176, %mul3A_178 : vector<96x8x128xi32>
    %add3A_180 = arith.addi %mul3A_179, %iota3A_175 : vector<96x8x128xi32>
    %and3A_181 = arith.constant 4 : i32
    %and3A_182 = vector.broadcast %and3A_181 : i32 to vector<96x8x128xi32>
    %and3A_183 = arith.andi %iota3A_175, %and3A_182 : vector<96x8x128xi32>
    %ne3A_184 = arith.constant 0 : i32
    %ne3A_185 = vector.broadcast %ne3A_184 : i32 to vector<96x8x128xi32>
    %ne3A_186 = arith.cmpi ne, %and3A_183, %ne3A_185 : vector<96x8x128xi32>
    %and3A_187 = arith.constant 8 : i32
    %and3A_188 = vector.broadcast %and3A_187 : i32 to vector<96x8x128xi32>
    %and3A_189 = arith.andi %add3A_180, %and3A_188 : vector<96x8x128xi32>
    %eq3A_190 = arith.constant 0 : i32
    %eq3A_191 = vector.broadcast %eq3A_190 : i32 to vector<96x8x128xi32>
    %eq3A_192 = arith.cmpi eq, %and3A_189, %eq3A_191 : vector<96x8x128xi32>
    %slice3A_193 = vector.extract_strided_slice %select_n3A_172 {offsets = [0, 4, 0], sizes = [96, 4, 128], strides = [1, 1, 1]} : vector<96x8x128xi32> to vector<96x4x128xi32>
    %slice3A_194 = vector.extract_strided_slice %select_n3A_172 {offsets = [0, 0, 0], sizes = [96, 4, 128], strides = [1, 1, 1]} : vector<96x8x128xi32> to vector<96x4x128xi32>
    %concatenate3A_195 = tpu.concatenate %slice3A_193, %slice3A_194 in 1 : vector<96x4x128xi32>, vector<96x4x128xi32> -> vector<96x8x128xi32>
    %slice3A_196 = vector.extract_strided_slice %select_n3A_172 {offsets = [0, 4, 0], sizes = [96, 4, 128], strides = [1, 1, 1]} : vector<96x8x128xi32> to vector<96x4x128xi32>
    %slice3A_197 = vector.extract_strided_slice %select_n3A_172 {offsets = [0, 0, 0], sizes = [96, 4, 128], strides = [1, 1, 1]} : vector<96x8x128xi32> to vector<96x4x128xi32>
    %concatenate3A_198 = tpu.concatenate %slice3A_196, %slice3A_197 in 1 : vector<96x4x128xi32>, vector<96x4x128xi32> -> vector<96x8x128xi32>
    %select_n3A_199 = arith.select %ne3A_186, %concatenate3A_195, %concatenate3A_198 : vector<96x8x128xi1>, vector<96x8x128xi32>
    %slice3A_200 = vector.extract_strided_slice %select_n3A_173 {offsets = [0, 4, 0], sizes = [96, 4, 128], strides = [1, 1, 1]} : vector<96x8x128xi32> to vector<96x4x128xi32>
    %slice3A_201 = vector.extract_strided_slice %select_n3A_173 {offsets = [0, 0, 0], sizes = [96, 4, 128], strides = [1, 1, 1]} : vector<96x8x128xi32> to vector<96x4x128xi32>
    %concatenate3A_202 = tpu.concatenate %slice3A_200, %slice3A_201 in 1 : vector<96x4x128xi32>, vector<96x4x128xi32> -> vector<96x8x128xi32>
    %slice3A_203 = vector.extract_strided_slice %select_n3A_173 {offsets = [0, 4, 0], sizes = [96, 4, 128], strides = [1, 1, 1]} : vector<96x8x128xi32> to vector<96x4x128xi32>
    %slice3A_204 = vector.extract_strided_slice %select_n3A_173 {offsets = [0, 0, 0], sizes = [96, 4, 128], strides = [1, 1, 1]} : vector<96x8x128xi32> to vector<96x4x128xi32>
    %concatenate3A_205 = tpu.concatenate %slice3A_203, %slice3A_204 in 1 : vector<96x4x128xi32>, vector<96x4x128xi32> -> vector<96x8x128xi32>
    %select_n3A_206 = arith.select %ne3A_186, %concatenate3A_202, %concatenate3A_205 : vector<96x8x128xi1>, vector<96x8x128xi32>
    %slice3A_207 = vector.extract_strided_slice %select_n3A_174 {offsets = [0, 4, 0], sizes = [96, 4, 128], strides = [1, 1, 1]} : vector<96x8x128xf32> to vector<96x4x128xf32>
    %slice3A_208 = vector.extract_strided_slice %select_n3A_174 {offsets = [0, 0, 0], sizes = [96, 4, 128], strides = [1, 1, 1]} : vector<96x8x128xf32> to vector<96x4x128xf32>
    %concatenate3A_209 = tpu.concatenate %slice3A_207, %slice3A_208 in 1 : vector<96x4x128xf32>, vector<96x4x128xf32> -> vector<96x8x128xf32>
    %slice3A_210 = vector.extract_strided_slice %select_n3A_174 {offsets = [0, 4, 0], sizes = [96, 4, 128], strides = [1, 1, 1]} : vector<96x8x128xf32> to vector<96x4x128xf32>
    %slice3A_211 = vector.extract_strided_slice %select_n3A_174 {offsets = [0, 0, 0], sizes = [96, 4, 128], strides = [1, 1, 1]} : vector<96x8x128xf32> to vector<96x4x128xf32>
    %concatenate3A_212 = tpu.concatenate %slice3A_210, %slice3A_211 in 1 : vector<96x4x128xf32>, vector<96x4x128xf32> -> vector<96x8x128xf32>
    %select_n3A_213 = arith.select %ne3A_186, %concatenate3A_209, %concatenate3A_212 : vector<96x8x128xi1>, vector<96x8x128xf32>
    %gt3A_214 = arith.cmpi sgt, %select_n3A_172, %select_n3A_199 : vector<96x8x128xi32>
    %eq3A_215 = arith.cmpi eq, %select_n3A_172, %select_n3A_199 : vector<96x8x128xi32>
    %lt3A_216 = arith.cmpi slt, %select_n3A_173, %select_n3A_206 : vector<96x8x128xi32>
    %and3A_217 = arith.andi %eq3A_215, %lt3A_216 : vector<96x8x128xi1>
    %or3A_218 = arith.ori %gt3A_214, %and3A_217 : vector<96x8x128xi1>
    %not3A_219 = arith.constant dense<true> : vector<96x8x128xi1>
    %not3A_220 = arith.xori %ne3A_186, %not3A_219 : vector<96x8x128xi1>
    %eq3A_221 = arith.xori %not3A_220, %eq3A_192 : vector<96x8x128xi1>
    %eq3A_222 = arith.constant dense<true> : vector<96x8x128xi1>
    %eq3A_223 = arith.xori %eq3A_221, %eq3A_222 : vector<96x8x128xi1>
    %eq3A_224 = arith.xori %or3A_218, %eq3A_223 : vector<96x8x128xi1>
    %eq3A_225 = arith.constant dense<true> : vector<96x8x128xi1>
    %eq3A_226 = arith.xori %eq3A_224, %eq3A_225 : vector<96x8x128xi1>
    %select_n3A_227 = arith.select %eq3A_226, %select_n3A_172, %select_n3A_199 : vector<96x8x128xi1>, vector<96x8x128xi32>
    %select_n3A_228 = arith.select %eq3A_226, %select_n3A_173, %select_n3A_206 : vector<96x8x128xi1>, vector<96x8x128xi32>
    %select_n3A_229 = arith.select %eq3A_226, %select_n3A_174, %select_n3A_213 : vector<96x8x128xi1>, vector<96x8x128xf32>
    %iota3A_230 = tpu.iota {dimensions = array<i32: 1>} : vector<96x8x128xi32>
    %iota3A_231 = tpu.iota {dimensions = array<i32: 0>} : vector<96x8x128xi32>
    %mul3A_232 = arith.constant 8 : i32
    %mul3A_233 = vector.broadcast %mul3A_232 : i32 to vector<96x8x128xi32>
    %mul3A_234 = arith.muli %iota3A_231, %mul3A_233 : vector<96x8x128xi32>
    %add3A_235 = arith.addi %mul3A_234, %iota3A_230 : vector<96x8x128xi32>
    %and3A_236 = arith.constant 2 : i32
    %and3A_237 = vector.broadcast %and3A_236 : i32 to vector<96x8x128xi32>
    %and3A_238 = arith.andi %iota3A_230, %and3A_237 : vector<96x8x128xi32>
    %ne3A_239 = arith.constant 0 : i32
    %ne3A_240 = vector.broadcast %ne3A_239 : i32 to vector<96x8x128xi32>
    %ne3A_241 = arith.cmpi ne, %and3A_238, %ne3A_240 : vector<96x8x128xi32>
    %and3A_242 = arith.constant 8 : i32
    %and3A_243 = vector.broadcast %and3A_242 : i32 to vector<96x8x128xi32>
    %and3A_244 = arith.andi %add3A_235, %and3A_243 : vector<96x8x128xi32>
    %eq3A_245 = arith.constant 0 : i32
    %eq3A_246 = vector.broadcast %eq3A_245 : i32 to vector<96x8x128xi32>
    %eq3A_247 = arith.cmpi eq, %and3A_244, %eq3A_246 : vector<96x8x128xi32>
    %slice3A_248 = vector.extract_strided_slice %select_n3A_227 {offsets = [0, 6, 0], sizes = [96, 2, 128], strides = [1, 1, 1]} : vector<96x8x128xi32> to vector<96x2x128xi32>
    %slice3A_249 = vector.extract_strided_slice %select_n3A_227 {offsets = [0, 0, 0], sizes = [96, 6, 128], strides = [1, 1, 1]} : vector<96x8x128xi32> to vector<96x6x128xi32>
    %concatenate3A_250 = tpu.concatenate %slice3A_248, %slice3A_249 in 1 : vector<96x2x128xi32>, vector<96x6x128xi32> -> vector<96x8x128xi32>
    %slice3A_251 = vector.extract_strided_slice %select_n3A_227 {offsets = [0, 2, 0], sizes = [96, 6, 128], strides = [1, 1, 1]} : vector<96x8x128xi32> to vector<96x6x128xi32>
    %slice3A_252 = vector.extract_strided_slice %select_n3A_227 {offsets = [0, 0, 0], sizes = [96, 2, 128], strides = [1, 1, 1]} : vector<96x8x128xi32> to vector<96x2x128xi32>
    %concatenate3A_253 = tpu.concatenate %slice3A_251, %slice3A_252 in 1 : vector<96x6x128xi32>, vector<96x2x128xi32> -> vector<96x8x128xi32>
    %select_n3A_254 = arith.select %ne3A_241, %concatenate3A_250, %concatenate3A_253 : vector<96x8x128xi1>, vector<96x8x128xi32>
    %slice3A_255 = vector.extract_strided_slice %select_n3A_228 {offsets = [0, 6, 0], sizes = [96, 2, 128], strides = [1, 1, 1]} : vector<96x8x128xi32> to vector<96x2x128xi32>
    %slice3A_256 = vector.extract_strided_slice %select_n3A_228 {offsets = [0, 0, 0], sizes = [96, 6, 128], strides = [1, 1, 1]} : vector<96x8x128xi32> to vector<96x6x128xi32>
    %concatenate3A_257 = tpu.concatenate %slice3A_255, %slice3A_256 in 1 : vector<96x2x128xi32>, vector<96x6x128xi32> -> vector<96x8x128xi32>
    %slice3A_258 = vector.extract_strided_slice %select_n3A_228 {offsets = [0, 2, 0], sizes = [96, 6, 128], strides = [1, 1, 1]} : vector<96x8x128xi32> to vector<96x6x128xi32>
    %slice3A_259 = vector.extract_strided_slice %select_n3A_228 {offsets = [0, 0, 0], sizes = [96, 2, 128], strides = [1, 1, 1]} : vector<96x8x128xi32> to vector<96x2x128xi32>
    %concatenate3A_260 = tpu.concatenate %slice3A_258, %slice3A_259 in 1 : vector<96x6x128xi32>, vector<96x2x128xi32> -> vector<96x8x128xi32>
    %select_n3A_261 = arith.select %ne3A_241, %concatenate3A_257, %concatenate3A_260 : vector<96x8x128xi1>, vector<96x8x128xi32>
    %slice3A_262 = vector.extract_strided_slice %select_n3A_229 {offsets = [0, 6, 0], sizes = [96, 2, 128], strides = [1, 1, 1]} : vector<96x8x128xf32> to vector<96x2x128xf32>
    %slice3A_263 = vector.extract_strided_slice %select_n3A_229 {offsets = [0, 0, 0], sizes = [96, 6, 128], strides = [1, 1, 1]} : vector<96x8x128xf32> to vector<96x6x128xf32>
    %concatenate3A_264 = tpu.concatenate %slice3A_262, %slice3A_263 in 1 : vector<96x2x128xf32>, vector<96x6x128xf32> -> vector<96x8x128xf32>
    %slice3A_265 = vector.extract_strided_slice %select_n3A_229 {offsets = [0, 2, 0], sizes = [96, 6, 128], strides = [1, 1, 1]} : vector<96x8x128xf32> to vector<96x6x128xf32>
    %slice3A_266 = vector.extract_strided_slice %select_n3A_229 {offsets = [0, 0, 0], sizes = [96, 2, 128], strides = [1, 1, 1]} : vector<96x8x128xf32> to vector<96x2x128xf32>
    %concatenate3A_267 = tpu.concatenate %slice3A_265, %slice3A_266 in 1 : vector<96x6x128xf32>, vector<96x2x128xf32> -> vector<96x8x128xf32>
    %select_n3A_268 = arith.select %ne3A_241, %concatenate3A_264, %concatenate3A_267 : vector<96x8x128xi1>, vector<96x8x128xf32>
    %gt3A_269 = arith.cmpi sgt, %select_n3A_227, %select_n3A_254 : vector<96x8x128xi32>
    %eq3A_270 = arith.cmpi eq, %select_n3A_227, %select_n3A_254 : vector<96x8x128xi32>
    %lt3A_271 = arith.cmpi slt, %select_n3A_228, %select_n3A_261 : vector<96x8x128xi32>
    %and3A_272 = arith.andi %eq3A_270, %lt3A_271 : vector<96x8x128xi1>
    %or3A_273 = arith.ori %gt3A_269, %and3A_272 : vector<96x8x128xi1>
    %not3A_274 = arith.constant dense<true> : vector<96x8x128xi1>
    %not3A_275 = arith.xori %ne3A_241, %not3A_274 : vector<96x8x128xi1>
    %eq3A_276 = arith.xori %not3A_275, %eq3A_247 : vector<96x8x128xi1>
    %eq3A_277 = arith.constant dense<true> : vector<96x8x128xi1>
    %eq3A_278 = arith.xori %eq3A_276, %eq3A_277 : vector<96x8x128xi1>
    %eq3A_279 = arith.xori %or3A_273, %eq3A_278 : vector<96x8x128xi1>
    %eq3A_280 = arith.constant dense<true> : vector<96x8x128xi1>
    %eq3A_281 = arith.xori %eq3A_279, %eq3A_280 : vector<96x8x128xi1>
    %select_n3A_282 = arith.select %eq3A_281, %select_n3A_227, %select_n3A_254 : vector<96x8x128xi1>, vector<96x8x128xi32>
    %select_n3A_283 = arith.select %eq3A_281, %select_n3A_228, %select_n3A_261 : vector<96x8x128xi1>, vector<96x8x128xi32>
    %select_n3A_284 = arith.select %eq3A_281, %select_n3A_229, %select_n3A_268 : vector<96x8x128xi1>, vector<96x8x128xf32>
    %iota3A_285 = tpu.iota {dimensions = array<i32: 1>} : vector<96x8x128xi32>
    %iota3A_286 = tpu.iota {dimensions = array<i32: 0>} : vector<96x8x128xi32>
    %mul3A_287 = arith.constant 8 : i32
    %mul3A_288 = vector.broadcast %mul3A_287 : i32 to vector<96x8x128xi32>
    %mul3A_289 = arith.muli %iota3A_286, %mul3A_288 : vector<96x8x128xi32>
    %add3A_290 = arith.addi %mul3A_289, %iota3A_285 : vector<96x8x128xi32>
    %and3A_291 = arith.constant 1 : i32
    %and3A_292 = vector.broadcast %and3A_291 : i32 to vector<96x8x128xi32>
    %and3A_293 = arith.andi %iota3A_285, %and3A_292 : vector<96x8x128xi32>
    %ne3A_294 = arith.constant 0 : i32
    %ne3A_295 = vector.broadcast %ne3A_294 : i32 to vector<96x8x128xi32>
    %ne3A_296 = arith.cmpi ne, %and3A_293, %ne3A_295 : vector<96x8x128xi32>
    %and3A_297 = arith.constant 8 : i32
    %and3A_298 = vector.broadcast %and3A_297 : i32 to vector<96x8x128xi32>
    %and3A_299 = arith.andi %add3A_290, %and3A_298 : vector<96x8x128xi32>
    %eq3A_300 = arith.constant 0 : i32
    %eq3A_301 = vector.broadcast %eq3A_300 : i32 to vector<96x8x128xi32>
    %eq3A_302 = arith.cmpi eq, %and3A_299, %eq3A_301 : vector<96x8x128xi32>
    %slice3A_303 = vector.extract_strided_slice %select_n3A_282 {offsets = [0, 7, 0], sizes = [96, 1, 128], strides = [1, 1, 1]} : vector<96x8x128xi32> to vector<96x1x128xi32>
    %slice3A_304 = vector.extract_strided_slice %select_n3A_282 {offsets = [0, 0, 0], sizes = [96, 7, 128], strides = [1, 1, 1]} : vector<96x8x128xi32> to vector<96x7x128xi32>
    %concatenate3A_305 = tpu.concatenate %slice3A_303, %slice3A_304 in 1 : vector<96x1x128xi32>, vector<96x7x128xi32> -> vector<96x8x128xi32>
    %slice3A_306 = vector.extract_strided_slice %select_n3A_282 {offsets = [0, 1, 0], sizes = [96, 7, 128], strides = [1, 1, 1]} : vector<96x8x128xi32> to vector<96x7x128xi32>
    %slice3A_307 = vector.extract_strided_slice %select_n3A_282 {offsets = [0, 0, 0], sizes = [96, 1, 128], strides = [1, 1, 1]} : vector<96x8x128xi32> to vector<96x1x128xi32>
    %concatenate3A_308 = tpu.concatenate %slice3A_306, %slice3A_307 in 1 : vector<96x7x128xi32>, vector<96x1x128xi32> -> vector<96x8x128xi32>
    %select_n3A_309 = arith.select %ne3A_296, %concatenate3A_305, %concatenate3A_308 : vector<96x8x128xi1>, vector<96x8x128xi32>
    %slice3A_310 = vector.extract_strided_slice %select_n3A_283 {offsets = [0, 7, 0], sizes = [96, 1, 128], strides = [1, 1, 1]} : vector<96x8x128xi32> to vector<96x1x128xi32>
    %slice3A_311 = vector.extract_strided_slice %select_n3A_283 {offsets = [0, 0, 0], sizes = [96, 7, 128], strides = [1, 1, 1]} : vector<96x8x128xi32> to vector<96x7x128xi32>
    %concatenate3A_312 = tpu.concatenate %slice3A_310, %slice3A_311 in 1 : vector<96x1x128xi32>, vector<96x7x128xi32> -> vector<96x8x128xi32>
    %slice3A_313 = vector.extract_strided_slice %select_n3A_283 {offsets = [0, 1, 0], sizes = [96, 7, 128], strides = [1, 1, 1]} : vector<96x8x128xi32> to vector<96x7x128xi32>
    %slice3A_314 = vector.extract_strided_slice %select_n3A_283 {offsets = [0, 0, 0], sizes = [96, 1, 128], strides = [1, 1, 1]} : vector<96x8x128xi32> to vector<96x1x128xi32>
    %concatenate3A_315 = tpu.concatenate %slice3A_313, %slice3A_314 in 1 : vector<96x7x128xi32>, vector<96x1x128xi32> -> vector<96x8x128xi32>
    %select_n3A_316 = arith.select %ne3A_296, %concatenate3A_312, %concatenate3A_315 : vector<96x8x128xi1>, vector<96x8x128xi32>
    %slice3A_317 = vector.extract_strided_slice %select_n3A_284 {offsets = [0, 7, 0], sizes = [96, 1, 128], strides = [1, 1, 1]} : vector<96x8x128xf32> to vector<96x1x128xf32>
    %slice3A_318 = vector.extract_strided_slice %select_n3A_284 {offsets = [0, 0, 0], sizes = [96, 7, 128], strides = [1, 1, 1]} : vector<96x8x128xf32> to vector<96x7x128xf32>
    %concatenate3A_319 = tpu.concatenate %slice3A_317, %slice3A_318 in 1 : vector<96x1x128xf32>, vector<96x7x128xf32> -> vector<96x8x128xf32>
    %slice3A_320 = vector.extract_strided_slice %select_n3A_284 {offsets = [0, 1, 0], sizes = [96, 7, 128], strides = [1, 1, 1]} : vector<96x8x128xf32> to vector<96x7x128xf32>
    %slice3A_321 = vector.extract_strided_slice %select_n3A_284 {offsets = [0, 0, 0], sizes = [96, 1, 128], strides = [1, 1, 1]} : vector<96x8x128xf32> to vector<96x1x128xf32>
    %concatenate3A_322 = tpu.concatenate %slice3A_320, %slice3A_321 in 1 : vector<96x7x128xf32>, vector<96x1x128xf32> -> vector<96x8x128xf32>
    %select_n3A_323 = arith.select %ne3A_296, %concatenate3A_319, %concatenate3A_322 : vector<96x8x128xi1>, vector<96x8x128xf32>
    %gt3A_324 = arith.cmpi sgt, %select_n3A_282, %select_n3A_309 : vector<96x8x128xi32>
    %eq3A_325 = arith.cmpi eq, %select_n3A_282, %select_n3A_309 : vector<96x8x128xi32>
    %lt3A_326 = arith.cmpi slt, %select_n3A_283, %select_n3A_316 : vector<96x8x128xi32>
    %and3A_327 = arith.andi %eq3A_325, %lt3A_326 : vector<96x8x128xi1>
    %or3A_328 = arith.ori %gt3A_324, %and3A_327 : vector<96x8x128xi1>
    %not3A_329 = arith.constant dense<true> : vector<96x8x128xi1>
    %not3A_330 = arith.xori %ne3A_296, %not3A_329 : vector<96x8x128xi1>
    %eq3A_331 = arith.xori %not3A_330, %eq3A_302 : vector<96x8x128xi1>
    %eq3A_332 = arith.constant dense<true> : vector<96x8x128xi1>
    %eq3A_333 = arith.xori %eq3A_331, %eq3A_332 : vector<96x8x128xi1>
    %eq3A_334 = arith.xori %or3A_328, %eq3A_333 : vector<96x8x128xi1>
    %eq3A_335 = arith.constant dense<true> : vector<96x8x128xi1>
    %eq3A_336 = arith.xori %eq3A_334, %eq3A_335 : vector<96x8x128xi1>
    %select_n3A_337 = arith.select %eq3A_336, %select_n3A_282, %select_n3A_309 : vector<96x8x128xi1>, vector<96x8x128xi32>
    %select_n3A_338 = arith.select %eq3A_336, %select_n3A_283, %select_n3A_316 : vector<96x8x128xi1>, vector<96x8x128xi32>
    %select_n3A_339 = arith.select %eq3A_336, %select_n3A_284, %select_n3A_323 : vector<96x8x128xi1>, vector<96x8x128xf32>
    %reshape3A_340 = vector.shape_cast %select_n3A_337 : vector<96x8x128xi32> to vector<48x2x1x8x128xi32>
    %reshape3A_341 = vector.shape_cast %select_n3A_338 : vector<96x8x128xi32> to vector<48x2x1x8x128xi32>
    %reshape3A_342 = vector.shape_cast %select_n3A_339 : vector<96x8x128xf32> to vector<48x2x1x8x128xf32>
    %slice3A_343 = vector.extract_strided_slice %reshape3A_340 {offsets = [0, 0, 0, 0, 0], sizes = [48, 1, 1, 8, 128], strides = [1, 1, 1, 1, 1]} : vector<48x2x1x8x128xi32> to vector<48x1x1x8x128xi32>
    %squeeze3A = vector.shape_cast %slice3A_343 : vector<48x1x1x8x128xi32> to vector<48x1x8x128xi32>
    %slice3A_344 = vector.extract_strided_slice %reshape3A_340 {offsets = [0, 1, 0, 0, 0], sizes = [48, 1, 1, 8, 128], strides = [1, 1, 1, 1, 1]} : vector<48x2x1x8x128xi32> to vector<48x1x1x8x128xi32>
    %squeeze3A_345 = vector.shape_cast %slice3A_344 : vector<48x1x1x8x128xi32> to vector<48x1x8x128xi32>
    %slice3A_346 = vector.extract_strided_slice %reshape3A_341 {offsets = [0, 0, 0, 0, 0], sizes = [48, 1, 1, 8, 128], strides = [1, 1, 1, 1, 1]} : vector<48x2x1x8x128xi32> to vector<48x1x1x8x128xi32>
    %squeeze3A_347 = vector.shape_cast %slice3A_346 : vector<48x1x1x8x128xi32> to vector<48x1x8x128xi32>
    %slice3A_348 = vector.extract_strided_slice %reshape3A_341 {offsets = [0, 1, 0, 0, 0], sizes = [48, 1, 1, 8, 128], strides = [1, 1, 1, 1, 1]} : vector<48x2x1x8x128xi32> to vector<48x1x1x8x128xi32>
    %squeeze3A_349 = vector.shape_cast %slice3A_348 : vector<48x1x1x8x128xi32> to vector<48x1x8x128xi32>
    %slice3A_350 = vector.extract_strided_slice %reshape3A_342 {offsets = [0, 0, 0, 0, 0], sizes = [48, 1, 1, 8, 128], strides = [1, 1, 1, 1, 1]} : vector<48x2x1x8x128xf32> to vector<48x1x1x8x128xf32>
    %squeeze3A_351 = vector.shape_cast %slice3A_350 : vector<48x1x1x8x128xf32> to vector<48x1x8x128xf32>
    %slice3A_352 = vector.extract_strided_slice %reshape3A_342 {offsets = [0, 1, 0, 0, 0], sizes = [48, 1, 1, 8, 128], strides = [1, 1, 1, 1, 1]} : vector<48x2x1x8x128xf32> to vector<48x1x1x8x128xf32>
    %squeeze3A_353 = vector.shape_cast %slice3A_352 : vector<48x1x1x8x128xf32> to vector<48x1x8x128xf32>
    %iota3A_354 = tpu.iota {dimensions = array<i32: 0>} : vector<48x1x8x128xi32>
    %mul3A_355 = arith.constant 2 : i32
    %mul3A_356 = vector.broadcast %mul3A_355 : i32 to vector<48x1x8x128xi32>
    %mul3A_357 = arith.muli %iota3A_354, %mul3A_356 : vector<48x1x8x128xi32>
    %mul3A_358 = arith.constant 8 : i32
    %mul3A_359 = vector.broadcast %mul3A_358 : i32 to vector<48x1x8x128xi32>
    %mul3A_360 = arith.muli %mul3A_357, %mul3A_359 : vector<48x1x8x128xi32>
    %and3A_361 = arith.constant 16 : i32
    %and3A_362 = vector.broadcast %and3A_361 : i32 to vector<48x1x8x128xi32>
    %and3A_363 = arith.andi %mul3A_360, %and3A_362 : vector<48x1x8x128xi32>
    %eq3A_364 = arith.constant 0 : i32
    %eq3A_365 = vector.broadcast %eq3A_364 : i32 to vector<48x1x8x128xi32>
    %eq3A_366 = arith.cmpi eq, %and3A_363, %eq3A_365 : vector<48x1x8x128xi32>
    %gt3A_367 = arith.cmpi sgt, %squeeze3A, %squeeze3A_345 : vector<48x1x8x128xi32>
    %eq3A_368 = arith.cmpi eq, %squeeze3A, %squeeze3A_345 : vector<48x1x8x128xi32>
    %lt3A_369 = arith.cmpi slt, %squeeze3A_347, %squeeze3A_349 : vector<48x1x8x128xi32>
    %and3A_370 = arith.andi %eq3A_368, %lt3A_369 : vector<48x1x8x128xi1>
    %or3A_371 = arith.ori %gt3A_367, %and3A_370 : vector<48x1x8x128xi1>
    %eq3A_372 = arith.xori %or3A_371, %eq3A_366 : vector<48x1x8x128xi1>
    %eq3A_373 = arith.constant dense<true> : vector<48x1x8x128xi1>
    %eq3A_374 = arith.xori %eq3A_372, %eq3A_373 : vector<48x1x8x128xi1>
    %select_n3A_375 = arith.select %eq3A_374, %squeeze3A, %squeeze3A_345 : vector<48x1x8x128xi1>, vector<48x1x8x128xi32>
    %select_n3A_376 = arith.select %eq3A_374, %squeeze3A_347, %squeeze3A_349 : vector<48x1x8x128xi1>, vector<48x1x8x128xi32>
    %select_n3A_377 = arith.select %eq3A_374, %squeeze3A_351, %squeeze3A_353 : vector<48x1x8x128xi1>, vector<48x1x8x128xf32>
    %select_n3A_378 = arith.select %eq3A_374, %squeeze3A_345, %squeeze3A : vector<48x1x8x128xi1>, vector<48x1x8x128xi32>
    %select_n3A_379 = arith.select %eq3A_374, %squeeze3A_349, %squeeze3A_347 : vector<48x1x8x128xi1>, vector<48x1x8x128xi32>
    %select_n3A_380 = arith.select %eq3A_374, %squeeze3A_353, %squeeze3A_351 : vector<48x1x8x128xi1>, vector<48x1x8x128xf32>
    %stack3A = vector.shape_cast %select_n3A_375 : vector<48x1x8x128xi32> to vector<48x1x1x8x128xi32>
    %stack3A_381 = vector.shape_cast %select_n3A_378 : vector<48x1x8x128xi32> to vector<48x1x1x8x128xi32>
    %stack3A_382 = tpu.concatenate %stack3A, %stack3A_381 in 1 : vector<48x1x1x8x128xi32>, vector<48x1x1x8x128xi32> -> vector<48x2x1x8x128xi32>
    %reshape3A_383 = vector.shape_cast %stack3A_382 : vector<48x2x1x8x128xi32> to vector<96x8x128xi32>
    %stack3A_384 = vector.shape_cast %select_n3A_376 : vector<48x1x8x128xi32> to vector<48x1x1x8x128xi32>
    %stack3A_385 = vector.shape_cast %select_n3A_379 : vector<48x1x8x128xi32> to vector<48x1x1x8x128xi32>
    %stack3A_386 = tpu.concatenate %stack3A_384, %stack3A_385 in 1 : vector<48x1x1x8x128xi32>, vector<48x1x1x8x128xi32> -> vector<48x2x1x8x128xi32>
    %reshape3A_387 = vector.shape_cast %stack3A_386 : vector<48x2x1x8x128xi32> to vector<96x8x128xi32>
    %stack3A_388 = vector.shape_cast %select_n3A_377 : vector<48x1x8x128xf32> to vector<48x1x1x8x128xf32>
    %stack3A_389 = vector.shape_cast %select_n3A_380 : vector<48x1x8x128xf32> to vector<48x1x1x8x128xf32>
    %stack3A_390 = tpu.concatenate %stack3A_388, %stack3A_389 in 1 : vector<48x1x1x8x128xf32>, vector<48x1x1x8x128xf32> -> vector<48x2x1x8x128xf32>
    %reshape3A_391 = vector.shape_cast %stack3A_390 : vector<48x2x1x8x128xf32> to vector<96x8x128xf32>
    %iota3A_392 = tpu.iota {dimensions = array<i32: 1>} : vector<96x8x128xi32>
    %iota3A_393 = tpu.iota {dimensions = array<i32: 0>} : vector<96x8x128xi32>
    %mul3A_394 = arith.constant 8 : i32
    %mul3A_395 = vector.broadcast %mul3A_394 : i32 to vector<96x8x128xi32>
    %mul3A_396 = arith.muli %iota3A_393, %mul3A_395 : vector<96x8x128xi32>
    %add3A_397 = arith.addi %mul3A_396, %iota3A_392 : vector<96x8x128xi32>
    %and3A_398 = arith.constant 4 : i32
    %and3A_399 = vector.broadcast %and3A_398 : i32 to vector<96x8x128xi32>
    %and3A_400 = arith.andi %iota3A_392, %and3A_399 : vector<96x8x128xi32>
    %ne3A_401 = arith.constant 0 : i32
    %ne3A_402 = vector.broadcast %ne3A_401 : i32 to vector<96x8x128xi32>
    %ne3A_403 = arith.cmpi ne, %and3A_400, %ne3A_402 : vector<96x8x128xi32>
    %and3A_404 = arith.constant 16 : i32
    %and3A_405 = vector.broadcast %and3A_404 : i32 to vector<96x8x128xi32>
    %and3A_406 = arith.andi %add3A_397, %and3A_405 : vector<96x8x128xi32>
    %eq3A_407 = arith.constant 0 : i32
    %eq3A_408 = vector.broadcast %eq3A_407 : i32 to vector<96x8x128xi32>
    %eq3A_409 = arith.cmpi eq, %and3A_406, %eq3A_408 : vector<96x8x128xi32>
    %slice3A_410 = vector.extract_strided_slice %reshape3A_383 {offsets = [0, 4, 0], sizes = [96, 4, 128], strides = [1, 1, 1]} : vector<96x8x128xi32> to vector<96x4x128xi32>
    %slice3A_411 = vector.extract_strided_slice %reshape3A_383 {offsets = [0, 0, 0], sizes = [96, 4, 128], strides = [1, 1, 1]} : vector<96x8x128xi32> to vector<96x4x128xi32>
    %concatenate3A_412 = tpu.concatenate %slice3A_410, %slice3A_411 in 1 : vector<96x4x128xi32>, vector<96x4x128xi32> -> vector<96x8x128xi32>
    %slice3A_413 = vector.extract_strided_slice %reshape3A_383 {offsets = [0, 4, 0], sizes = [96, 4, 128], strides = [1, 1, 1]} : vector<96x8x128xi32> to vector<96x4x128xi32>
    %slice3A_414 = vector.extract_strided_slice %reshape3A_383 {offsets = [0, 0, 0], sizes = [96, 4, 128], strides = [1, 1, 1]} : vector<96x8x128xi32> to vector<96x4x128xi32>
    %concatenate3A_415 = tpu.concatenate %slice3A_413, %slice3A_414 in 1 : vector<96x4x128xi32>, vector<96x4x128xi32> -> vector<96x8x128xi32>
    %select_n3A_416 = arith.select %ne3A_403, %concatenate3A_412, %concatenate3A_415 : vector<96x8x128xi1>, vector<96x8x128xi32>
    %slice3A_417 = vector.extract_strided_slice %reshape3A_387 {offsets = [0, 4, 0], sizes = [96, 4, 128], strides = [1, 1, 1]} : vector<96x8x128xi32> to vector<96x4x128xi32>
    %slice3A_418 = vector.extract_strided_slice %reshape3A_387 {offsets = [0, 0, 0], sizes = [96, 4, 128], strides = [1, 1, 1]} : vector<96x8x128xi32> to vector<96x4x128xi32>
    %concatenate3A_419 = tpu.concatenate %slice3A_417, %slice3A_418 in 1 : vector<96x4x128xi32>, vector<96x4x128xi32> -> vector<96x8x128xi32>
    %slice3A_420 = vector.extract_strided_slice %reshape3A_387 {offsets = [0, 4, 0], sizes = [96, 4, 128], strides = [1, 1, 1]} : vector<96x8x128xi32> to vector<96x4x128xi32>
    %slice3A_421 = vector.extract_strided_slice %reshape3A_387 {offsets = [0, 0, 0], sizes = [96, 4, 128], strides = [1, 1, 1]} : vector<96x8x128xi32> to vector<96x4x128xi32>
    %concatenate3A_422 = tpu.concatenate %slice3A_420, %slice3A_421 in 1 : vector<96x4x128xi32>, vector<96x4x128xi32> -> vector<96x8x128xi32>
    %select_n3A_423 = arith.select %ne3A_403, %concatenate3A_419, %concatenate3A_422 : vector<96x8x128xi1>, vector<96x8x128xi32>
    %slice3A_424 = vector.extract_strided_slice %reshape3A_391 {offsets = [0, 4, 0], sizes = [96, 4, 128], strides = [1, 1, 1]} : vector<96x8x128xf32> to vector<96x4x128xf32>
    %slice3A_425 = vector.extract_strided_slice %reshape3A_391 {offsets = [0, 0, 0], sizes = [96, 4, 128], strides = [1, 1, 1]} : vector<96x8x128xf32> to vector<96x4x128xf32>
    %concatenate3A_426 = tpu.concatenate %slice3A_424, %slice3A_425 in 1 : vector<96x4x128xf32>, vector<96x4x128xf32> -> vector<96x8x128xf32>
    %slice3A_427 = vector.extract_strided_slice %reshape3A_391 {offsets = [0, 4, 0], sizes = [96, 4, 128], strides = [1, 1, 1]} : vector<96x8x128xf32> to vector<96x4x128xf32>
    %slice3A_428 = vector.extract_strided_slice %reshape3A_391 {offsets = [0, 0, 0], sizes = [96, 4, 128], strides = [1, 1, 1]} : vector<96x8x128xf32> to vector<96x4x128xf32>
    %concatenate3A_429 = tpu.concatenate %slice3A_427, %slice3A_428 in 1 : vector<96x4x128xf32>, vector<96x4x128xf32> -> vector<96x8x128xf32>
    %select_n3A_430 = arith.select %ne3A_403, %concatenate3A_426, %concatenate3A_429 : vector<96x8x128xi1>, vector<96x8x128xf32>
    %gt3A_431 = arith.cmpi sgt, %reshape3A_383, %select_n3A_416 : vector<96x8x128xi32>
    %eq3A_432 = arith.cmpi eq, %reshape3A_383, %select_n3A_416 : vector<96x8x128xi32>
    %lt3A_433 = arith.cmpi slt, %reshape3A_387, %select_n3A_423 : vector<96x8x128xi32>
    %and3A_434 = arith.andi %eq3A_432, %lt3A_433 : vector<96x8x128xi1>
    %or3A_435 = arith.ori %gt3A_431, %and3A_434 : vector<96x8x128xi1>
    %not3A_436 = arith.constant dense<true> : vector<96x8x128xi1>
    %not3A_437 = arith.xori %ne3A_403, %not3A_436 : vector<96x8x128xi1>
    %eq3A_438 = arith.xori %not3A_437, %eq3A_409 : vector<96x8x128xi1>
    %eq3A_439 = arith.constant dense<true> : vector<96x8x128xi1>
    %eq3A_440 = arith.xori %eq3A_438, %eq3A_439 : vector<96x8x128xi1>
    %eq3A_441 = arith.xori %or3A_435, %eq3A_440 : vector<96x8x128xi1>
    %eq3A_442 = arith.constant dense<true> : vector<96x8x128xi1>
    %eq3A_443 = arith.xori %eq3A_441, %eq3A_442 : vector<96x8x128xi1>
    %select_n3A_444 = arith.select %eq3A_443, %reshape3A_383, %select_n3A_416 : vector<96x8x128xi1>, vector<96x8x128xi32>
    %select_n3A_445 = arith.select %eq3A_443, %reshape3A_387, %select_n3A_423 : vector<96x8x128xi1>, vector<96x8x128xi32>
    %select_n3A_446 = arith.select %eq3A_443, %reshape3A_391, %select_n3A_430 : vector<96x8x128xi1>, vector<96x8x128xf32>
    %iota3A_447 = tpu.iota {dimensions = array<i32: 1>} : vector<96x8x128xi32>
    %iota3A_448 = tpu.iota {dimensions = array<i32: 0>} : vector<96x8x128xi32>
    %mul3A_449 = arith.constant 8 : i32
    %mul3A_450 = vector.broadcast %mul3A_449 : i32 to vector<96x8x128xi32>
    %mul3A_451 = arith.muli %iota3A_448, %mul3A_450 : vector<96x8x128xi32>
    %add3A_452 = arith.addi %mul3A_451, %iota3A_447 : vector<96x8x128xi32>
    %and3A_453 = arith.constant 2 : i32
    %and3A_454 = vector.broadcast %and3A_453 : i32 to vector<96x8x128xi32>
    %and3A_455 = arith.andi %iota3A_447, %and3A_454 : vector<96x8x128xi32>
    %ne3A_456 = arith.constant 0 : i32
    %ne3A_457 = vector.broadcast %ne3A_456 : i32 to vector<96x8x128xi32>
    %ne3A_458 = arith.cmpi ne, %and3A_455, %ne3A_457 : vector<96x8x128xi32>
    %and3A_459 = arith.constant 16 : i32
    %and3A_460 = vector.broadcast %and3A_459 : i32 to vector<96x8x128xi32>
    %and3A_461 = arith.andi %add3A_452, %and3A_460 : vector<96x8x128xi32>
    %eq3A_462 = arith.constant 0 : i32
    %eq3A_463 = vector.broadcast %eq3A_462 : i32 to vector<96x8x128xi32>
    %eq3A_464 = arith.cmpi eq, %and3A_461, %eq3A_463 : vector<96x8x128xi32>
    %slice3A_465 = vector.extract_strided_slice %select_n3A_444 {offsets = [0, 6, 0], sizes = [96, 2, 128], strides = [1, 1, 1]} : vector<96x8x128xi32> to vector<96x2x128xi32>
    %slice3A_466 = vector.extract_strided_slice %select_n3A_444 {offsets = [0, 0, 0], sizes = [96, 6, 128], strides = [1, 1, 1]} : vector<96x8x128xi32> to vector<96x6x128xi32>
    %concatenate3A_467 = tpu.concatenate %slice3A_465, %slice3A_466 in 1 : vector<96x2x128xi32>, vector<96x6x128xi32> -> vector<96x8x128xi32>
    %slice3A_468 = vector.extract_strided_slice %select_n3A_444 {offsets = [0, 2, 0], sizes = [96, 6, 128], strides = [1, 1, 1]} : vector<96x8x128xi32> to vector<96x6x128xi32>
    %slice3A_469 = vector.extract_strided_slice %select_n3A_444 {offsets = [0, 0, 0], sizes = [96, 2, 128], strides = [1, 1, 1]} : vector<96x8x128xi32> to vector<96x2x128xi32>
    %concatenate3A_470 = tpu.concatenate %slice3A_468, %slice3A_469 in 1 : vector<96x6x128xi32>, vector<96x2x128xi32> -> vector<96x8x128xi32>
    %select_n3A_471 = arith.select %ne3A_458, %concatenate3A_467, %concatenate3A_470 : vector<96x8x128xi1>, vector<96x8x128xi32>
    %slice3A_472 = vector.extract_strided_slice %select_n3A_445 {offsets = [0, 6, 0], sizes = [96, 2, 128], strides = [1, 1, 1]} : vector<96x8x128xi32> to vector<96x2x128xi32>
    %slice3A_473 = vector.extract_strided_slice %select_n3A_445 {offsets = [0, 0, 0], sizes = [96, 6, 128], strides = [1, 1, 1]} : vector<96x8x128xi32> to vector<96x6x128xi32>
    %concatenate3A_474 = tpu.concatenate %slice3A_472, %slice3A_473 in 1 : vector<96x2x128xi32>, vector<96x6x128xi32> -> vector<96x8x128xi32>
    %slice3A_475 = vector.extract_strided_slice %select_n3A_445 {offsets = [0, 2, 0], sizes = [96, 6, 128], strides = [1, 1, 1]} : vector<96x8x128xi32> to vector<96x6x128xi32>
    %slice3A_476 = vector.extract_strided_slice %select_n3A_445 {offsets = [0, 0, 0], sizes = [96, 2, 128], strides = [1, 1, 1]} : vector<96x8x128xi32> to vector<96x2x128xi32>
    %concatenate3A_477 = tpu.concatenate %slice3A_475, %slice3A_476 in 1 : vector<96x6x128xi32>, vector<96x2x128xi32> -> vector<96x8x128xi32>
    %select_n3A_478 = arith.select %ne3A_458, %concatenate3A_474, %concatenate3A_477 : vector<96x8x128xi1>, vector<96x8x128xi32>
    %slice3A_479 = vector.extract_strided_slice %select_n3A_446 {offsets = [0, 6, 0], sizes = [96, 2, 128], strides = [1, 1, 1]} : vector<96x8x128xf32> to vector<96x2x128xf32>
    %slice3A_480 = vector.extract_strided_slice %select_n3A_446 {offsets = [0, 0, 0], sizes = [96, 6, 128], strides = [1, 1, 1]} : vector<96x8x128xf32> to vector<96x6x128xf32>
    %concatenate3A_481 = tpu.concatenate %slice3A_479, %slice3A_480 in 1 : vector<96x2x128xf32>, vector<96x6x128xf32> -> vector<96x8x128xf32>
    %slice3A_482 = vector.extract_strided_slice %select_n3A_446 {offsets = [0, 2, 0], sizes = [96, 6, 128], strides = [1, 1, 1]} : vector<96x8x128xf32> to vector<96x6x128xf32>
    %slice3A_483 = vector.extract_strided_slice %select_n3A_446 {offsets = [0, 0, 0], sizes = [96, 2, 128], strides = [1, 1, 1]} : vector<96x8x128xf32> to vector<96x2x128xf32>
    %concatenate3A_484 = tpu.concatenate %slice3A_482, %slice3A_483 in 1 : vector<96x6x128xf32>, vector<96x2x128xf32> -> vector<96x8x128xf32>
    %select_n3A_485 = arith.select %ne3A_458, %concatenate3A_481, %concatenate3A_484 : vector<96x8x128xi1>, vector<96x8x128xf32>
    %gt3A_486 = arith.cmpi sgt, %select_n3A_444, %select_n3A_471 : vector<96x8x128xi32>
    %eq3A_487 = arith.cmpi eq, %select_n3A_444, %select_n3A_471 : vector<96x8x128xi32>
    %lt3A_488 = arith.cmpi slt, %select_n3A_445, %select_n3A_478 : vector<96x8x128xi32>
    %and3A_489 = arith.andi %eq3A_487, %lt3A_488 : vector<96x8x128xi1>
    %or3A_490 = arith.ori %gt3A_486, %and3A_489 : vector<96x8x128xi1>
    %not3A_491 = arith.constant dense<true> : vector<96x8x128xi1>
    %not3A_492 = arith.xori %ne3A_458, %not3A_491 : vector<96x8x128xi1>
    %eq3A_493 = arith.xori %not3A_492, %eq3A_464 : vector<96x8x128xi1>
    %eq3A_494 = arith.constant dense<true> : vector<96x8x128xi1>
    %eq3A_495 = arith.xori %eq3A_493, %eq3A_494 : vector<96x8x128xi1>
    %eq3A_496 = arith.xori %or3A_490, %eq3A_495 : vector<96x8x128xi1>
    %eq3A_497 = arith.constant dense<true> : vector<96x8x128xi1>
    %eq3A_498 = arith.xori %eq3A_496, %eq3A_497 : vector<96x8x128xi1>
    %select_n3A_499 = arith.select %eq3A_498, %select_n3A_444, %select_n3A_471 : vector<96x8x128xi1>, vector<96x8x128xi32>
    %select_n3A_500 = arith.select %eq3A_498, %select_n3A_445, %select_n3A_478 : vector<96x8x128xi1>, vector<96x8x128xi32>
    %select_n3A_501 = arith.select %eq3A_498, %select_n3A_446, %select_n3A_485 : vector<96x8x128xi1>, vector<96x8x128xf32>
    %iota3A_502 = tpu.iota {dimensions = array<i32: 1>} : vector<96x8x128xi32>
    %iota3A_503 = tpu.iota {dimensions = array<i32: 0>} : vector<96x8x128xi32>
    %mul3A_504 = arith.constant 8 : i32
    %mul3A_505 = vector.broadcast %mul3A_504 : i32 to vector<96x8x128xi32>
    %mul3A_506 = arith.muli %iota3A_503, %mul3A_505 : vector<96x8x128xi32>
    %add3A_507 = arith.addi %mul3A_506, %iota3A_502 : vector<96x8x128xi32>
    %and3A_508 = arith.constant 1 : i32
    %and3A_509 = vector.broadcast %and3A_508 : i32 to vector<96x8x128xi32>
    %and3A_510 = arith.andi %iota3A_502, %and3A_509 : vector<96x8x128xi32>
    %ne3A_511 = arith.constant 0 : i32
    %ne3A_512 = vector.broadcast %ne3A_511 : i32 to vector<96x8x128xi32>
    %ne3A_513 = arith.cmpi ne, %and3A_510, %ne3A_512 : vector<96x8x128xi32>
    %and3A_514 = arith.constant 16 : i32
    %and3A_515 = vector.broadcast %and3A_514 : i32 to vector<96x8x128xi32>
    %and3A_516 = arith.andi %add3A_507, %and3A_515 : vector<96x8x128xi32>
    %eq3A_517 = arith.constant 0 : i32
    %eq3A_518 = vector.broadcast %eq3A_517 : i32 to vector<96x8x128xi32>
    %eq3A_519 = arith.cmpi eq, %and3A_516, %eq3A_518 : vector<96x8x128xi32>
    %slice3A_520 = vector.extract_strided_slice %select_n3A_499 {offsets = [0, 7, 0], sizes = [96, 1, 128], strides = [1, 1, 1]} : vector<96x8x128xi32> to vector<96x1x128xi32>
    %slice3A_521 = vector.extract_strided_slice %select_n3A_499 {offsets = [0, 0, 0], sizes = [96, 7, 128], strides = [1, 1, 1]} : vector<96x8x128xi32> to vector<96x7x128xi32>
    %concatenate3A_522 = tpu.concatenate %slice3A_520, %slice3A_521 in 1 : vector<96x1x128xi32>, vector<96x7x128xi32> -> vector<96x8x128xi32>
    %slice3A_523 = vector.extract_strided_slice %select_n3A_499 {offsets = [0, 1, 0], sizes = [96, 7, 128], strides = [1, 1, 1]} : vector<96x8x128xi32> to vector<96x7x128xi32>
    %slice3A_524 = vector.extract_strided_slice %select_n3A_499 {offsets = [0, 0, 0], sizes = [96, 1, 128], strides = [1, 1, 1]} : vector<96x8x128xi32> to vector<96x1x128xi32>
    %concatenate3A_525 = tpu.concatenate %slice3A_523, %slice3A_524 in 1 : vector<96x7x128xi32>, vector<96x1x128xi32> -> vector<96x8x128xi32>
    %select_n3A_526 = arith.select %ne3A_513, %concatenate3A_522, %concatenate3A_525 : vector<96x8x128xi1>, vector<96x8x128xi32>
    %slice3A_527 = vector.extract_strided_slice %select_n3A_500 {offsets = [0, 7, 0], sizes = [96, 1, 128], strides = [1, 1, 1]} : vector<96x8x128xi32> to vector<96x1x128xi32>
    %slice3A_528 = vector.extract_strided_slice %select_n3A_500 {offsets = [0, 0, 0], sizes = [96, 7, 128], strides = [1, 1, 1]} : vector<96x8x128xi32> to vector<96x7x128xi32>
    %concatenate3A_529 = tpu.concatenate %slice3A_527, %slice3A_528 in 1 : vector<96x1x128xi32>, vector<96x7x128xi32> -> vector<96x8x128xi32>
    %slice3A_530 = vector.extract_strided_slice %select_n3A_500 {offsets = [0, 1, 0], sizes = [96, 7, 128], strides = [1, 1, 1]} : vector<96x8x128xi32> to vector<96x7x128xi32>
    %slice3A_531 = vector.extract_strided_slice %select_n3A_500 {offsets = [0, 0, 0], sizes = [96, 1, 128], strides = [1, 1, 1]} : vector<96x8x128xi32> to vector<96x1x128xi32>
    %concatenate3A_532 = tpu.concatenate %slice3A_530, %slice3A_531 in 1 : vector<96x7x128xi32>, vector<96x1x128xi32> -> vector<96x8x128xi32>
    %select_n3A_533 = arith.select %ne3A_513, %concatenate3A_529, %concatenate3A_532 : vector<96x8x128xi1>, vector<96x8x128xi32>
    %slice3A_534 = vector.extract_strided_slice %select_n3A_501 {offsets = [0, 7, 0], sizes = [96, 1, 128], strides = [1, 1, 1]} : vector<96x8x128xf32> to vector<96x1x128xf32>
    %slice3A_535 = vector.extract_strided_slice %select_n3A_501 {offsets = [0, 0, 0], sizes = [96, 7, 128], strides = [1, 1, 1]} : vector<96x8x128xf32> to vector<96x7x128xf32>
    %concatenate3A_536 = tpu.concatenate %slice3A_534, %slice3A_535 in 1 : vector<96x1x128xf32>, vector<96x7x128xf32> -> vector<96x8x128xf32>
    %slice3A_537 = vector.extract_strided_slice %select_n3A_501 {offsets = [0, 1, 0], sizes = [96, 7, 128], strides = [1, 1, 1]} : vector<96x8x128xf32> to vector<96x7x128xf32>
    %slice3A_538 = vector.extract_strided_slice %select_n3A_501 {offsets = [0, 0, 0], sizes = [96, 1, 128], strides = [1, 1, 1]} : vector<96x8x128xf32> to vector<96x1x128xf32>
    %concatenate3A_539 = tpu.concatenate %slice3A_537, %slice3A_538 in 1 : vector<96x7x128xf32>, vector<96x1x128xf32> -> vector<96x8x128xf32>
    %select_n3A_540 = arith.select %ne3A_513, %concatenate3A_536, %concatenate3A_539 : vector<96x8x128xi1>, vector<96x8x128xf32>
    %gt3A_541 = arith.cmpi sgt, %select_n3A_499, %select_n3A_526 : vector<96x8x128xi32>
    %eq3A_542 = arith.cmpi eq, %select_n3A_499, %select_n3A_526 : vector<96x8x128xi32>
    %lt3A_543 = arith.cmpi slt, %select_n3A_500, %select_n3A_533 : vector<96x8x128xi32>
    %and3A_544 = arith.andi %eq3A_542, %lt3A_543 : vector<96x8x128xi1>
    %or3A_545 = arith.ori %gt3A_541, %and3A_544 : vector<96x8x128xi1>
    %not3A_546 = arith.constant dense<true> : vector<96x8x128xi1>
    %not3A_547 = arith.xori %ne3A_513, %not3A_546 : vector<96x8x128xi1>
    %eq3A_548 = arith.xori %not3A_547, %eq3A_519 : vector<96x8x128xi1>
    %eq3A_549 = arith.constant dense<true> : vector<96x8x128xi1>
    %eq3A_550 = arith.xori %eq3A_548, %eq3A_549 : vector<96x8x128xi1>
    %eq3A_551 = arith.xori %or3A_545, %eq3A_550 : vector<96x8x128xi1>
    %eq3A_552 = arith.constant dense<true> : vector<96x8x128xi1>
    %eq3A_553 = arith.xori %eq3A_551, %eq3A_552 : vector<96x8x128xi1>
    %select_n3A_554 = arith.select %eq3A_553, %select_n3A_499, %select_n3A_526 : vector<96x8x128xi1>, vector<96x8x128xi32>
    %select_n3A_555 = arith.select %eq3A_553, %select_n3A_500, %select_n3A_533 : vector<96x8x128xi1>, vector<96x8x128xi32>
    %select_n3A_556 = arith.select %eq3A_553, %select_n3A_501, %select_n3A_540 : vector<96x8x128xi1>, vector<96x8x128xf32>
    %reshape3A_557 = vector.shape_cast %select_n3A_554 : vector<96x8x128xi32> to vector<24x2x2x8x128xi32>
    %reshape3A_558 = vector.shape_cast %select_n3A_555 : vector<96x8x128xi32> to vector<24x2x2x8x128xi32>
    %reshape3A_559 = vector.shape_cast %select_n3A_556 : vector<96x8x128xf32> to vector<24x2x2x8x128xf32>
    %slice3A_560 = vector.extract_strided_slice %reshape3A_557 {offsets = [0, 0, 0, 0, 0], sizes = [24, 1, 2, 8, 128], strides = [1, 1, 1, 1, 1]} : vector<24x2x2x8x128xi32> to vector<24x1x2x8x128xi32>
    %squeeze3A_561 = vector.shape_cast %slice3A_560 : vector<24x1x2x8x128xi32> to vector<24x2x8x128xi32>
    %slice3A_562 = vector.extract_strided_slice %reshape3A_557 {offsets = [0, 1, 0, 0, 0], sizes = [24, 1, 2, 8, 128], strides = [1, 1, 1, 1, 1]} : vector<24x2x2x8x128xi32> to vector<24x1x2x8x128xi32>
    %squeeze3A_563 = vector.shape_cast %slice3A_562 : vector<24x1x2x8x128xi32> to vector<24x2x8x128xi32>
    %slice3A_564 = vector.extract_strided_slice %reshape3A_558 {offsets = [0, 0, 0, 0, 0], sizes = [24, 1, 2, 8, 128], strides = [1, 1, 1, 1, 1]} : vector<24x2x2x8x128xi32> to vector<24x1x2x8x128xi32>
    %squeeze3A_565 = vector.shape_cast %slice3A_564 : vector<24x1x2x8x128xi32> to vector<24x2x8x128xi32>
    %slice3A_566 = vector.extract_strided_slice %reshape3A_558 {offsets = [0, 1, 0, 0, 0], sizes = [24, 1, 2, 8, 128], strides = [1, 1, 1, 1, 1]} : vector<24x2x2x8x128xi32> to vector<24x1x2x8x128xi32>
    %squeeze3A_567 = vector.shape_cast %slice3A_566 : vector<24x1x2x8x128xi32> to vector<24x2x8x128xi32>
    %slice3A_568 = vector.extract_strided_slice %reshape3A_559 {offsets = [0, 0, 0, 0, 0], sizes = [24, 1, 2, 8, 128], strides = [1, 1, 1, 1, 1]} : vector<24x2x2x8x128xf32> to vector<24x1x2x8x128xf32>
    %squeeze3A_569 = vector.shape_cast %slice3A_568 : vector<24x1x2x8x128xf32> to vector<24x2x8x128xf32>
    %slice3A_570 = vector.extract_strided_slice %reshape3A_559 {offsets = [0, 1, 0, 0, 0], sizes = [24, 1, 2, 8, 128], strides = [1, 1, 1, 1, 1]} : vector<24x2x2x8x128xf32> to vector<24x1x2x8x128xf32>
    %squeeze3A_571 = vector.shape_cast %slice3A_570 : vector<24x1x2x8x128xf32> to vector<24x2x8x128xf32>
    %iota3A_572 = tpu.iota {dimensions = array<i32: 0>} : vector<24x2x8x128xi32>
    %mul3A_573 = arith.constant 2 : i32
    %mul3A_574 = vector.broadcast %mul3A_573 : i32 to vector<24x2x8x128xi32>
    %mul3A_575 = arith.muli %iota3A_572, %mul3A_574 : vector<24x2x8x128xi32>
    %mul3A_576 = arith.constant 16 : i32
    %mul3A_577 = vector.broadcast %mul3A_576 : i32 to vector<24x2x8x128xi32>
    %mul3A_578 = arith.muli %mul3A_575, %mul3A_577 : vector<24x2x8x128xi32>
    %and3A_579 = arith.constant 32 : i32
    %and3A_580 = vector.broadcast %and3A_579 : i32 to vector<24x2x8x128xi32>
    %and3A_581 = arith.andi %mul3A_578, %and3A_580 : vector<24x2x8x128xi32>
    %eq3A_582 = arith.constant 0 : i32
    %eq3A_583 = vector.broadcast %eq3A_582 : i32 to vector<24x2x8x128xi32>
    %eq3A_584 = arith.cmpi eq, %and3A_581, %eq3A_583 : vector<24x2x8x128xi32>
    %gt3A_585 = arith.cmpi sgt, %squeeze3A_561, %squeeze3A_563 : vector<24x2x8x128xi32>
    %eq3A_586 = arith.cmpi eq, %squeeze3A_561, %squeeze3A_563 : vector<24x2x8x128xi32>
    %lt3A_587 = arith.cmpi slt, %squeeze3A_565, %squeeze3A_567 : vector<24x2x8x128xi32>
    %and3A_588 = arith.andi %eq3A_586, %lt3A_587 : vector<24x2x8x128xi1>
    %or3A_589 = arith.ori %gt3A_585, %and3A_588 : vector<24x2x8x128xi1>
    %eq3A_590 = arith.xori %or3A_589, %eq3A_584 : vector<24x2x8x128xi1>
    %eq3A_591 = arith.constant dense<true> : vector<24x2x8x128xi1>
    %eq3A_592 = arith.xori %eq3A_590, %eq3A_591 : vector<24x2x8x128xi1>
    %select_n3A_593 = arith.select %eq3A_592, %squeeze3A_561, %squeeze3A_563 : vector<24x2x8x128xi1>, vector<24x2x8x128xi32>
    %select_n3A_594 = arith.select %eq3A_592, %squeeze3A_565, %squeeze3A_567 : vector<24x2x8x128xi1>, vector<24x2x8x128xi32>
    %select_n3A_595 = arith.select %eq3A_592, %squeeze3A_569, %squeeze3A_571 : vector<24x2x8x128xi1>, vector<24x2x8x128xf32>
    %select_n3A_596 = arith.select %eq3A_592, %squeeze3A_563, %squeeze3A_561 : vector<24x2x8x128xi1>, vector<24x2x8x128xi32>
    %select_n3A_597 = arith.select %eq3A_592, %squeeze3A_567, %squeeze3A_565 : vector<24x2x8x128xi1>, vector<24x2x8x128xi32>
    %select_n3A_598 = arith.select %eq3A_592, %squeeze3A_571, %squeeze3A_569 : vector<24x2x8x128xi1>, vector<24x2x8x128xf32>
    %stack3A_599 = vector.shape_cast %select_n3A_593 : vector<24x2x8x128xi32> to vector<24x1x2x8x128xi32>
    %stack3A_600 = vector.shape_cast %select_n3A_596 : vector<24x2x8x128xi32> to vector<24x1x2x8x128xi32>
    %stack3A_601 = tpu.concatenate %stack3A_599, %stack3A_600 in 1 : vector<24x1x2x8x128xi32>, vector<24x1x2x8x128xi32> -> vector<24x2x2x8x128xi32>
    %reshape3A_602 = vector.shape_cast %stack3A_601 : vector<24x2x2x8x128xi32> to vector<96x8x128xi32>
    %stack3A_603 = vector.shape_cast %select_n3A_594 : vector<24x2x8x128xi32> to vector<24x1x2x8x128xi32>
    %stack3A_604 = vector.shape_cast %select_n3A_597 : vector<24x2x8x128xi32> to vector<24x1x2x8x128xi32>
    %stack3A_605 = tpu.concatenate %stack3A_603, %stack3A_604 in 1 : vector<24x1x2x8x128xi32>, vector<24x1x2x8x128xi32> -> vector<24x2x2x8x128xi32>
    %reshape3A_606 = vector.shape_cast %stack3A_605 : vector<24x2x2x8x128xi32> to vector<96x8x128xi32>
    %stack3A_607 = vector.shape_cast %select_n3A_595 : vector<24x2x8x128xf32> to vector<24x1x2x8x128xf32>
    %stack3A_608 = vector.shape_cast %select_n3A_598 : vector<24x2x8x128xf32> to vector<24x1x2x8x128xf32>
    %stack3A_609 = tpu.concatenate %stack3A_607, %stack3A_608 in 1 : vector<24x1x2x8x128xf32>, vector<24x1x2x8x128xf32> -> vector<24x2x2x8x128xf32>
    %reshape3A_610 = vector.shape_cast %stack3A_609 : vector<24x2x2x8x128xf32> to vector<96x8x128xf32>
    %reshape3A_611 = vector.shape_cast %reshape3A_602 : vector<96x8x128xi32> to vector<48x2x1x8x128xi32>
    %reshape3A_612 = vector.shape_cast %reshape3A_606 : vector<96x8x128xi32> to vector<48x2x1x8x128xi32>
    %reshape3A_613 = vector.shape_cast %reshape3A_610 : vector<96x8x128xf32> to vector<48x2x1x8x128xf32>
    %slice3A_614 = vector.extract_strided_slice %reshape3A_611 {offsets = [0, 0, 0, 0, 0], sizes = [48, 1, 1, 8, 128], strides = [1, 1, 1, 1, 1]} : vector<48x2x1x8x128xi32> to vector<48x1x1x8x128xi32>
    %squeeze3A_615 = vector.shape_cast %slice3A_614 : vector<48x1x1x8x128xi32> to vector<48x1x8x128xi32>
    %slice3A_616 = vector.extract_strided_slice %reshape3A_611 {offsets = [0, 1, 0, 0, 0], sizes = [48, 1, 1, 8, 128], strides = [1, 1, 1, 1, 1]} : vector<48x2x1x8x128xi32> to vector<48x1x1x8x128xi32>
    %squeeze3A_617 = vector.shape_cast %slice3A_616 : vector<48x1x1x8x128xi32> to vector<48x1x8x128xi32>
    %slice3A_618 = vector.extract_strided_slice %reshape3A_612 {offsets = [0, 0, 0, 0, 0], sizes = [48, 1, 1, 8, 128], strides = [1, 1, 1, 1, 1]} : vector<48x2x1x8x128xi32> to vector<48x1x1x8x128xi32>
    %squeeze3A_619 = vector.shape_cast %slice3A_618 : vector<48x1x1x8x128xi32> to vector<48x1x8x128xi32>
    %slice3A_620 = vector.extract_strided_slice %reshape3A_612 {offsets = [0, 1, 0, 0, 0], sizes = [48, 1, 1, 8, 128], strides = [1, 1, 1, 1, 1]} : vector<48x2x1x8x128xi32> to vector<48x1x1x8x128xi32>
    %squeeze3A_621 = vector.shape_cast %slice3A_620 : vector<48x1x1x8x128xi32> to vector<48x1x8x128xi32>
    %slice3A_622 = vector.extract_strided_slice %reshape3A_613 {offsets = [0, 0, 0, 0, 0], sizes = [48, 1, 1, 8, 128], strides = [1, 1, 1, 1, 1]} : vector<48x2x1x8x128xf32> to vector<48x1x1x8x128xf32>
    %squeeze3A_623 = vector.shape_cast %slice3A_622 : vector<48x1x1x8x128xf32> to vector<48x1x8x128xf32>
    %slice3A_624 = vector.extract_strided_slice %reshape3A_613 {offsets = [0, 1, 0, 0, 0], sizes = [48, 1, 1, 8, 128], strides = [1, 1, 1, 1, 1]} : vector<48x2x1x8x128xf32> to vector<48x1x1x8x128xf32>
    %squeeze3A_625 = vector.shape_cast %slice3A_624 : vector<48x1x1x8x128xf32> to vector<48x1x8x128xf32>
    %iota3A_626 = tpu.iota {dimensions = array<i32: 0>} : vector<48x1x8x128xi32>
    %mul3A_627 = arith.constant 2 : i32
    %mul3A_628 = vector.broadcast %mul3A_627 : i32 to vector<48x1x8x128xi32>
    %mul3A_629 = arith.muli %iota3A_626, %mul3A_628 : vector<48x1x8x128xi32>
    %mul3A_630 = arith.constant 8 : i32
    %mul3A_631 = vector.broadcast %mul3A_630 : i32 to vector<48x1x8x128xi32>
    %mul3A_632 = arith.muli %mul3A_629, %mul3A_631 : vector<48x1x8x128xi32>
    %and3A_633 = arith.constant 32 : i32
    %and3A_634 = vector.broadcast %and3A_633 : i32 to vector<48x1x8x128xi32>
    %and3A_635 = arith.andi %mul3A_632, %and3A_634 : vector<48x1x8x128xi32>
    %eq3A_636 = arith.constant 0 : i32
    %eq3A_637 = vector.broadcast %eq3A_636 : i32 to vector<48x1x8x128xi32>
    %eq3A_638 = arith.cmpi eq, %and3A_635, %eq3A_637 : vector<48x1x8x128xi32>
    %gt3A_639 = arith.cmpi sgt, %squeeze3A_615, %squeeze3A_617 : vector<48x1x8x128xi32>
    %eq3A_640 = arith.cmpi eq, %squeeze3A_615, %squeeze3A_617 : vector<48x1x8x128xi32>
    %lt3A_641 = arith.cmpi slt, %squeeze3A_619, %squeeze3A_621 : vector<48x1x8x128xi32>
    %and3A_642 = arith.andi %eq3A_640, %lt3A_641 : vector<48x1x8x128xi1>
    %or3A_643 = arith.ori %gt3A_639, %and3A_642 : vector<48x1x8x128xi1>
    %eq3A_644 = arith.xori %or3A_643, %eq3A_638 : vector<48x1x8x128xi1>
    %eq3A_645 = arith.constant dense<true> : vector<48x1x8x128xi1>
    %eq3A_646 = arith.xori %eq3A_644, %eq3A_645 : vector<48x1x8x128xi1>
    %select_n3A_647 = arith.select %eq3A_646, %squeeze3A_615, %squeeze3A_617 : vector<48x1x8x128xi1>, vector<48x1x8x128xi32>
    %select_n3A_648 = arith.select %eq3A_646, %squeeze3A_619, %squeeze3A_621 : vector<48x1x8x128xi1>, vector<48x1x8x128xi32>
    %select_n3A_649 = arith.select %eq3A_646, %squeeze3A_623, %squeeze3A_625 : vector<48x1x8x128xi1>, vector<48x1x8x128xf32>
    %select_n3A_650 = arith.select %eq3A_646, %squeeze3A_617, %squeeze3A_615 : vector<48x1x8x128xi1>, vector<48x1x8x128xi32>
    %select_n3A_651 = arith.select %eq3A_646, %squeeze3A_621, %squeeze3A_619 : vector<48x1x8x128xi1>, vector<48x1x8x128xi32>
    %select_n3A_652 = arith.select %eq3A_646, %squeeze3A_625, %squeeze3A_623 : vector<48x1x8x128xi1>, vector<48x1x8x128xf32>
    %stack3A_653 = vector.shape_cast %select_n3A_647 : vector<48x1x8x128xi32> to vector<48x1x1x8x128xi32>
    %stack3A_654 = vector.shape_cast %select_n3A_650 : vector<48x1x8x128xi32> to vector<48x1x1x8x128xi32>
    %stack3A_655 = tpu.concatenate %stack3A_653, %stack3A_654 in 1 : vector<48x1x1x8x128xi32>, vector<48x1x1x8x128xi32> -> vector<48x2x1x8x128xi32>
    %reshape3A_656 = vector.shape_cast %stack3A_655 : vector<48x2x1x8x128xi32> to vector<96x8x128xi32>
    %stack3A_657 = vector.shape_cast %select_n3A_648 : vector<48x1x8x128xi32> to vector<48x1x1x8x128xi32>
    %stack3A_658 = vector.shape_cast %select_n3A_651 : vector<48x1x8x128xi32> to vector<48x1x1x8x128xi32>
    %stack3A_659 = tpu.concatenate %stack3A_657, %stack3A_658 in 1 : vector<48x1x1x8x128xi32>, vector<48x1x1x8x128xi32> -> vector<48x2x1x8x128xi32>
    %reshape3A_660 = vector.shape_cast %stack3A_659 : vector<48x2x1x8x128xi32> to vector<96x8x128xi32>
    %stack3A_661 = vector.shape_cast %select_n3A_649 : vector<48x1x8x128xf32> to vector<48x1x1x8x128xf32>
    %stack3A_662 = vector.shape_cast %select_n3A_652 : vector<48x1x8x128xf32> to vector<48x1x1x8x128xf32>
    %stack3A_663 = tpu.concatenate %stack3A_661, %stack3A_662 in 1 : vector<48x1x1x8x128xf32>, vector<48x1x1x8x128xf32> -> vector<48x2x1x8x128xf32>
    %reshape3A_664 = vector.shape_cast %stack3A_663 : vector<48x2x1x8x128xf32> to vector<96x8x128xf32>
    %iota3A_665 = tpu.iota {dimensions = array<i32: 1>} : vector<96x8x128xi32>
    %iota3A_666 = tpu.iota {dimensions = array<i32: 0>} : vector<96x8x128xi32>
    %mul3A_667 = arith.constant 8 : i32
    %mul3A_668 = vector.broadcast %mul3A_667 : i32 to vector<96x8x128xi32>
    %mul3A_669 = arith.muli %iota3A_666, %mul3A_668 : vector<96x8x128xi32>
    %add3A_670 = arith.addi %mul3A_669, %iota3A_665 : vector<96x8x128xi32>
    %and3A_671 = arith.constant 4 : i32
    %and3A_672 = vector.broadcast %and3A_671 : i32 to vector<96x8x128xi32>
    %and3A_673 = arith.andi %iota3A_665, %and3A_672 : vector<96x8x128xi32>
    %ne3A_674 = arith.constant 0 : i32
    %ne3A_675 = vector.broadcast %ne3A_674 : i32 to vector<96x8x128xi32>
    %ne3A_676 = arith.cmpi ne, %and3A_673, %ne3A_675 : vector<96x8x128xi32>
    %and3A_677 = arith.constant 32 : i32
    %and3A_678 = vector.broadcast %and3A_677 : i32 to vector<96x8x128xi32>
    %and3A_679 = arith.andi %add3A_670, %and3A_678 : vector<96x8x128xi32>
    %eq3A_680 = arith.constant 0 : i32
    %eq3A_681 = vector.broadcast %eq3A_680 : i32 to vector<96x8x128xi32>
    %eq3A_682 = arith.cmpi eq, %and3A_679, %eq3A_681 : vector<96x8x128xi32>
    %slice3A_683 = vector.extract_strided_slice %reshape3A_656 {offsets = [0, 4, 0], sizes = [96, 4, 128], strides = [1, 1, 1]} : vector<96x8x128xi32> to vector<96x4x128xi32>
    %slice3A_684 = vector.extract_strided_slice %reshape3A_656 {offsets = [0, 0, 0], sizes = [96, 4, 128], strides = [1, 1, 1]} : vector<96x8x128xi32> to vector<96x4x128xi32>
    %concatenate3A_685 = tpu.concatenate %slice3A_683, %slice3A_684 in 1 : vector<96x4x128xi32>, vector<96x4x128xi32> -> vector<96x8x128xi32>
    %slice3A_686 = vector.extract_strided_slice %reshape3A_656 {offsets = [0, 4, 0], sizes = [96, 4, 128], strides = [1, 1, 1]} : vector<96x8x128xi32> to vector<96x4x128xi32>
    %slice3A_687 = vector.extract_strided_slice %reshape3A_656 {offsets = [0, 0, 0], sizes = [96, 4, 128], strides = [1, 1, 1]} : vector<96x8x128xi32> to vector<96x4x128xi32>
    %concatenate3A_688 = tpu.concatenate %slice3A_686, %slice3A_687 in 1 : vector<96x4x128xi32>, vector<96x4x128xi32> -> vector<96x8x128xi32>
    %select_n3A_689 = arith.select %ne3A_676, %concatenate3A_685, %concatenate3A_688 : vector<96x8x128xi1>, vector<96x8x128xi32>
    %slice3A_690 = vector.extract_strided_slice %reshape3A_660 {offsets = [0, 4, 0], sizes = [96, 4, 128], strides = [1, 1, 1]} : vector<96x8x128xi32> to vector<96x4x128xi32>
    %slice3A_691 = vector.extract_strided_slice %reshape3A_660 {offsets = [0, 0, 0], sizes = [96, 4, 128], strides = [1, 1, 1]} : vector<96x8x128xi32> to vector<96x4x128xi32>
    %concatenate3A_692 = tpu.concatenate %slice3A_690, %slice3A_691 in 1 : vector<96x4x128xi32>, vector<96x4x128xi32> -> vector<96x8x128xi32>
    %slice3A_693 = vector.extract_strided_slice %reshape3A_660 {offsets = [0, 4, 0], sizes = [96, 4, 128], strides = [1, 1, 1]} : vector<96x8x128xi32> to vector<96x4x128xi32>
    %slice3A_694 = vector.extract_strided_slice %reshape3A_660 {offsets = [0, 0, 0], sizes = [96, 4, 128], strides = [1, 1, 1]} : vector<96x8x128xi32> to vector<96x4x128xi32>
    %concatenate3A_695 = tpu.concatenate %slice3A_693, %slice3A_694 in 1 : vector<96x4x128xi32>, vector<96x4x128xi32> -> vector<96x8x128xi32>
    %select_n3A_696 = arith.select %ne3A_676, %concatenate3A_692, %concatenate3A_695 : vector<96x8x128xi1>, vector<96x8x128xi32>
    %slice3A_697 = vector.extract_strided_slice %reshape3A_664 {offsets = [0, 4, 0], sizes = [96, 4, 128], strides = [1, 1, 1]} : vector<96x8x128xf32> to vector<96x4x128xf32>
    %slice3A_698 = vector.extract_strided_slice %reshape3A_664 {offsets = [0, 0, 0], sizes = [96, 4, 128], strides = [1, 1, 1]} : vector<96x8x128xf32> to vector<96x4x128xf32>
    %concatenate3A_699 = tpu.concatenate %slice3A_697, %slice3A_698 in 1 : vector<96x4x128xf32>, vector<96x4x128xf32> -> vector<96x8x128xf32>
    %slice3A_700 = vector.extract_strided_slice %reshape3A_664 {offsets = [0, 4, 0], sizes = [96, 4, 128], strides = [1, 1, 1]} : vector<96x8x128xf32> to vector<96x4x128xf32>
    %slice3A_701 = vector.extract_strided_slice %reshape3A_664 {offsets = [0, 0, 0], sizes = [96, 4, 128], strides = [1, 1, 1]} : vector<96x8x128xf32> to vector<96x4x128xf32>
    %concatenate3A_702 = tpu.concatenate %slice3A_700, %slice3A_701 in 1 : vector<96x4x128xf32>, vector<96x4x128xf32> -> vector<96x8x128xf32>
    %select_n3A_703 = arith.select %ne3A_676, %concatenate3A_699, %concatenate3A_702 : vector<96x8x128xi1>, vector<96x8x128xf32>
    %gt3A_704 = arith.cmpi sgt, %reshape3A_656, %select_n3A_689 : vector<96x8x128xi32>
    %eq3A_705 = arith.cmpi eq, %reshape3A_656, %select_n3A_689 : vector<96x8x128xi32>
    %lt3A_706 = arith.cmpi slt, %reshape3A_660, %select_n3A_696 : vector<96x8x128xi32>
    %and3A_707 = arith.andi %eq3A_705, %lt3A_706 : vector<96x8x128xi1>
    %or3A_708 = arith.ori %gt3A_704, %and3A_707 : vector<96x8x128xi1>
    %not3A_709 = arith.constant dense<true> : vector<96x8x128xi1>
    %not3A_710 = arith.xori %ne3A_676, %not3A_709 : vector<96x8x128xi1>
    %eq3A_711 = arith.xori %not3A_710, %eq3A_682 : vector<96x8x128xi1>
    %eq3A_712 = arith.constant dense<true> : vector<96x8x128xi1>
    %eq3A_713 = arith.xori %eq3A_711, %eq3A_712 : vector<96x8x128xi1>
    %eq3A_714 = arith.xori %or3A_708, %eq3A_713 : vector<96x8x128xi1>
    %eq3A_715 = arith.constant dense<true> : vector<96x8x128xi1>
    %eq3A_716 = arith.xori %eq3A_714, %eq3A_715 : vector<96x8x128xi1>
    %select_n3A_717 = arith.select %eq3A_716, %reshape3A_656, %select_n3A_689 : vector<96x8x128xi1>, vector<96x8x128xi32>
    %select_n3A_718 = arith.select %eq3A_716, %reshape3A_660, %select_n3A_696 : vector<96x8x128xi1>, vector<96x8x128xi32>
    %select_n3A_719 = arith.select %eq3A_716, %reshape3A_664, %select_n3A_703 : vector<96x8x128xi1>, vector<96x8x128xf32>
    %iota3A_720 = tpu.iota {dimensions = array<i32: 1>} : vector<96x8x128xi32>
    %iota3A_721 = tpu.iota {dimensions = array<i32: 0>} : vector<96x8x128xi32>
    %mul3A_722 = arith.constant 8 : i32
    %mul3A_723 = vector.broadcast %mul3A_722 : i32 to vector<96x8x128xi32>
    %mul3A_724 = arith.muli %iota3A_721, %mul3A_723 : vector<96x8x128xi32>
    %add3A_725 = arith.addi %mul3A_724, %iota3A_720 : vector<96x8x128xi32>
    %and3A_726 = arith.constant 2 : i32
    %and3A_727 = vector.broadcast %and3A_726 : i32 to vector<96x8x128xi32>
    %and3A_728 = arith.andi %iota3A_720, %and3A_727 : vector<96x8x128xi32>
    %ne3A_729 = arith.constant 0 : i32
    %ne3A_730 = vector.broadcast %ne3A_729 : i32 to vector<96x8x128xi32>
    %ne3A_731 = arith.cmpi ne, %and3A_728, %ne3A_730 : vector<96x8x128xi32>
    %and3A_732 = arith.constant 32 : i32
    %and3A_733 = vector.broadcast %and3A_732 : i32 to vector<96x8x128xi32>
    %and3A_734 = arith.andi %add3A_725, %and3A_733 : vector<96x8x128xi32>
    %eq3A_735 = arith.constant 0 : i32
    %eq3A_736 = vector.broadcast %eq3A_735 : i32 to vector<96x8x128xi32>
    %eq3A_737 = arith.cmpi eq, %and3A_734, %eq3A_736 : vector<96x8x128xi32>
    %slice3A_738 = vector.extract_strided_slice %select_n3A_717 {offsets = [0, 6, 0], sizes = [96, 2, 128], strides = [1, 1, 1]} : vector<96x8x128xi32> to vector<96x2x128xi32>
    %slice3A_739 = vector.extract_strided_slice %select_n3A_717 {offsets = [0, 0, 0], sizes = [96, 6, 128], strides = [1, 1, 1]} : vector<96x8x128xi32> to vector<96x6x128xi32>
    %concatenate3A_740 = tpu.concatenate %slice3A_738, %slice3A_739 in 1 : vector<96x2x128xi32>, vector<96x6x128xi32> -> vector<96x8x128xi32>
    %slice3A_741 = vector.extract_strided_slice %select_n3A_717 {offsets = [0, 2, 0], sizes = [96, 6, 128], strides = [1, 1, 1]} : vector<96x8x128xi32> to vector<96x6x128xi32>
    %slice3A_742 = vector.extract_strided_slice %select_n3A_717 {offsets = [0, 0, 0], sizes = [96, 2, 128], strides = [1, 1, 1]} : vector<96x8x128xi32> to vector<96x2x128xi32>
    %concatenate3A_743 = tpu.concatenate %slice3A_741, %slice3A_742 in 1 : vector<96x6x128xi32>, vector<96x2x128xi32> -> vector<96x8x128xi32>
    %select_n3A_744 = arith.select %ne3A_731, %concatenate3A_740, %concatenate3A_743 : vector<96x8x128xi1>, vector<96x8x128xi32>
    %slice3A_745 = vector.extract_strided_slice %select_n3A_718 {offsets = [0, 6, 0], sizes = [96, 2, 128], strides = [1, 1, 1]} : vector<96x8x128xi32> to vector<96x2x128xi32>
    %slice3A_746 = vector.extract_strided_slice %select_n3A_718 {offsets = [0, 0, 0], sizes = [96, 6, 128], strides = [1, 1, 1]} : vector<96x8x128xi32> to vector<96x6x128xi32>
    %concatenate3A_747 = tpu.concatenate %slice3A_745, %slice3A_746 in 1 : vector<96x2x128xi32>, vector<96x6x128xi32> -> vector<96x8x128xi32>
    %slice3A_748 = vector.extract_strided_slice %select_n3A_718 {offsets = [0, 2, 0], sizes = [96, 6, 128], strides = [1, 1, 1]} : vector<96x8x128xi32> to vector<96x6x128xi32>
    %slice3A_749 = vector.extract_strided_slice %select_n3A_718 {offsets = [0, 0, 0], sizes = [96, 2, 128], strides = [1, 1, 1]} : vector<96x8x128xi32> to vector<96x2x128xi32>
    %concatenate3A_750 = tpu.concatenate %slice3A_748, %slice3A_749 in 1 : vector<96x6x128xi32>, vector<96x2x128xi32> -> vector<96x8x128xi32>
    %select_n3A_751 = arith.select %ne3A_731, %concatenate3A_747, %concatenate3A_750 : vector<96x8x128xi1>, vector<96x8x128xi32>
    %slice3A_752 = vector.extract_strided_slice %select_n3A_719 {offsets = [0, 6, 0], sizes = [96, 2, 128], strides = [1, 1, 1]} : vector<96x8x128xf32> to vector<96x2x128xf32>
    %slice3A_753 = vector.extract_strided_slice %select_n3A_719 {offsets = [0, 0, 0], sizes = [96, 6, 128], strides = [1, 1, 1]} : vector<96x8x128xf32> to vector<96x6x128xf32>
    %concatenate3A_754 = tpu.concatenate %slice3A_752, %slice3A_753 in 1 : vector<96x2x128xf32>, vector<96x6x128xf32> -> vector<96x8x128xf32>
    %slice3A_755 = vector.extract_strided_slice %select_n3A_719 {offsets = [0, 2, 0], sizes = [96, 6, 128], strides = [1, 1, 1]} : vector<96x8x128xf32> to vector<96x6x128xf32>
    %slice3A_756 = vector.extract_strided_slice %select_n3A_719 {offsets = [0, 0, 0], sizes = [96, 2, 128], strides = [1, 1, 1]} : vector<96x8x128xf32> to vector<96x2x128xf32>
    %concatenate3A_757 = tpu.concatenate %slice3A_755, %slice3A_756 in 1 : vector<96x6x128xf32>, vector<96x2x128xf32> -> vector<96x8x128xf32>
    %select_n3A_758 = arith.select %ne3A_731, %concatenate3A_754, %concatenate3A_757 : vector<96x8x128xi1>, vector<96x8x128xf32>
    %gt3A_759 = arith.cmpi sgt, %select_n3A_717, %select_n3A_744 : vector<96x8x128xi32>
    %eq3A_760 = arith.cmpi eq, %select_n3A_717, %select_n3A_744 : vector<96x8x128xi32>
    %lt3A_761 = arith.cmpi slt, %select_n3A_718, %select_n3A_751 : vector<96x8x128xi32>
    %and3A_762 = arith.andi %eq3A_760, %lt3A_761 : vector<96x8x128xi1>
    %or3A_763 = arith.ori %gt3A_759, %and3A_762 : vector<96x8x128xi1>
    %not3A_764 = arith.constant dense<true> : vector<96x8x128xi1>
    %not3A_765 = arith.xori %ne3A_731, %not3A_764 : vector<96x8x128xi1>
    %eq3A_766 = arith.xori %not3A_765, %eq3A_737 : vector<96x8x128xi1>
    %eq3A_767 = arith.constant dense<true> : vector<96x8x128xi1>
    %eq3A_768 = arith.xori %eq3A_766, %eq3A_767 : vector<96x8x128xi1>
    %eq3A_769 = arith.xori %or3A_763, %eq3A_768 : vector<96x8x128xi1>
    %eq3A_770 = arith.constant dense<true> : vector<96x8x128xi1>
    %eq3A_771 = arith.xori %eq3A_769, %eq3A_770 : vector<96x8x128xi1>
    %select_n3A_772 = arith.select %eq3A_771, %select_n3A_717, %select_n3A_744 : vector<96x8x128xi1>, vector<96x8x128xi32>
    %select_n3A_773 = arith.select %eq3A_771, %select_n3A_718, %select_n3A_751 : vector<96x8x128xi1>, vector<96x8x128xi32>
    %select_n3A_774 = arith.select %eq3A_771, %select_n3A_719, %select_n3A_758 : vector<96x8x128xi1>, vector<96x8x128xf32>
    %iota3A_775 = tpu.iota {dimensions = array<i32: 1>} : vector<96x8x128xi32>
    %iota3A_776 = tpu.iota {dimensions = array<i32: 0>} : vector<96x8x128xi32>
    %mul3A_777 = arith.constant 8 : i32
    %mul3A_778 = vector.broadcast %mul3A_777 : i32 to vector<96x8x128xi32>
    %mul3A_779 = arith.muli %iota3A_776, %mul3A_778 : vector<96x8x128xi32>
    %add3A_780 = arith.addi %mul3A_779, %iota3A_775 : vector<96x8x128xi32>
    %and3A_781 = arith.constant 1 : i32
    %and3A_782 = vector.broadcast %and3A_781 : i32 to vector<96x8x128xi32>
    %and3A_783 = arith.andi %iota3A_775, %and3A_782 : vector<96x8x128xi32>
    %ne3A_784 = arith.constant 0 : i32
    %ne3A_785 = vector.broadcast %ne3A_784 : i32 to vector<96x8x128xi32>
    %ne3A_786 = arith.cmpi ne, %and3A_783, %ne3A_785 : vector<96x8x128xi32>
    %and3A_787 = arith.constant 32 : i32
    %and3A_788 = vector.broadcast %and3A_787 : i32 to vector<96x8x128xi32>
    %and3A_789 = arith.andi %add3A_780, %and3A_788 : vector<96x8x128xi32>
    %eq3A_790 = arith.constant 0 : i32
    %eq3A_791 = vector.broadcast %eq3A_790 : i32 to vector<96x8x128xi32>
    %eq3A_792 = arith.cmpi eq, %and3A_789, %eq3A_791 : vector<96x8x128xi32>
    %slice3A_793 = vector.extract_strided_slice %select_n3A_772 {offsets = [0, 7, 0], sizes = [96, 1, 128], strides = [1, 1, 1]} : vector<96x8x128xi32> to vector<96x1x128xi32>
    %slice3A_794 = vector.extract_strided_slice %select_n3A_772 {offsets = [0, 0, 0], sizes = [96, 7, 128], strides = [1, 1, 1]} : vector<96x8x128xi32> to vector<96x7x128xi32>
    %concatenate3A_795 = tpu.concatenate %slice3A_793, %slice3A_794 in 1 : vector<96x1x128xi32>, vector<96x7x128xi32> -> vector<96x8x128xi32>
    %slice3A_796 = vector.extract_strided_slice %select_n3A_772 {offsets = [0, 1, 0], sizes = [96, 7, 128], strides = [1, 1, 1]} : vector<96x8x128xi32> to vector<96x7x128xi32>
    %slice3A_797 = vector.extract_strided_slice %select_n3A_772 {offsets = [0, 0, 0], sizes = [96, 1, 128], strides = [1, 1, 1]} : vector<96x8x128xi32> to vector<96x1x128xi32>
    %concatenate3A_798 = tpu.concatenate %slice3A_796, %slice3A_797 in 1 : vector<96x7x128xi32>, vector<96x1x128xi32> -> vector<96x8x128xi32>
    %select_n3A_799 = arith.select %ne3A_786, %concatenate3A_795, %concatenate3A_798 : vector<96x8x128xi1>, vector<96x8x128xi32>
    %slice3A_800 = vector.extract_strided_slice %select_n3A_773 {offsets = [0, 7, 0], sizes = [96, 1, 128], strides = [1, 1, 1]} : vector<96x8x128xi32> to vector<96x1x128xi32>
    %slice3A_801 = vector.extract_strided_slice %select_n3A_773 {offsets = [0, 0, 0], sizes = [96, 7, 128], strides = [1, 1, 1]} : vector<96x8x128xi32> to vector<96x7x128xi32>
    %concatenate3A_802 = tpu.concatenate %slice3A_800, %slice3A_801 in 1 : vector<96x1x128xi32>, vector<96x7x128xi32> -> vector<96x8x128xi32>
    %slice3A_803 = vector.extract_strided_slice %select_n3A_773 {offsets = [0, 1, 0], sizes = [96, 7, 128], strides = [1, 1, 1]} : vector<96x8x128xi32> to vector<96x7x128xi32>
    %slice3A_804 = vector.extract_strided_slice %select_n3A_773 {offsets = [0, 0, 0], sizes = [96, 1, 128], strides = [1, 1, 1]} : vector<96x8x128xi32> to vector<96x1x128xi32>
    %concatenate3A_805 = tpu.concatenate %slice3A_803, %slice3A_804 in 1 : vector<96x7x128xi32>, vector<96x1x128xi32> -> vector<96x8x128xi32>
    %select_n3A_806 = arith.select %ne3A_786, %concatenate3A_802, %concatenate3A_805 : vector<96x8x128xi1>, vector<96x8x128xi32>
    %slice3A_807 = vector.extract_strided_slice %select_n3A_774 {offsets = [0, 7, 0], sizes = [96, 1, 128], strides = [1, 1, 1]} : vector<96x8x128xf32> to vector<96x1x128xf32>
    %slice3A_808 = vector.extract_strided_slice %select_n3A_774 {offsets = [0, 0, 0], sizes = [96, 7, 128], strides = [1, 1, 1]} : vector<96x8x128xf32> to vector<96x7x128xf32>
    %concatenate3A_809 = tpu.concatenate %slice3A_807, %slice3A_808 in 1 : vector<96x1x128xf32>, vector<96x7x128xf32> -> vector<96x8x128xf32>
    %slice3A_810 = vector.extract_strided_slice %select_n3A_774 {offsets = [0, 1, 0], sizes = [96, 7, 128], strides = [1, 1, 1]} : vector<96x8x128xf32> to vector<96x7x128xf32>
    %slice3A_811 = vector.extract_strided_slice %select_n3A_774 {offsets = [0, 0, 0], sizes = [96, 1, 128], strides = [1, 1, 1]} : vector<96x8x128xf32> to vector<96x1x128xf32>
    %concatenate3A_812 = tpu.concatenate %slice3A_810, %slice3A_811 in 1 : vector<96x7x128xf32>, vector<96x1x128xf32> -> vector<96x8x128xf32>
    %select_n3A_813 = arith.select %ne3A_786, %concatenate3A_809, %concatenate3A_812 : vector<96x8x128xi1>, vector<96x8x128xf32>
    %gt3A_814 = arith.cmpi sgt, %select_n3A_772, %select_n3A_799 : vector<96x8x128xi32>
    %eq3A_815 = arith.cmpi eq, %select_n3A_772, %select_n3A_799 : vector<96x8x128xi32>
    %lt3A_816 = arith.cmpi slt, %select_n3A_773, %select_n3A_806 : vector<96x8x128xi32>
    %and3A_817 = arith.andi %eq3A_815, %lt3A_816 : vector<96x8x128xi1>
    %or3A_818 = arith.ori %gt3A_814, %and3A_817 : vector<96x8x128xi1>
    %not3A_819 = arith.constant dense<true> : vector<96x8x128xi1>
    %not3A_820 = arith.xori %ne3A_786, %not3A_819 : vector<96x8x128xi1>
    %eq3A_821 = arith.xori %not3A_820, %eq3A_792 : vector<96x8x128xi1>
    %eq3A_822 = arith.constant dense<true> : vector<96x8x128xi1>
    %eq3A_823 = arith.xori %eq3A_821, %eq3A_822 : vector<96x8x128xi1>
    %eq3A_824 = arith.xori %or3A_818, %eq3A_823 : vector<96x8x128xi1>
    %eq3A_825 = arith.constant dense<true> : vector<96x8x128xi1>
    %eq3A_826 = arith.xori %eq3A_824, %eq3A_825 : vector<96x8x128xi1>
    %select_n3A_827 = arith.select %eq3A_826, %select_n3A_772, %select_n3A_799 : vector<96x8x128xi1>, vector<96x8x128xi32>
    %select_n3A_828 = arith.select %eq3A_826, %select_n3A_773, %select_n3A_806 : vector<96x8x128xi1>, vector<96x8x128xi32>
    %select_n3A_829 = arith.select %eq3A_826, %select_n3A_774, %select_n3A_813 : vector<96x8x128xi1>, vector<96x8x128xf32>
    %reshape3A_830 = vector.shape_cast %select_n3A_827 : vector<96x8x128xi32> to vector<12x2x4x8x128xi32>
    %reshape3A_831 = vector.shape_cast %select_n3A_828 : vector<96x8x128xi32> to vector<12x2x4x8x128xi32>
    %reshape3A_832 = vector.shape_cast %select_n3A_829 : vector<96x8x128xf32> to vector<12x2x4x8x128xf32>
    %slice3A_833 = vector.extract_strided_slice %reshape3A_830 {offsets = [0, 0, 0, 0, 0], sizes = [12, 1, 4, 8, 128], strides = [1, 1, 1, 1, 1]} : vector<12x2x4x8x128xi32> to vector<12x1x4x8x128xi32>
    %squeeze3A_834 = vector.shape_cast %slice3A_833 : vector<12x1x4x8x128xi32> to vector<12x4x8x128xi32>
    %slice3A_835 = vector.extract_strided_slice %reshape3A_830 {offsets = [0, 1, 0, 0, 0], sizes = [12, 1, 4, 8, 128], strides = [1, 1, 1, 1, 1]} : vector<12x2x4x8x128xi32> to vector<12x1x4x8x128xi32>
    %squeeze3A_836 = vector.shape_cast %slice3A_835 : vector<12x1x4x8x128xi32> to vector<12x4x8x128xi32>
    %slice3A_837 = vector.extract_strided_slice %reshape3A_831 {offsets = [0, 0, 0, 0, 0], sizes = [12, 1, 4, 8, 128], strides = [1, 1, 1, 1, 1]} : vector<12x2x4x8x128xi32> to vector<12x1x4x8x128xi32>
    %squeeze3A_838 = vector.shape_cast %slice3A_837 : vector<12x1x4x8x128xi32> to vector<12x4x8x128xi32>
    %slice3A_839 = vector.extract_strided_slice %reshape3A_831 {offsets = [0, 1, 0, 0, 0], sizes = [12, 1, 4, 8, 128], strides = [1, 1, 1, 1, 1]} : vector<12x2x4x8x128xi32> to vector<12x1x4x8x128xi32>
    %squeeze3A_840 = vector.shape_cast %slice3A_839 : vector<12x1x4x8x128xi32> to vector<12x4x8x128xi32>
    %slice3A_841 = vector.extract_strided_slice %reshape3A_832 {offsets = [0, 0, 0, 0, 0], sizes = [12, 1, 4, 8, 128], strides = [1, 1, 1, 1, 1]} : vector<12x2x4x8x128xf32> to vector<12x1x4x8x128xf32>
    %squeeze3A_842 = vector.shape_cast %slice3A_841 : vector<12x1x4x8x128xf32> to vector<12x4x8x128xf32>
    %slice3A_843 = vector.extract_strided_slice %reshape3A_832 {offsets = [0, 1, 0, 0, 0], sizes = [12, 1, 4, 8, 128], strides = [1, 1, 1, 1, 1]} : vector<12x2x4x8x128xf32> to vector<12x1x4x8x128xf32>
    %squeeze3A_844 = vector.shape_cast %slice3A_843 : vector<12x1x4x8x128xf32> to vector<12x4x8x128xf32>
    %iota3A_845 = tpu.iota {dimensions = array<i32: 0>} : vector<12x4x8x128xi32>
    %mul3A_846 = arith.constant 2 : i32
    %mul3A_847 = vector.broadcast %mul3A_846 : i32 to vector<12x4x8x128xi32>
    %mul3A_848 = arith.muli %iota3A_845, %mul3A_847 : vector<12x4x8x128xi32>
    %mul3A_849 = arith.constant 32 : i32
    %mul3A_850 = vector.broadcast %mul3A_849 : i32 to vector<12x4x8x128xi32>
    %mul3A_851 = arith.muli %mul3A_848, %mul3A_850 : vector<12x4x8x128xi32>
    %and3A_852 = arith.constant 64 : i32
    %and3A_853 = vector.broadcast %and3A_852 : i32 to vector<12x4x8x128xi32>
    %and3A_854 = arith.andi %mul3A_851, %and3A_853 : vector<12x4x8x128xi32>
    %eq3A_855 = arith.constant 0 : i32
    %eq3A_856 = vector.broadcast %eq3A_855 : i32 to vector<12x4x8x128xi32>
    %eq3A_857 = arith.cmpi eq, %and3A_854, %eq3A_856 : vector<12x4x8x128xi32>
    %gt3A_858 = arith.cmpi sgt, %squeeze3A_834, %squeeze3A_836 : vector<12x4x8x128xi32>
    %eq3A_859 = arith.cmpi eq, %squeeze3A_834, %squeeze3A_836 : vector<12x4x8x128xi32>
    %lt3A_860 = arith.cmpi slt, %squeeze3A_838, %squeeze3A_840 : vector<12x4x8x128xi32>
    %and3A_861 = arith.andi %eq3A_859, %lt3A_860 : vector<12x4x8x128xi1>
    %or3A_862 = arith.ori %gt3A_858, %and3A_861 : vector<12x4x8x128xi1>
    %eq3A_863 = arith.xori %or3A_862, %eq3A_857 : vector<12x4x8x128xi1>
    %eq3A_864 = arith.constant dense<true> : vector<12x4x8x128xi1>
    %eq3A_865 = arith.xori %eq3A_863, %eq3A_864 : vector<12x4x8x128xi1>
    %select_n3A_866 = arith.select %eq3A_865, %squeeze3A_834, %squeeze3A_836 : vector<12x4x8x128xi1>, vector<12x4x8x128xi32>
    %select_n3A_867 = arith.select %eq3A_865, %squeeze3A_838, %squeeze3A_840 : vector<12x4x8x128xi1>, vector<12x4x8x128xi32>
    %select_n3A_868 = arith.select %eq3A_865, %squeeze3A_842, %squeeze3A_844 : vector<12x4x8x128xi1>, vector<12x4x8x128xf32>
    %select_n3A_869 = arith.select %eq3A_865, %squeeze3A_836, %squeeze3A_834 : vector<12x4x8x128xi1>, vector<12x4x8x128xi32>
    %select_n3A_870 = arith.select %eq3A_865, %squeeze3A_840, %squeeze3A_838 : vector<12x4x8x128xi1>, vector<12x4x8x128xi32>
    %select_n3A_871 = arith.select %eq3A_865, %squeeze3A_844, %squeeze3A_842 : vector<12x4x8x128xi1>, vector<12x4x8x128xf32>
    %stack3A_872 = vector.shape_cast %select_n3A_866 : vector<12x4x8x128xi32> to vector<12x1x4x8x128xi32>
    %stack3A_873 = vector.shape_cast %select_n3A_869 : vector<12x4x8x128xi32> to vector<12x1x4x8x128xi32>
    %stack3A_874 = tpu.concatenate %stack3A_872, %stack3A_873 in 1 : vector<12x1x4x8x128xi32>, vector<12x1x4x8x128xi32> -> vector<12x2x4x8x128xi32>
    %reshape3A_875 = vector.shape_cast %stack3A_874 : vector<12x2x4x8x128xi32> to vector<96x8x128xi32>
    %stack3A_876 = vector.shape_cast %select_n3A_867 : vector<12x4x8x128xi32> to vector<12x1x4x8x128xi32>
    %stack3A_877 = vector.shape_cast %select_n3A_870 : vector<12x4x8x128xi32> to vector<12x1x4x8x128xi32>
    %stack3A_878 = tpu.concatenate %stack3A_876, %stack3A_877 in 1 : vector<12x1x4x8x128xi32>, vector<12x1x4x8x128xi32> -> vector<12x2x4x8x128xi32>
    %reshape3A_879 = vector.shape_cast %stack3A_878 : vector<12x2x4x8x128xi32> to vector<96x8x128xi32>
    %stack3A_880 = vector.shape_cast %select_n3A_868 : vector<12x4x8x128xf32> to vector<12x1x4x8x128xf32>
    %stack3A_881 = vector.shape_cast %select_n3A_871 : vector<12x4x8x128xf32> to vector<12x1x4x8x128xf32>
    %stack3A_882 = tpu.concatenate %stack3A_880, %stack3A_881 in 1 : vector<12x1x4x8x128xf32>, vector<12x1x4x8x128xf32> -> vector<12x2x4x8x128xf32>
    %reshape3A_883 = vector.shape_cast %stack3A_882 : vector<12x2x4x8x128xf32> to vector<96x8x128xf32>
    %reshape3A_884 = vector.shape_cast %reshape3A_875 : vector<96x8x128xi32> to vector<24x2x2x8x128xi32>
    %reshape3A_885 = vector.shape_cast %reshape3A_879 : vector<96x8x128xi32> to vector<24x2x2x8x128xi32>
    %reshape3A_886 = vector.shape_cast %reshape3A_883 : vector<96x8x128xf32> to vector<24x2x2x8x128xf32>
    %slice3A_887 = vector.extract_strided_slice %reshape3A_884 {offsets = [0, 0, 0, 0, 0], sizes = [24, 1, 2, 8, 128], strides = [1, 1, 1, 1, 1]} : vector<24x2x2x8x128xi32> to vector<24x1x2x8x128xi32>
    %squeeze3A_888 = vector.shape_cast %slice3A_887 : vector<24x1x2x8x128xi32> to vector<24x2x8x128xi32>
    %slice3A_889 = vector.extract_strided_slice %reshape3A_884 {offsets = [0, 1, 0, 0, 0], sizes = [24, 1, 2, 8, 128], strides = [1, 1, 1, 1, 1]} : vector<24x2x2x8x128xi32> to vector<24x1x2x8x128xi32>
    %squeeze3A_890 = vector.shape_cast %slice3A_889 : vector<24x1x2x8x128xi32> to vector<24x2x8x128xi32>
    %slice3A_891 = vector.extract_strided_slice %reshape3A_885 {offsets = [0, 0, 0, 0, 0], sizes = [24, 1, 2, 8, 128], strides = [1, 1, 1, 1, 1]} : vector<24x2x2x8x128xi32> to vector<24x1x2x8x128xi32>
    %squeeze3A_892 = vector.shape_cast %slice3A_891 : vector<24x1x2x8x128xi32> to vector<24x2x8x128xi32>
    %slice3A_893 = vector.extract_strided_slice %reshape3A_885 {offsets = [0, 1, 0, 0, 0], sizes = [24, 1, 2, 8, 128], strides = [1, 1, 1, 1, 1]} : vector<24x2x2x8x128xi32> to vector<24x1x2x8x128xi32>
    %squeeze3A_894 = vector.shape_cast %slice3A_893 : vector<24x1x2x8x128xi32> to vector<24x2x8x128xi32>
    %slice3A_895 = vector.extract_strided_slice %reshape3A_886 {offsets = [0, 0, 0, 0, 0], sizes = [24, 1, 2, 8, 128], strides = [1, 1, 1, 1, 1]} : vector<24x2x2x8x128xf32> to vector<24x1x2x8x128xf32>
    %squeeze3A_896 = vector.shape_cast %slice3A_895 : vector<24x1x2x8x128xf32> to vector<24x2x8x128xf32>
    %slice3A_897 = vector.extract_strided_slice %reshape3A_886 {offsets = [0, 1, 0, 0, 0], sizes = [24, 1, 2, 8, 128], strides = [1, 1, 1, 1, 1]} : vector<24x2x2x8x128xf32> to vector<24x1x2x8x128xf32>
    %squeeze3A_898 = vector.shape_cast %slice3A_897 : vector<24x1x2x8x128xf32> to vector<24x2x8x128xf32>
    %iota3A_899 = tpu.iota {dimensions = array<i32: 0>} : vector<24x2x8x128xi32>
    %mul3A_900 = arith.constant 2 : i32
    %mul3A_901 = vector.broadcast %mul3A_900 : i32 to vector<24x2x8x128xi32>
    %mul3A_902 = arith.muli %iota3A_899, %mul3A_901 : vector<24x2x8x128xi32>
    %mul3A_903 = arith.constant 16 : i32
    %mul3A_904 = vector.broadcast %mul3A_903 : i32 to vector<24x2x8x128xi32>
    %mul3A_905 = arith.muli %mul3A_902, %mul3A_904 : vector<24x2x8x128xi32>
    %and3A_906 = arith.constant 64 : i32
    %and3A_907 = vector.broadcast %and3A_906 : i32 to vector<24x2x8x128xi32>
    %and3A_908 = arith.andi %mul3A_905, %and3A_907 : vector<24x2x8x128xi32>
    %eq3A_909 = arith.constant 0 : i32
    %eq3A_910 = vector.broadcast %eq3A_909 : i32 to vector<24x2x8x128xi32>
    %eq3A_911 = arith.cmpi eq, %and3A_908, %eq3A_910 : vector<24x2x8x128xi32>
    %gt3A_912 = arith.cmpi sgt, %squeeze3A_888, %squeeze3A_890 : vector<24x2x8x128xi32>
    %eq3A_913 = arith.cmpi eq, %squeeze3A_888, %squeeze3A_890 : vector<24x2x8x128xi32>
    %lt3A_914 = arith.cmpi slt, %squeeze3A_892, %squeeze3A_894 : vector<24x2x8x128xi32>
    %and3A_915 = arith.andi %eq3A_913, %lt3A_914 : vector<24x2x8x128xi1>
    %or3A_916 = arith.ori %gt3A_912, %and3A_915 : vector<24x2x8x128xi1>
    %eq3A_917 = arith.xori %or3A_916, %eq3A_911 : vector<24x2x8x128xi1>
    %eq3A_918 = arith.constant dense<true> : vector<24x2x8x128xi1>
    %eq3A_919 = arith.xori %eq3A_917, %eq3A_918 : vector<24x2x8x128xi1>
    %select_n3A_920 = arith.select %eq3A_919, %squeeze3A_888, %squeeze3A_890 : vector<24x2x8x128xi1>, vector<24x2x8x128xi32>
    %select_n3A_921 = arith.select %eq3A_919, %squeeze3A_892, %squeeze3A_894 : vector<24x2x8x128xi1>, vector<24x2x8x128xi32>
    %select_n3A_922 = arith.select %eq3A_919, %squeeze3A_896, %squeeze3A_898 : vector<24x2x8x128xi1>, vector<24x2x8x128xf32>
    %select_n3A_923 = arith.select %eq3A_919, %squeeze3A_890, %squeeze3A_888 : vector<24x2x8x128xi1>, vector<24x2x8x128xi32>
    %select_n3A_924 = arith.select %eq3A_919, %squeeze3A_894, %squeeze3A_892 : vector<24x2x8x128xi1>, vector<24x2x8x128xi32>
    %select_n3A_925 = arith.select %eq3A_919, %squeeze3A_898, %squeeze3A_896 : vector<24x2x8x128xi1>, vector<24x2x8x128xf32>
    %stack3A_926 = vector.shape_cast %select_n3A_920 : vector<24x2x8x128xi32> to vector<24x1x2x8x128xi32>
    %stack3A_927 = vector.shape_cast %select_n3A_923 : vector<24x2x8x128xi32> to vector<24x1x2x8x128xi32>
    %stack3A_928 = tpu.concatenate %stack3A_926, %stack3A_927 in 1 : vector<24x1x2x8x128xi32>, vector<24x1x2x8x128xi32> -> vector<24x2x2x8x128xi32>
    %reshape3A_929 = vector.shape_cast %stack3A_928 : vector<24x2x2x8x128xi32> to vector<96x8x128xi32>
    %stack3A_930 = vector.shape_cast %select_n3A_921 : vector<24x2x8x128xi32> to vector<24x1x2x8x128xi32>
    %stack3A_931 = vector.shape_cast %select_n3A_924 : vector<24x2x8x128xi32> to vector<24x1x2x8x128xi32>
    %stack3A_932 = tpu.concatenate %stack3A_930, %stack3A_931 in 1 : vector<24x1x2x8x128xi32>, vector<24x1x2x8x128xi32> -> vector<24x2x2x8x128xi32>
    %reshape3A_933 = vector.shape_cast %stack3A_932 : vector<24x2x2x8x128xi32> to vector<96x8x128xi32>
    %stack3A_934 = vector.shape_cast %select_n3A_922 : vector<24x2x8x128xf32> to vector<24x1x2x8x128xf32>
    %stack3A_935 = vector.shape_cast %select_n3A_925 : vector<24x2x8x128xf32> to vector<24x1x2x8x128xf32>
    %stack3A_936 = tpu.concatenate %stack3A_934, %stack3A_935 in 1 : vector<24x1x2x8x128xf32>, vector<24x1x2x8x128xf32> -> vector<24x2x2x8x128xf32>
    %reshape3A_937 = vector.shape_cast %stack3A_936 : vector<24x2x2x8x128xf32> to vector<96x8x128xf32>
    %reshape3A_938 = vector.shape_cast %reshape3A_929 : vector<96x8x128xi32> to vector<48x2x1x8x128xi32>
    %reshape3A_939 = vector.shape_cast %reshape3A_933 : vector<96x8x128xi32> to vector<48x2x1x8x128xi32>
    %reshape3A_940 = vector.shape_cast %reshape3A_937 : vector<96x8x128xf32> to vector<48x2x1x8x128xf32>
    %slice3A_941 = vector.extract_strided_slice %reshape3A_938 {offsets = [0, 0, 0, 0, 0], sizes = [48, 1, 1, 8, 128], strides = [1, 1, 1, 1, 1]} : vector<48x2x1x8x128xi32> to vector<48x1x1x8x128xi32>
    %squeeze3A_942 = vector.shape_cast %slice3A_941 : vector<48x1x1x8x128xi32> to vector<48x1x8x128xi32>
    %slice3A_943 = vector.extract_strided_slice %reshape3A_938 {offsets = [0, 1, 0, 0, 0], sizes = [48, 1, 1, 8, 128], strides = [1, 1, 1, 1, 1]} : vector<48x2x1x8x128xi32> to vector<48x1x1x8x128xi32>
    %squeeze3A_944 = vector.shape_cast %slice3A_943 : vector<48x1x1x8x128xi32> to vector<48x1x8x128xi32>
    %slice3A_945 = vector.extract_strided_slice %reshape3A_939 {offsets = [0, 0, 0, 0, 0], sizes = [48, 1, 1, 8, 128], strides = [1, 1, 1, 1, 1]} : vector<48x2x1x8x128xi32> to vector<48x1x1x8x128xi32>
    %squeeze3A_946 = vector.shape_cast %slice3A_945 : vector<48x1x1x8x128xi32> to vector<48x1x8x128xi32>
    %slice3A_947 = vector.extract_strided_slice %reshape3A_939 {offsets = [0, 1, 0, 0, 0], sizes = [48, 1, 1, 8, 128], strides = [1, 1, 1, 1, 1]} : vector<48x2x1x8x128xi32> to vector<48x1x1x8x128xi32>
    %squeeze3A_948 = vector.shape_cast %slice3A_947 : vector<48x1x1x8x128xi32> to vector<48x1x8x128xi32>
    %slice3A_949 = vector.extract_strided_slice %reshape3A_940 {offsets = [0, 0, 0, 0, 0], sizes = [48, 1, 1, 8, 128], strides = [1, 1, 1, 1, 1]} : vector<48x2x1x8x128xf32> to vector<48x1x1x8x128xf32>
    %squeeze3A_950 = vector.shape_cast %slice3A_949 : vector<48x1x1x8x128xf32> to vector<48x1x8x128xf32>
    %slice3A_951 = vector.extract_strided_slice %reshape3A_940 {offsets = [0, 1, 0, 0, 0], sizes = [48, 1, 1, 8, 128], strides = [1, 1, 1, 1, 1]} : vector<48x2x1x8x128xf32> to vector<48x1x1x8x128xf32>
    %squeeze3A_952 = vector.shape_cast %slice3A_951 : vector<48x1x1x8x128xf32> to vector<48x1x8x128xf32>
    %iota3A_953 = tpu.iota {dimensions = array<i32: 0>} : vector<48x1x8x128xi32>
    %mul3A_954 = arith.constant 2 : i32
    %mul3A_955 = vector.broadcast %mul3A_954 : i32 to vector<48x1x8x128xi32>
    %mul3A_956 = arith.muli %iota3A_953, %mul3A_955 : vector<48x1x8x128xi32>
    %mul3A_957 = arith.constant 8 : i32
    %mul3A_958 = vector.broadcast %mul3A_957 : i32 to vector<48x1x8x128xi32>
    %mul3A_959 = arith.muli %mul3A_956, %mul3A_958 : vector<48x1x8x128xi32>
    %and3A_960 = arith.constant 64 : i32
    %and3A_961 = vector.broadcast %and3A_960 : i32 to vector<48x1x8x128xi32>
    %and3A_962 = arith.andi %mul3A_959, %and3A_961 : vector<48x1x8x128xi32>
    %eq3A_963 = arith.constant 0 : i32
    %eq3A_964 = vector.broadcast %eq3A_963 : i32 to vector<48x1x8x128xi32>
    %eq3A_965 = arith.cmpi eq, %and3A_962, %eq3A_964 : vector<48x1x8x128xi32>
    %gt3A_966 = arith.cmpi sgt, %squeeze3A_942, %squeeze3A_944 : vector<48x1x8x128xi32>
    %eq3A_967 = arith.cmpi eq, %squeeze3A_942, %squeeze3A_944 : vector<48x1x8x128xi32>
    %lt3A_968 = arith.cmpi slt, %squeeze3A_946, %squeeze3A_948 : vector<48x1x8x128xi32>
    %and3A_969 = arith.andi %eq3A_967, %lt3A_968 : vector<48x1x8x128xi1>
    %or3A_970 = arith.ori %gt3A_966, %and3A_969 : vector<48x1x8x128xi1>
    %eq3A_971 = arith.xori %or3A_970, %eq3A_965 : vector<48x1x8x128xi1>
    %eq3A_972 = arith.constant dense<true> : vector<48x1x8x128xi1>
    %eq3A_973 = arith.xori %eq3A_971, %eq3A_972 : vector<48x1x8x128xi1>
    %select_n3A_974 = arith.select %eq3A_973, %squeeze3A_942, %squeeze3A_944 : vector<48x1x8x128xi1>, vector<48x1x8x128xi32>
    %select_n3A_975 = arith.select %eq3A_973, %squeeze3A_946, %squeeze3A_948 : vector<48x1x8x128xi1>, vector<48x1x8x128xi32>
    %select_n3A_976 = arith.select %eq3A_973, %squeeze3A_950, %squeeze3A_952 : vector<48x1x8x128xi1>, vector<48x1x8x128xf32>
    %select_n3A_977 = arith.select %eq3A_973, %squeeze3A_944, %squeeze3A_942 : vector<48x1x8x128xi1>, vector<48x1x8x128xi32>
    %select_n3A_978 = arith.select %eq3A_973, %squeeze3A_948, %squeeze3A_946 : vector<48x1x8x128xi1>, vector<48x1x8x128xi32>
    %select_n3A_979 = arith.select %eq3A_973, %squeeze3A_952, %squeeze3A_950 : vector<48x1x8x128xi1>, vector<48x1x8x128xf32>
    %stack3A_980 = vector.shape_cast %select_n3A_974 : vector<48x1x8x128xi32> to vector<48x1x1x8x128xi32>
    %stack3A_981 = vector.shape_cast %select_n3A_977 : vector<48x1x8x128xi32> to vector<48x1x1x8x128xi32>
    %stack3A_982 = tpu.concatenate %stack3A_980, %stack3A_981 in 1 : vector<48x1x1x8x128xi32>, vector<48x1x1x8x128xi32> -> vector<48x2x1x8x128xi32>
    %reshape3A_983 = vector.shape_cast %stack3A_982 : vector<48x2x1x8x128xi32> to vector<96x8x128xi32>
    %stack3A_984 = vector.shape_cast %select_n3A_975 : vector<48x1x8x128xi32> to vector<48x1x1x8x128xi32>
    %stack3A_985 = vector.shape_cast %select_n3A_978 : vector<48x1x8x128xi32> to vector<48x1x1x8x128xi32>
    %stack3A_986 = tpu.concatenate %stack3A_984, %stack3A_985 in 1 : vector<48x1x1x8x128xi32>, vector<48x1x1x8x128xi32> -> vector<48x2x1x8x128xi32>
    %reshape3A_987 = vector.shape_cast %stack3A_986 : vector<48x2x1x8x128xi32> to vector<96x8x128xi32>
    %stack3A_988 = vector.shape_cast %select_n3A_976 : vector<48x1x8x128xf32> to vector<48x1x1x8x128xf32>
    %stack3A_989 = vector.shape_cast %select_n3A_979 : vector<48x1x8x128xf32> to vector<48x1x1x8x128xf32>
    %stack3A_990 = tpu.concatenate %stack3A_988, %stack3A_989 in 1 : vector<48x1x1x8x128xf32>, vector<48x1x1x8x128xf32> -> vector<48x2x1x8x128xf32>
    %reshape3A_991 = vector.shape_cast %stack3A_990 : vector<48x2x1x8x128xf32> to vector<96x8x128xf32>
    %iota3A_992 = tpu.iota {dimensions = array<i32: 1>} : vector<96x8x128xi32>
    %iota3A_993 = tpu.iota {dimensions = array<i32: 0>} : vector<96x8x128xi32>
    %mul3A_994 = arith.constant 8 : i32
    %mul3A_995 = vector.broadcast %mul3A_994 : i32 to vector<96x8x128xi32>
    %mul3A_996 = arith.muli %iota3A_993, %mul3A_995 : vector<96x8x128xi32>
    %add3A_997 = arith.addi %mul3A_996, %iota3A_992 : vector<96x8x128xi32>
    %and3A_998 = arith.constant 4 : i32
    %and3A_999 = vector.broadcast %and3A_998 : i32 to vector<96x8x128xi32>
    %and3A_1000 = arith.andi %iota3A_992, %and3A_999 : vector<96x8x128xi32>
    %ne3A_1001 = arith.constant 0 : i32
    %ne3A_1002 = vector.broadcast %ne3A_1001 : i32 to vector<96x8x128xi32>
    %ne3A_1003 = arith.cmpi ne, %and3A_1000, %ne3A_1002 : vector<96x8x128xi32>
    %and3A_1004 = arith.constant 64 : i32
    %and3A_1005 = vector.broadcast %and3A_1004 : i32 to vector<96x8x128xi32>
    %and3A_1006 = arith.andi %add3A_997, %and3A_1005 : vector<96x8x128xi32>
    %eq3A_1007 = arith.constant 0 : i32
    %eq3A_1008 = vector.broadcast %eq3A_1007 : i32 to vector<96x8x128xi32>
    %eq3A_1009 = arith.cmpi eq, %and3A_1006, %eq3A_1008 : vector<96x8x128xi32>
    %slice3A_1010 = vector.extract_strided_slice %reshape3A_983 {offsets = [0, 4, 0], sizes = [96, 4, 128], strides = [1, 1, 1]} : vector<96x8x128xi32> to vector<96x4x128xi32>
    %slice3A_1011 = vector.extract_strided_slice %reshape3A_983 {offsets = [0, 0, 0], sizes = [96, 4, 128], strides = [1, 1, 1]} : vector<96x8x128xi32> to vector<96x4x128xi32>
    %concatenate3A_1012 = tpu.concatenate %slice3A_1010, %slice3A_1011 in 1 : vector<96x4x128xi32>, vector<96x4x128xi32> -> vector<96x8x128xi32>
    %slice3A_1013 = vector.extract_strided_slice %reshape3A_983 {offsets = [0, 4, 0], sizes = [96, 4, 128], strides = [1, 1, 1]} : vector<96x8x128xi32> to vector<96x4x128xi32>
    %slice3A_1014 = vector.extract_strided_slice %reshape3A_983 {offsets = [0, 0, 0], sizes = [96, 4, 128], strides = [1, 1, 1]} : vector<96x8x128xi32> to vector<96x4x128xi32>
    %concatenate3A_1015 = tpu.concatenate %slice3A_1013, %slice3A_1014 in 1 : vector<96x4x128xi32>, vector<96x4x128xi32> -> vector<96x8x128xi32>
    %select_n3A_1016 = arith.select %ne3A_1003, %concatenate3A_1012, %concatenate3A_1015 : vector<96x8x128xi1>, vector<96x8x128xi32>
    %slice3A_1017 = vector.extract_strided_slice %reshape3A_987 {offsets = [0, 4, 0], sizes = [96, 4, 128], strides = [1, 1, 1]} : vector<96x8x128xi32> to vector<96x4x128xi32>
    %slice3A_1018 = vector.extract_strided_slice %reshape3A_987 {offsets = [0, 0, 0], sizes = [96, 4, 128], strides = [1, 1, 1]} : vector<96x8x128xi32> to vector<96x4x128xi32>
    %concatenate3A_1019 = tpu.concatenate %slice3A_1017, %slice3A_1018 in 1 : vector<96x4x128xi32>, vector<96x4x128xi32> -> vector<96x8x128xi32>
    %slice3A_1020 = vector.extract_strided_slice %reshape3A_987 {offsets = [0, 4, 0], sizes = [96, 4, 128], strides = [1, 1, 1]} : vector<96x8x128xi32> to vector<96x4x128xi32>
    %slice3A_1021 = vector.extract_strided_slice %reshape3A_987 {offsets = [0, 0, 0], sizes = [96, 4, 128], strides = [1, 1, 1]} : vector<96x8x128xi32> to vector<96x4x128xi32>
    %concatenate3A_1022 = tpu.concatenate %slice3A_1020, %slice3A_1021 in 1 : vector<96x4x128xi32>, vector<96x4x128xi32> -> vector<96x8x128xi32>
    %select_n3A_1023 = arith.select %ne3A_1003, %concatenate3A_1019, %concatenate3A_1022 : vector<96x8x128xi1>, vector<96x8x128xi32>
    %slice3A_1024 = vector.extract_strided_slice %reshape3A_991 {offsets = [0, 4, 0], sizes = [96, 4, 128], strides = [1, 1, 1]} : vector<96x8x128xf32> to vector<96x4x128xf32>
    %slice3A_1025 = vector.extract_strided_slice %reshape3A_991 {offsets = [0, 0, 0], sizes = [96, 4, 128], strides = [1, 1, 1]} : vector<96x8x128xf32> to vector<96x4x128xf32>
    %concatenate3A_1026 = tpu.concatenate %slice3A_1024, %slice3A_1025 in 1 : vector<96x4x128xf32>, vector<96x4x128xf32> -> vector<96x8x128xf32>
    %slice3A_1027 = vector.extract_strided_slice %reshape3A_991 {offsets = [0, 4, 0], sizes = [96, 4, 128], strides = [1, 1, 1]} : vector<96x8x128xf32> to vector<96x4x128xf32>
    %slice3A_1028 = vector.extract_strided_slice %reshape3A_991 {offsets = [0, 0, 0], sizes = [96, 4, 128], strides = [1, 1, 1]} : vector<96x8x128xf32> to vector<96x4x128xf32>
    %concatenate3A_1029 = tpu.concatenate %slice3A_1027, %slice3A_1028 in 1 : vector<96x4x128xf32>, vector<96x4x128xf32> -> vector<96x8x128xf32>
    %select_n3A_1030 = arith.select %ne3A_1003, %concatenate3A_1026, %concatenate3A_1029 : vector<96x8x128xi1>, vector<96x8x128xf32>
    %gt3A_1031 = arith.cmpi sgt, %reshape3A_983, %select_n3A_1016 : vector<96x8x128xi32>
    %eq3A_1032 = arith.cmpi eq, %reshape3A_983, %select_n3A_1016 : vector<96x8x128xi32>
    %lt3A_1033 = arith.cmpi slt, %reshape3A_987, %select_n3A_1023 : vector<96x8x128xi32>
    %and3A_1034 = arith.andi %eq3A_1032, %lt3A_1033 : vector<96x8x128xi1>
    %or3A_1035 = arith.ori %gt3A_1031, %and3A_1034 : vector<96x8x128xi1>
    %not3A_1036 = arith.constant dense<true> : vector<96x8x128xi1>
    %not3A_1037 = arith.xori %ne3A_1003, %not3A_1036 : vector<96x8x128xi1>
    %eq3A_1038 = arith.xori %not3A_1037, %eq3A_1009 : vector<96x8x128xi1>
    %eq3A_1039 = arith.constant dense<true> : vector<96x8x128xi1>
    %eq3A_1040 = arith.xori %eq3A_1038, %eq3A_1039 : vector<96x8x128xi1>
    %eq3A_1041 = arith.xori %or3A_1035, %eq3A_1040 : vector<96x8x128xi1>
    %eq3A_1042 = arith.constant dense<true> : vector<96x8x128xi1>
    %eq3A_1043 = arith.xori %eq3A_1041, %eq3A_1042 : vector<96x8x128xi1>
    %select_n3A_1044 = arith.select %eq3A_1043, %reshape3A_983, %select_n3A_1016 : vector<96x8x128xi1>, vector<96x8x128xi32>
    %select_n3A_1045 = arith.select %eq3A_1043, %reshape3A_987, %select_n3A_1023 : vector<96x8x128xi1>, vector<96x8x128xi32>
    %select_n3A_1046 = arith.select %eq3A_1043, %reshape3A_991, %select_n3A_1030 : vector<96x8x128xi1>, vector<96x8x128xf32>
    %iota3A_1047 = tpu.iota {dimensions = array<i32: 1>} : vector<96x8x128xi32>
    %iota3A_1048 = tpu.iota {dimensions = array<i32: 0>} : vector<96x8x128xi32>
    %mul3A_1049 = arith.constant 8 : i32
    %mul3A_1050 = vector.broadcast %mul3A_1049 : i32 to vector<96x8x128xi32>
    %mul3A_1051 = arith.muli %iota3A_1048, %mul3A_1050 : vector<96x8x128xi32>
    %add3A_1052 = arith.addi %mul3A_1051, %iota3A_1047 : vector<96x8x128xi32>
    %and3A_1053 = arith.constant 2 : i32
    %and3A_1054 = vector.broadcast %and3A_1053 : i32 to vector<96x8x128xi32>
    %and3A_1055 = arith.andi %iota3A_1047, %and3A_1054 : vector<96x8x128xi32>
    %ne3A_1056 = arith.constant 0 : i32
    %ne3A_1057 = vector.broadcast %ne3A_1056 : i32 to vector<96x8x128xi32>
    %ne3A_1058 = arith.cmpi ne, %and3A_1055, %ne3A_1057 : vector<96x8x128xi32>
    %and3A_1059 = arith.constant 64 : i32
    %and3A_1060 = vector.broadcast %and3A_1059 : i32 to vector<96x8x128xi32>
    %and3A_1061 = arith.andi %add3A_1052, %and3A_1060 : vector<96x8x128xi32>
    %eq3A_1062 = arith.constant 0 : i32
    %eq3A_1063 = vector.broadcast %eq3A_1062 : i32 to vector<96x8x128xi32>
    %eq3A_1064 = arith.cmpi eq, %and3A_1061, %eq3A_1063 : vector<96x8x128xi32>
    %slice3A_1065 = vector.extract_strided_slice %select_n3A_1044 {offsets = [0, 6, 0], sizes = [96, 2, 128], strides = [1, 1, 1]} : vector<96x8x128xi32> to vector<96x2x128xi32>
    %slice3A_1066 = vector.extract_strided_slice %select_n3A_1044 {offsets = [0, 0, 0], sizes = [96, 6, 128], strides = [1, 1, 1]} : vector<96x8x128xi32> to vector<96x6x128xi32>
    %concatenate3A_1067 = tpu.concatenate %slice3A_1065, %slice3A_1066 in 1 : vector<96x2x128xi32>, vector<96x6x128xi32> -> vector<96x8x128xi32>
    %slice3A_1068 = vector.extract_strided_slice %select_n3A_1044 {offsets = [0, 2, 0], sizes = [96, 6, 128], strides = [1, 1, 1]} : vector<96x8x128xi32> to vector<96x6x128xi32>
    %slice3A_1069 = vector.extract_strided_slice %select_n3A_1044 {offsets = [0, 0, 0], sizes = [96, 2, 128], strides = [1, 1, 1]} : vector<96x8x128xi32> to vector<96x2x128xi32>
    %concatenate3A_1070 = tpu.concatenate %slice3A_1068, %slice3A_1069 in 1 : vector<96x6x128xi32>, vector<96x2x128xi32> -> vector<96x8x128xi32>
    %select_n3A_1071 = arith.select %ne3A_1058, %concatenate3A_1067, %concatenate3A_1070 : vector<96x8x128xi1>, vector<96x8x128xi32>
    %slice3A_1072 = vector.extract_strided_slice %select_n3A_1045 {offsets = [0, 6, 0], sizes = [96, 2, 128], strides = [1, 1, 1]} : vector<96x8x128xi32> to vector<96x2x128xi32>
    %slice3A_1073 = vector.extract_strided_slice %select_n3A_1045 {offsets = [0, 0, 0], sizes = [96, 6, 128], strides = [1, 1, 1]} : vector<96x8x128xi32> to vector<96x6x128xi32>
    %concatenate3A_1074 = tpu.concatenate %slice3A_1072, %slice3A_1073 in 1 : vector<96x2x128xi32>, vector<96x6x128xi32> -> vector<96x8x128xi32>
    %slice3A_1075 = vector.extract_strided_slice %select_n3A_1045 {offsets = [0, 2, 0], sizes = [96, 6, 128], strides = [1, 1, 1]} : vector<96x8x128xi32> to vector<96x6x128xi32>
    %slice3A_1076 = vector.extract_strided_slice %select_n3A_1045 {offsets = [0, 0, 0], sizes = [96, 2, 128], strides = [1, 1, 1]} : vector<96x8x128xi32> to vector<96x2x128xi32>
    %concatenate3A_1077 = tpu.concatenate %slice3A_1075, %slice3A_1076 in 1 : vector<96x6x128xi32>, vector<96x2x128xi32> -> vector<96x8x128xi32>
    %select_n3A_1078 = arith.select %ne3A_1058, %concatenate3A_1074, %concatenate3A_1077 : vector<96x8x128xi1>, vector<96x8x128xi32>
    %slice3A_1079 = vector.extract_strided_slice %select_n3A_1046 {offsets = [0, 6, 0], sizes = [96, 2, 128], strides = [1, 1, 1]} : vector<96x8x128xf32> to vector<96x2x128xf32>
    %slice3A_1080 = vector.extract_strided_slice %select_n3A_1046 {offsets = [0, 0, 0], sizes = [96, 6, 128], strides = [1, 1, 1]} : vector<96x8x128xf32> to vector<96x6x128xf32>
    %concatenate3A_1081 = tpu.concatenate %slice3A_1079, %slice3A_1080 in 1 : vector<96x2x128xf32>, vector<96x6x128xf32> -> vector<96x8x128xf32>
    %slice3A_1082 = vector.extract_strided_slice %select_n3A_1046 {offsets = [0, 2, 0], sizes = [96, 6, 128], strides = [1, 1, 1]} : vector<96x8x128xf32> to vector<96x6x128xf32>
    %slice3A_1083 = vector.extract_strided_slice %select_n3A_1046 {offsets = [0, 0, 0], sizes = [96, 2, 128], strides = [1, 1, 1]} : vector<96x8x128xf32> to vector<96x2x128xf32>
    %concatenate3A_1084 = tpu.concatenate %slice3A_1082, %slice3A_1083 in 1 : vector<96x6x128xf32>, vector<96x2x128xf32> -> vector<96x8x128xf32>
    %select_n3A_1085 = arith.select %ne3A_1058, %concatenate3A_1081, %concatenate3A_1084 : vector<96x8x128xi1>, vector<96x8x128xf32>
    %gt3A_1086 = arith.cmpi sgt, %select_n3A_1044, %select_n3A_1071 : vector<96x8x128xi32>
    %eq3A_1087 = arith.cmpi eq, %select_n3A_1044, %select_n3A_1071 : vector<96x8x128xi32>
    %lt3A_1088 = arith.cmpi slt, %select_n3A_1045, %select_n3A_1078 : vector<96x8x128xi32>
    %and3A_1089 = arith.andi %eq3A_1087, %lt3A_1088 : vector<96x8x128xi1>
    %or3A_1090 = arith.ori %gt3A_1086, %and3A_1089 : vector<96x8x128xi1>
    %not3A_1091 = arith.constant dense<true> : vector<96x8x128xi1>
    %not3A_1092 = arith.xori %ne3A_1058, %not3A_1091 : vector<96x8x128xi1>
    %eq3A_1093 = arith.xori %not3A_1092, %eq3A_1064 : vector<96x8x128xi1>
    %eq3A_1094 = arith.constant dense<true> : vector<96x8x128xi1>
    %eq3A_1095 = arith.xori %eq3A_1093, %eq3A_1094 : vector<96x8x128xi1>
    %eq3A_1096 = arith.xori %or3A_1090, %eq3A_1095 : vector<96x8x128xi1>
    %eq3A_1097 = arith.constant dense<true> : vector<96x8x128xi1>
    %eq3A_1098 = arith.xori %eq3A_1096, %eq3A_1097 : vector<96x8x128xi1>
    %select_n3A_1099 = arith.select %eq3A_1098, %select_n3A_1044, %select_n3A_1071 : vector<96x8x128xi1>, vector<96x8x128xi32>
    %select_n3A_1100 = arith.select %eq3A_1098, %select_n3A_1045, %select_n3A_1078 : vector<96x8x128xi1>, vector<96x8x128xi32>
    %select_n3A_1101 = arith.select %eq3A_1098, %select_n3A_1046, %select_n3A_1085 : vector<96x8x128xi1>, vector<96x8x128xf32>
    %iota3A_1102 = tpu.iota {dimensions = array<i32: 1>} : vector<96x8x128xi32>
    %iota3A_1103 = tpu.iota {dimensions = array<i32: 0>} : vector<96x8x128xi32>
    %mul3A_1104 = arith.constant 8 : i32
    %mul3A_1105 = vector.broadcast %mul3A_1104 : i32 to vector<96x8x128xi32>
    %mul3A_1106 = arith.muli %iota3A_1103, %mul3A_1105 : vector<96x8x128xi32>
    %add3A_1107 = arith.addi %mul3A_1106, %iota3A_1102 : vector<96x8x128xi32>
    %and3A_1108 = arith.constant 1 : i32
    %and3A_1109 = vector.broadcast %and3A_1108 : i32 to vector<96x8x128xi32>
    %and3A_1110 = arith.andi %iota3A_1102, %and3A_1109 : vector<96x8x128xi32>
    %ne3A_1111 = arith.constant 0 : i32
    %ne3A_1112 = vector.broadcast %ne3A_1111 : i32 to vector<96x8x128xi32>
    %ne3A_1113 = arith.cmpi ne, %and3A_1110, %ne3A_1112 : vector<96x8x128xi32>
    %and3A_1114 = arith.constant 64 : i32
    %and3A_1115 = vector.broadcast %and3A_1114 : i32 to vector<96x8x128xi32>
    %and3A_1116 = arith.andi %add3A_1107, %and3A_1115 : vector<96x8x128xi32>
    %eq3A_1117 = arith.constant 0 : i32
    %eq3A_1118 = vector.broadcast %eq3A_1117 : i32 to vector<96x8x128xi32>
    %eq3A_1119 = arith.cmpi eq, %and3A_1116, %eq3A_1118 : vector<96x8x128xi32>
    %slice3A_1120 = vector.extract_strided_slice %select_n3A_1099 {offsets = [0, 7, 0], sizes = [96, 1, 128], strides = [1, 1, 1]} : vector<96x8x128xi32> to vector<96x1x128xi32>
    %slice3A_1121 = vector.extract_strided_slice %select_n3A_1099 {offsets = [0, 0, 0], sizes = [96, 7, 128], strides = [1, 1, 1]} : vector<96x8x128xi32> to vector<96x7x128xi32>
    %concatenate3A_1122 = tpu.concatenate %slice3A_1120, %slice3A_1121 in 1 : vector<96x1x128xi32>, vector<96x7x128xi32> -> vector<96x8x128xi32>
    %slice3A_1123 = vector.extract_strided_slice %select_n3A_1099 {offsets = [0, 1, 0], sizes = [96, 7, 128], strides = [1, 1, 1]} : vector<96x8x128xi32> to vector<96x7x128xi32>
    %slice3A_1124 = vector.extract_strided_slice %select_n3A_1099 {offsets = [0, 0, 0], sizes = [96, 1, 128], strides = [1, 1, 1]} : vector<96x8x128xi32> to vector<96x1x128xi32>
    %concatenate3A_1125 = tpu.concatenate %slice3A_1123, %slice3A_1124 in 1 : vector<96x7x128xi32>, vector<96x1x128xi32> -> vector<96x8x128xi32>
    %select_n3A_1126 = arith.select %ne3A_1113, %concatenate3A_1122, %concatenate3A_1125 : vector<96x8x128xi1>, vector<96x8x128xi32>
    %slice3A_1127 = vector.extract_strided_slice %select_n3A_1100 {offsets = [0, 7, 0], sizes = [96, 1, 128], strides = [1, 1, 1]} : vector<96x8x128xi32> to vector<96x1x128xi32>
    %slice3A_1128 = vector.extract_strided_slice %select_n3A_1100 {offsets = [0, 0, 0], sizes = [96, 7, 128], strides = [1, 1, 1]} : vector<96x8x128xi32> to vector<96x7x128xi32>
    %concatenate3A_1129 = tpu.concatenate %slice3A_1127, %slice3A_1128 in 1 : vector<96x1x128xi32>, vector<96x7x128xi32> -> vector<96x8x128xi32>
    %slice3A_1130 = vector.extract_strided_slice %select_n3A_1100 {offsets = [0, 1, 0], sizes = [96, 7, 128], strides = [1, 1, 1]} : vector<96x8x128xi32> to vector<96x7x128xi32>
    %slice3A_1131 = vector.extract_strided_slice %select_n3A_1100 {offsets = [0, 0, 0], sizes = [96, 1, 128], strides = [1, 1, 1]} : vector<96x8x128xi32> to vector<96x1x128xi32>
    %concatenate3A_1132 = tpu.concatenate %slice3A_1130, %slice3A_1131 in 1 : vector<96x7x128xi32>, vector<96x1x128xi32> -> vector<96x8x128xi32>
    %select_n3A_1133 = arith.select %ne3A_1113, %concatenate3A_1129, %concatenate3A_1132 : vector<96x8x128xi1>, vector<96x8x128xi32>
    %slice3A_1134 = vector.extract_strided_slice %select_n3A_1101 {offsets = [0, 7, 0], sizes = [96, 1, 128], strides = [1, 1, 1]} : vector<96x8x128xf32> to vector<96x1x128xf32>
    %slice3A_1135 = vector.extract_strided_slice %select_n3A_1101 {offsets = [0, 0, 0], sizes = [96, 7, 128], strides = [1, 1, 1]} : vector<96x8x128xf32> to vector<96x7x128xf32>
    %concatenate3A_1136 = tpu.concatenate %slice3A_1134, %slice3A_1135 in 1 : vector<96x1x128xf32>, vector<96x7x128xf32> -> vector<96x8x128xf32>
    %slice3A_1137 = vector.extract_strided_slice %select_n3A_1101 {offsets = [0, 1, 0], sizes = [96, 7, 128], strides = [1, 1, 1]} : vector<96x8x128xf32> to vector<96x7x128xf32>
    %slice3A_1138 = vector.extract_strided_slice %select_n3A_1101 {offsets = [0, 0, 0], sizes = [96, 1, 128], strides = [1, 1, 1]} : vector<96x8x128xf32> to vector<96x1x128xf32>
    %concatenate3A_1139 = tpu.concatenate %slice3A_1137, %slice3A_1138 in 1 : vector<96x7x128xf32>, vector<96x1x128xf32> -> vector<96x8x128xf32>
    %select_n3A_1140 = arith.select %ne3A_1113, %concatenate3A_1136, %concatenate3A_1139 : vector<96x8x128xi1>, vector<96x8x128xf32>
    %gt3A_1141 = arith.cmpi sgt, %select_n3A_1099, %select_n3A_1126 : vector<96x8x128xi32>
    %eq3A_1142 = arith.cmpi eq, %select_n3A_1099, %select_n3A_1126 : vector<96x8x128xi32>
    %lt3A_1143 = arith.cmpi slt, %select_n3A_1100, %select_n3A_1133 : vector<96x8x128xi32>
    %and3A_1144 = arith.andi %eq3A_1142, %lt3A_1143 : vector<96x8x128xi1>
    %or3A_1145 = arith.ori %gt3A_1141, %and3A_1144 : vector<96x8x128xi1>
    %not3A_1146 = arith.constant dense<true> : vector<96x8x128xi1>
    %not3A_1147 = arith.xori %ne3A_1113, %not3A_1146 : vector<96x8x128xi1>
    %eq3A_1148 = arith.xori %not3A_1147, %eq3A_1119 : vector<96x8x128xi1>
    %eq3A_1149 = arith.constant dense<true> : vector<96x8x128xi1>
    %eq3A_1150 = arith.xori %eq3A_1148, %eq3A_1149 : vector<96x8x128xi1>
    %eq3A_1151 = arith.xori %or3A_1145, %eq3A_1150 : vector<96x8x128xi1>
    %eq3A_1152 = arith.constant dense<true> : vector<96x8x128xi1>
    %eq3A_1153 = arith.xori %eq3A_1151, %eq3A_1152 : vector<96x8x128xi1>
    %select_n3A_1154 = arith.select %eq3A_1153, %select_n3A_1099, %select_n3A_1126 : vector<96x8x128xi1>, vector<96x8x128xi32>
    %select_n3A_1155 = arith.select %eq3A_1153, %select_n3A_1100, %select_n3A_1133 : vector<96x8x128xi1>, vector<96x8x128xi32>
    %select_n3A_1156 = arith.select %eq3A_1153, %select_n3A_1101, %select_n3A_1140 : vector<96x8x128xi1>, vector<96x8x128xf32>
    %reshape3A_1157 = vector.shape_cast %select_n3A_1154 : vector<96x8x128xi32> to vector<6x2x8x8x128xi32>
    %reshape3A_1158 = vector.shape_cast %select_n3A_1155 : vector<96x8x128xi32> to vector<6x2x8x8x128xi32>
    %reshape3A_1159 = vector.shape_cast %select_n3A_1156 : vector<96x8x128xf32> to vector<6x2x8x8x128xf32>
    %slice3A_1160 = vector.extract_strided_slice %reshape3A_1157 {offsets = [0, 0, 0, 0, 0], sizes = [6, 1, 8, 8, 128], strides = [1, 1, 1, 1, 1]} : vector<6x2x8x8x128xi32> to vector<6x1x8x8x128xi32>
    %squeeze3A_1161 = vector.shape_cast %slice3A_1160 : vector<6x1x8x8x128xi32> to vector<6x8x8x128xi32>
    %slice3A_1162 = vector.extract_strided_slice %reshape3A_1157 {offsets = [0, 1, 0, 0, 0], sizes = [6, 1, 8, 8, 128], strides = [1, 1, 1, 1, 1]} : vector<6x2x8x8x128xi32> to vector<6x1x8x8x128xi32>
    %squeeze3A_1163 = vector.shape_cast %slice3A_1162 : vector<6x1x8x8x128xi32> to vector<6x8x8x128xi32>
    %slice3A_1164 = vector.extract_strided_slice %reshape3A_1158 {offsets = [0, 0, 0, 0, 0], sizes = [6, 1, 8, 8, 128], strides = [1, 1, 1, 1, 1]} : vector<6x2x8x8x128xi32> to vector<6x1x8x8x128xi32>
    %squeeze3A_1165 = vector.shape_cast %slice3A_1164 : vector<6x1x8x8x128xi32> to vector<6x8x8x128xi32>
    %slice3A_1166 = vector.extract_strided_slice %reshape3A_1158 {offsets = [0, 1, 0, 0, 0], sizes = [6, 1, 8, 8, 128], strides = [1, 1, 1, 1, 1]} : vector<6x2x8x8x128xi32> to vector<6x1x8x8x128xi32>
    %squeeze3A_1167 = vector.shape_cast %slice3A_1166 : vector<6x1x8x8x128xi32> to vector<6x8x8x128xi32>
    %slice3A_1168 = vector.extract_strided_slice %reshape3A_1159 {offsets = [0, 0, 0, 0, 0], sizes = [6, 1, 8, 8, 128], strides = [1, 1, 1, 1, 1]} : vector<6x2x8x8x128xf32> to vector<6x1x8x8x128xf32>
    %squeeze3A_1169 = vector.shape_cast %slice3A_1168 : vector<6x1x8x8x128xf32> to vector<6x8x8x128xf32>
    %slice3A_1170 = vector.extract_strided_slice %reshape3A_1159 {offsets = [0, 1, 0, 0, 0], sizes = [6, 1, 8, 8, 128], strides = [1, 1, 1, 1, 1]} : vector<6x2x8x8x128xf32> to vector<6x1x8x8x128xf32>
    %squeeze3A_1171 = vector.shape_cast %slice3A_1170 : vector<6x1x8x8x128xf32> to vector<6x8x8x128xf32>
    %iota3A_1172 = tpu.iota {dimensions = array<i32: 0>} : vector<6x8x8x128xi32>
    %mul3A_1173 = arith.constant 2 : i32
    %mul3A_1174 = vector.broadcast %mul3A_1173 : i32 to vector<6x8x8x128xi32>
    %mul3A_1175 = arith.muli %iota3A_1172, %mul3A_1174 : vector<6x8x8x128xi32>
    %mul3A_1176 = arith.constant 64 : i32
    %mul3A_1177 = vector.broadcast %mul3A_1176 : i32 to vector<6x8x8x128xi32>
    %mul3A_1178 = arith.muli %mul3A_1175, %mul3A_1177 : vector<6x8x8x128xi32>
    %and3A_1179 = arith.constant 128 : i32
    %and3A_1180 = vector.broadcast %and3A_1179 : i32 to vector<6x8x8x128xi32>
    %and3A_1181 = arith.andi %mul3A_1178, %and3A_1180 : vector<6x8x8x128xi32>
    %eq3A_1182 = arith.constant 0 : i32
    %eq3A_1183 = vector.broadcast %eq3A_1182 : i32 to vector<6x8x8x128xi32>
    %eq3A_1184 = arith.cmpi eq, %and3A_1181, %eq3A_1183 : vector<6x8x8x128xi32>
    %gt3A_1185 = arith.cmpi sgt, %squeeze3A_1161, %squeeze3A_1163 : vector<6x8x8x128xi32>
    %eq3A_1186 = arith.cmpi eq, %squeeze3A_1161, %squeeze3A_1163 : vector<6x8x8x128xi32>
    %lt3A_1187 = arith.cmpi slt, %squeeze3A_1165, %squeeze3A_1167 : vector<6x8x8x128xi32>
    %and3A_1188 = arith.andi %eq3A_1186, %lt3A_1187 : vector<6x8x8x128xi1>
    %or3A_1189 = arith.ori %gt3A_1185, %and3A_1188 : vector<6x8x8x128xi1>
    %eq3A_1190 = arith.xori %or3A_1189, %eq3A_1184 : vector<6x8x8x128xi1>
    %eq3A_1191 = arith.constant dense<true> : vector<6x8x8x128xi1>
    %eq3A_1192 = arith.xori %eq3A_1190, %eq3A_1191 : vector<6x8x8x128xi1>
    %select_n3A_1193 = arith.select %eq3A_1192, %squeeze3A_1161, %squeeze3A_1163 : vector<6x8x8x128xi1>, vector<6x8x8x128xi32>
    %select_n3A_1194 = arith.select %eq3A_1192, %squeeze3A_1165, %squeeze3A_1167 : vector<6x8x8x128xi1>, vector<6x8x8x128xi32>
    %select_n3A_1195 = arith.select %eq3A_1192, %squeeze3A_1169, %squeeze3A_1171 : vector<6x8x8x128xi1>, vector<6x8x8x128xf32>
    %select_n3A_1196 = arith.select %eq3A_1192, %squeeze3A_1163, %squeeze3A_1161 : vector<6x8x8x128xi1>, vector<6x8x8x128xi32>
    %select_n3A_1197 = arith.select %eq3A_1192, %squeeze3A_1167, %squeeze3A_1165 : vector<6x8x8x128xi1>, vector<6x8x8x128xi32>
    %select_n3A_1198 = arith.select %eq3A_1192, %squeeze3A_1171, %squeeze3A_1169 : vector<6x8x8x128xi1>, vector<6x8x8x128xf32>
    %stack3A_1199 = vector.shape_cast %select_n3A_1193 : vector<6x8x8x128xi32> to vector<6x1x8x8x128xi32>
    %stack3A_1200 = vector.shape_cast %select_n3A_1196 : vector<6x8x8x128xi32> to vector<6x1x8x8x128xi32>
    %stack3A_1201 = tpu.concatenate %stack3A_1199, %stack3A_1200 in 1 : vector<6x1x8x8x128xi32>, vector<6x1x8x8x128xi32> -> vector<6x2x8x8x128xi32>
    %reshape3A_1202 = vector.shape_cast %stack3A_1201 : vector<6x2x8x8x128xi32> to vector<96x8x128xi32>
    %stack3A_1203 = vector.shape_cast %select_n3A_1194 : vector<6x8x8x128xi32> to vector<6x1x8x8x128xi32>
    %stack3A_1204 = vector.shape_cast %select_n3A_1197 : vector<6x8x8x128xi32> to vector<6x1x8x8x128xi32>
    %stack3A_1205 = tpu.concatenate %stack3A_1203, %stack3A_1204 in 1 : vector<6x1x8x8x128xi32>, vector<6x1x8x8x128xi32> -> vector<6x2x8x8x128xi32>
    %reshape3A_1206 = vector.shape_cast %stack3A_1205 : vector<6x2x8x8x128xi32> to vector<96x8x128xi32>
    %stack3A_1207 = vector.shape_cast %select_n3A_1195 : vector<6x8x8x128xf32> to vector<6x1x8x8x128xf32>
    %stack3A_1208 = vector.shape_cast %select_n3A_1198 : vector<6x8x8x128xf32> to vector<6x1x8x8x128xf32>
    %stack3A_1209 = tpu.concatenate %stack3A_1207, %stack3A_1208 in 1 : vector<6x1x8x8x128xf32>, vector<6x1x8x8x128xf32> -> vector<6x2x8x8x128xf32>
    %reshape3A_1210 = vector.shape_cast %stack3A_1209 : vector<6x2x8x8x128xf32> to vector<96x8x128xf32>
    %reshape3A_1211 = vector.shape_cast %reshape3A_1202 : vector<96x8x128xi32> to vector<12x2x4x8x128xi32>
    %reshape3A_1212 = vector.shape_cast %reshape3A_1206 : vector<96x8x128xi32> to vector<12x2x4x8x128xi32>
    %reshape3A_1213 = vector.shape_cast %reshape3A_1210 : vector<96x8x128xf32> to vector<12x2x4x8x128xf32>
    %slice3A_1214 = vector.extract_strided_slice %reshape3A_1211 {offsets = [0, 0, 0, 0, 0], sizes = [12, 1, 4, 8, 128], strides = [1, 1, 1, 1, 1]} : vector<12x2x4x8x128xi32> to vector<12x1x4x8x128xi32>
    %squeeze3A_1215 = vector.shape_cast %slice3A_1214 : vector<12x1x4x8x128xi32> to vector<12x4x8x128xi32>
    %slice3A_1216 = vector.extract_strided_slice %reshape3A_1211 {offsets = [0, 1, 0, 0, 0], sizes = [12, 1, 4, 8, 128], strides = [1, 1, 1, 1, 1]} : vector<12x2x4x8x128xi32> to vector<12x1x4x8x128xi32>
    %squeeze3A_1217 = vector.shape_cast %slice3A_1216 : vector<12x1x4x8x128xi32> to vector<12x4x8x128xi32>
    %slice3A_1218 = vector.extract_strided_slice %reshape3A_1212 {offsets = [0, 0, 0, 0, 0], sizes = [12, 1, 4, 8, 128], strides = [1, 1, 1, 1, 1]} : vector<12x2x4x8x128xi32> to vector<12x1x4x8x128xi32>
    %squeeze3A_1219 = vector.shape_cast %slice3A_1218 : vector<12x1x4x8x128xi32> to vector<12x4x8x128xi32>
    %slice3A_1220 = vector.extract_strided_slice %reshape3A_1212 {offsets = [0, 1, 0, 0, 0], sizes = [12, 1, 4, 8, 128], strides = [1, 1, 1, 1, 1]} : vector<12x2x4x8x128xi32> to vector<12x1x4x8x128xi32>
    %squeeze3A_1221 = vector.shape_cast %slice3A_1220 : vector<12x1x4x8x128xi32> to vector<12x4x8x128xi32>
    %slice3A_1222 = vector.extract_strided_slice %reshape3A_1213 {offsets = [0, 0, 0, 0, 0], sizes = [12, 1, 4, 8, 128], strides = [1, 1, 1, 1, 1]} : vector<12x2x4x8x128xf32> to vector<12x1x4x8x128xf32>
    %squeeze3A_1223 = vector.shape_cast %slice3A_1222 : vector<12x1x4x8x128xf32> to vector<12x4x8x128xf32>
    %slice3A_1224 = vector.extract_strided_slice %reshape3A_1213 {offsets = [0, 1, 0, 0, 0], sizes = [12, 1, 4, 8, 128], strides = [1, 1, 1, 1, 1]} : vector<12x2x4x8x128xf32> to vector<12x1x4x8x128xf32>
    %squeeze3A_1225 = vector.shape_cast %slice3A_1224 : vector<12x1x4x8x128xf32> to vector<12x4x8x128xf32>
    %iota3A_1226 = tpu.iota {dimensions = array<i32: 0>} : vector<12x4x8x128xi32>
    %mul3A_1227 = arith.constant 2 : i32
    %mul3A_1228 = vector.broadcast %mul3A_1227 : i32 to vector<12x4x8x128xi32>
    %mul3A_1229 = arith.muli %iota3A_1226, %mul3A_1228 : vector<12x4x8x128xi32>
    %mul3A_1230 = arith.constant 32 : i32
    %mul3A_1231 = vector.broadcast %mul3A_1230 : i32 to vector<12x4x8x128xi32>
    %mul3A_1232 = arith.muli %mul3A_1229, %mul3A_1231 : vector<12x4x8x128xi32>
    %and3A_1233 = arith.constant 128 : i32
    %and3A_1234 = vector.broadcast %and3A_1233 : i32 to vector<12x4x8x128xi32>
    %and3A_1235 = arith.andi %mul3A_1232, %and3A_1234 : vector<12x4x8x128xi32>
    %eq3A_1236 = arith.constant 0 : i32
    %eq3A_1237 = vector.broadcast %eq3A_1236 : i32 to vector<12x4x8x128xi32>
    %eq3A_1238 = arith.cmpi eq, %and3A_1235, %eq3A_1237 : vector<12x4x8x128xi32>
    %gt3A_1239 = arith.cmpi sgt, %squeeze3A_1215, %squeeze3A_1217 : vector<12x4x8x128xi32>
    %eq3A_1240 = arith.cmpi eq, %squeeze3A_1215, %squeeze3A_1217 : vector<12x4x8x128xi32>
    %lt3A_1241 = arith.cmpi slt, %squeeze3A_1219, %squeeze3A_1221 : vector<12x4x8x128xi32>
    %and3A_1242 = arith.andi %eq3A_1240, %lt3A_1241 : vector<12x4x8x128xi1>
    %or3A_1243 = arith.ori %gt3A_1239, %and3A_1242 : vector<12x4x8x128xi1>
    %eq3A_1244 = arith.xori %or3A_1243, %eq3A_1238 : vector<12x4x8x128xi1>
    %eq3A_1245 = arith.constant dense<true> : vector<12x4x8x128xi1>
    %eq3A_1246 = arith.xori %eq3A_1244, %eq3A_1245 : vector<12x4x8x128xi1>
    %select_n3A_1247 = arith.select %eq3A_1246, %squeeze3A_1215, %squeeze3A_1217 : vector<12x4x8x128xi1>, vector<12x4x8x128xi32>
    %select_n3A_1248 = arith.select %eq3A_1246, %squeeze3A_1219, %squeeze3A_1221 : vector<12x4x8x128xi1>, vector<12x4x8x128xi32>
    %select_n3A_1249 = arith.select %eq3A_1246, %squeeze3A_1223, %squeeze3A_1225 : vector<12x4x8x128xi1>, vector<12x4x8x128xf32>
    %select_n3A_1250 = arith.select %eq3A_1246, %squeeze3A_1217, %squeeze3A_1215 : vector<12x4x8x128xi1>, vector<12x4x8x128xi32>
    %select_n3A_1251 = arith.select %eq3A_1246, %squeeze3A_1221, %squeeze3A_1219 : vector<12x4x8x128xi1>, vector<12x4x8x128xi32>
    %select_n3A_1252 = arith.select %eq3A_1246, %squeeze3A_1225, %squeeze3A_1223 : vector<12x4x8x128xi1>, vector<12x4x8x128xf32>
    %stack3A_1253 = vector.shape_cast %select_n3A_1247 : vector<12x4x8x128xi32> to vector<12x1x4x8x128xi32>
    %stack3A_1254 = vector.shape_cast %select_n3A_1250 : vector<12x4x8x128xi32> to vector<12x1x4x8x128xi32>
    %stack3A_1255 = tpu.concatenate %stack3A_1253, %stack3A_1254 in 1 : vector<12x1x4x8x128xi32>, vector<12x1x4x8x128xi32> -> vector<12x2x4x8x128xi32>
    %reshape3A_1256 = vector.shape_cast %stack3A_1255 : vector<12x2x4x8x128xi32> to vector<96x8x128xi32>
    %stack3A_1257 = vector.shape_cast %select_n3A_1248 : vector<12x4x8x128xi32> to vector<12x1x4x8x128xi32>
    %stack3A_1258 = vector.shape_cast %select_n3A_1251 : vector<12x4x8x128xi32> to vector<12x1x4x8x128xi32>
    %stack3A_1259 = tpu.concatenate %stack3A_1257, %stack3A_1258 in 1 : vector<12x1x4x8x128xi32>, vector<12x1x4x8x128xi32> -> vector<12x2x4x8x128xi32>
    %reshape3A_1260 = vector.shape_cast %stack3A_1259 : vector<12x2x4x8x128xi32> to vector<96x8x128xi32>
    %stack3A_1261 = vector.shape_cast %select_n3A_1249 : vector<12x4x8x128xf32> to vector<12x1x4x8x128xf32>
    %stack3A_1262 = vector.shape_cast %select_n3A_1252 : vector<12x4x8x128xf32> to vector<12x1x4x8x128xf32>
    %stack3A_1263 = tpu.concatenate %stack3A_1261, %stack3A_1262 in 1 : vector<12x1x4x8x128xf32>, vector<12x1x4x8x128xf32> -> vector<12x2x4x8x128xf32>
    %reshape3A_1264 = vector.shape_cast %stack3A_1263 : vector<12x2x4x8x128xf32> to vector<96x8x128xf32>
    %reshape3A_1265 = vector.shape_cast %reshape3A_1256 : vector<96x8x128xi32> to vector<24x2x2x8x128xi32>
    %reshape3A_1266 = vector.shape_cast %reshape3A_1260 : vector<96x8x128xi32> to vector<24x2x2x8x128xi32>
    %reshape3A_1267 = vector.shape_cast %reshape3A_1264 : vector<96x8x128xf32> to vector<24x2x2x8x128xf32>
    %slice3A_1268 = vector.extract_strided_slice %reshape3A_1265 {offsets = [0, 0, 0, 0, 0], sizes = [24, 1, 2, 8, 128], strides = [1, 1, 1, 1, 1]} : vector<24x2x2x8x128xi32> to vector<24x1x2x8x128xi32>
    %squeeze3A_1269 = vector.shape_cast %slice3A_1268 : vector<24x1x2x8x128xi32> to vector<24x2x8x128xi32>
    %slice3A_1270 = vector.extract_strided_slice %reshape3A_1265 {offsets = [0, 1, 0, 0, 0], sizes = [24, 1, 2, 8, 128], strides = [1, 1, 1, 1, 1]} : vector<24x2x2x8x128xi32> to vector<24x1x2x8x128xi32>
    %squeeze3A_1271 = vector.shape_cast %slice3A_1270 : vector<24x1x2x8x128xi32> to vector<24x2x8x128xi32>
    %slice3A_1272 = vector.extract_strided_slice %reshape3A_1266 {offsets = [0, 0, 0, 0, 0], sizes = [24, 1, 2, 8, 128], strides = [1, 1, 1, 1, 1]} : vector<24x2x2x8x128xi32> to vector<24x1x2x8x128xi32>
    %squeeze3A_1273 = vector.shape_cast %slice3A_1272 : vector<24x1x2x8x128xi32> to vector<24x2x8x128xi32>
    %slice3A_1274 = vector.extract_strided_slice %reshape3A_1266 {offsets = [0, 1, 0, 0, 0], sizes = [24, 1, 2, 8, 128], strides = [1, 1, 1, 1, 1]} : vector<24x2x2x8x128xi32> to vector<24x1x2x8x128xi32>
    %squeeze3A_1275 = vector.shape_cast %slice3A_1274 : vector<24x1x2x8x128xi32> to vector<24x2x8x128xi32>
    %slice3A_1276 = vector.extract_strided_slice %reshape3A_1267 {offsets = [0, 0, 0, 0, 0], sizes = [24, 1, 2, 8, 128], strides = [1, 1, 1, 1, 1]} : vector<24x2x2x8x128xf32> to vector<24x1x2x8x128xf32>
    %squeeze3A_1277 = vector.shape_cast %slice3A_1276 : vector<24x1x2x8x128xf32> to vector<24x2x8x128xf32>
    %slice3A_1278 = vector.extract_strided_slice %reshape3A_1267 {offsets = [0, 1, 0, 0, 0], sizes = [24, 1, 2, 8, 128], strides = [1, 1, 1, 1, 1]} : vector<24x2x2x8x128xf32> to vector<24x1x2x8x128xf32>
    %squeeze3A_1279 = vector.shape_cast %slice3A_1278 : vector<24x1x2x8x128xf32> to vector<24x2x8x128xf32>
    %iota3A_1280 = tpu.iota {dimensions = array<i32: 0>} : vector<24x2x8x128xi32>
    %mul3A_1281 = arith.constant 2 : i32
    %mul3A_1282 = vector.broadcast %mul3A_1281 : i32 to vector<24x2x8x128xi32>
    %mul3A_1283 = arith.muli %iota3A_1280, %mul3A_1282 : vector<24x2x8x128xi32>
    %mul3A_1284 = arith.constant 16 : i32
    %mul3A_1285 = vector.broadcast %mul3A_1284 : i32 to vector<24x2x8x128xi32>
    %mul3A_1286 = arith.muli %mul3A_1283, %mul3A_1285 : vector<24x2x8x128xi32>
    %and3A_1287 = arith.constant 128 : i32
    %and3A_1288 = vector.broadcast %and3A_1287 : i32 to vector<24x2x8x128xi32>
    %and3A_1289 = arith.andi %mul3A_1286, %and3A_1288 : vector<24x2x8x128xi32>
    %eq3A_1290 = arith.constant 0 : i32
    %eq3A_1291 = vector.broadcast %eq3A_1290 : i32 to vector<24x2x8x128xi32>
    %eq3A_1292 = arith.cmpi eq, %and3A_1289, %eq3A_1291 : vector<24x2x8x128xi32>
    %gt3A_1293 = arith.cmpi sgt, %squeeze3A_1269, %squeeze3A_1271 : vector<24x2x8x128xi32>
    %eq3A_1294 = arith.cmpi eq, %squeeze3A_1269, %squeeze3A_1271 : vector<24x2x8x128xi32>
    %lt3A_1295 = arith.cmpi slt, %squeeze3A_1273, %squeeze3A_1275 : vector<24x2x8x128xi32>
    %and3A_1296 = arith.andi %eq3A_1294, %lt3A_1295 : vector<24x2x8x128xi1>
    %or3A_1297 = arith.ori %gt3A_1293, %and3A_1296 : vector<24x2x8x128xi1>
    %eq3A_1298 = arith.xori %or3A_1297, %eq3A_1292 : vector<24x2x8x128xi1>
    %eq3A_1299 = arith.constant dense<true> : vector<24x2x8x128xi1>
    %eq3A_1300 = arith.xori %eq3A_1298, %eq3A_1299 : vector<24x2x8x128xi1>
    %select_n3A_1301 = arith.select %eq3A_1300, %squeeze3A_1269, %squeeze3A_1271 : vector<24x2x8x128xi1>, vector<24x2x8x128xi32>
    %select_n3A_1302 = arith.select %eq3A_1300, %squeeze3A_1273, %squeeze3A_1275 : vector<24x2x8x128xi1>, vector<24x2x8x128xi32>
    %select_n3A_1303 = arith.select %eq3A_1300, %squeeze3A_1277, %squeeze3A_1279 : vector<24x2x8x128xi1>, vector<24x2x8x128xf32>
    %select_n3A_1304 = arith.select %eq3A_1300, %squeeze3A_1271, %squeeze3A_1269 : vector<24x2x8x128xi1>, vector<24x2x8x128xi32>
    %select_n3A_1305 = arith.select %eq3A_1300, %squeeze3A_1275, %squeeze3A_1273 : vector<24x2x8x128xi1>, vector<24x2x8x128xi32>
    %select_n3A_1306 = arith.select %eq3A_1300, %squeeze3A_1279, %squeeze3A_1277 : vector<24x2x8x128xi1>, vector<24x2x8x128xf32>
    %stack3A_1307 = vector.shape_cast %select_n3A_1301 : vector<24x2x8x128xi32> to vector<24x1x2x8x128xi32>
    %stack3A_1308 = vector.shape_cast %select_n3A_1304 : vector<24x2x8x128xi32> to vector<24x1x2x8x128xi32>
    %stack3A_1309 = tpu.concatenate %stack3A_1307, %stack3A_1308 in 1 : vector<24x1x2x8x128xi32>, vector<24x1x2x8x128xi32> -> vector<24x2x2x8x128xi32>
    %reshape3A_1310 = vector.shape_cast %stack3A_1309 : vector<24x2x2x8x128xi32> to vector<96x8x128xi32>
    %stack3A_1311 = vector.shape_cast %select_n3A_1302 : vector<24x2x8x128xi32> to vector<24x1x2x8x128xi32>
    %stack3A_1312 = vector.shape_cast %select_n3A_1305 : vector<24x2x8x128xi32> to vector<24x1x2x8x128xi32>
    %stack3A_1313 = tpu.concatenate %stack3A_1311, %stack3A_1312 in 1 : vector<24x1x2x8x128xi32>, vector<24x1x2x8x128xi32> -> vector<24x2x2x8x128xi32>
    %reshape3A_1314 = vector.shape_cast %stack3A_1313 : vector<24x2x2x8x128xi32> to vector<96x8x128xi32>
    %stack3A_1315 = vector.shape_cast %select_n3A_1303 : vector<24x2x8x128xf32> to vector<24x1x2x8x128xf32>
    %stack3A_1316 = vector.shape_cast %select_n3A_1306 : vector<24x2x8x128xf32> to vector<24x1x2x8x128xf32>
    %stack3A_1317 = tpu.concatenate %stack3A_1315, %stack3A_1316 in 1 : vector<24x1x2x8x128xf32>, vector<24x1x2x8x128xf32> -> vector<24x2x2x8x128xf32>
    %reshape3A_1318 = vector.shape_cast %stack3A_1317 : vector<24x2x2x8x128xf32> to vector<96x8x128xf32>
    %reshape3A_1319 = vector.shape_cast %reshape3A_1310 : vector<96x8x128xi32> to vector<48x2x1x8x128xi32>
    %reshape3A_1320 = vector.shape_cast %reshape3A_1314 : vector<96x8x128xi32> to vector<48x2x1x8x128xi32>
    %reshape3A_1321 = vector.shape_cast %reshape3A_1318 : vector<96x8x128xf32> to vector<48x2x1x8x128xf32>
    %slice3A_1322 = vector.extract_strided_slice %reshape3A_1319 {offsets = [0, 0, 0, 0, 0], sizes = [48, 1, 1, 8, 128], strides = [1, 1, 1, 1, 1]} : vector<48x2x1x8x128xi32> to vector<48x1x1x8x128xi32>
    %squeeze3A_1323 = vector.shape_cast %slice3A_1322 : vector<48x1x1x8x128xi32> to vector<48x1x8x128xi32>
    %slice3A_1324 = vector.extract_strided_slice %reshape3A_1319 {offsets = [0, 1, 0, 0, 0], sizes = [48, 1, 1, 8, 128], strides = [1, 1, 1, 1, 1]} : vector<48x2x1x8x128xi32> to vector<48x1x1x8x128xi32>
    %squeeze3A_1325 = vector.shape_cast %slice3A_1324 : vector<48x1x1x8x128xi32> to vector<48x1x8x128xi32>
    %slice3A_1326 = vector.extract_strided_slice %reshape3A_1320 {offsets = [0, 0, 0, 0, 0], sizes = [48, 1, 1, 8, 128], strides = [1, 1, 1, 1, 1]} : vector<48x2x1x8x128xi32> to vector<48x1x1x8x128xi32>
    %squeeze3A_1327 = vector.shape_cast %slice3A_1326 : vector<48x1x1x8x128xi32> to vector<48x1x8x128xi32>
    %slice3A_1328 = vector.extract_strided_slice %reshape3A_1320 {offsets = [0, 1, 0, 0, 0], sizes = [48, 1, 1, 8, 128], strides = [1, 1, 1, 1, 1]} : vector<48x2x1x8x128xi32> to vector<48x1x1x8x128xi32>
    %squeeze3A_1329 = vector.shape_cast %slice3A_1328 : vector<48x1x1x8x128xi32> to vector<48x1x8x128xi32>
    %slice3A_1330 = vector.extract_strided_slice %reshape3A_1321 {offsets = [0, 0, 0, 0, 0], sizes = [48, 1, 1, 8, 128], strides = [1, 1, 1, 1, 1]} : vector<48x2x1x8x128xf32> to vector<48x1x1x8x128xf32>
    %squeeze3A_1331 = vector.shape_cast %slice3A_1330 : vector<48x1x1x8x128xf32> to vector<48x1x8x128xf32>
    %slice3A_1332 = vector.extract_strided_slice %reshape3A_1321 {offsets = [0, 1, 0, 0, 0], sizes = [48, 1, 1, 8, 128], strides = [1, 1, 1, 1, 1]} : vector<48x2x1x8x128xf32> to vector<48x1x1x8x128xf32>
    %squeeze3A_1333 = vector.shape_cast %slice3A_1332 : vector<48x1x1x8x128xf32> to vector<48x1x8x128xf32>
    %iota3A_1334 = tpu.iota {dimensions = array<i32: 0>} : vector<48x1x8x128xi32>
    %mul3A_1335 = arith.constant 2 : i32
    %mul3A_1336 = vector.broadcast %mul3A_1335 : i32 to vector<48x1x8x128xi32>
    %mul3A_1337 = arith.muli %iota3A_1334, %mul3A_1336 : vector<48x1x8x128xi32>
    %mul3A_1338 = arith.constant 8 : i32
    %mul3A_1339 = vector.broadcast %mul3A_1338 : i32 to vector<48x1x8x128xi32>
    %mul3A_1340 = arith.muli %mul3A_1337, %mul3A_1339 : vector<48x1x8x128xi32>
    %and3A_1341 = arith.constant 128 : i32
    %and3A_1342 = vector.broadcast %and3A_1341 : i32 to vector<48x1x8x128xi32>
    %and3A_1343 = arith.andi %mul3A_1340, %and3A_1342 : vector<48x1x8x128xi32>
    %eq3A_1344 = arith.constant 0 : i32
    %eq3A_1345 = vector.broadcast %eq3A_1344 : i32 to vector<48x1x8x128xi32>
    %eq3A_1346 = arith.cmpi eq, %and3A_1343, %eq3A_1345 : vector<48x1x8x128xi32>
    %gt3A_1347 = arith.cmpi sgt, %squeeze3A_1323, %squeeze3A_1325 : vector<48x1x8x128xi32>
    %eq3A_1348 = arith.cmpi eq, %squeeze3A_1323, %squeeze3A_1325 : vector<48x1x8x128xi32>
    %lt3A_1349 = arith.cmpi slt, %squeeze3A_1327, %squeeze3A_1329 : vector<48x1x8x128xi32>
    %and3A_1350 = arith.andi %eq3A_1348, %lt3A_1349 : vector<48x1x8x128xi1>
    %or3A_1351 = arith.ori %gt3A_1347, %and3A_1350 : vector<48x1x8x128xi1>
    %eq3A_1352 = arith.xori %or3A_1351, %eq3A_1346 : vector<48x1x8x128xi1>
    %eq3A_1353 = arith.constant dense<true> : vector<48x1x8x128xi1>
    %eq3A_1354 = arith.xori %eq3A_1352, %eq3A_1353 : vector<48x1x8x128xi1>
    %select_n3A_1355 = arith.select %eq3A_1354, %squeeze3A_1323, %squeeze3A_1325 : vector<48x1x8x128xi1>, vector<48x1x8x128xi32>
    %select_n3A_1356 = arith.select %eq3A_1354, %squeeze3A_1327, %squeeze3A_1329 : vector<48x1x8x128xi1>, vector<48x1x8x128xi32>
    %select_n3A_1357 = arith.select %eq3A_1354, %squeeze3A_1331, %squeeze3A_1333 : vector<48x1x8x128xi1>, vector<48x1x8x128xf32>
    %select_n3A_1358 = arith.select %eq3A_1354, %squeeze3A_1325, %squeeze3A_1323 : vector<48x1x8x128xi1>, vector<48x1x8x128xi32>
    %select_n3A_1359 = arith.select %eq3A_1354, %squeeze3A_1329, %squeeze3A_1327 : vector<48x1x8x128xi1>, vector<48x1x8x128xi32>
    %select_n3A_1360 = arith.select %eq3A_1354, %squeeze3A_1333, %squeeze3A_1331 : vector<48x1x8x128xi1>, vector<48x1x8x128xf32>
    %stack3A_1361 = vector.shape_cast %select_n3A_1355 : vector<48x1x8x128xi32> to vector<48x1x1x8x128xi32>
    %stack3A_1362 = vector.shape_cast %select_n3A_1358 : vector<48x1x8x128xi32> to vector<48x1x1x8x128xi32>
    %stack3A_1363 = tpu.concatenate %stack3A_1361, %stack3A_1362 in 1 : vector<48x1x1x8x128xi32>, vector<48x1x1x8x128xi32> -> vector<48x2x1x8x128xi32>
    %reshape3A_1364 = vector.shape_cast %stack3A_1363 : vector<48x2x1x8x128xi32> to vector<96x8x128xi32>
    %stack3A_1365 = vector.shape_cast %select_n3A_1356 : vector<48x1x8x128xi32> to vector<48x1x1x8x128xi32>
    %stack3A_1366 = vector.shape_cast %select_n3A_1359 : vector<48x1x8x128xi32> to vector<48x1x1x8x128xi32>
    %stack3A_1367 = tpu.concatenate %stack3A_1365, %stack3A_1366 in 1 : vector<48x1x1x8x128xi32>, vector<48x1x1x8x128xi32> -> vector<48x2x1x8x128xi32>
    %reshape3A_1368 = vector.shape_cast %stack3A_1367 : vector<48x2x1x8x128xi32> to vector<96x8x128xi32>
    %stack3A_1369 = vector.shape_cast %select_n3A_1357 : vector<48x1x8x128xf32> to vector<48x1x1x8x128xf32>
    %stack3A_1370 = vector.shape_cast %select_n3A_1360 : vector<48x1x8x128xf32> to vector<48x1x1x8x128xf32>
    %stack3A_1371 = tpu.concatenate %stack3A_1369, %stack3A_1370 in 1 : vector<48x1x1x8x128xf32>, vector<48x1x1x8x128xf32> -> vector<48x2x1x8x128xf32>
    %reshape3A_1372 = vector.shape_cast %stack3A_1371 : vector<48x2x1x8x128xf32> to vector<96x8x128xf32>
    %iota3A_1373 = tpu.iota {dimensions = array<i32: 1>} : vector<96x8x128xi32>
    %iota3A_1374 = tpu.iota {dimensions = array<i32: 0>} : vector<96x8x128xi32>
    %mul3A_1375 = arith.constant 8 : i32
    %mul3A_1376 = vector.broadcast %mul3A_1375 : i32 to vector<96x8x128xi32>
    %mul3A_1377 = arith.muli %iota3A_1374, %mul3A_1376 : vector<96x8x128xi32>
    %add3A_1378 = arith.addi %mul3A_1377, %iota3A_1373 : vector<96x8x128xi32>
    %and3A_1379 = arith.constant 4 : i32
    %and3A_1380 = vector.broadcast %and3A_1379 : i32 to vector<96x8x128xi32>
    %and3A_1381 = arith.andi %iota3A_1373, %and3A_1380 : vector<96x8x128xi32>
    %ne3A_1382 = arith.constant 0 : i32
    %ne3A_1383 = vector.broadcast %ne3A_1382 : i32 to vector<96x8x128xi32>
    %ne3A_1384 = arith.cmpi ne, %and3A_1381, %ne3A_1383 : vector<96x8x128xi32>
    %and3A_1385 = arith.constant 128 : i32
    %and3A_1386 = vector.broadcast %and3A_1385 : i32 to vector<96x8x128xi32>
    %and3A_1387 = arith.andi %add3A_1378, %and3A_1386 : vector<96x8x128xi32>
    %eq3A_1388 = arith.constant 0 : i32
    %eq3A_1389 = vector.broadcast %eq3A_1388 : i32 to vector<96x8x128xi32>
    %eq3A_1390 = arith.cmpi eq, %and3A_1387, %eq3A_1389 : vector<96x8x128xi32>
    %slice3A_1391 = vector.extract_strided_slice %reshape3A_1364 {offsets = [0, 4, 0], sizes = [96, 4, 128], strides = [1, 1, 1]} : vector<96x8x128xi32> to vector<96x4x128xi32>
    %slice3A_1392 = vector.extract_strided_slice %reshape3A_1364 {offsets = [0, 0, 0], sizes = [96, 4, 128], strides = [1, 1, 1]} : vector<96x8x128xi32> to vector<96x4x128xi32>
    %concatenate3A_1393 = tpu.concatenate %slice3A_1391, %slice3A_1392 in 1 : vector<96x4x128xi32>, vector<96x4x128xi32> -> vector<96x8x128xi32>
    %slice3A_1394 = vector.extract_strided_slice %reshape3A_1364 {offsets = [0, 4, 0], sizes = [96, 4, 128], strides = [1, 1, 1]} : vector<96x8x128xi32> to vector<96x4x128xi32>
    %slice3A_1395 = vector.extract_strided_slice %reshape3A_1364 {offsets = [0, 0, 0], sizes = [96, 4, 128], strides = [1, 1, 1]} : vector<96x8x128xi32> to vector<96x4x128xi32>
    %concatenate3A_1396 = tpu.concatenate %slice3A_1394, %slice3A_1395 in 1 : vector<96x4x128xi32>, vector<96x4x128xi32> -> vector<96x8x128xi32>
    %select_n3A_1397 = arith.select %ne3A_1384, %concatenate3A_1393, %concatenate3A_1396 : vector<96x8x128xi1>, vector<96x8x128xi32>
    %slice3A_1398 = vector.extract_strided_slice %reshape3A_1368 {offsets = [0, 4, 0], sizes = [96, 4, 128], strides = [1, 1, 1]} : vector<96x8x128xi32> to vector<96x4x128xi32>
    %slice3A_1399 = vector.extract_strided_slice %reshape3A_1368 {offsets = [0, 0, 0], sizes = [96, 4, 128], strides = [1, 1, 1]} : vector<96x8x128xi32> to vector<96x4x128xi32>
    %concatenate3A_1400 = tpu.concatenate %slice3A_1398, %slice3A_1399 in 1 : vector<96x4x128xi32>, vector<96x4x128xi32> -> vector<96x8x128xi32>
    %slice3A_1401 = vector.extract_strided_slice %reshape3A_1368 {offsets = [0, 4, 0], sizes = [96, 4, 128], strides = [1, 1, 1]} : vector<96x8x128xi32> to vector<96x4x128xi32>
    %slice3A_1402 = vector.extract_strided_slice %reshape3A_1368 {offsets = [0, 0, 0], sizes = [96, 4, 128], strides = [1, 1, 1]} : vector<96x8x128xi32> to vector<96x4x128xi32>
    %concatenate3A_1403 = tpu.concatenate %slice3A_1401, %slice3A_1402 in 1 : vector<96x4x128xi32>, vector<96x4x128xi32> -> vector<96x8x128xi32>
    %select_n3A_1404 = arith.select %ne3A_1384, %concatenate3A_1400, %concatenate3A_1403 : vector<96x8x128xi1>, vector<96x8x128xi32>
    %slice3A_1405 = vector.extract_strided_slice %reshape3A_1372 {offsets = [0, 4, 0], sizes = [96, 4, 128], strides = [1, 1, 1]} : vector<96x8x128xf32> to vector<96x4x128xf32>
    %slice3A_1406 = vector.extract_strided_slice %reshape3A_1372 {offsets = [0, 0, 0], sizes = [96, 4, 128], strides = [1, 1, 1]} : vector<96x8x128xf32> to vector<96x4x128xf32>
    %concatenate3A_1407 = tpu.concatenate %slice3A_1405, %slice3A_1406 in 1 : vector<96x4x128xf32>, vector<96x4x128xf32> -> vector<96x8x128xf32>
    %slice3A_1408 = vector.extract_strided_slice %reshape3A_1372 {offsets = [0, 4, 0], sizes = [96, 4, 128], strides = [1, 1, 1]} : vector<96x8x128xf32> to vector<96x4x128xf32>
    %slice3A_1409 = vector.extract_strided_slice %reshape3A_1372 {offsets = [0, 0, 0], sizes = [96, 4, 128], strides = [1, 1, 1]} : vector<96x8x128xf32> to vector<96x4x128xf32>
    %concatenate3A_1410 = tpu.concatenate %slice3A_1408, %slice3A_1409 in 1 : vector<96x4x128xf32>, vector<96x4x128xf32> -> vector<96x8x128xf32>
    %select_n3A_1411 = arith.select %ne3A_1384, %concatenate3A_1407, %concatenate3A_1410 : vector<96x8x128xi1>, vector<96x8x128xf32>
    %gt3A_1412 = arith.cmpi sgt, %reshape3A_1364, %select_n3A_1397 : vector<96x8x128xi32>
    %eq3A_1413 = arith.cmpi eq, %reshape3A_1364, %select_n3A_1397 : vector<96x8x128xi32>
    %lt3A_1414 = arith.cmpi slt, %reshape3A_1368, %select_n3A_1404 : vector<96x8x128xi32>
    %and3A_1415 = arith.andi %eq3A_1413, %lt3A_1414 : vector<96x8x128xi1>
    %or3A_1416 = arith.ori %gt3A_1412, %and3A_1415 : vector<96x8x128xi1>
    %not3A_1417 = arith.constant dense<true> : vector<96x8x128xi1>
    %not3A_1418 = arith.xori %ne3A_1384, %not3A_1417 : vector<96x8x128xi1>
    %eq3A_1419 = arith.xori %not3A_1418, %eq3A_1390 : vector<96x8x128xi1>
    %eq3A_1420 = arith.constant dense<true> : vector<96x8x128xi1>
    %eq3A_1421 = arith.xori %eq3A_1419, %eq3A_1420 : vector<96x8x128xi1>
    %eq3A_1422 = arith.xori %or3A_1416, %eq3A_1421 : vector<96x8x128xi1>
    %eq3A_1423 = arith.constant dense<true> : vector<96x8x128xi1>
    %eq3A_1424 = arith.xori %eq3A_1422, %eq3A_1423 : vector<96x8x128xi1>
    %select_n3A_1425 = arith.select %eq3A_1424, %reshape3A_1364, %select_n3A_1397 : vector<96x8x128xi1>, vector<96x8x128xi32>
    %select_n3A_1426 = arith.select %eq3A_1424, %reshape3A_1368, %select_n3A_1404 : vector<96x8x128xi1>, vector<96x8x128xi32>
    %select_n3A_1427 = arith.select %eq3A_1424, %reshape3A_1372, %select_n3A_1411 : vector<96x8x128xi1>, vector<96x8x128xf32>
    %iota3A_1428 = tpu.iota {dimensions = array<i32: 1>} : vector<96x8x128xi32>
    %iota3A_1429 = tpu.iota {dimensions = array<i32: 0>} : vector<96x8x128xi32>
    %mul3A_1430 = arith.constant 8 : i32
    %mul3A_1431 = vector.broadcast %mul3A_1430 : i32 to vector<96x8x128xi32>
    %mul3A_1432 = arith.muli %iota3A_1429, %mul3A_1431 : vector<96x8x128xi32>
    %add3A_1433 = arith.addi %mul3A_1432, %iota3A_1428 : vector<96x8x128xi32>
    %and3A_1434 = arith.constant 2 : i32
    %and3A_1435 = vector.broadcast %and3A_1434 : i32 to vector<96x8x128xi32>
    %and3A_1436 = arith.andi %iota3A_1428, %and3A_1435 : vector<96x8x128xi32>
    %ne3A_1437 = arith.constant 0 : i32
    %ne3A_1438 = vector.broadcast %ne3A_1437 : i32 to vector<96x8x128xi32>
    %ne3A_1439 = arith.cmpi ne, %and3A_1436, %ne3A_1438 : vector<96x8x128xi32>
    %and3A_1440 = arith.constant 128 : i32
    %and3A_1441 = vector.broadcast %and3A_1440 : i32 to vector<96x8x128xi32>
    %and3A_1442 = arith.andi %add3A_1433, %and3A_1441 : vector<96x8x128xi32>
    %eq3A_1443 = arith.constant 0 : i32
    %eq3A_1444 = vector.broadcast %eq3A_1443 : i32 to vector<96x8x128xi32>
    %eq3A_1445 = arith.cmpi eq, %and3A_1442, %eq3A_1444 : vector<96x8x128xi32>
    %slice3A_1446 = vector.extract_strided_slice %select_n3A_1425 {offsets = [0, 6, 0], sizes = [96, 2, 128], strides = [1, 1, 1]} : vector<96x8x128xi32> to vector<96x2x128xi32>
    %slice3A_1447 = vector.extract_strided_slice %select_n3A_1425 {offsets = [0, 0, 0], sizes = [96, 6, 128], strides = [1, 1, 1]} : vector<96x8x128xi32> to vector<96x6x128xi32>
    %concatenate3A_1448 = tpu.concatenate %slice3A_1446, %slice3A_1447 in 1 : vector<96x2x128xi32>, vector<96x6x128xi32> -> vector<96x8x128xi32>
    %slice3A_1449 = vector.extract_strided_slice %select_n3A_1425 {offsets = [0, 2, 0], sizes = [96, 6, 128], strides = [1, 1, 1]} : vector<96x8x128xi32> to vector<96x6x128xi32>
    %slice3A_1450 = vector.extract_strided_slice %select_n3A_1425 {offsets = [0, 0, 0], sizes = [96, 2, 128], strides = [1, 1, 1]} : vector<96x8x128xi32> to vector<96x2x128xi32>
    %concatenate3A_1451 = tpu.concatenate %slice3A_1449, %slice3A_1450 in 1 : vector<96x6x128xi32>, vector<96x2x128xi32> -> vector<96x8x128xi32>
    %select_n3A_1452 = arith.select %ne3A_1439, %concatenate3A_1448, %concatenate3A_1451 : vector<96x8x128xi1>, vector<96x8x128xi32>
    %slice3A_1453 = vector.extract_strided_slice %select_n3A_1426 {offsets = [0, 6, 0], sizes = [96, 2, 128], strides = [1, 1, 1]} : vector<96x8x128xi32> to vector<96x2x128xi32>
    %slice3A_1454 = vector.extract_strided_slice %select_n3A_1426 {offsets = [0, 0, 0], sizes = [96, 6, 128], strides = [1, 1, 1]} : vector<96x8x128xi32> to vector<96x6x128xi32>
    %concatenate3A_1455 = tpu.concatenate %slice3A_1453, %slice3A_1454 in 1 : vector<96x2x128xi32>, vector<96x6x128xi32> -> vector<96x8x128xi32>
    %slice3A_1456 = vector.extract_strided_slice %select_n3A_1426 {offsets = [0, 2, 0], sizes = [96, 6, 128], strides = [1, 1, 1]} : vector<96x8x128xi32> to vector<96x6x128xi32>
    %slice3A_1457 = vector.extract_strided_slice %select_n3A_1426 {offsets = [0, 0, 0], sizes = [96, 2, 128], strides = [1, 1, 1]} : vector<96x8x128xi32> to vector<96x2x128xi32>
    %concatenate3A_1458 = tpu.concatenate %slice3A_1456, %slice3A_1457 in 1 : vector<96x6x128xi32>, vector<96x2x128xi32> -> vector<96x8x128xi32>
    %select_n3A_1459 = arith.select %ne3A_1439, %concatenate3A_1455, %concatenate3A_1458 : vector<96x8x128xi1>, vector<96x8x128xi32>
    %slice3A_1460 = vector.extract_strided_slice %select_n3A_1427 {offsets = [0, 6, 0], sizes = [96, 2, 128], strides = [1, 1, 1]} : vector<96x8x128xf32> to vector<96x2x128xf32>
    %slice3A_1461 = vector.extract_strided_slice %select_n3A_1427 {offsets = [0, 0, 0], sizes = [96, 6, 128], strides = [1, 1, 1]} : vector<96x8x128xf32> to vector<96x6x128xf32>
    %concatenate3A_1462 = tpu.concatenate %slice3A_1460, %slice3A_1461 in 1 : vector<96x2x128xf32>, vector<96x6x128xf32> -> vector<96x8x128xf32>
    %slice3A_1463 = vector.extract_strided_slice %select_n3A_1427 {offsets = [0, 2, 0], sizes = [96, 6, 128], strides = [1, 1, 1]} : vector<96x8x128xf32> to vector<96x6x128xf32>
    %slice3A_1464 = vector.extract_strided_slice %select_n3A_1427 {offsets = [0, 0, 0], sizes = [96, 2, 128], strides = [1, 1, 1]} : vector<96x8x128xf32> to vector<96x2x128xf32>
    %concatenate3A_1465 = tpu.concatenate %slice3A_1463, %slice3A_1464 in 1 : vector<96x6x128xf32>, vector<96x2x128xf32> -> vector<96x8x128xf32>
    %select_n3A_1466 = arith.select %ne3A_1439, %concatenate3A_1462, %concatenate3A_1465 : vector<96x8x128xi1>, vector<96x8x128xf32>
    %gt3A_1467 = arith.cmpi sgt, %select_n3A_1425, %select_n3A_1452 : vector<96x8x128xi32>
    %eq3A_1468 = arith.cmpi eq, %select_n3A_1425, %select_n3A_1452 : vector<96x8x128xi32>
    %lt3A_1469 = arith.cmpi slt, %select_n3A_1426, %select_n3A_1459 : vector<96x8x128xi32>
    %and3A_1470 = arith.andi %eq3A_1468, %lt3A_1469 : vector<96x8x128xi1>
    %or3A_1471 = arith.ori %gt3A_1467, %and3A_1470 : vector<96x8x128xi1>
    %not3A_1472 = arith.constant dense<true> : vector<96x8x128xi1>
    %not3A_1473 = arith.xori %ne3A_1439, %not3A_1472 : vector<96x8x128xi1>
    %eq3A_1474 = arith.xori %not3A_1473, %eq3A_1445 : vector<96x8x128xi1>
    %eq3A_1475 = arith.constant dense<true> : vector<96x8x128xi1>
    %eq3A_1476 = arith.xori %eq3A_1474, %eq3A_1475 : vector<96x8x128xi1>
    %eq3A_1477 = arith.xori %or3A_1471, %eq3A_1476 : vector<96x8x128xi1>
    %eq3A_1478 = arith.constant dense<true> : vector<96x8x128xi1>
    %eq3A_1479 = arith.xori %eq3A_1477, %eq3A_1478 : vector<96x8x128xi1>
    %select_n3A_1480 = arith.select %eq3A_1479, %select_n3A_1425, %select_n3A_1452 : vector<96x8x128xi1>, vector<96x8x128xi32>
    %select_n3A_1481 = arith.select %eq3A_1479, %select_n3A_1426, %select_n3A_1459 : vector<96x8x128xi1>, vector<96x8x128xi32>
    %select_n3A_1482 = arith.select %eq3A_1479, %select_n3A_1427, %select_n3A_1466 : vector<96x8x128xi1>, vector<96x8x128xf32>
    %iota3A_1483 = tpu.iota {dimensions = array<i32: 1>} : vector<96x8x128xi32>
    %iota3A_1484 = tpu.iota {dimensions = array<i32: 0>} : vector<96x8x128xi32>
    %mul3A_1485 = arith.constant 8 : i32
    %mul3A_1486 = vector.broadcast %mul3A_1485 : i32 to vector<96x8x128xi32>
    %mul3A_1487 = arith.muli %iota3A_1484, %mul3A_1486 : vector<96x8x128xi32>
    %add3A_1488 = arith.addi %mul3A_1487, %iota3A_1483 : vector<96x8x128xi32>
    %and3A_1489 = arith.constant 1 : i32
    %and3A_1490 = vector.broadcast %and3A_1489 : i32 to vector<96x8x128xi32>
    %and3A_1491 = arith.andi %iota3A_1483, %and3A_1490 : vector<96x8x128xi32>
    %ne3A_1492 = arith.constant 0 : i32
    %ne3A_1493 = vector.broadcast %ne3A_1492 : i32 to vector<96x8x128xi32>
    %ne3A_1494 = arith.cmpi ne, %and3A_1491, %ne3A_1493 : vector<96x8x128xi32>
    %and3A_1495 = arith.constant 128 : i32
    %and3A_1496 = vector.broadcast %and3A_1495 : i32 to vector<96x8x128xi32>
    %and3A_1497 = arith.andi %add3A_1488, %and3A_1496 : vector<96x8x128xi32>
    %eq3A_1498 = arith.constant 0 : i32
    %eq3A_1499 = vector.broadcast %eq3A_1498 : i32 to vector<96x8x128xi32>
    %eq3A_1500 = arith.cmpi eq, %and3A_1497, %eq3A_1499 : vector<96x8x128xi32>
    %slice3A_1501 = vector.extract_strided_slice %select_n3A_1480 {offsets = [0, 7, 0], sizes = [96, 1, 128], strides = [1, 1, 1]} : vector<96x8x128xi32> to vector<96x1x128xi32>
    %slice3A_1502 = vector.extract_strided_slice %select_n3A_1480 {offsets = [0, 0, 0], sizes = [96, 7, 128], strides = [1, 1, 1]} : vector<96x8x128xi32> to vector<96x7x128xi32>
    %concatenate3A_1503 = tpu.concatenate %slice3A_1501, %slice3A_1502 in 1 : vector<96x1x128xi32>, vector<96x7x128xi32> -> vector<96x8x128xi32>
    %slice3A_1504 = vector.extract_strided_slice %select_n3A_1480 {offsets = [0, 1, 0], sizes = [96, 7, 128], strides = [1, 1, 1]} : vector<96x8x128xi32> to vector<96x7x128xi32>
    %slice3A_1505 = vector.extract_strided_slice %select_n3A_1480 {offsets = [0, 0, 0], sizes = [96, 1, 128], strides = [1, 1, 1]} : vector<96x8x128xi32> to vector<96x1x128xi32>
    %concatenate3A_1506 = tpu.concatenate %slice3A_1504, %slice3A_1505 in 1 : vector<96x7x128xi32>, vector<96x1x128xi32> -> vector<96x8x128xi32>
    %select_n3A_1507 = arith.select %ne3A_1494, %concatenate3A_1503, %concatenate3A_1506 : vector<96x8x128xi1>, vector<96x8x128xi32>
    %slice3A_1508 = vector.extract_strided_slice %select_n3A_1481 {offsets = [0, 7, 0], sizes = [96, 1, 128], strides = [1, 1, 1]} : vector<96x8x128xi32> to vector<96x1x128xi32>
    %slice3A_1509 = vector.extract_strided_slice %select_n3A_1481 {offsets = [0, 0, 0], sizes = [96, 7, 128], strides = [1, 1, 1]} : vector<96x8x128xi32> to vector<96x7x128xi32>
    %concatenate3A_1510 = tpu.concatenate %slice3A_1508, %slice3A_1509 in 1 : vector<96x1x128xi32>, vector<96x7x128xi32> -> vector<96x8x128xi32>
    %slice3A_1511 = vector.extract_strided_slice %select_n3A_1481 {offsets = [0, 1, 0], sizes = [96, 7, 128], strides = [1, 1, 1]} : vector<96x8x128xi32> to vector<96x7x128xi32>
    %slice3A_1512 = vector.extract_strided_slice %select_n3A_1481 {offsets = [0, 0, 0], sizes = [96, 1, 128], strides = [1, 1, 1]} : vector<96x8x128xi32> to vector<96x1x128xi32>
    %concatenate3A_1513 = tpu.concatenate %slice3A_1511, %slice3A_1512 in 1 : vector<96x7x128xi32>, vector<96x1x128xi32> -> vector<96x8x128xi32>
    %select_n3A_1514 = arith.select %ne3A_1494, %concatenate3A_1510, %concatenate3A_1513 : vector<96x8x128xi1>, vector<96x8x128xi32>
    %slice3A_1515 = vector.extract_strided_slice %select_n3A_1482 {offsets = [0, 7, 0], sizes = [96, 1, 128], strides = [1, 1, 1]} : vector<96x8x128xf32> to vector<96x1x128xf32>
    %slice3A_1516 = vector.extract_strided_slice %select_n3A_1482 {offsets = [0, 0, 0], sizes = [96, 7, 128], strides = [1, 1, 1]} : vector<96x8x128xf32> to vector<96x7x128xf32>
    %concatenate3A_1517 = tpu.concatenate %slice3A_1515, %slice3A_1516 in 1 : vector<96x1x128xf32>, vector<96x7x128xf32> -> vector<96x8x128xf32>
    %slice3A_1518 = vector.extract_strided_slice %select_n3A_1482 {offsets = [0, 1, 0], sizes = [96, 7, 128], strides = [1, 1, 1]} : vector<96x8x128xf32> to vector<96x7x128xf32>
    %slice3A_1519 = vector.extract_strided_slice %select_n3A_1482 {offsets = [0, 0, 0], sizes = [96, 1, 128], strides = [1, 1, 1]} : vector<96x8x128xf32> to vector<96x1x128xf32>
    %concatenate3A_1520 = tpu.concatenate %slice3A_1518, %slice3A_1519 in 1 : vector<96x7x128xf32>, vector<96x1x128xf32> -> vector<96x8x128xf32>
    %select_n3A_1521 = arith.select %ne3A_1494, %concatenate3A_1517, %concatenate3A_1520 : vector<96x8x128xi1>, vector<96x8x128xf32>
    %gt3A_1522 = arith.cmpi sgt, %select_n3A_1480, %select_n3A_1507 : vector<96x8x128xi32>
    %eq3A_1523 = arith.cmpi eq, %select_n3A_1480, %select_n3A_1507 : vector<96x8x128xi32>
    %lt3A_1524 = arith.cmpi slt, %select_n3A_1481, %select_n3A_1514 : vector<96x8x128xi32>
    %and3A_1525 = arith.andi %eq3A_1523, %lt3A_1524 : vector<96x8x128xi1>
    %or3A_1526 = arith.ori %gt3A_1522, %and3A_1525 : vector<96x8x128xi1>
    %not3A_1527 = arith.constant dense<true> : vector<96x8x128xi1>
    %not3A_1528 = arith.xori %ne3A_1494, %not3A_1527 : vector<96x8x128xi1>
    %eq3A_1529 = arith.xori %not3A_1528, %eq3A_1500 : vector<96x8x128xi1>
    %eq3A_1530 = arith.constant dense<true> : vector<96x8x128xi1>
    %eq3A_1531 = arith.xori %eq3A_1529, %eq3A_1530 : vector<96x8x128xi1>
    %eq3A_1532 = arith.xori %or3A_1526, %eq3A_1531 : vector<96x8x128xi1>
    %eq3A_1533 = arith.constant dense<true> : vector<96x8x128xi1>
    %eq3A_1534 = arith.xori %eq3A_1532, %eq3A_1533 : vector<96x8x128xi1>
    %select_n3A_1535 = arith.select %eq3A_1534, %select_n3A_1480, %select_n3A_1507 : vector<96x8x128xi1>, vector<96x8x128xi32>
    %select_n3A_1536 = arith.select %eq3A_1534, %select_n3A_1481, %select_n3A_1514 : vector<96x8x128xi1>, vector<96x8x128xi32>
    %select_n3A_1537 = arith.select %eq3A_1534, %select_n3A_1482, %select_n3A_1521 : vector<96x8x128xi1>, vector<96x8x128xf32>
    %reshape3A_1538 = vector.shape_cast %select_n3A_1535 : vector<96x8x128xi32> to vector<3x2x16x8x128xi32>
    %reshape3A_1539 = vector.shape_cast %select_n3A_1536 : vector<96x8x128xi32> to vector<3x2x16x8x128xi32>
    %reshape3A_1540 = vector.shape_cast %select_n3A_1537 : vector<96x8x128xf32> to vector<3x2x16x8x128xf32>
    %slice3A_1541 = vector.extract_strided_slice %reshape3A_1538 {offsets = [0, 0, 0, 0, 0], sizes = [3, 1, 16, 8, 128], strides = [1, 1, 1, 1, 1]} : vector<3x2x16x8x128xi32> to vector<3x1x16x8x128xi32>
    %squeeze3A_1542 = vector.shape_cast %slice3A_1541 : vector<3x1x16x8x128xi32> to vector<3x16x8x128xi32>
    %slice3A_1543 = vector.extract_strided_slice %reshape3A_1538 {offsets = [0, 1, 0, 0, 0], sizes = [3, 1, 16, 8, 128], strides = [1, 1, 1, 1, 1]} : vector<3x2x16x8x128xi32> to vector<3x1x16x8x128xi32>
    %squeeze3A_1544 = vector.shape_cast %slice3A_1543 : vector<3x1x16x8x128xi32> to vector<3x16x8x128xi32>
    %slice3A_1545 = vector.extract_strided_slice %reshape3A_1539 {offsets = [0, 0, 0, 0, 0], sizes = [3, 1, 16, 8, 128], strides = [1, 1, 1, 1, 1]} : vector<3x2x16x8x128xi32> to vector<3x1x16x8x128xi32>
    %squeeze3A_1546 = vector.shape_cast %slice3A_1545 : vector<3x1x16x8x128xi32> to vector<3x16x8x128xi32>
    %slice3A_1547 = vector.extract_strided_slice %reshape3A_1539 {offsets = [0, 1, 0, 0, 0], sizes = [3, 1, 16, 8, 128], strides = [1, 1, 1, 1, 1]} : vector<3x2x16x8x128xi32> to vector<3x1x16x8x128xi32>
    %squeeze3A_1548 = vector.shape_cast %slice3A_1547 : vector<3x1x16x8x128xi32> to vector<3x16x8x128xi32>
    %slice3A_1549 = vector.extract_strided_slice %reshape3A_1540 {offsets = [0, 0, 0, 0, 0], sizes = [3, 1, 16, 8, 128], strides = [1, 1, 1, 1, 1]} : vector<3x2x16x8x128xf32> to vector<3x1x16x8x128xf32>
    %squeeze3A_1550 = vector.shape_cast %slice3A_1549 : vector<3x1x16x8x128xf32> to vector<3x16x8x128xf32>
    %slice3A_1551 = vector.extract_strided_slice %reshape3A_1540 {offsets = [0, 1, 0, 0, 0], sizes = [3, 1, 16, 8, 128], strides = [1, 1, 1, 1, 1]} : vector<3x2x16x8x128xf32> to vector<3x1x16x8x128xf32>
    %squeeze3A_1552 = vector.shape_cast %slice3A_1551 : vector<3x1x16x8x128xf32> to vector<3x16x8x128xf32>
    %iota3A_1553 = tpu.iota {dimensions = array<i32: 0>} : vector<3x16x8x128xi32>
    %mul3A_1554 = arith.constant 2 : i32
    %mul3A_1555 = vector.broadcast %mul3A_1554 : i32 to vector<3x16x8x128xi32>
    %mul3A_1556 = arith.muli %iota3A_1553, %mul3A_1555 : vector<3x16x8x128xi32>
    %mul3A_1557 = arith.constant 128 : i32
    %mul3A_1558 = vector.broadcast %mul3A_1557 : i32 to vector<3x16x8x128xi32>
    %mul3A_1559 = arith.muli %mul3A_1556, %mul3A_1558 : vector<3x16x8x128xi32>
    %and3A_1560 = arith.constant 256 : i32
    %and3A_1561 = vector.broadcast %and3A_1560 : i32 to vector<3x16x8x128xi32>
    %and3A_1562 = arith.andi %mul3A_1559, %and3A_1561 : vector<3x16x8x128xi32>
    %eq3A_1563 = arith.constant 0 : i32
    %eq3A_1564 = vector.broadcast %eq3A_1563 : i32 to vector<3x16x8x128xi32>
    %eq3A_1565 = arith.cmpi eq, %and3A_1562, %eq3A_1564 : vector<3x16x8x128xi32>
    %gt3A_1566 = arith.cmpi sgt, %squeeze3A_1542, %squeeze3A_1544 : vector<3x16x8x128xi32>
    %eq3A_1567 = arith.cmpi eq, %squeeze3A_1542, %squeeze3A_1544 : vector<3x16x8x128xi32>
    %lt3A_1568 = arith.cmpi slt, %squeeze3A_1546, %squeeze3A_1548 : vector<3x16x8x128xi32>
    %and3A_1569 = arith.andi %eq3A_1567, %lt3A_1568 : vector<3x16x8x128xi1>
    %or3A_1570 = arith.ori %gt3A_1566, %and3A_1569 : vector<3x16x8x128xi1>
    %eq3A_1571 = arith.xori %or3A_1570, %eq3A_1565 : vector<3x16x8x128xi1>
    %eq3A_1572 = arith.constant dense<true> : vector<3x16x8x128xi1>
    %eq3A_1573 = arith.xori %eq3A_1571, %eq3A_1572 : vector<3x16x8x128xi1>
    %select_n3A_1574 = arith.select %eq3A_1573, %squeeze3A_1542, %squeeze3A_1544 : vector<3x16x8x128xi1>, vector<3x16x8x128xi32>
    %select_n3A_1575 = arith.select %eq3A_1573, %squeeze3A_1546, %squeeze3A_1548 : vector<3x16x8x128xi1>, vector<3x16x8x128xi32>
    %select_n3A_1576 = arith.select %eq3A_1573, %squeeze3A_1550, %squeeze3A_1552 : vector<3x16x8x128xi1>, vector<3x16x8x128xf32>
    %select_n3A_1577 = arith.select %eq3A_1573, %squeeze3A_1544, %squeeze3A_1542 : vector<3x16x8x128xi1>, vector<3x16x8x128xi32>
    %select_n3A_1578 = arith.select %eq3A_1573, %squeeze3A_1548, %squeeze3A_1546 : vector<3x16x8x128xi1>, vector<3x16x8x128xi32>
    %select_n3A_1579 = arith.select %eq3A_1573, %squeeze3A_1552, %squeeze3A_1550 : vector<3x16x8x128xi1>, vector<3x16x8x128xf32>
    %stack3A_1580 = vector.shape_cast %select_n3A_1574 : vector<3x16x8x128xi32> to vector<3x1x16x8x128xi32>
    %stack3A_1581 = vector.shape_cast %select_n3A_1577 : vector<3x16x8x128xi32> to vector<3x1x16x8x128xi32>
    %stack3A_1582 = tpu.concatenate %stack3A_1580, %stack3A_1581 in 1 : vector<3x1x16x8x128xi32>, vector<3x1x16x8x128xi32> -> vector<3x2x16x8x128xi32>
    %reshape3A_1583 = vector.shape_cast %stack3A_1582 : vector<3x2x16x8x128xi32> to vector<96x8x128xi32>
    %stack3A_1584 = vector.shape_cast %select_n3A_1575 : vector<3x16x8x128xi32> to vector<3x1x16x8x128xi32>
    %stack3A_1585 = vector.shape_cast %select_n3A_1578 : vector<3x16x8x128xi32> to vector<3x1x16x8x128xi32>
    %stack3A_1586 = tpu.concatenate %stack3A_1584, %stack3A_1585 in 1 : vector<3x1x16x8x128xi32>, vector<3x1x16x8x128xi32> -> vector<3x2x16x8x128xi32>
    %reshape3A_1587 = vector.shape_cast %stack3A_1586 : vector<3x2x16x8x128xi32> to vector<96x8x128xi32>
    %stack3A_1588 = vector.shape_cast %select_n3A_1576 : vector<3x16x8x128xf32> to vector<3x1x16x8x128xf32>
    %stack3A_1589 = vector.shape_cast %select_n3A_1579 : vector<3x16x8x128xf32> to vector<3x1x16x8x128xf32>
    %stack3A_1590 = tpu.concatenate %stack3A_1588, %stack3A_1589 in 1 : vector<3x1x16x8x128xf32>, vector<3x1x16x8x128xf32> -> vector<3x2x16x8x128xf32>
    %reshape3A_1591 = vector.shape_cast %stack3A_1590 : vector<3x2x16x8x128xf32> to vector<96x8x128xf32>
    %reshape3A_1592 = vector.shape_cast %reshape3A_1583 : vector<96x8x128xi32> to vector<6x2x8x8x128xi32>
    %reshape3A_1593 = vector.shape_cast %reshape3A_1587 : vector<96x8x128xi32> to vector<6x2x8x8x128xi32>
    %reshape3A_1594 = vector.shape_cast %reshape3A_1591 : vector<96x8x128xf32> to vector<6x2x8x8x128xf32>
    %slice3A_1595 = vector.extract_strided_slice %reshape3A_1592 {offsets = [0, 0, 0, 0, 0], sizes = [6, 1, 8, 8, 128], strides = [1, 1, 1, 1, 1]} : vector<6x2x8x8x128xi32> to vector<6x1x8x8x128xi32>
    %squeeze3A_1596 = vector.shape_cast %slice3A_1595 : vector<6x1x8x8x128xi32> to vector<6x8x8x128xi32>
    %slice3A_1597 = vector.extract_strided_slice %reshape3A_1592 {offsets = [0, 1, 0, 0, 0], sizes = [6, 1, 8, 8, 128], strides = [1, 1, 1, 1, 1]} : vector<6x2x8x8x128xi32> to vector<6x1x8x8x128xi32>
    %squeeze3A_1598 = vector.shape_cast %slice3A_1597 : vector<6x1x8x8x128xi32> to vector<6x8x8x128xi32>
    %slice3A_1599 = vector.extract_strided_slice %reshape3A_1593 {offsets = [0, 0, 0, 0, 0], sizes = [6, 1, 8, 8, 128], strides = [1, 1, 1, 1, 1]} : vector<6x2x8x8x128xi32> to vector<6x1x8x8x128xi32>
    %squeeze3A_1600 = vector.shape_cast %slice3A_1599 : vector<6x1x8x8x128xi32> to vector<6x8x8x128xi32>
    %slice3A_1601 = vector.extract_strided_slice %reshape3A_1593 {offsets = [0, 1, 0, 0, 0], sizes = [6, 1, 8, 8, 128], strides = [1, 1, 1, 1, 1]} : vector<6x2x8x8x128xi32> to vector<6x1x8x8x128xi32>
    %squeeze3A_1602 = vector.shape_cast %slice3A_1601 : vector<6x1x8x8x128xi32> to vector<6x8x8x128xi32>
    %slice3A_1603 = vector.extract_strided_slice %reshape3A_1594 {offsets = [0, 0, 0, 0, 0], sizes = [6, 1, 8, 8, 128], strides = [1, 1, 1, 1, 1]} : vector<6x2x8x8x128xf32> to vector<6x1x8x8x128xf32>
    %squeeze3A_1604 = vector.shape_cast %slice3A_1603 : vector<6x1x8x8x128xf32> to vector<6x8x8x128xf32>
    %slice3A_1605 = vector.extract_strided_slice %reshape3A_1594 {offsets = [0, 1, 0, 0, 0], sizes = [6, 1, 8, 8, 128], strides = [1, 1, 1, 1, 1]} : vector<6x2x8x8x128xf32> to vector<6x1x8x8x128xf32>
    %squeeze3A_1606 = vector.shape_cast %slice3A_1605 : vector<6x1x8x8x128xf32> to vector<6x8x8x128xf32>
    %iota3A_1607 = tpu.iota {dimensions = array<i32: 0>} : vector<6x8x8x128xi32>
    %mul3A_1608 = arith.constant 2 : i32
    %mul3A_1609 = vector.broadcast %mul3A_1608 : i32 to vector<6x8x8x128xi32>
    %mul3A_1610 = arith.muli %iota3A_1607, %mul3A_1609 : vector<6x8x8x128xi32>
    %mul3A_1611 = arith.constant 64 : i32
    %mul3A_1612 = vector.broadcast %mul3A_1611 : i32 to vector<6x8x8x128xi32>
    %mul3A_1613 = arith.muli %mul3A_1610, %mul3A_1612 : vector<6x8x8x128xi32>
    %and3A_1614 = arith.constant 256 : i32
    %and3A_1615 = vector.broadcast %and3A_1614 : i32 to vector<6x8x8x128xi32>
    %and3A_1616 = arith.andi %mul3A_1613, %and3A_1615 : vector<6x8x8x128xi32>
    %eq3A_1617 = arith.constant 0 : i32
    %eq3A_1618 = vector.broadcast %eq3A_1617 : i32 to vector<6x8x8x128xi32>
    %eq3A_1619 = arith.cmpi eq, %and3A_1616, %eq3A_1618 : vector<6x8x8x128xi32>
    %gt3A_1620 = arith.cmpi sgt, %squeeze3A_1596, %squeeze3A_1598 : vector<6x8x8x128xi32>
    %eq3A_1621 = arith.cmpi eq, %squeeze3A_1596, %squeeze3A_1598 : vector<6x8x8x128xi32>
    %lt3A_1622 = arith.cmpi slt, %squeeze3A_1600, %squeeze3A_1602 : vector<6x8x8x128xi32>
    %and3A_1623 = arith.andi %eq3A_1621, %lt3A_1622 : vector<6x8x8x128xi1>
    %or3A_1624 = arith.ori %gt3A_1620, %and3A_1623 : vector<6x8x8x128xi1>
    %eq3A_1625 = arith.xori %or3A_1624, %eq3A_1619 : vector<6x8x8x128xi1>
    %eq3A_1626 = arith.constant dense<true> : vector<6x8x8x128xi1>
    %eq3A_1627 = arith.xori %eq3A_1625, %eq3A_1626 : vector<6x8x8x128xi1>
    %select_n3A_1628 = arith.select %eq3A_1627, %squeeze3A_1596, %squeeze3A_1598 : vector<6x8x8x128xi1>, vector<6x8x8x128xi32>
    %select_n3A_1629 = arith.select %eq3A_1627, %squeeze3A_1600, %squeeze3A_1602 : vector<6x8x8x128xi1>, vector<6x8x8x128xi32>
    %select_n3A_1630 = arith.select %eq3A_1627, %squeeze3A_1604, %squeeze3A_1606 : vector<6x8x8x128xi1>, vector<6x8x8x128xf32>
    %select_n3A_1631 = arith.select %eq3A_1627, %squeeze3A_1598, %squeeze3A_1596 : vector<6x8x8x128xi1>, vector<6x8x8x128xi32>
    %select_n3A_1632 = arith.select %eq3A_1627, %squeeze3A_1602, %squeeze3A_1600 : vector<6x8x8x128xi1>, vector<6x8x8x128xi32>
    %select_n3A_1633 = arith.select %eq3A_1627, %squeeze3A_1606, %squeeze3A_1604 : vector<6x8x8x128xi1>, vector<6x8x8x128xf32>
    %stack3A_1634 = vector.shape_cast %select_n3A_1628 : vector<6x8x8x128xi32> to vector<6x1x8x8x128xi32>
    %stack3A_1635 = vector.shape_cast %select_n3A_1631 : vector<6x8x8x128xi32> to vector<6x1x8x8x128xi32>
    %stack3A_1636 = tpu.concatenate %stack3A_1634, %stack3A_1635 in 1 : vector<6x1x8x8x128xi32>, vector<6x1x8x8x128xi32> -> vector<6x2x8x8x128xi32>
    %reshape3A_1637 = vector.shape_cast %stack3A_1636 : vector<6x2x8x8x128xi32> to vector<96x8x128xi32>
    %stack3A_1638 = vector.shape_cast %select_n3A_1629 : vector<6x8x8x128xi32> to vector<6x1x8x8x128xi32>
    %stack3A_1639 = vector.shape_cast %select_n3A_1632 : vector<6x8x8x128xi32> to vector<6x1x8x8x128xi32>
    %stack3A_1640 = tpu.concatenate %stack3A_1638, %stack3A_1639 in 1 : vector<6x1x8x8x128xi32>, vector<6x1x8x8x128xi32> -> vector<6x2x8x8x128xi32>
    %reshape3A_1641 = vector.shape_cast %stack3A_1640 : vector<6x2x8x8x128xi32> to vector<96x8x128xi32>
    %stack3A_1642 = vector.shape_cast %select_n3A_1630 : vector<6x8x8x128xf32> to vector<6x1x8x8x128xf32>
    %stack3A_1643 = vector.shape_cast %select_n3A_1633 : vector<6x8x8x128xf32> to vector<6x1x8x8x128xf32>
    %stack3A_1644 = tpu.concatenate %stack3A_1642, %stack3A_1643 in 1 : vector<6x1x8x8x128xf32>, vector<6x1x8x8x128xf32> -> vector<6x2x8x8x128xf32>
    %reshape3A_1645 = vector.shape_cast %stack3A_1644 : vector<6x2x8x8x128xf32> to vector<96x8x128xf32>
    %reshape3A_1646 = vector.shape_cast %reshape3A_1637 : vector<96x8x128xi32> to vector<12x2x4x8x128xi32>
    %reshape3A_1647 = vector.shape_cast %reshape3A_1641 : vector<96x8x128xi32> to vector<12x2x4x8x128xi32>
    %reshape3A_1648 = vector.shape_cast %reshape3A_1645 : vector<96x8x128xf32> to vector<12x2x4x8x128xf32>
    %slice3A_1649 = vector.extract_strided_slice %reshape3A_1646 {offsets = [0, 0, 0, 0, 0], sizes = [12, 1, 4, 8, 128], strides = [1, 1, 1, 1, 1]} : vector<12x2x4x8x128xi32> to vector<12x1x4x8x128xi32>
    %squeeze3A_1650 = vector.shape_cast %slice3A_1649 : vector<12x1x4x8x128xi32> to vector<12x4x8x128xi32>
    %slice3A_1651 = vector.extract_strided_slice %reshape3A_1646 {offsets = [0, 1, 0, 0, 0], sizes = [12, 1, 4, 8, 128], strides = [1, 1, 1, 1, 1]} : vector<12x2x4x8x128xi32> to vector<12x1x4x8x128xi32>
    %squeeze3A_1652 = vector.shape_cast %slice3A_1651 : vector<12x1x4x8x128xi32> to vector<12x4x8x128xi32>
    %slice3A_1653 = vector.extract_strided_slice %reshape3A_1647 {offsets = [0, 0, 0, 0, 0], sizes = [12, 1, 4, 8, 128], strides = [1, 1, 1, 1, 1]} : vector<12x2x4x8x128xi32> to vector<12x1x4x8x128xi32>
    %squeeze3A_1654 = vector.shape_cast %slice3A_1653 : vector<12x1x4x8x128xi32> to vector<12x4x8x128xi32>
    %slice3A_1655 = vector.extract_strided_slice %reshape3A_1647 {offsets = [0, 1, 0, 0, 0], sizes = [12, 1, 4, 8, 128], strides = [1, 1, 1, 1, 1]} : vector<12x2x4x8x128xi32> to vector<12x1x4x8x128xi32>
    %squeeze3A_1656 = vector.shape_cast %slice3A_1655 : vector<12x1x4x8x128xi32> to vector<12x4x8x128xi32>
    %slice3A_1657 = vector.extract_strided_slice %reshape3A_1648 {offsets = [0, 0, 0, 0, 0], sizes = [12, 1, 4, 8, 128], strides = [1, 1, 1, 1, 1]} : vector<12x2x4x8x128xf32> to vector<12x1x4x8x128xf32>
    %squeeze3A_1658 = vector.shape_cast %slice3A_1657 : vector<12x1x4x8x128xf32> to vector<12x4x8x128xf32>
    %slice3A_1659 = vector.extract_strided_slice %reshape3A_1648 {offsets = [0, 1, 0, 0, 0], sizes = [12, 1, 4, 8, 128], strides = [1, 1, 1, 1, 1]} : vector<12x2x4x8x128xf32> to vector<12x1x4x8x128xf32>
    %squeeze3A_1660 = vector.shape_cast %slice3A_1659 : vector<12x1x4x8x128xf32> to vector<12x4x8x128xf32>
    %iota3A_1661 = tpu.iota {dimensions = array<i32: 0>} : vector<12x4x8x128xi32>
    %mul3A_1662 = arith.constant 2 : i32
    %mul3A_1663 = vector.broadcast %mul3A_1662 : i32 to vector<12x4x8x128xi32>
    %mul3A_1664 = arith.muli %iota3A_1661, %mul3A_1663 : vector<12x4x8x128xi32>
    %mul3A_1665 = arith.constant 32 : i32
    %mul3A_1666 = vector.broadcast %mul3A_1665 : i32 to vector<12x4x8x128xi32>
    %mul3A_1667 = arith.muli %mul3A_1664, %mul3A_1666 : vector<12x4x8x128xi32>
    %and3A_1668 = arith.constant 256 : i32
    %and3A_1669 = vector.broadcast %and3A_1668 : i32 to vector<12x4x8x128xi32>
    %and3A_1670 = arith.andi %mul3A_1667, %and3A_1669 : vector<12x4x8x128xi32>
    %eq3A_1671 = arith.constant 0 : i32
    %eq3A_1672 = vector.broadcast %eq3A_1671 : i32 to vector<12x4x8x128xi32>
    %eq3A_1673 = arith.cmpi eq, %and3A_1670, %eq3A_1672 : vector<12x4x8x128xi32>
    %gt3A_1674 = arith.cmpi sgt, %squeeze3A_1650, %squeeze3A_1652 : vector<12x4x8x128xi32>
    %eq3A_1675 = arith.cmpi eq, %squeeze3A_1650, %squeeze3A_1652 : vector<12x4x8x128xi32>
    %lt3A_1676 = arith.cmpi slt, %squeeze3A_1654, %squeeze3A_1656 : vector<12x4x8x128xi32>
    %and3A_1677 = arith.andi %eq3A_1675, %lt3A_1676 : vector<12x4x8x128xi1>
    %or3A_1678 = arith.ori %gt3A_1674, %and3A_1677 : vector<12x4x8x128xi1>
    %eq3A_1679 = arith.xori %or3A_1678, %eq3A_1673 : vector<12x4x8x128xi1>
    %eq3A_1680 = arith.constant dense<true> : vector<12x4x8x128xi1>
    %eq3A_1681 = arith.xori %eq3A_1679, %eq3A_1680 : vector<12x4x8x128xi1>
    %select_n3A_1682 = arith.select %eq3A_1681, %squeeze3A_1650, %squeeze3A_1652 : vector<12x4x8x128xi1>, vector<12x4x8x128xi32>
    %select_n3A_1683 = arith.select %eq3A_1681, %squeeze3A_1654, %squeeze3A_1656 : vector<12x4x8x128xi1>, vector<12x4x8x128xi32>
    %select_n3A_1684 = arith.select %eq3A_1681, %squeeze3A_1658, %squeeze3A_1660 : vector<12x4x8x128xi1>, vector<12x4x8x128xf32>
    %select_n3A_1685 = arith.select %eq3A_1681, %squeeze3A_1652, %squeeze3A_1650 : vector<12x4x8x128xi1>, vector<12x4x8x128xi32>
    %select_n3A_1686 = arith.select %eq3A_1681, %squeeze3A_1656, %squeeze3A_1654 : vector<12x4x8x128xi1>, vector<12x4x8x128xi32>
    %select_n3A_1687 = arith.select %eq3A_1681, %squeeze3A_1660, %squeeze3A_1658 : vector<12x4x8x128xi1>, vector<12x4x8x128xf32>
    %stack3A_1688 = vector.shape_cast %select_n3A_1682 : vector<12x4x8x128xi32> to vector<12x1x4x8x128xi32>
    %stack3A_1689 = vector.shape_cast %select_n3A_1685 : vector<12x4x8x128xi32> to vector<12x1x4x8x128xi32>
    %stack3A_1690 = tpu.concatenate %stack3A_1688, %stack3A_1689 in 1 : vector<12x1x4x8x128xi32>, vector<12x1x4x8x128xi32> -> vector<12x2x4x8x128xi32>
    %reshape3A_1691 = vector.shape_cast %stack3A_1690 : vector<12x2x4x8x128xi32> to vector<96x8x128xi32>
    %stack3A_1692 = vector.shape_cast %select_n3A_1683 : vector<12x4x8x128xi32> to vector<12x1x4x8x128xi32>
    %stack3A_1693 = vector.shape_cast %select_n3A_1686 : vector<12x4x8x128xi32> to vector<12x1x4x8x128xi32>
    %stack3A_1694 = tpu.concatenate %stack3A_1692, %stack3A_1693 in 1 : vector<12x1x4x8x128xi32>, vector<12x1x4x8x128xi32> -> vector<12x2x4x8x128xi32>
    %reshape3A_1695 = vector.shape_cast %stack3A_1694 : vector<12x2x4x8x128xi32> to vector<96x8x128xi32>
    %stack3A_1696 = vector.shape_cast %select_n3A_1684 : vector<12x4x8x128xf32> to vector<12x1x4x8x128xf32>
    %stack3A_1697 = vector.shape_cast %select_n3A_1687 : vector<12x4x8x128xf32> to vector<12x1x4x8x128xf32>
    %stack3A_1698 = tpu.concatenate %stack3A_1696, %stack3A_1697 in 1 : vector<12x1x4x8x128xf32>, vector<12x1x4x8x128xf32> -> vector<12x2x4x8x128xf32>
    %reshape3A_1699 = vector.shape_cast %stack3A_1698 : vector<12x2x4x8x128xf32> to vector<96x8x128xf32>
    %reshape3A_1700 = vector.shape_cast %reshape3A_1691 : vector<96x8x128xi32> to vector<24x2x2x8x128xi32>
    %reshape3A_1701 = vector.shape_cast %reshape3A_1695 : vector<96x8x128xi32> to vector<24x2x2x8x128xi32>
    %reshape3A_1702 = vector.shape_cast %reshape3A_1699 : vector<96x8x128xf32> to vector<24x2x2x8x128xf32>
    %slice3A_1703 = vector.extract_strided_slice %reshape3A_1700 {offsets = [0, 0, 0, 0, 0], sizes = [24, 1, 2, 8, 128], strides = [1, 1, 1, 1, 1]} : vector<24x2x2x8x128xi32> to vector<24x1x2x8x128xi32>
    %squeeze3A_1704 = vector.shape_cast %slice3A_1703 : vector<24x1x2x8x128xi32> to vector<24x2x8x128xi32>
    %slice3A_1705 = vector.extract_strided_slice %reshape3A_1700 {offsets = [0, 1, 0, 0, 0], sizes = [24, 1, 2, 8, 128], strides = [1, 1, 1, 1, 1]} : vector<24x2x2x8x128xi32> to vector<24x1x2x8x128xi32>
    %squeeze3A_1706 = vector.shape_cast %slice3A_1705 : vector<24x1x2x8x128xi32> to vector<24x2x8x128xi32>
    %slice3A_1707 = vector.extract_strided_slice %reshape3A_1701 {offsets = [0, 0, 0, 0, 0], sizes = [24, 1, 2, 8, 128], strides = [1, 1, 1, 1, 1]} : vector<24x2x2x8x128xi32> to vector<24x1x2x8x128xi32>
    %squeeze3A_1708 = vector.shape_cast %slice3A_1707 : vector<24x1x2x8x128xi32> to vector<24x2x8x128xi32>
    %slice3A_1709 = vector.extract_strided_slice %reshape3A_1701 {offsets = [0, 1, 0, 0, 0], sizes = [24, 1, 2, 8, 128], strides = [1, 1, 1, 1, 1]} : vector<24x2x2x8x128xi32> to vector<24x1x2x8x128xi32>
    %squeeze3A_1710 = vector.shape_cast %slice3A_1709 : vector<24x1x2x8x128xi32> to vector<24x2x8x128xi32>
    %slice3A_1711 = vector.extract_strided_slice %reshape3A_1702 {offsets = [0, 0, 0, 0, 0], sizes = [24, 1, 2, 8, 128], strides = [1, 1, 1, 1, 1]} : vector<24x2x2x8x128xf32> to vector<24x1x2x8x128xf32>
    %squeeze3A_1712 = vector.shape_cast %slice3A_1711 : vector<24x1x2x8x128xf32> to vector<24x2x8x128xf32>
    %slice3A_1713 = vector.extract_strided_slice %reshape3A_1702 {offsets = [0, 1, 0, 0, 0], sizes = [24, 1, 2, 8, 128], strides = [1, 1, 1, 1, 1]} : vector<24x2x2x8x128xf32> to vector<24x1x2x8x128xf32>
    %squeeze3A_1714 = vector.shape_cast %slice3A_1713 : vector<24x1x2x8x128xf32> to vector<24x2x8x128xf32>
    %iota3A_1715 = tpu.iota {dimensions = array<i32: 0>} : vector<24x2x8x128xi32>
    %mul3A_1716 = arith.constant 2 : i32
    %mul3A_1717 = vector.broadcast %mul3A_1716 : i32 to vector<24x2x8x128xi32>
    %mul3A_1718 = arith.muli %iota3A_1715, %mul3A_1717 : vector<24x2x8x128xi32>
    %mul3A_1719 = arith.constant 16 : i32
    %mul3A_1720 = vector.broadcast %mul3A_1719 : i32 to vector<24x2x8x128xi32>
    %mul3A_1721 = arith.muli %mul3A_1718, %mul3A_1720 : vector<24x2x8x128xi32>
    %and3A_1722 = arith.constant 256 : i32
    %and3A_1723 = vector.broadcast %and3A_1722 : i32 to vector<24x2x8x128xi32>
    %and3A_1724 = arith.andi %mul3A_1721, %and3A_1723 : vector<24x2x8x128xi32>
    %eq3A_1725 = arith.constant 0 : i32
    %eq3A_1726 = vector.broadcast %eq3A_1725 : i32 to vector<24x2x8x128xi32>
    %eq3A_1727 = arith.cmpi eq, %and3A_1724, %eq3A_1726 : vector<24x2x8x128xi32>
    %gt3A_1728 = arith.cmpi sgt, %squeeze3A_1704, %squeeze3A_1706 : vector<24x2x8x128xi32>
    %eq3A_1729 = arith.cmpi eq, %squeeze3A_1704, %squeeze3A_1706 : vector<24x2x8x128xi32>
    %lt3A_1730 = arith.cmpi slt, %squeeze3A_1708, %squeeze3A_1710 : vector<24x2x8x128xi32>
    %and3A_1731 = arith.andi %eq3A_1729, %lt3A_1730 : vector<24x2x8x128xi1>
    %or3A_1732 = arith.ori %gt3A_1728, %and3A_1731 : vector<24x2x8x128xi1>
    %eq3A_1733 = arith.xori %or3A_1732, %eq3A_1727 : vector<24x2x8x128xi1>
    %eq3A_1734 = arith.constant dense<true> : vector<24x2x8x128xi1>
    %eq3A_1735 = arith.xori %eq3A_1733, %eq3A_1734 : vector<24x2x8x128xi1>
    %select_n3A_1736 = arith.select %eq3A_1735, %squeeze3A_1704, %squeeze3A_1706 : vector<24x2x8x128xi1>, vector<24x2x8x128xi32>
    %select_n3A_1737 = arith.select %eq3A_1735, %squeeze3A_1708, %squeeze3A_1710 : vector<24x2x8x128xi1>, vector<24x2x8x128xi32>
    %select_n3A_1738 = arith.select %eq3A_1735, %squeeze3A_1712, %squeeze3A_1714 : vector<24x2x8x128xi1>, vector<24x2x8x128xf32>
    %select_n3A_1739 = arith.select %eq3A_1735, %squeeze3A_1706, %squeeze3A_1704 : vector<24x2x8x128xi1>, vector<24x2x8x128xi32>
    %select_n3A_1740 = arith.select %eq3A_1735, %squeeze3A_1710, %squeeze3A_1708 : vector<24x2x8x128xi1>, vector<24x2x8x128xi32>
    %select_n3A_1741 = arith.select %eq3A_1735, %squeeze3A_1714, %squeeze3A_1712 : vector<24x2x8x128xi1>, vector<24x2x8x128xf32>
    %stack3A_1742 = vector.shape_cast %select_n3A_1736 : vector<24x2x8x128xi32> to vector<24x1x2x8x128xi32>
    %stack3A_1743 = vector.shape_cast %select_n3A_1739 : vector<24x2x8x128xi32> to vector<24x1x2x8x128xi32>
    %stack3A_1744 = tpu.concatenate %stack3A_1742, %stack3A_1743 in 1 : vector<24x1x2x8x128xi32>, vector<24x1x2x8x128xi32> -> vector<24x2x2x8x128xi32>
    %reshape3A_1745 = vector.shape_cast %stack3A_1744 : vector<24x2x2x8x128xi32> to vector<96x8x128xi32>
    %stack3A_1746 = vector.shape_cast %select_n3A_1737 : vector<24x2x8x128xi32> to vector<24x1x2x8x128xi32>
    %stack3A_1747 = vector.shape_cast %select_n3A_1740 : vector<24x2x8x128xi32> to vector<24x1x2x8x128xi32>
    %stack3A_1748 = tpu.concatenate %stack3A_1746, %stack3A_1747 in 1 : vector<24x1x2x8x128xi32>, vector<24x1x2x8x128xi32> -> vector<24x2x2x8x128xi32>
    %reshape3A_1749 = vector.shape_cast %stack3A_1748 : vector<24x2x2x8x128xi32> to vector<96x8x128xi32>
    %stack3A_1750 = vector.shape_cast %select_n3A_1738 : vector<24x2x8x128xf32> to vector<24x1x2x8x128xf32>
    %stack3A_1751 = vector.shape_cast %select_n3A_1741 : vector<24x2x8x128xf32> to vector<24x1x2x8x128xf32>
    %stack3A_1752 = tpu.concatenate %stack3A_1750, %stack3A_1751 in 1 : vector<24x1x2x8x128xf32>, vector<24x1x2x8x128xf32> -> vector<24x2x2x8x128xf32>
    %reshape3A_1753 = vector.shape_cast %stack3A_1752 : vector<24x2x2x8x128xf32> to vector<96x8x128xf32>
    %reshape3A_1754 = vector.shape_cast %reshape3A_1745 : vector<96x8x128xi32> to vector<48x2x1x8x128xi32>
    %reshape3A_1755 = vector.shape_cast %reshape3A_1749 : vector<96x8x128xi32> to vector<48x2x1x8x128xi32>
    %reshape3A_1756 = vector.shape_cast %reshape3A_1753 : vector<96x8x128xf32> to vector<48x2x1x8x128xf32>
    %slice3A_1757 = vector.extract_strided_slice %reshape3A_1754 {offsets = [0, 0, 0, 0, 0], sizes = [48, 1, 1, 8, 128], strides = [1, 1, 1, 1, 1]} : vector<48x2x1x8x128xi32> to vector<48x1x1x8x128xi32>
    %squeeze3A_1758 = vector.shape_cast %slice3A_1757 : vector<48x1x1x8x128xi32> to vector<48x1x8x128xi32>
    %slice3A_1759 = vector.extract_strided_slice %reshape3A_1754 {offsets = [0, 1, 0, 0, 0], sizes = [48, 1, 1, 8, 128], strides = [1, 1, 1, 1, 1]} : vector<48x2x1x8x128xi32> to vector<48x1x1x8x128xi32>
    %squeeze3A_1760 = vector.shape_cast %slice3A_1759 : vector<48x1x1x8x128xi32> to vector<48x1x8x128xi32>
    %slice3A_1761 = vector.extract_strided_slice %reshape3A_1755 {offsets = [0, 0, 0, 0, 0], sizes = [48, 1, 1, 8, 128], strides = [1, 1, 1, 1, 1]} : vector<48x2x1x8x128xi32> to vector<48x1x1x8x128xi32>
    %squeeze3A_1762 = vector.shape_cast %slice3A_1761 : vector<48x1x1x8x128xi32> to vector<48x1x8x128xi32>
    %slice3A_1763 = vector.extract_strided_slice %reshape3A_1755 {offsets = [0, 1, 0, 0, 0], sizes = [48, 1, 1, 8, 128], strides = [1, 1, 1, 1, 1]} : vector<48x2x1x8x128xi32> to vector<48x1x1x8x128xi32>
    %squeeze3A_1764 = vector.shape_cast %slice3A_1763 : vector<48x1x1x8x128xi32> to vector<48x1x8x128xi32>
    %slice3A_1765 = vector.extract_strided_slice %reshape3A_1756 {offsets = [0, 0, 0, 0, 0], sizes = [48, 1, 1, 8, 128], strides = [1, 1, 1, 1, 1]} : vector<48x2x1x8x128xf32> to vector<48x1x1x8x128xf32>
    %squeeze3A_1766 = vector.shape_cast %slice3A_1765 : vector<48x1x1x8x128xf32> to vector<48x1x8x128xf32>
    %slice3A_1767 = vector.extract_strided_slice %reshape3A_1756 {offsets = [0, 1, 0, 0, 0], sizes = [48, 1, 1, 8, 128], strides = [1, 1, 1, 1, 1]} : vector<48x2x1x8x128xf32> to vector<48x1x1x8x128xf32>
    %squeeze3A_1768 = vector.shape_cast %slice3A_1767 : vector<48x1x1x8x128xf32> to vector<48x1x8x128xf32>
    %iota3A_1769 = tpu.iota {dimensions = array<i32: 0>} : vector<48x1x8x128xi32>
    %mul3A_1770 = arith.constant 2 : i32
    %mul3A_1771 = vector.broadcast %mul3A_1770 : i32 to vector<48x1x8x128xi32>
    %mul3A_1772 = arith.muli %iota3A_1769, %mul3A_1771 : vector<48x1x8x128xi32>
    %mul3A_1773 = arith.constant 8 : i32
    %mul3A_1774 = vector.broadcast %mul3A_1773 : i32 to vector<48x1x8x128xi32>
    %mul3A_1775 = arith.muli %mul3A_1772, %mul3A_1774 : vector<48x1x8x128xi32>
    %and3A_1776 = arith.constant 256 : i32
    %and3A_1777 = vector.broadcast %and3A_1776 : i32 to vector<48x1x8x128xi32>
    %and3A_1778 = arith.andi %mul3A_1775, %and3A_1777 : vector<48x1x8x128xi32>
    %eq3A_1779 = arith.constant 0 : i32
    %eq3A_1780 = vector.broadcast %eq3A_1779 : i32 to vector<48x1x8x128xi32>
    %eq3A_1781 = arith.cmpi eq, %and3A_1778, %eq3A_1780 : vector<48x1x8x128xi32>
    %gt3A_1782 = arith.cmpi sgt, %squeeze3A_1758, %squeeze3A_1760 : vector<48x1x8x128xi32>
    %eq3A_1783 = arith.cmpi eq, %squeeze3A_1758, %squeeze3A_1760 : vector<48x1x8x128xi32>
    %lt3A_1784 = arith.cmpi slt, %squeeze3A_1762, %squeeze3A_1764 : vector<48x1x8x128xi32>
    %and3A_1785 = arith.andi %eq3A_1783, %lt3A_1784 : vector<48x1x8x128xi1>
    %or3A_1786 = arith.ori %gt3A_1782, %and3A_1785 : vector<48x1x8x128xi1>
    %eq3A_1787 = arith.xori %or3A_1786, %eq3A_1781 : vector<48x1x8x128xi1>
    %eq3A_1788 = arith.constant dense<true> : vector<48x1x8x128xi1>
    %eq3A_1789 = arith.xori %eq3A_1787, %eq3A_1788 : vector<48x1x8x128xi1>
    %select_n3A_1790 = arith.select %eq3A_1789, %squeeze3A_1758, %squeeze3A_1760 : vector<48x1x8x128xi1>, vector<48x1x8x128xi32>
    %select_n3A_1791 = arith.select %eq3A_1789, %squeeze3A_1762, %squeeze3A_1764 : vector<48x1x8x128xi1>, vector<48x1x8x128xi32>
    %select_n3A_1792 = arith.select %eq3A_1789, %squeeze3A_1766, %squeeze3A_1768 : vector<48x1x8x128xi1>, vector<48x1x8x128xf32>
    %select_n3A_1793 = arith.select %eq3A_1789, %squeeze3A_1760, %squeeze3A_1758 : vector<48x1x8x128xi1>, vector<48x1x8x128xi32>
    %select_n3A_1794 = arith.select %eq3A_1789, %squeeze3A_1764, %squeeze3A_1762 : vector<48x1x8x128xi1>, vector<48x1x8x128xi32>
    %select_n3A_1795 = arith.select %eq3A_1789, %squeeze3A_1768, %squeeze3A_1766 : vector<48x1x8x128xi1>, vector<48x1x8x128xf32>
    %stack3A_1796 = vector.shape_cast %select_n3A_1790 : vector<48x1x8x128xi32> to vector<48x1x1x8x128xi32>
    %stack3A_1797 = vector.shape_cast %select_n3A_1793 : vector<48x1x8x128xi32> to vector<48x1x1x8x128xi32>
    %stack3A_1798 = tpu.concatenate %stack3A_1796, %stack3A_1797 in 1 : vector<48x1x1x8x128xi32>, vector<48x1x1x8x128xi32> -> vector<48x2x1x8x128xi32>
    %reshape3A_1799 = vector.shape_cast %stack3A_1798 : vector<48x2x1x8x128xi32> to vector<96x8x128xi32>
    %stack3A_1800 = vector.shape_cast %select_n3A_1791 : vector<48x1x8x128xi32> to vector<48x1x1x8x128xi32>
    %stack3A_1801 = vector.shape_cast %select_n3A_1794 : vector<48x1x8x128xi32> to vector<48x1x1x8x128xi32>
    %stack3A_1802 = tpu.concatenate %stack3A_1800, %stack3A_1801 in 1 : vector<48x1x1x8x128xi32>, vector<48x1x1x8x128xi32> -> vector<48x2x1x8x128xi32>
    %reshape3A_1803 = vector.shape_cast %stack3A_1802 : vector<48x2x1x8x128xi32> to vector<96x8x128xi32>
    %stack3A_1804 = vector.shape_cast %select_n3A_1792 : vector<48x1x8x128xf32> to vector<48x1x1x8x128xf32>
    %stack3A_1805 = vector.shape_cast %select_n3A_1795 : vector<48x1x8x128xf32> to vector<48x1x1x8x128xf32>
    %stack3A_1806 = tpu.concatenate %stack3A_1804, %stack3A_1805 in 1 : vector<48x1x1x8x128xf32>, vector<48x1x1x8x128xf32> -> vector<48x2x1x8x128xf32>
    %reshape3A_1807 = vector.shape_cast %stack3A_1806 : vector<48x2x1x8x128xf32> to vector<96x8x128xf32>
    %iota3A_1808 = tpu.iota {dimensions = array<i32: 1>} : vector<96x8x128xi32>
    %iota3A_1809 = tpu.iota {dimensions = array<i32: 0>} : vector<96x8x128xi32>
    %mul3A_1810 = arith.constant 8 : i32
    %mul3A_1811 = vector.broadcast %mul3A_1810 : i32 to vector<96x8x128xi32>
    %mul3A_1812 = arith.muli %iota3A_1809, %mul3A_1811 : vector<96x8x128xi32>
    %add3A_1813 = arith.addi %mul3A_1812, %iota3A_1808 : vector<96x8x128xi32>
    %and3A_1814 = arith.constant 4 : i32
    %and3A_1815 = vector.broadcast %and3A_1814 : i32 to vector<96x8x128xi32>
    %and3A_1816 = arith.andi %iota3A_1808, %and3A_1815 : vector<96x8x128xi32>
    %ne3A_1817 = arith.constant 0 : i32
    %ne3A_1818 = vector.broadcast %ne3A_1817 : i32 to vector<96x8x128xi32>
    %ne3A_1819 = arith.cmpi ne, %and3A_1816, %ne3A_1818 : vector<96x8x128xi32>
    %and3A_1820 = arith.constant 256 : i32
    %and3A_1821 = vector.broadcast %and3A_1820 : i32 to vector<96x8x128xi32>
    %and3A_1822 = arith.andi %add3A_1813, %and3A_1821 : vector<96x8x128xi32>
    %eq3A_1823 = arith.constant 0 : i32
    %eq3A_1824 = vector.broadcast %eq3A_1823 : i32 to vector<96x8x128xi32>
    %eq3A_1825 = arith.cmpi eq, %and3A_1822, %eq3A_1824 : vector<96x8x128xi32>
    %slice3A_1826 = vector.extract_strided_slice %reshape3A_1799 {offsets = [0, 4, 0], sizes = [96, 4, 128], strides = [1, 1, 1]} : vector<96x8x128xi32> to vector<96x4x128xi32>
    %slice3A_1827 = vector.extract_strided_slice %reshape3A_1799 {offsets = [0, 0, 0], sizes = [96, 4, 128], strides = [1, 1, 1]} : vector<96x8x128xi32> to vector<96x4x128xi32>
    %concatenate3A_1828 = tpu.concatenate %slice3A_1826, %slice3A_1827 in 1 : vector<96x4x128xi32>, vector<96x4x128xi32> -> vector<96x8x128xi32>
    %slice3A_1829 = vector.extract_strided_slice %reshape3A_1799 {offsets = [0, 4, 0], sizes = [96, 4, 128], strides = [1, 1, 1]} : vector<96x8x128xi32> to vector<96x4x128xi32>
    %slice3A_1830 = vector.extract_strided_slice %reshape3A_1799 {offsets = [0, 0, 0], sizes = [96, 4, 128], strides = [1, 1, 1]} : vector<96x8x128xi32> to vector<96x4x128xi32>
    %concatenate3A_1831 = tpu.concatenate %slice3A_1829, %slice3A_1830 in 1 : vector<96x4x128xi32>, vector<96x4x128xi32> -> vector<96x8x128xi32>
    %select_n3A_1832 = arith.select %ne3A_1819, %concatenate3A_1828, %concatenate3A_1831 : vector<96x8x128xi1>, vector<96x8x128xi32>
    %slice3A_1833 = vector.extract_strided_slice %reshape3A_1803 {offsets = [0, 4, 0], sizes = [96, 4, 128], strides = [1, 1, 1]} : vector<96x8x128xi32> to vector<96x4x128xi32>
    %slice3A_1834 = vector.extract_strided_slice %reshape3A_1803 {offsets = [0, 0, 0], sizes = [96, 4, 128], strides = [1, 1, 1]} : vector<96x8x128xi32> to vector<96x4x128xi32>
    %concatenate3A_1835 = tpu.concatenate %slice3A_1833, %slice3A_1834 in 1 : vector<96x4x128xi32>, vector<96x4x128xi32> -> vector<96x8x128xi32>
    %slice3A_1836 = vector.extract_strided_slice %reshape3A_1803 {offsets = [0, 4, 0], sizes = [96, 4, 128], strides = [1, 1, 1]} : vector<96x8x128xi32> to vector<96x4x128xi32>
    %slice3A_1837 = vector.extract_strided_slice %reshape3A_1803 {offsets = [0, 0, 0], sizes = [96, 4, 128], strides = [1, 1, 1]} : vector<96x8x128xi32> to vector<96x4x128xi32>
    %concatenate3A_1838 = tpu.concatenate %slice3A_1836, %slice3A_1837 in 1 : vector<96x4x128xi32>, vector<96x4x128xi32> -> vector<96x8x128xi32>
    %select_n3A_1839 = arith.select %ne3A_1819, %concatenate3A_1835, %concatenate3A_1838 : vector<96x8x128xi1>, vector<96x8x128xi32>
    %slice3A_1840 = vector.extract_strided_slice %reshape3A_1807 {offsets = [0, 4, 0], sizes = [96, 4, 128], strides = [1, 1, 1]} : vector<96x8x128xf32> to vector<96x4x128xf32>
    %slice3A_1841 = vector.extract_strided_slice %reshape3A_1807 {offsets = [0, 0, 0], sizes = [96, 4, 128], strides = [1, 1, 1]} : vector<96x8x128xf32> to vector<96x4x128xf32>
    %concatenate3A_1842 = tpu.concatenate %slice3A_1840, %slice3A_1841 in 1 : vector<96x4x128xf32>, vector<96x4x128xf32> -> vector<96x8x128xf32>
    %slice3A_1843 = vector.extract_strided_slice %reshape3A_1807 {offsets = [0, 4, 0], sizes = [96, 4, 128], strides = [1, 1, 1]} : vector<96x8x128xf32> to vector<96x4x128xf32>
    %slice3A_1844 = vector.extract_strided_slice %reshape3A_1807 {offsets = [0, 0, 0], sizes = [96, 4, 128], strides = [1, 1, 1]} : vector<96x8x128xf32> to vector<96x4x128xf32>
    %concatenate3A_1845 = tpu.concatenate %slice3A_1843, %slice3A_1844 in 1 : vector<96x4x128xf32>, vector<96x4x128xf32> -> vector<96x8x128xf32>
    %select_n3A_1846 = arith.select %ne3A_1819, %concatenate3A_1842, %concatenate3A_1845 : vector<96x8x128xi1>, vector<96x8x128xf32>
    %gt3A_1847 = arith.cmpi sgt, %reshape3A_1799, %select_n3A_1832 : vector<96x8x128xi32>
    %eq3A_1848 = arith.cmpi eq, %reshape3A_1799, %select_n3A_1832 : vector<96x8x128xi32>
    %lt3A_1849 = arith.cmpi slt, %reshape3A_1803, %select_n3A_1839 : vector<96x8x128xi32>
    %and3A_1850 = arith.andi %eq3A_1848, %lt3A_1849 : vector<96x8x128xi1>
    %or3A_1851 = arith.ori %gt3A_1847, %and3A_1850 : vector<96x8x128xi1>
    %not3A_1852 = arith.constant dense<true> : vector<96x8x128xi1>
    %not3A_1853 = arith.xori %ne3A_1819, %not3A_1852 : vector<96x8x128xi1>
    %eq3A_1854 = arith.xori %not3A_1853, %eq3A_1825 : vector<96x8x128xi1>
    %eq3A_1855 = arith.constant dense<true> : vector<96x8x128xi1>
    %eq3A_1856 = arith.xori %eq3A_1854, %eq3A_1855 : vector<96x8x128xi1>
    %eq3A_1857 = arith.xori %or3A_1851, %eq3A_1856 : vector<96x8x128xi1>
    %eq3A_1858 = arith.constant dense<true> : vector<96x8x128xi1>
    %eq3A_1859 = arith.xori %eq3A_1857, %eq3A_1858 : vector<96x8x128xi1>
    %select_n3A_1860 = arith.select %eq3A_1859, %reshape3A_1799, %select_n3A_1832 : vector<96x8x128xi1>, vector<96x8x128xi32>
    %select_n3A_1861 = arith.select %eq3A_1859, %reshape3A_1803, %select_n3A_1839 : vector<96x8x128xi1>, vector<96x8x128xi32>
    %select_n3A_1862 = arith.select %eq3A_1859, %reshape3A_1807, %select_n3A_1846 : vector<96x8x128xi1>, vector<96x8x128xf32>
    %iota3A_1863 = tpu.iota {dimensions = array<i32: 1>} : vector<96x8x128xi32>
    %iota3A_1864 = tpu.iota {dimensions = array<i32: 0>} : vector<96x8x128xi32>
    %mul3A_1865 = arith.constant 8 : i32
    %mul3A_1866 = vector.broadcast %mul3A_1865 : i32 to vector<96x8x128xi32>
    %mul3A_1867 = arith.muli %iota3A_1864, %mul3A_1866 : vector<96x8x128xi32>
    %add3A_1868 = arith.addi %mul3A_1867, %iota3A_1863 : vector<96x8x128xi32>
    %and3A_1869 = arith.constant 2 : i32
    %and3A_1870 = vector.broadcast %and3A_1869 : i32 to vector<96x8x128xi32>
    %and3A_1871 = arith.andi %iota3A_1863, %and3A_1870 : vector<96x8x128xi32>
    %ne3A_1872 = arith.constant 0 : i32
    %ne3A_1873 = vector.broadcast %ne3A_1872 : i32 to vector<96x8x128xi32>
    %ne3A_1874 = arith.cmpi ne, %and3A_1871, %ne3A_1873 : vector<96x8x128xi32>
    %and3A_1875 = arith.constant 256 : i32
    %and3A_1876 = vector.broadcast %and3A_1875 : i32 to vector<96x8x128xi32>
    %and3A_1877 = arith.andi %add3A_1868, %and3A_1876 : vector<96x8x128xi32>
    %eq3A_1878 = arith.constant 0 : i32
    %eq3A_1879 = vector.broadcast %eq3A_1878 : i32 to vector<96x8x128xi32>
    %eq3A_1880 = arith.cmpi eq, %and3A_1877, %eq3A_1879 : vector<96x8x128xi32>
    %slice3A_1881 = vector.extract_strided_slice %select_n3A_1860 {offsets = [0, 6, 0], sizes = [96, 2, 128], strides = [1, 1, 1]} : vector<96x8x128xi32> to vector<96x2x128xi32>
    %slice3A_1882 = vector.extract_strided_slice %select_n3A_1860 {offsets = [0, 0, 0], sizes = [96, 6, 128], strides = [1, 1, 1]} : vector<96x8x128xi32> to vector<96x6x128xi32>
    %concatenate3A_1883 = tpu.concatenate %slice3A_1881, %slice3A_1882 in 1 : vector<96x2x128xi32>, vector<96x6x128xi32> -> vector<96x8x128xi32>
    %slice3A_1884 = vector.extract_strided_slice %select_n3A_1860 {offsets = [0, 2, 0], sizes = [96, 6, 128], strides = [1, 1, 1]} : vector<96x8x128xi32> to vector<96x6x128xi32>
    %slice3A_1885 = vector.extract_strided_slice %select_n3A_1860 {offsets = [0, 0, 0], sizes = [96, 2, 128], strides = [1, 1, 1]} : vector<96x8x128xi32> to vector<96x2x128xi32>
    %concatenate3A_1886 = tpu.concatenate %slice3A_1884, %slice3A_1885 in 1 : vector<96x6x128xi32>, vector<96x2x128xi32> -> vector<96x8x128xi32>
    %select_n3A_1887 = arith.select %ne3A_1874, %concatenate3A_1883, %concatenate3A_1886 : vector<96x8x128xi1>, vector<96x8x128xi32>
    %slice3A_1888 = vector.extract_strided_slice %select_n3A_1861 {offsets = [0, 6, 0], sizes = [96, 2, 128], strides = [1, 1, 1]} : vector<96x8x128xi32> to vector<96x2x128xi32>
    %slice3A_1889 = vector.extract_strided_slice %select_n3A_1861 {offsets = [0, 0, 0], sizes = [96, 6, 128], strides = [1, 1, 1]} : vector<96x8x128xi32> to vector<96x6x128xi32>
    %concatenate3A_1890 = tpu.concatenate %slice3A_1888, %slice3A_1889 in 1 : vector<96x2x128xi32>, vector<96x6x128xi32> -> vector<96x8x128xi32>
    %slice3A_1891 = vector.extract_strided_slice %select_n3A_1861 {offsets = [0, 2, 0], sizes = [96, 6, 128], strides = [1, 1, 1]} : vector<96x8x128xi32> to vector<96x6x128xi32>
    %slice3A_1892 = vector.extract_strided_slice %select_n3A_1861 {offsets = [0, 0, 0], sizes = [96, 2, 128], strides = [1, 1, 1]} : vector<96x8x128xi32> to vector<96x2x128xi32>
    %concatenate3A_1893 = tpu.concatenate %slice3A_1891, %slice3A_1892 in 1 : vector<96x6x128xi32>, vector<96x2x128xi32> -> vector<96x8x128xi32>
    %select_n3A_1894 = arith.select %ne3A_1874, %concatenate3A_1890, %concatenate3A_1893 : vector<96x8x128xi1>, vector<96x8x128xi32>
    %slice3A_1895 = vector.extract_strided_slice %select_n3A_1862 {offsets = [0, 6, 0], sizes = [96, 2, 128], strides = [1, 1, 1]} : vector<96x8x128xf32> to vector<96x2x128xf32>
    %slice3A_1896 = vector.extract_strided_slice %select_n3A_1862 {offsets = [0, 0, 0], sizes = [96, 6, 128], strides = [1, 1, 1]} : vector<96x8x128xf32> to vector<96x6x128xf32>
    %concatenate3A_1897 = tpu.concatenate %slice3A_1895, %slice3A_1896 in 1 : vector<96x2x128xf32>, vector<96x6x128xf32> -> vector<96x8x128xf32>
    %slice3A_1898 = vector.extract_strided_slice %select_n3A_1862 {offsets = [0, 2, 0], sizes = [96, 6, 128], strides = [1, 1, 1]} : vector<96x8x128xf32> to vector<96x6x128xf32>
    %slice3A_1899 = vector.extract_strided_slice %select_n3A_1862 {offsets = [0, 0, 0], sizes = [96, 2, 128], strides = [1, 1, 1]} : vector<96x8x128xf32> to vector<96x2x128xf32>
    %concatenate3A_1900 = tpu.concatenate %slice3A_1898, %slice3A_1899 in 1 : vector<96x6x128xf32>, vector<96x2x128xf32> -> vector<96x8x128xf32>
    %select_n3A_1901 = arith.select %ne3A_1874, %concatenate3A_1897, %concatenate3A_1900 : vector<96x8x128xi1>, vector<96x8x128xf32>
    %gt3A_1902 = arith.cmpi sgt, %select_n3A_1860, %select_n3A_1887 : vector<96x8x128xi32>
    %eq3A_1903 = arith.cmpi eq, %select_n3A_1860, %select_n3A_1887 : vector<96x8x128xi32>
    %lt3A_1904 = arith.cmpi slt, %select_n3A_1861, %select_n3A_1894 : vector<96x8x128xi32>
    %and3A_1905 = arith.andi %eq3A_1903, %lt3A_1904 : vector<96x8x128xi1>
    %or3A_1906 = arith.ori %gt3A_1902, %and3A_1905 : vector<96x8x128xi1>
    %not3A_1907 = arith.constant dense<true> : vector<96x8x128xi1>
    %not3A_1908 = arith.xori %ne3A_1874, %not3A_1907 : vector<96x8x128xi1>
    %eq3A_1909 = arith.xori %not3A_1908, %eq3A_1880 : vector<96x8x128xi1>
    %eq3A_1910 = arith.constant dense<true> : vector<96x8x128xi1>
    %eq3A_1911 = arith.xori %eq3A_1909, %eq3A_1910 : vector<96x8x128xi1>
    %eq3A_1912 = arith.xori %or3A_1906, %eq3A_1911 : vector<96x8x128xi1>
    %eq3A_1913 = arith.constant dense<true> : vector<96x8x128xi1>
    %eq3A_1914 = arith.xori %eq3A_1912, %eq3A_1913 : vector<96x8x128xi1>
    %select_n3A_1915 = arith.select %eq3A_1914, %select_n3A_1860, %select_n3A_1887 : vector<96x8x128xi1>, vector<96x8x128xi32>
    %select_n3A_1916 = arith.select %eq3A_1914, %select_n3A_1861, %select_n3A_1894 : vector<96x8x128xi1>, vector<96x8x128xi32>
    %select_n3A_1917 = arith.select %eq3A_1914, %select_n3A_1862, %select_n3A_1901 : vector<96x8x128xi1>, vector<96x8x128xf32>
    %iota3A_1918 = tpu.iota {dimensions = array<i32: 1>} : vector<96x8x128xi32>
    %iota3A_1919 = tpu.iota {dimensions = array<i32: 0>} : vector<96x8x128xi32>
    %mul3A_1920 = arith.constant 8 : i32
    %mul3A_1921 = vector.broadcast %mul3A_1920 : i32 to vector<96x8x128xi32>
    %mul3A_1922 = arith.muli %iota3A_1919, %mul3A_1921 : vector<96x8x128xi32>
    %add3A_1923 = arith.addi %mul3A_1922, %iota3A_1918 : vector<96x8x128xi32>
    %and3A_1924 = arith.constant 1 : i32
    %and3A_1925 = vector.broadcast %and3A_1924 : i32 to vector<96x8x128xi32>
    %and3A_1926 = arith.andi %iota3A_1918, %and3A_1925 : vector<96x8x128xi32>
    %ne3A_1927 = arith.constant 0 : i32
    %ne3A_1928 = vector.broadcast %ne3A_1927 : i32 to vector<96x8x128xi32>
    %ne3A_1929 = arith.cmpi ne, %and3A_1926, %ne3A_1928 : vector<96x8x128xi32>
    %and3A_1930 = arith.constant 256 : i32
    %and3A_1931 = vector.broadcast %and3A_1930 : i32 to vector<96x8x128xi32>
    %and3A_1932 = arith.andi %add3A_1923, %and3A_1931 : vector<96x8x128xi32>
    %eq3A_1933 = arith.constant 0 : i32
    %eq3A_1934 = vector.broadcast %eq3A_1933 : i32 to vector<96x8x128xi32>
    %eq3A_1935 = arith.cmpi eq, %and3A_1932, %eq3A_1934 : vector<96x8x128xi32>
    %slice3A_1936 = vector.extract_strided_slice %select_n3A_1915 {offsets = [0, 7, 0], sizes = [96, 1, 128], strides = [1, 1, 1]} : vector<96x8x128xi32> to vector<96x1x128xi32>
    %slice3A_1937 = vector.extract_strided_slice %select_n3A_1915 {offsets = [0, 0, 0], sizes = [96, 7, 128], strides = [1, 1, 1]} : vector<96x8x128xi32> to vector<96x7x128xi32>
    %concatenate3A_1938 = tpu.concatenate %slice3A_1936, %slice3A_1937 in 1 : vector<96x1x128xi32>, vector<96x7x128xi32> -> vector<96x8x128xi32>
    %slice3A_1939 = vector.extract_strided_slice %select_n3A_1915 {offsets = [0, 1, 0], sizes = [96, 7, 128], strides = [1, 1, 1]} : vector<96x8x128xi32> to vector<96x7x128xi32>
    %slice3A_1940 = vector.extract_strided_slice %select_n3A_1915 {offsets = [0, 0, 0], sizes = [96, 1, 128], strides = [1, 1, 1]} : vector<96x8x128xi32> to vector<96x1x128xi32>
    %concatenate3A_1941 = tpu.concatenate %slice3A_1939, %slice3A_1940 in 1 : vector<96x7x128xi32>, vector<96x1x128xi32> -> vector<96x8x128xi32>
    %select_n3A_1942 = arith.select %ne3A_1929, %concatenate3A_1938, %concatenate3A_1941 : vector<96x8x128xi1>, vector<96x8x128xi32>
    %slice3A_1943 = vector.extract_strided_slice %select_n3A_1916 {offsets = [0, 7, 0], sizes = [96, 1, 128], strides = [1, 1, 1]} : vector<96x8x128xi32> to vector<96x1x128xi32>
    %slice3A_1944 = vector.extract_strided_slice %select_n3A_1916 {offsets = [0, 0, 0], sizes = [96, 7, 128], strides = [1, 1, 1]} : vector<96x8x128xi32> to vector<96x7x128xi32>
    %concatenate3A_1945 = tpu.concatenate %slice3A_1943, %slice3A_1944 in 1 : vector<96x1x128xi32>, vector<96x7x128xi32> -> vector<96x8x128xi32>
    %slice3A_1946 = vector.extract_strided_slice %select_n3A_1916 {offsets = [0, 1, 0], sizes = [96, 7, 128], strides = [1, 1, 1]} : vector<96x8x128xi32> to vector<96x7x128xi32>
    %slice3A_1947 = vector.extract_strided_slice %select_n3A_1916 {offsets = [0, 0, 0], sizes = [96, 1, 128], strides = [1, 1, 1]} : vector<96x8x128xi32> to vector<96x1x128xi32>
    %concatenate3A_1948 = tpu.concatenate %slice3A_1946, %slice3A_1947 in 1 : vector<96x7x128xi32>, vector<96x1x128xi32> -> vector<96x8x128xi32>
    %select_n3A_1949 = arith.select %ne3A_1929, %concatenate3A_1945, %concatenate3A_1948 : vector<96x8x128xi1>, vector<96x8x128xi32>
    %slice3A_1950 = vector.extract_strided_slice %select_n3A_1917 {offsets = [0, 7, 0], sizes = [96, 1, 128], strides = [1, 1, 1]} : vector<96x8x128xf32> to vector<96x1x128xf32>
    %slice3A_1951 = vector.extract_strided_slice %select_n3A_1917 {offsets = [0, 0, 0], sizes = [96, 7, 128], strides = [1, 1, 1]} : vector<96x8x128xf32> to vector<96x7x128xf32>
    %concatenate3A_1952 = tpu.concatenate %slice3A_1950, %slice3A_1951 in 1 : vector<96x1x128xf32>, vector<96x7x128xf32> -> vector<96x8x128xf32>
    %slice3A_1953 = vector.extract_strided_slice %select_n3A_1917 {offsets = [0, 1, 0], sizes = [96, 7, 128], strides = [1, 1, 1]} : vector<96x8x128xf32> to vector<96x7x128xf32>
    %slice3A_1954 = vector.extract_strided_slice %select_n3A_1917 {offsets = [0, 0, 0], sizes = [96, 1, 128], strides = [1, 1, 1]} : vector<96x8x128xf32> to vector<96x1x128xf32>
    %concatenate3A_1955 = tpu.concatenate %slice3A_1953, %slice3A_1954 in 1 : vector<96x7x128xf32>, vector<96x1x128xf32> -> vector<96x8x128xf32>
    %select_n3A_1956 = arith.select %ne3A_1929, %concatenate3A_1952, %concatenate3A_1955 : vector<96x8x128xi1>, vector<96x8x128xf32>
    %gt3A_1957 = arith.cmpi sgt, %select_n3A_1915, %select_n3A_1942 : vector<96x8x128xi32>
    %eq3A_1958 = arith.cmpi eq, %select_n3A_1915, %select_n3A_1942 : vector<96x8x128xi32>
    %lt3A_1959 = arith.cmpi slt, %select_n3A_1916, %select_n3A_1949 : vector<96x8x128xi32>
    %and3A_1960 = arith.andi %eq3A_1958, %lt3A_1959 : vector<96x8x128xi1>
    %or3A_1961 = arith.ori %gt3A_1957, %and3A_1960 : vector<96x8x128xi1>
    %not3A_1962 = arith.constant dense<true> : vector<96x8x128xi1>
    %not3A_1963 = arith.xori %ne3A_1929, %not3A_1962 : vector<96x8x128xi1>
    %eq3A_1964 = arith.xori %not3A_1963, %eq3A_1935 : vector<96x8x128xi1>
    %eq3A_1965 = arith.constant dense<true> : vector<96x8x128xi1>
    %eq3A_1966 = arith.xori %eq3A_1964, %eq3A_1965 : vector<96x8x128xi1>
    %eq3A_1967 = arith.xori %or3A_1961, %eq3A_1966 : vector<96x8x128xi1>
    %eq3A_1968 = arith.constant dense<true> : vector<96x8x128xi1>
    %eq3A_1969 = arith.xori %eq3A_1967, %eq3A_1968 : vector<96x8x128xi1>
    %select_n3A_1970 = arith.select %eq3A_1969, %select_n3A_1915, %select_n3A_1942 : vector<96x8x128xi1>, vector<96x8x128xi32>
    %select_n3A_1971 = arith.select %eq3A_1969, %select_n3A_1916, %select_n3A_1949 : vector<96x8x128xi1>, vector<96x8x128xi32>
    %select_n3A_1972 = arith.select %eq3A_1969, %select_n3A_1917, %select_n3A_1956 : vector<96x8x128xi1>, vector<96x8x128xf32>
    %broadcast_in_dim3A = arith.constant 0 : i32
    %broadcast_in_dim3A_1973 = vector.broadcast %broadcast_in_dim3A : i32 to vector<32x8x128xi32>
    %iota3A_1974 = tpu.iota {dimensions = array<i32: 0>} : vector<32x8x128xi32>
    %iota3A_1975 = tpu.iota {dimensions = array<i32: 1>} : vector<32x8x128xi32>
    %mul3A_1976 = arith.constant 8 : i32
    %mul3A_1977 = vector.broadcast %mul3A_1976 : i32 to vector<32x8x128xi32>
    %mul3A_1978 = arith.muli %iota3A_1974, %mul3A_1977 : vector<32x8x128xi32>
    %add3A_1979 = arith.constant 768 : i32
    %add3A_1980 = vector.broadcast %add3A_1979 : i32 to vector<32x8x128xi32>
    %add3A_1981 = arith.addi %add3A_1980, %mul3A_1978 : vector<32x8x128xi32>
    %add3A_1982 = arith.addi %add3A_1981, %iota3A_1975 : vector<32x8x128xi32>
    %concatenate3A_1983 = tpu.concatenate %select_n3A_1970, %broadcast_in_dim3A_1973 in 0 : vector<96x8x128xi32>, vector<32x8x128xi32> -> vector<128x8x128xi32>
    %concatenate3A_1984 = tpu.concatenate %select_n3A_1971, %add3A_1982 in 0 : vector<96x8x128xi32>, vector<32x8x128xi32> -> vector<128x8x128xi32>
    %broadcast_in_dim3A_1985 = arith.constant 0.000000e+00 : f32
    %broadcast_in_dim3A_1986 = vector.broadcast %broadcast_in_dim3A_1985 : f32 to vector<32x8x128xf32>
    %concatenate3A_1987 = tpu.concatenate %select_n3A_1972, %broadcast_in_dim3A_1986 in 0 : vector<96x8x128xf32>, vector<32x8x128xf32> -> vector<128x8x128xf32>
    %reshape3A_1988 = vector.shape_cast %concatenate3A_1983 : vector<128x8x128xi32> to vector<2x2x32x8x128xi32>
    %reshape3A_1989 = vector.shape_cast %concatenate3A_1984 : vector<128x8x128xi32> to vector<2x2x32x8x128xi32>
    %reshape3A_1990 = vector.shape_cast %concatenate3A_1987 : vector<128x8x128xf32> to vector<2x2x32x8x128xf32>
    %slice3A_1991 = vector.extract_strided_slice %reshape3A_1988 {offsets = [0, 0, 0, 0, 0], sizes = [2, 1, 32, 8, 128], strides = [1, 1, 1, 1, 1]} : vector<2x2x32x8x128xi32> to vector<2x1x32x8x128xi32>
    %squeeze3A_1992 = vector.shape_cast %slice3A_1991 : vector<2x1x32x8x128xi32> to vector<2x32x8x128xi32>
    %slice3A_1993 = vector.extract_strided_slice %reshape3A_1988 {offsets = [0, 1, 0, 0, 0], sizes = [2, 1, 32, 8, 128], strides = [1, 1, 1, 1, 1]} : vector<2x2x32x8x128xi32> to vector<2x1x32x8x128xi32>
    %squeeze3A_1994 = vector.shape_cast %slice3A_1993 : vector<2x1x32x8x128xi32> to vector<2x32x8x128xi32>
    %slice3A_1995 = vector.extract_strided_slice %reshape3A_1989 {offsets = [0, 0, 0, 0, 0], sizes = [2, 1, 32, 8, 128], strides = [1, 1, 1, 1, 1]} : vector<2x2x32x8x128xi32> to vector<2x1x32x8x128xi32>
    %squeeze3A_1996 = vector.shape_cast %slice3A_1995 : vector<2x1x32x8x128xi32> to vector<2x32x8x128xi32>
    %slice3A_1997 = vector.extract_strided_slice %reshape3A_1989 {offsets = [0, 1, 0, 0, 0], sizes = [2, 1, 32, 8, 128], strides = [1, 1, 1, 1, 1]} : vector<2x2x32x8x128xi32> to vector<2x1x32x8x128xi32>
    %squeeze3A_1998 = vector.shape_cast %slice3A_1997 : vector<2x1x32x8x128xi32> to vector<2x32x8x128xi32>
    %slice3A_1999 = vector.extract_strided_slice %reshape3A_1990 {offsets = [0, 0, 0, 0, 0], sizes = [2, 1, 32, 8, 128], strides = [1, 1, 1, 1, 1]} : vector<2x2x32x8x128xf32> to vector<2x1x32x8x128xf32>
    %squeeze3A_2000 = vector.shape_cast %slice3A_1999 : vector<2x1x32x8x128xf32> to vector<2x32x8x128xf32>
    %slice3A_2001 = vector.extract_strided_slice %reshape3A_1990 {offsets = [0, 1, 0, 0, 0], sizes = [2, 1, 32, 8, 128], strides = [1, 1, 1, 1, 1]} : vector<2x2x32x8x128xf32> to vector<2x1x32x8x128xf32>
    %squeeze3A_2002 = vector.shape_cast %slice3A_2001 : vector<2x1x32x8x128xf32> to vector<2x32x8x128xf32>
    %iota3A_2003 = tpu.iota {dimensions = array<i32: 0>} : vector<2x32x8x128xi32>
    %mul3A_2004 = arith.constant 2 : i32
    %mul3A_2005 = vector.broadcast %mul3A_2004 : i32 to vector<2x32x8x128xi32>
    %mul3A_2006 = arith.muli %iota3A_2003, %mul3A_2005 : vector<2x32x8x128xi32>
    %mul3A_2007 = arith.constant 256 : i32
    %mul3A_2008 = vector.broadcast %mul3A_2007 : i32 to vector<2x32x8x128xi32>
    %mul3A_2009 = arith.muli %mul3A_2006, %mul3A_2008 : vector<2x32x8x128xi32>
    %and3A_2010 = arith.constant 512 : i32
    %and3A_2011 = vector.broadcast %and3A_2010 : i32 to vector<2x32x8x128xi32>
    %and3A_2012 = arith.andi %mul3A_2009, %and3A_2011 : vector<2x32x8x128xi32>
    %eq3A_2013 = arith.constant 0 : i32
    %eq3A_2014 = vector.broadcast %eq3A_2013 : i32 to vector<2x32x8x128xi32>
    %eq3A_2015 = arith.cmpi eq, %and3A_2012, %eq3A_2014 : vector<2x32x8x128xi32>
    %gt3A_2016 = arith.cmpi sgt, %squeeze3A_1992, %squeeze3A_1994 : vector<2x32x8x128xi32>
    %eq3A_2017 = arith.cmpi eq, %squeeze3A_1992, %squeeze3A_1994 : vector<2x32x8x128xi32>
    %lt3A_2018 = arith.cmpi slt, %squeeze3A_1996, %squeeze3A_1998 : vector<2x32x8x128xi32>
    %and3A_2019 = arith.andi %eq3A_2017, %lt3A_2018 : vector<2x32x8x128xi1>
    %or3A_2020 = arith.ori %gt3A_2016, %and3A_2019 : vector<2x32x8x128xi1>
    %eq3A_2021 = arith.xori %or3A_2020, %eq3A_2015 : vector<2x32x8x128xi1>
    %eq3A_2022 = arith.constant dense<true> : vector<2x32x8x128xi1>
    %eq3A_2023 = arith.xori %eq3A_2021, %eq3A_2022 : vector<2x32x8x128xi1>
    %select_n3A_2024 = arith.select %eq3A_2023, %squeeze3A_1992, %squeeze3A_1994 : vector<2x32x8x128xi1>, vector<2x32x8x128xi32>
    %select_n3A_2025 = arith.select %eq3A_2023, %squeeze3A_1996, %squeeze3A_1998 : vector<2x32x8x128xi1>, vector<2x32x8x128xi32>
    %select_n3A_2026 = arith.select %eq3A_2023, %squeeze3A_2000, %squeeze3A_2002 : vector<2x32x8x128xi1>, vector<2x32x8x128xf32>
    %select_n3A_2027 = arith.select %eq3A_2023, %squeeze3A_1994, %squeeze3A_1992 : vector<2x32x8x128xi1>, vector<2x32x8x128xi32>
    %select_n3A_2028 = arith.select %eq3A_2023, %squeeze3A_1998, %squeeze3A_1996 : vector<2x32x8x128xi1>, vector<2x32x8x128xi32>
    %select_n3A_2029 = arith.select %eq3A_2023, %squeeze3A_2002, %squeeze3A_2000 : vector<2x32x8x128xi1>, vector<2x32x8x128xf32>
    %stack3A_2030 = vector.shape_cast %select_n3A_2024 : vector<2x32x8x128xi32> to vector<2x1x32x8x128xi32>
    %stack3A_2031 = vector.shape_cast %select_n3A_2027 : vector<2x32x8x128xi32> to vector<2x1x32x8x128xi32>
    %stack3A_2032 = tpu.concatenate %stack3A_2030, %stack3A_2031 in 1 : vector<2x1x32x8x128xi32>, vector<2x1x32x8x128xi32> -> vector<2x2x32x8x128xi32>
    %reshape3A_2033 = vector.shape_cast %stack3A_2032 : vector<2x2x32x8x128xi32> to vector<128x8x128xi32>
    %stack3A_2034 = vector.shape_cast %select_n3A_2025 : vector<2x32x8x128xi32> to vector<2x1x32x8x128xi32>
    %stack3A_2035 = vector.shape_cast %select_n3A_2028 : vector<2x32x8x128xi32> to vector<2x1x32x8x128xi32>
    %stack3A_2036 = tpu.concatenate %stack3A_2034, %stack3A_2035 in 1 : vector<2x1x32x8x128xi32>, vector<2x1x32x8x128xi32> -> vector<2x2x32x8x128xi32>
    %reshape3A_2037 = vector.shape_cast %stack3A_2036 : vector<2x2x32x8x128xi32> to vector<128x8x128xi32>
    %stack3A_2038 = vector.shape_cast %select_n3A_2026 : vector<2x32x8x128xf32> to vector<2x1x32x8x128xf32>
    %stack3A_2039 = vector.shape_cast %select_n3A_2029 : vector<2x32x8x128xf32> to vector<2x1x32x8x128xf32>
    %stack3A_2040 = tpu.concatenate %stack3A_2038, %stack3A_2039 in 1 : vector<2x1x32x8x128xf32>, vector<2x1x32x8x128xf32> -> vector<2x2x32x8x128xf32>
    %reshape3A_2041 = vector.shape_cast %stack3A_2040 : vector<2x2x32x8x128xf32> to vector<128x8x128xf32>
    %reshape3A_2042 = vector.shape_cast %reshape3A_2033 : vector<128x8x128xi32> to vector<4x2x16x8x128xi32>
    %reshape3A_2043 = vector.shape_cast %reshape3A_2037 : vector<128x8x128xi32> to vector<4x2x16x8x128xi32>
    %reshape3A_2044 = vector.shape_cast %reshape3A_2041 : vector<128x8x128xf32> to vector<4x2x16x8x128xf32>
    %slice3A_2045 = vector.extract_strided_slice %reshape3A_2042 {offsets = [0, 0, 0, 0, 0], sizes = [4, 1, 16, 8, 128], strides = [1, 1, 1, 1, 1]} : vector<4x2x16x8x128xi32> to vector<4x1x16x8x128xi32>
    %squeeze3A_2046 = vector.shape_cast %slice3A_2045 : vector<4x1x16x8x128xi32> to vector<4x16x8x128xi32>
    %slice3A_2047 = vector.extract_strided_slice %reshape3A_2042 {offsets = [0, 1, 0, 0, 0], sizes = [4, 1, 16, 8, 128], strides = [1, 1, 1, 1, 1]} : vector<4x2x16x8x128xi32> to vector<4x1x16x8x128xi32>
    %squeeze3A_2048 = vector.shape_cast %slice3A_2047 : vector<4x1x16x8x128xi32> to vector<4x16x8x128xi32>
    %slice3A_2049 = vector.extract_strided_slice %reshape3A_2043 {offsets = [0, 0, 0, 0, 0], sizes = [4, 1, 16, 8, 128], strides = [1, 1, 1, 1, 1]} : vector<4x2x16x8x128xi32> to vector<4x1x16x8x128xi32>
    %squeeze3A_2050 = vector.shape_cast %slice3A_2049 : vector<4x1x16x8x128xi32> to vector<4x16x8x128xi32>
    %slice3A_2051 = vector.extract_strided_slice %reshape3A_2043 {offsets = [0, 1, 0, 0, 0], sizes = [4, 1, 16, 8, 128], strides = [1, 1, 1, 1, 1]} : vector<4x2x16x8x128xi32> to vector<4x1x16x8x128xi32>
    %squeeze3A_2052 = vector.shape_cast %slice3A_2051 : vector<4x1x16x8x128xi32> to vector<4x16x8x128xi32>
    %slice3A_2053 = vector.extract_strided_slice %reshape3A_2044 {offsets = [0, 0, 0, 0, 0], sizes = [4, 1, 16, 8, 128], strides = [1, 1, 1, 1, 1]} : vector<4x2x16x8x128xf32> to vector<4x1x16x8x128xf32>
    %squeeze3A_2054 = vector.shape_cast %slice3A_2053 : vector<4x1x16x8x128xf32> to vector<4x16x8x128xf32>
    %slice3A_2055 = vector.extract_strided_slice %reshape3A_2044 {offsets = [0, 1, 0, 0, 0], sizes = [4, 1, 16, 8, 128], strides = [1, 1, 1, 1, 1]} : vector<4x2x16x8x128xf32> to vector<4x1x16x8x128xf32>
    %squeeze3A_2056 = vector.shape_cast %slice3A_2055 : vector<4x1x16x8x128xf32> to vector<4x16x8x128xf32>
    %iota3A_2057 = tpu.iota {dimensions = array<i32: 0>} : vector<4x16x8x128xi32>
    %mul3A_2058 = arith.constant 2 : i32
    %mul3A_2059 = vector.broadcast %mul3A_2058 : i32 to vector<4x16x8x128xi32>
    %mul3A_2060 = arith.muli %iota3A_2057, %mul3A_2059 : vector<4x16x8x128xi32>
    %mul3A_2061 = arith.constant 128 : i32
    %mul3A_2062 = vector.broadcast %mul3A_2061 : i32 to vector<4x16x8x128xi32>
    %mul3A_2063 = arith.muli %mul3A_2060, %mul3A_2062 : vector<4x16x8x128xi32>
    %and3A_2064 = arith.constant 512 : i32
    %and3A_2065 = vector.broadcast %and3A_2064 : i32 to vector<4x16x8x128xi32>
    %and3A_2066 = arith.andi %mul3A_2063, %and3A_2065 : vector<4x16x8x128xi32>
    %eq3A_2067 = arith.constant 0 : i32
    %eq3A_2068 = vector.broadcast %eq3A_2067 : i32 to vector<4x16x8x128xi32>
    %eq3A_2069 = arith.cmpi eq, %and3A_2066, %eq3A_2068 : vector<4x16x8x128xi32>
    %gt3A_2070 = arith.cmpi sgt, %squeeze3A_2046, %squeeze3A_2048 : vector<4x16x8x128xi32>
    %eq3A_2071 = arith.cmpi eq, %squeeze3A_2046, %squeeze3A_2048 : vector<4x16x8x128xi32>
    %lt3A_2072 = arith.cmpi slt, %squeeze3A_2050, %squeeze3A_2052 : vector<4x16x8x128xi32>
    %and3A_2073 = arith.andi %eq3A_2071, %lt3A_2072 : vector<4x16x8x128xi1>
    %or3A_2074 = arith.ori %gt3A_2070, %and3A_2073 : vector<4x16x8x128xi1>
    %eq3A_2075 = arith.xori %or3A_2074, %eq3A_2069 : vector<4x16x8x128xi1>
    %eq3A_2076 = arith.constant dense<true> : vector<4x16x8x128xi1>
    %eq3A_2077 = arith.xori %eq3A_2075, %eq3A_2076 : vector<4x16x8x128xi1>
    %select_n3A_2078 = arith.select %eq3A_2077, %squeeze3A_2046, %squeeze3A_2048 : vector<4x16x8x128xi1>, vector<4x16x8x128xi32>
    %select_n3A_2079 = arith.select %eq3A_2077, %squeeze3A_2050, %squeeze3A_2052 : vector<4x16x8x128xi1>, vector<4x16x8x128xi32>
    %select_n3A_2080 = arith.select %eq3A_2077, %squeeze3A_2054, %squeeze3A_2056 : vector<4x16x8x128xi1>, vector<4x16x8x128xf32>
    %select_n3A_2081 = arith.select %eq3A_2077, %squeeze3A_2048, %squeeze3A_2046 : vector<4x16x8x128xi1>, vector<4x16x8x128xi32>
    %select_n3A_2082 = arith.select %eq3A_2077, %squeeze3A_2052, %squeeze3A_2050 : vector<4x16x8x128xi1>, vector<4x16x8x128xi32>
    %select_n3A_2083 = arith.select %eq3A_2077, %squeeze3A_2056, %squeeze3A_2054 : vector<4x16x8x128xi1>, vector<4x16x8x128xf32>
    %stack3A_2084 = vector.shape_cast %select_n3A_2078 : vector<4x16x8x128xi32> to vector<4x1x16x8x128xi32>
    %stack3A_2085 = vector.shape_cast %select_n3A_2081 : vector<4x16x8x128xi32> to vector<4x1x16x8x128xi32>
    %stack3A_2086 = tpu.concatenate %stack3A_2084, %stack3A_2085 in 1 : vector<4x1x16x8x128xi32>, vector<4x1x16x8x128xi32> -> vector<4x2x16x8x128xi32>
    %reshape3A_2087 = vector.shape_cast %stack3A_2086 : vector<4x2x16x8x128xi32> to vector<128x8x128xi32>
    %stack3A_2088 = vector.shape_cast %select_n3A_2079 : vector<4x16x8x128xi32> to vector<4x1x16x8x128xi32>
    %stack3A_2089 = vector.shape_cast %select_n3A_2082 : vector<4x16x8x128xi32> to vector<4x1x16x8x128xi32>
    %stack3A_2090 = tpu.concatenate %stack3A_2088, %stack3A_2089 in 1 : vector<4x1x16x8x128xi32>, vector<4x1x16x8x128xi32> -> vector<4x2x16x8x128xi32>
    %reshape3A_2091 = vector.shape_cast %stack3A_2090 : vector<4x2x16x8x128xi32> to vector<128x8x128xi32>
    %stack3A_2092 = vector.shape_cast %select_n3A_2080 : vector<4x16x8x128xf32> to vector<4x1x16x8x128xf32>
    %stack3A_2093 = vector.shape_cast %select_n3A_2083 : vector<4x16x8x128xf32> to vector<4x1x16x8x128xf32>
    %stack3A_2094 = tpu.concatenate %stack3A_2092, %stack3A_2093 in 1 : vector<4x1x16x8x128xf32>, vector<4x1x16x8x128xf32> -> vector<4x2x16x8x128xf32>
    %reshape3A_2095 = vector.shape_cast %stack3A_2094 : vector<4x2x16x8x128xf32> to vector<128x8x128xf32>
    %reshape3A_2096 = vector.shape_cast %reshape3A_2087 : vector<128x8x128xi32> to vector<8x2x8x8x128xi32>
    %reshape3A_2097 = vector.shape_cast %reshape3A_2091 : vector<128x8x128xi32> to vector<8x2x8x8x128xi32>
    %reshape3A_2098 = vector.shape_cast %reshape3A_2095 : vector<128x8x128xf32> to vector<8x2x8x8x128xf32>
    %slice3A_2099 = vector.extract_strided_slice %reshape3A_2096 {offsets = [0, 0, 0, 0, 0], sizes = [8, 1, 8, 8, 128], strides = [1, 1, 1, 1, 1]} : vector<8x2x8x8x128xi32> to vector<8x1x8x8x128xi32>
    %squeeze3A_2100 = vector.shape_cast %slice3A_2099 : vector<8x1x8x8x128xi32> to vector<8x8x8x128xi32>
    %slice3A_2101 = vector.extract_strided_slice %reshape3A_2096 {offsets = [0, 1, 0, 0, 0], sizes = [8, 1, 8, 8, 128], strides = [1, 1, 1, 1, 1]} : vector<8x2x8x8x128xi32> to vector<8x1x8x8x128xi32>
    %squeeze3A_2102 = vector.shape_cast %slice3A_2101 : vector<8x1x8x8x128xi32> to vector<8x8x8x128xi32>
    %slice3A_2103 = vector.extract_strided_slice %reshape3A_2097 {offsets = [0, 0, 0, 0, 0], sizes = [8, 1, 8, 8, 128], strides = [1, 1, 1, 1, 1]} : vector<8x2x8x8x128xi32> to vector<8x1x8x8x128xi32>
    %squeeze3A_2104 = vector.shape_cast %slice3A_2103 : vector<8x1x8x8x128xi32> to vector<8x8x8x128xi32>
    %slice3A_2105 = vector.extract_strided_slice %reshape3A_2097 {offsets = [0, 1, 0, 0, 0], sizes = [8, 1, 8, 8, 128], strides = [1, 1, 1, 1, 1]} : vector<8x2x8x8x128xi32> to vector<8x1x8x8x128xi32>
    %squeeze3A_2106 = vector.shape_cast %slice3A_2105 : vector<8x1x8x8x128xi32> to vector<8x8x8x128xi32>
    %slice3A_2107 = vector.extract_strided_slice %reshape3A_2098 {offsets = [0, 0, 0, 0, 0], sizes = [8, 1, 8, 8, 128], strides = [1, 1, 1, 1, 1]} : vector<8x2x8x8x128xf32> to vector<8x1x8x8x128xf32>
    %squeeze3A_2108 = vector.shape_cast %slice3A_2107 : vector<8x1x8x8x128xf32> to vector<8x8x8x128xf32>
    %slice3A_2109 = vector.extract_strided_slice %reshape3A_2098 {offsets = [0, 1, 0, 0, 0], sizes = [8, 1, 8, 8, 128], strides = [1, 1, 1, 1, 1]} : vector<8x2x8x8x128xf32> to vector<8x1x8x8x128xf32>
    %squeeze3A_2110 = vector.shape_cast %slice3A_2109 : vector<8x1x8x8x128xf32> to vector<8x8x8x128xf32>
    %iota3A_2111 = tpu.iota {dimensions = array<i32: 0>} : vector<8x8x8x128xi32>
    %mul3A_2112 = arith.constant 2 : i32
    %mul3A_2113 = vector.broadcast %mul3A_2112 : i32 to vector<8x8x8x128xi32>
    %mul3A_2114 = arith.muli %iota3A_2111, %mul3A_2113 : vector<8x8x8x128xi32>
    %mul3A_2115 = arith.constant 64 : i32
    %mul3A_2116 = vector.broadcast %mul3A_2115 : i32 to vector<8x8x8x128xi32>
    %mul3A_2117 = arith.muli %mul3A_2114, %mul3A_2116 : vector<8x8x8x128xi32>
    %and3A_2118 = arith.constant 512 : i32
    %and3A_2119 = vector.broadcast %and3A_2118 : i32 to vector<8x8x8x128xi32>
    %and3A_2120 = arith.andi %mul3A_2117, %and3A_2119 : vector<8x8x8x128xi32>
    %eq3A_2121 = arith.constant 0 : i32
    %eq3A_2122 = vector.broadcast %eq3A_2121 : i32 to vector<8x8x8x128xi32>
    %eq3A_2123 = arith.cmpi eq, %and3A_2120, %eq3A_2122 : vector<8x8x8x128xi32>
    %gt3A_2124 = arith.cmpi sgt, %squeeze3A_2100, %squeeze3A_2102 : vector<8x8x8x128xi32>
    %eq3A_2125 = arith.cmpi eq, %squeeze3A_2100, %squeeze3A_2102 : vector<8x8x8x128xi32>
    %lt3A_2126 = arith.cmpi slt, %squeeze3A_2104, %squeeze3A_2106 : vector<8x8x8x128xi32>
    %and3A_2127 = arith.andi %eq3A_2125, %lt3A_2126 : vector<8x8x8x128xi1>
    %or3A_2128 = arith.ori %gt3A_2124, %and3A_2127 : vector<8x8x8x128xi1>
    %eq3A_2129 = arith.xori %or3A_2128, %eq3A_2123 : vector<8x8x8x128xi1>
    %eq3A_2130 = arith.constant dense<true> : vector<8x8x8x128xi1>
    %eq3A_2131 = arith.xori %eq3A_2129, %eq3A_2130 : vector<8x8x8x128xi1>
    %select_n3A_2132 = arith.select %eq3A_2131, %squeeze3A_2100, %squeeze3A_2102 : vector<8x8x8x128xi1>, vector<8x8x8x128xi32>
    %select_n3A_2133 = arith.select %eq3A_2131, %squeeze3A_2104, %squeeze3A_2106 : vector<8x8x8x128xi1>, vector<8x8x8x128xi32>
    %select_n3A_2134 = arith.select %eq3A_2131, %squeeze3A_2108, %squeeze3A_2110 : vector<8x8x8x128xi1>, vector<8x8x8x128xf32>
    %select_n3A_2135 = arith.select %eq3A_2131, %squeeze3A_2102, %squeeze3A_2100 : vector<8x8x8x128xi1>, vector<8x8x8x128xi32>
    %select_n3A_2136 = arith.select %eq3A_2131, %squeeze3A_2106, %squeeze3A_2104 : vector<8x8x8x128xi1>, vector<8x8x8x128xi32>
    %select_n3A_2137 = arith.select %eq3A_2131, %squeeze3A_2110, %squeeze3A_2108 : vector<8x8x8x128xi1>, vector<8x8x8x128xf32>
    %stack3A_2138 = vector.shape_cast %select_n3A_2132 : vector<8x8x8x128xi32> to vector<8x1x8x8x128xi32>
    %stack3A_2139 = vector.shape_cast %select_n3A_2135 : vector<8x8x8x128xi32> to vector<8x1x8x8x128xi32>
    %stack3A_2140 = tpu.concatenate %stack3A_2138, %stack3A_2139 in 1 : vector<8x1x8x8x128xi32>, vector<8x1x8x8x128xi32> -> vector<8x2x8x8x128xi32>
    %reshape3A_2141 = vector.shape_cast %stack3A_2140 : vector<8x2x8x8x128xi32> to vector<128x8x128xi32>
    %stack3A_2142 = vector.shape_cast %select_n3A_2133 : vector<8x8x8x128xi32> to vector<8x1x8x8x128xi32>
    %stack3A_2143 = vector.shape_cast %select_n3A_2136 : vector<8x8x8x128xi32> to vector<8x1x8x8x128xi32>
    %stack3A_2144 = tpu.concatenate %stack3A_2142, %stack3A_2143 in 1 : vector<8x1x8x8x128xi32>, vector<8x1x8x8x128xi32> -> vector<8x2x8x8x128xi32>
    %reshape3A_2145 = vector.shape_cast %stack3A_2144 : vector<8x2x8x8x128xi32> to vector<128x8x128xi32>
    %stack3A_2146 = vector.shape_cast %select_n3A_2134 : vector<8x8x8x128xf32> to vector<8x1x8x8x128xf32>
    %stack3A_2147 = vector.shape_cast %select_n3A_2137 : vector<8x8x8x128xf32> to vector<8x1x8x8x128xf32>
    %stack3A_2148 = tpu.concatenate %stack3A_2146, %stack3A_2147 in 1 : vector<8x1x8x8x128xf32>, vector<8x1x8x8x128xf32> -> vector<8x2x8x8x128xf32>
    %reshape3A_2149 = vector.shape_cast %stack3A_2148 : vector<8x2x8x8x128xf32> to vector<128x8x128xf32>
    %reshape3A_2150 = vector.shape_cast %reshape3A_2141 : vector<128x8x128xi32> to vector<16x2x4x8x128xi32>
    %reshape3A_2151 = vector.shape_cast %reshape3A_2145 : vector<128x8x128xi32> to vector<16x2x4x8x128xi32>
    %reshape3A_2152 = vector.shape_cast %reshape3A_2149 : vector<128x8x128xf32> to vector<16x2x4x8x128xf32>
    %slice3A_2153 = vector.extract_strided_slice %reshape3A_2150 {offsets = [0, 0, 0, 0, 0], sizes = [16, 1, 4, 8, 128], strides = [1, 1, 1, 1, 1]} : vector<16x2x4x8x128xi32> to vector<16x1x4x8x128xi32>
    %squeeze3A_2154 = vector.shape_cast %slice3A_2153 : vector<16x1x4x8x128xi32> to vector<16x4x8x128xi32>
    %slice3A_2155 = vector.extract_strided_slice %reshape3A_2150 {offsets = [0, 1, 0, 0, 0], sizes = [16, 1, 4, 8, 128], strides = [1, 1, 1, 1, 1]} : vector<16x2x4x8x128xi32> to vector<16x1x4x8x128xi32>
    %squeeze3A_2156 = vector.shape_cast %slice3A_2155 : vector<16x1x4x8x128xi32> to vector<16x4x8x128xi32>
    %slice3A_2157 = vector.extract_strided_slice %reshape3A_2151 {offsets = [0, 0, 0, 0, 0], sizes = [16, 1, 4, 8, 128], strides = [1, 1, 1, 1, 1]} : vector<16x2x4x8x128xi32> to vector<16x1x4x8x128xi32>
    %squeeze3A_2158 = vector.shape_cast %slice3A_2157 : vector<16x1x4x8x128xi32> to vector<16x4x8x128xi32>
    %slice3A_2159 = vector.extract_strided_slice %reshape3A_2151 {offsets = [0, 1, 0, 0, 0], sizes = [16, 1, 4, 8, 128], strides = [1, 1, 1, 1, 1]} : vector<16x2x4x8x128xi32> to vector<16x1x4x8x128xi32>
    %squeeze3A_2160 = vector.shape_cast %slice3A_2159 : vector<16x1x4x8x128xi32> to vector<16x4x8x128xi32>
    %slice3A_2161 = vector.extract_strided_slice %reshape3A_2152 {offsets = [0, 0, 0, 0, 0], sizes = [16, 1, 4, 8, 128], strides = [1, 1, 1, 1, 1]} : vector<16x2x4x8x128xf32> to vector<16x1x4x8x128xf32>
    %squeeze3A_2162 = vector.shape_cast %slice3A_2161 : vector<16x1x4x8x128xf32> to vector<16x4x8x128xf32>
    %slice3A_2163 = vector.extract_strided_slice %reshape3A_2152 {offsets = [0, 1, 0, 0, 0], sizes = [16, 1, 4, 8, 128], strides = [1, 1, 1, 1, 1]} : vector<16x2x4x8x128xf32> to vector<16x1x4x8x128xf32>
    %squeeze3A_2164 = vector.shape_cast %slice3A_2163 : vector<16x1x4x8x128xf32> to vector<16x4x8x128xf32>
    %iota3A_2165 = tpu.iota {dimensions = array<i32: 0>} : vector<16x4x8x128xi32>
    %mul3A_2166 = arith.constant 2 : i32
    %mul3A_2167 = vector.broadcast %mul3A_2166 : i32 to vector<16x4x8x128xi32>
    %mul3A_2168 = arith.muli %iota3A_2165, %mul3A_2167 : vector<16x4x8x128xi32>
    %mul3A_2169 = arith.constant 32 : i32
    %mul3A_2170 = vector.broadcast %mul3A_2169 : i32 to vector<16x4x8x128xi32>
    %mul3A_2171 = arith.muli %mul3A_2168, %mul3A_2170 : vector<16x4x8x128xi32>
    %and3A_2172 = arith.constant 512 : i32
    %and3A_2173 = vector.broadcast %and3A_2172 : i32 to vector<16x4x8x128xi32>
    %and3A_2174 = arith.andi %mul3A_2171, %and3A_2173 : vector<16x4x8x128xi32>
    %eq3A_2175 = arith.constant 0 : i32
    %eq3A_2176 = vector.broadcast %eq3A_2175 : i32 to vector<16x4x8x128xi32>
    %eq3A_2177 = arith.cmpi eq, %and3A_2174, %eq3A_2176 : vector<16x4x8x128xi32>
    %gt3A_2178 = arith.cmpi sgt, %squeeze3A_2154, %squeeze3A_2156 : vector<16x4x8x128xi32>
    %eq3A_2179 = arith.cmpi eq, %squeeze3A_2154, %squeeze3A_2156 : vector<16x4x8x128xi32>
    %lt3A_2180 = arith.cmpi slt, %squeeze3A_2158, %squeeze3A_2160 : vector<16x4x8x128xi32>
    %and3A_2181 = arith.andi %eq3A_2179, %lt3A_2180 : vector<16x4x8x128xi1>
    %or3A_2182 = arith.ori %gt3A_2178, %and3A_2181 : vector<16x4x8x128xi1>
    %eq3A_2183 = arith.xori %or3A_2182, %eq3A_2177 : vector<16x4x8x128xi1>
    %eq3A_2184 = arith.constant dense<true> : vector<16x4x8x128xi1>
    %eq3A_2185 = arith.xori %eq3A_2183, %eq3A_2184 : vector<16x4x8x128xi1>
    %select_n3A_2186 = arith.select %eq3A_2185, %squeeze3A_2154, %squeeze3A_2156 : vector<16x4x8x128xi1>, vector<16x4x8x128xi32>
    %select_n3A_2187 = arith.select %eq3A_2185, %squeeze3A_2158, %squeeze3A_2160 : vector<16x4x8x128xi1>, vector<16x4x8x128xi32>
    %select_n3A_2188 = arith.select %eq3A_2185, %squeeze3A_2162, %squeeze3A_2164 : vector<16x4x8x128xi1>, vector<16x4x8x128xf32>
    %select_n3A_2189 = arith.select %eq3A_2185, %squeeze3A_2156, %squeeze3A_2154 : vector<16x4x8x128xi1>, vector<16x4x8x128xi32>
    %select_n3A_2190 = arith.select %eq3A_2185, %squeeze3A_2160, %squeeze3A_2158 : vector<16x4x8x128xi1>, vector<16x4x8x128xi32>
    %select_n3A_2191 = arith.select %eq3A_2185, %squeeze3A_2164, %squeeze3A_2162 : vector<16x4x8x128xi1>, vector<16x4x8x128xf32>
    %stack3A_2192 = vector.shape_cast %select_n3A_2186 : vector<16x4x8x128xi32> to vector<16x1x4x8x128xi32>
    %stack3A_2193 = vector.shape_cast %select_n3A_2189 : vector<16x4x8x128xi32> to vector<16x1x4x8x128xi32>
    %stack3A_2194 = tpu.concatenate %stack3A_2192, %stack3A_2193 in 1 : vector<16x1x4x8x128xi32>, vector<16x1x4x8x128xi32> -> vector<16x2x4x8x128xi32>
    %reshape3A_2195 = vector.shape_cast %stack3A_2194 : vector<16x2x4x8x128xi32> to vector<128x8x128xi32>
    %stack3A_2196 = vector.shape_cast %select_n3A_2187 : vector<16x4x8x128xi32> to vector<16x1x4x8x128xi32>
    %stack3A_2197 = vector.shape_cast %select_n3A_2190 : vector<16x4x8x128xi32> to vector<16x1x4x8x128xi32>
    %stack3A_2198 = tpu.concatenate %stack3A_2196, %stack3A_2197 in 1 : vector<16x1x4x8x128xi32>, vector<16x1x4x8x128xi32> -> vector<16x2x4x8x128xi32>
    %reshape3A_2199 = vector.shape_cast %stack3A_2198 : vector<16x2x4x8x128xi32> to vector<128x8x128xi32>
    %stack3A_2200 = vector.shape_cast %select_n3A_2188 : vector<16x4x8x128xf32> to vector<16x1x4x8x128xf32>
    %stack3A_2201 = vector.shape_cast %select_n3A_2191 : vector<16x4x8x128xf32> to vector<16x1x4x8x128xf32>
    %stack3A_2202 = tpu.concatenate %stack3A_2200, %stack3A_2201 in 1 : vector<16x1x4x8x128xf32>, vector<16x1x4x8x128xf32> -> vector<16x2x4x8x128xf32>
    %reshape3A_2203 = vector.shape_cast %stack3A_2202 : vector<16x2x4x8x128xf32> to vector<128x8x128xf32>
    %reshape3A_2204 = vector.shape_cast %reshape3A_2195 : vector<128x8x128xi32> to vector<32x2x2x8x128xi32>
    %reshape3A_2205 = vector.shape_cast %reshape3A_2199 : vector<128x8x128xi32> to vector<32x2x2x8x128xi32>
    %reshape3A_2206 = vector.shape_cast %reshape3A_2203 : vector<128x8x128xf32> to vector<32x2x2x8x128xf32>
    %slice3A_2207 = vector.extract_strided_slice %reshape3A_2204 {offsets = [0, 0, 0, 0, 0], sizes = [32, 1, 2, 8, 128], strides = [1, 1, 1, 1, 1]} : vector<32x2x2x8x128xi32> to vector<32x1x2x8x128xi32>
    %squeeze3A_2208 = vector.shape_cast %slice3A_2207 : vector<32x1x2x8x128xi32> to vector<32x2x8x128xi32>
    %slice3A_2209 = vector.extract_strided_slice %reshape3A_2204 {offsets = [0, 1, 0, 0, 0], sizes = [32, 1, 2, 8, 128], strides = [1, 1, 1, 1, 1]} : vector<32x2x2x8x128xi32> to vector<32x1x2x8x128xi32>
    %squeeze3A_2210 = vector.shape_cast %slice3A_2209 : vector<32x1x2x8x128xi32> to vector<32x2x8x128xi32>
    %slice3A_2211 = vector.extract_strided_slice %reshape3A_2205 {offsets = [0, 0, 0, 0, 0], sizes = [32, 1, 2, 8, 128], strides = [1, 1, 1, 1, 1]} : vector<32x2x2x8x128xi32> to vector<32x1x2x8x128xi32>
    %squeeze3A_2212 = vector.shape_cast %slice3A_2211 : vector<32x1x2x8x128xi32> to vector<32x2x8x128xi32>
    %slice3A_2213 = vector.extract_strided_slice %reshape3A_2205 {offsets = [0, 1, 0, 0, 0], sizes = [32, 1, 2, 8, 128], strides = [1, 1, 1, 1, 1]} : vector<32x2x2x8x128xi32> to vector<32x1x2x8x128xi32>
    %squeeze3A_2214 = vector.shape_cast %slice3A_2213 : vector<32x1x2x8x128xi32> to vector<32x2x8x128xi32>
    %slice3A_2215 = vector.extract_strided_slice %reshape3A_2206 {offsets = [0, 0, 0, 0, 0], sizes = [32, 1, 2, 8, 128], strides = [1, 1, 1, 1, 1]} : vector<32x2x2x8x128xf32> to vector<32x1x2x8x128xf32>
    %squeeze3A_2216 = vector.shape_cast %slice3A_2215 : vector<32x1x2x8x128xf32> to vector<32x2x8x128xf32>
    %slice3A_2217 = vector.extract_strided_slice %reshape3A_2206 {offsets = [0, 1, 0, 0, 0], sizes = [32, 1, 2, 8, 128], strides = [1, 1, 1, 1, 1]} : vector<32x2x2x8x128xf32> to vector<32x1x2x8x128xf32>
    %squeeze3A_2218 = vector.shape_cast %slice3A_2217 : vector<32x1x2x8x128xf32> to vector<32x2x8x128xf32>
    %iota3A_2219 = tpu.iota {dimensions = array<i32: 0>} : vector<32x2x8x128xi32>
    %mul3A_2220 = arith.constant 2 : i32
    %mul3A_2221 = vector.broadcast %mul3A_2220 : i32 to vector<32x2x8x128xi32>
    %mul3A_2222 = arith.muli %iota3A_2219, %mul3A_2221 : vector<32x2x8x128xi32>
    %mul3A_2223 = arith.constant 16 : i32
    %mul3A_2224 = vector.broadcast %mul3A_2223 : i32 to vector<32x2x8x128xi32>
    %mul3A_2225 = arith.muli %mul3A_2222, %mul3A_2224 : vector<32x2x8x128xi32>
    %and3A_2226 = arith.constant 512 : i32
    %and3A_2227 = vector.broadcast %and3A_2226 : i32 to vector<32x2x8x128xi32>
    %and3A_2228 = arith.andi %mul3A_2225, %and3A_2227 : vector<32x2x8x128xi32>
    %eq3A_2229 = arith.constant 0 : i32
    %eq3A_2230 = vector.broadcast %eq3A_2229 : i32 to vector<32x2x8x128xi32>
    %eq3A_2231 = arith.cmpi eq, %and3A_2228, %eq3A_2230 : vector<32x2x8x128xi32>
    %gt3A_2232 = arith.cmpi sgt, %squeeze3A_2208, %squeeze3A_2210 : vector<32x2x8x128xi32>
    %eq3A_2233 = arith.cmpi eq, %squeeze3A_2208, %squeeze3A_2210 : vector<32x2x8x128xi32>
    %lt3A_2234 = arith.cmpi slt, %squeeze3A_2212, %squeeze3A_2214 : vector<32x2x8x128xi32>
    %and3A_2235 = arith.andi %eq3A_2233, %lt3A_2234 : vector<32x2x8x128xi1>
    %or3A_2236 = arith.ori %gt3A_2232, %and3A_2235 : vector<32x2x8x128xi1>
    %eq3A_2237 = arith.xori %or3A_2236, %eq3A_2231 : vector<32x2x8x128xi1>
    %eq3A_2238 = arith.constant dense<true> : vector<32x2x8x128xi1>
    %eq3A_2239 = arith.xori %eq3A_2237, %eq3A_2238 : vector<32x2x8x128xi1>
    %select_n3A_2240 = arith.select %eq3A_2239, %squeeze3A_2208, %squeeze3A_2210 : vector<32x2x8x128xi1>, vector<32x2x8x128xi32>
    %select_n3A_2241 = arith.select %eq3A_2239, %squeeze3A_2212, %squeeze3A_2214 : vector<32x2x8x128xi1>, vector<32x2x8x128xi32>
    %select_n3A_2242 = arith.select %eq3A_2239, %squeeze3A_2216, %squeeze3A_2218 : vector<32x2x8x128xi1>, vector<32x2x8x128xf32>
    %select_n3A_2243 = arith.select %eq3A_2239, %squeeze3A_2210, %squeeze3A_2208 : vector<32x2x8x128xi1>, vector<32x2x8x128xi32>
    %select_n3A_2244 = arith.select %eq3A_2239, %squeeze3A_2214, %squeeze3A_2212 : vector<32x2x8x128xi1>, vector<32x2x8x128xi32>
    %select_n3A_2245 = arith.select %eq3A_2239, %squeeze3A_2218, %squeeze3A_2216 : vector<32x2x8x128xi1>, vector<32x2x8x128xf32>
    %stack3A_2246 = vector.shape_cast %select_n3A_2240 : vector<32x2x8x128xi32> to vector<32x1x2x8x128xi32>
    %stack3A_2247 = vector.shape_cast %select_n3A_2243 : vector<32x2x8x128xi32> to vector<32x1x2x8x128xi32>
    %stack3A_2248 = tpu.concatenate %stack3A_2246, %stack3A_2247 in 1 : vector<32x1x2x8x128xi32>, vector<32x1x2x8x128xi32> -> vector<32x2x2x8x128xi32>
    %reshape3A_2249 = vector.shape_cast %stack3A_2248 : vector<32x2x2x8x128xi32> to vector<128x8x128xi32>
    %stack3A_2250 = vector.shape_cast %select_n3A_2241 : vector<32x2x8x128xi32> to vector<32x1x2x8x128xi32>
    %stack3A_2251 = vector.shape_cast %select_n3A_2244 : vector<32x2x8x128xi32> to vector<32x1x2x8x128xi32>
    %stack3A_2252 = tpu.concatenate %stack3A_2250, %stack3A_2251 in 1 : vector<32x1x2x8x128xi32>, vector<32x1x2x8x128xi32> -> vector<32x2x2x8x128xi32>
    %reshape3A_2253 = vector.shape_cast %stack3A_2252 : vector<32x2x2x8x128xi32> to vector<128x8x128xi32>
    %stack3A_2254 = vector.shape_cast %select_n3A_2242 : vector<32x2x8x128xf32> to vector<32x1x2x8x128xf32>
    %stack3A_2255 = vector.shape_cast %select_n3A_2245 : vector<32x2x8x128xf32> to vector<32x1x2x8x128xf32>
    %stack3A_2256 = tpu.concatenate %stack3A_2254, %stack3A_2255 in 1 : vector<32x1x2x8x128xf32>, vector<32x1x2x8x128xf32> -> vector<32x2x2x8x128xf32>
    %reshape3A_2257 = vector.shape_cast %stack3A_2256 : vector<32x2x2x8x128xf32> to vector<128x8x128xf32>
    %reshape3A_2258 = vector.shape_cast %reshape3A_2249 : vector<128x8x128xi32> to vector<64x2x1x8x128xi32>
    %reshape3A_2259 = vector.shape_cast %reshape3A_2253 : vector<128x8x128xi32> to vector<64x2x1x8x128xi32>
    %reshape3A_2260 = vector.shape_cast %reshape3A_2257 : vector<128x8x128xf32> to vector<64x2x1x8x128xf32>
    %slice3A_2261 = vector.extract_strided_slice %reshape3A_2258 {offsets = [0, 0, 0, 0, 0], sizes = [64, 1, 1, 8, 128], strides = [1, 1, 1, 1, 1]} : vector<64x2x1x8x128xi32> to vector<64x1x1x8x128xi32>
    %squeeze3A_2262 = vector.shape_cast %slice3A_2261 : vector<64x1x1x8x128xi32> to vector<64x1x8x128xi32>
    %slice3A_2263 = vector.extract_strided_slice %reshape3A_2258 {offsets = [0, 1, 0, 0, 0], sizes = [64, 1, 1, 8, 128], strides = [1, 1, 1, 1, 1]} : vector<64x2x1x8x128xi32> to vector<64x1x1x8x128xi32>
    %squeeze3A_2264 = vector.shape_cast %slice3A_2263 : vector<64x1x1x8x128xi32> to vector<64x1x8x128xi32>
    %slice3A_2265 = vector.extract_strided_slice %reshape3A_2259 {offsets = [0, 0, 0, 0, 0], sizes = [64, 1, 1, 8, 128], strides = [1, 1, 1, 1, 1]} : vector<64x2x1x8x128xi32> to vector<64x1x1x8x128xi32>
    %squeeze3A_2266 = vector.shape_cast %slice3A_2265 : vector<64x1x1x8x128xi32> to vector<64x1x8x128xi32>
    %slice3A_2267 = vector.extract_strided_slice %reshape3A_2259 {offsets = [0, 1, 0, 0, 0], sizes = [64, 1, 1, 8, 128], strides = [1, 1, 1, 1, 1]} : vector<64x2x1x8x128xi32> to vector<64x1x1x8x128xi32>
    %squeeze3A_2268 = vector.shape_cast %slice3A_2267 : vector<64x1x1x8x128xi32> to vector<64x1x8x128xi32>
    %slice3A_2269 = vector.extract_strided_slice %reshape3A_2260 {offsets = [0, 0, 0, 0, 0], sizes = [64, 1, 1, 8, 128], strides = [1, 1, 1, 1, 1]} : vector<64x2x1x8x128xf32> to vector<64x1x1x8x128xf32>
    %squeeze3A_2270 = vector.shape_cast %slice3A_2269 : vector<64x1x1x8x128xf32> to vector<64x1x8x128xf32>
    %slice3A_2271 = vector.extract_strided_slice %reshape3A_2260 {offsets = [0, 1, 0, 0, 0], sizes = [64, 1, 1, 8, 128], strides = [1, 1, 1, 1, 1]} : vector<64x2x1x8x128xf32> to vector<64x1x1x8x128xf32>
    %squeeze3A_2272 = vector.shape_cast %slice3A_2271 : vector<64x1x1x8x128xf32> to vector<64x1x8x128xf32>
    %iota3A_2273 = tpu.iota {dimensions = array<i32: 0>} : vector<64x1x8x128xi32>
    %mul3A_2274 = arith.constant 2 : i32
    %mul3A_2275 = vector.broadcast %mul3A_2274 : i32 to vector<64x1x8x128xi32>
    %mul3A_2276 = arith.muli %iota3A_2273, %mul3A_2275 : vector<64x1x8x128xi32>
    %mul3A_2277 = arith.constant 8 : i32
    %mul3A_2278 = vector.broadcast %mul3A_2277 : i32 to vector<64x1x8x128xi32>
    %mul3A_2279 = arith.muli %mul3A_2276, %mul3A_2278 : vector<64x1x8x128xi32>
    %and3A_2280 = arith.constant 512 : i32
    %and3A_2281 = vector.broadcast %and3A_2280 : i32 to vector<64x1x8x128xi32>
    %and3A_2282 = arith.andi %mul3A_2279, %and3A_2281 : vector<64x1x8x128xi32>
    %eq3A_2283 = arith.constant 0 : i32
    %eq3A_2284 = vector.broadcast %eq3A_2283 : i32 to vector<64x1x8x128xi32>
    %eq3A_2285 = arith.cmpi eq, %and3A_2282, %eq3A_2284 : vector<64x1x8x128xi32>
    %gt3A_2286 = arith.cmpi sgt, %squeeze3A_2262, %squeeze3A_2264 : vector<64x1x8x128xi32>
    %eq3A_2287 = arith.cmpi eq, %squeeze3A_2262, %squeeze3A_2264 : vector<64x1x8x128xi32>
    %lt3A_2288 = arith.cmpi slt, %squeeze3A_2266, %squeeze3A_2268 : vector<64x1x8x128xi32>
    %and3A_2289 = arith.andi %eq3A_2287, %lt3A_2288 : vector<64x1x8x128xi1>
    %or3A_2290 = arith.ori %gt3A_2286, %and3A_2289 : vector<64x1x8x128xi1>
    %eq3A_2291 = arith.xori %or3A_2290, %eq3A_2285 : vector<64x1x8x128xi1>
    %eq3A_2292 = arith.constant dense<true> : vector<64x1x8x128xi1>
    %eq3A_2293 = arith.xori %eq3A_2291, %eq3A_2292 : vector<64x1x8x128xi1>
    %select_n3A_2294 = arith.select %eq3A_2293, %squeeze3A_2262, %squeeze3A_2264 : vector<64x1x8x128xi1>, vector<64x1x8x128xi32>
    %select_n3A_2295 = arith.select %eq3A_2293, %squeeze3A_2266, %squeeze3A_2268 : vector<64x1x8x128xi1>, vector<64x1x8x128xi32>
    %select_n3A_2296 = arith.select %eq3A_2293, %squeeze3A_2270, %squeeze3A_2272 : vector<64x1x8x128xi1>, vector<64x1x8x128xf32>
    %select_n3A_2297 = arith.select %eq3A_2293, %squeeze3A_2264, %squeeze3A_2262 : vector<64x1x8x128xi1>, vector<64x1x8x128xi32>
    %select_n3A_2298 = arith.select %eq3A_2293, %squeeze3A_2268, %squeeze3A_2266 : vector<64x1x8x128xi1>, vector<64x1x8x128xi32>
    %select_n3A_2299 = arith.select %eq3A_2293, %squeeze3A_2272, %squeeze3A_2270 : vector<64x1x8x128xi1>, vector<64x1x8x128xf32>
    %stack3A_2300 = vector.shape_cast %select_n3A_2294 : vector<64x1x8x128xi32> to vector<64x1x1x8x128xi32>
    %stack3A_2301 = vector.shape_cast %select_n3A_2297 : vector<64x1x8x128xi32> to vector<64x1x1x8x128xi32>
    %stack3A_2302 = tpu.concatenate %stack3A_2300, %stack3A_2301 in 1 : vector<64x1x1x8x128xi32>, vector<64x1x1x8x128xi32> -> vector<64x2x1x8x128xi32>
    %reshape3A_2303 = vector.shape_cast %stack3A_2302 : vector<64x2x1x8x128xi32> to vector<128x8x128xi32>
    %stack3A_2304 = vector.shape_cast %select_n3A_2295 : vector<64x1x8x128xi32> to vector<64x1x1x8x128xi32>
    %stack3A_2305 = vector.shape_cast %select_n3A_2298 : vector<64x1x8x128xi32> to vector<64x1x1x8x128xi32>
    %stack3A_2306 = tpu.concatenate %stack3A_2304, %stack3A_2305 in 1 : vector<64x1x1x8x128xi32>, vector<64x1x1x8x128xi32> -> vector<64x2x1x8x128xi32>
    %reshape3A_2307 = vector.shape_cast %stack3A_2306 : vector<64x2x1x8x128xi32> to vector<128x8x128xi32>
    %stack3A_2308 = vector.shape_cast %select_n3A_2296 : vector<64x1x8x128xf32> to vector<64x1x1x8x128xf32>
    %stack3A_2309 = vector.shape_cast %select_n3A_2299 : vector<64x1x8x128xf32> to vector<64x1x1x8x128xf32>
    %stack3A_2310 = tpu.concatenate %stack3A_2308, %stack3A_2309 in 1 : vector<64x1x1x8x128xf32>, vector<64x1x1x8x128xf32> -> vector<64x2x1x8x128xf32>
    %reshape3A_2311 = vector.shape_cast %stack3A_2310 : vector<64x2x1x8x128xf32> to vector<128x8x128xf32>
    %iota3A_2312 = tpu.iota {dimensions = array<i32: 1>} : vector<128x8x128xi32>
    %iota3A_2313 = tpu.iota {dimensions = array<i32: 0>} : vector<128x8x128xi32>
    %mul3A_2314 = arith.constant 8 : i32
    %mul3A_2315 = vector.broadcast %mul3A_2314 : i32 to vector<128x8x128xi32>
    %mul3A_2316 = arith.muli %iota3A_2313, %mul3A_2315 : vector<128x8x128xi32>
    %add3A_2317 = arith.addi %mul3A_2316, %iota3A_2312 : vector<128x8x128xi32>
    %and3A_2318 = arith.constant 4 : i32
    %and3A_2319 = vector.broadcast %and3A_2318 : i32 to vector<128x8x128xi32>
    %and3A_2320 = arith.andi %iota3A_2312, %and3A_2319 : vector<128x8x128xi32>
    %ne3A_2321 = arith.constant 0 : i32
    %ne3A_2322 = vector.broadcast %ne3A_2321 : i32 to vector<128x8x128xi32>
    %ne3A_2323 = arith.cmpi ne, %and3A_2320, %ne3A_2322 : vector<128x8x128xi32>
    %and3A_2324 = arith.constant 512 : i32
    %and3A_2325 = vector.broadcast %and3A_2324 : i32 to vector<128x8x128xi32>
    %and3A_2326 = arith.andi %add3A_2317, %and3A_2325 : vector<128x8x128xi32>
    %eq3A_2327 = arith.constant 0 : i32
    %eq3A_2328 = vector.broadcast %eq3A_2327 : i32 to vector<128x8x128xi32>
    %eq3A_2329 = arith.cmpi eq, %and3A_2326, %eq3A_2328 : vector<128x8x128xi32>
    %slice3A_2330 = vector.extract_strided_slice %reshape3A_2303 {offsets = [0, 4, 0], sizes = [128, 4, 128], strides = [1, 1, 1]} : vector<128x8x128xi32> to vector<128x4x128xi32>
    %slice3A_2331 = vector.extract_strided_slice %reshape3A_2303 {offsets = [0, 0, 0], sizes = [128, 4, 128], strides = [1, 1, 1]} : vector<128x8x128xi32> to vector<128x4x128xi32>
    %concatenate3A_2332 = tpu.concatenate %slice3A_2330, %slice3A_2331 in 1 : vector<128x4x128xi32>, vector<128x4x128xi32> -> vector<128x8x128xi32>
    %slice3A_2333 = vector.extract_strided_slice %reshape3A_2303 {offsets = [0, 4, 0], sizes = [128, 4, 128], strides = [1, 1, 1]} : vector<128x8x128xi32> to vector<128x4x128xi32>
    %slice3A_2334 = vector.extract_strided_slice %reshape3A_2303 {offsets = [0, 0, 0], sizes = [128, 4, 128], strides = [1, 1, 1]} : vector<128x8x128xi32> to vector<128x4x128xi32>
    %concatenate3A_2335 = tpu.concatenate %slice3A_2333, %slice3A_2334 in 1 : vector<128x4x128xi32>, vector<128x4x128xi32> -> vector<128x8x128xi32>
    %select_n3A_2336 = arith.select %ne3A_2323, %concatenate3A_2332, %concatenate3A_2335 : vector<128x8x128xi1>, vector<128x8x128xi32>
    %slice3A_2337 = vector.extract_strided_slice %reshape3A_2307 {offsets = [0, 4, 0], sizes = [128, 4, 128], strides = [1, 1, 1]} : vector<128x8x128xi32> to vector<128x4x128xi32>
    %slice3A_2338 = vector.extract_strided_slice %reshape3A_2307 {offsets = [0, 0, 0], sizes = [128, 4, 128], strides = [1, 1, 1]} : vector<128x8x128xi32> to vector<128x4x128xi32>
    %concatenate3A_2339 = tpu.concatenate %slice3A_2337, %slice3A_2338 in 1 : vector<128x4x128xi32>, vector<128x4x128xi32> -> vector<128x8x128xi32>
    %slice3A_2340 = vector.extract_strided_slice %reshape3A_2307 {offsets = [0, 4, 0], sizes = [128, 4, 128], strides = [1, 1, 1]} : vector<128x8x128xi32> to vector<128x4x128xi32>
    %slice3A_2341 = vector.extract_strided_slice %reshape3A_2307 {offsets = [0, 0, 0], sizes = [128, 4, 128], strides = [1, 1, 1]} : vector<128x8x128xi32> to vector<128x4x128xi32>
    %concatenate3A_2342 = tpu.concatenate %slice3A_2340, %slice3A_2341 in 1 : vector<128x4x128xi32>, vector<128x4x128xi32> -> vector<128x8x128xi32>
    %select_n3A_2343 = arith.select %ne3A_2323, %concatenate3A_2339, %concatenate3A_2342 : vector<128x8x128xi1>, vector<128x8x128xi32>
    %slice3A_2344 = vector.extract_strided_slice %reshape3A_2311 {offsets = [0, 4, 0], sizes = [128, 4, 128], strides = [1, 1, 1]} : vector<128x8x128xf32> to vector<128x4x128xf32>
    %slice3A_2345 = vector.extract_strided_slice %reshape3A_2311 {offsets = [0, 0, 0], sizes = [128, 4, 128], strides = [1, 1, 1]} : vector<128x8x128xf32> to vector<128x4x128xf32>
    %concatenate3A_2346 = tpu.concatenate %slice3A_2344, %slice3A_2345 in 1 : vector<128x4x128xf32>, vector<128x4x128xf32> -> vector<128x8x128xf32>
    %slice3A_2347 = vector.extract_strided_slice %reshape3A_2311 {offsets = [0, 4, 0], sizes = [128, 4, 128], strides = [1, 1, 1]} : vector<128x8x128xf32> to vector<128x4x128xf32>
    %slice3A_2348 = vector.extract_strided_slice %reshape3A_2311 {offsets = [0, 0, 0], sizes = [128, 4, 128], strides = [1, 1, 1]} : vector<128x8x128xf32> to vector<128x4x128xf32>
    %concatenate3A_2349 = tpu.concatenate %slice3A_2347, %slice3A_2348 in 1 : vector<128x4x128xf32>, vector<128x4x128xf32> -> vector<128x8x128xf32>
    %select_n3A_2350 = arith.select %ne3A_2323, %concatenate3A_2346, %concatenate3A_2349 : vector<128x8x128xi1>, vector<128x8x128xf32>
    %gt3A_2351 = arith.cmpi sgt, %reshape3A_2303, %select_n3A_2336 : vector<128x8x128xi32>
    %eq3A_2352 = arith.cmpi eq, %reshape3A_2303, %select_n3A_2336 : vector<128x8x128xi32>
    %lt3A_2353 = arith.cmpi slt, %reshape3A_2307, %select_n3A_2343 : vector<128x8x128xi32>
    %and3A_2354 = arith.andi %eq3A_2352, %lt3A_2353 : vector<128x8x128xi1>
    %or3A_2355 = arith.ori %gt3A_2351, %and3A_2354 : vector<128x8x128xi1>
    %not3A_2356 = arith.constant dense<true> : vector<128x8x128xi1>
    %not3A_2357 = arith.xori %ne3A_2323, %not3A_2356 : vector<128x8x128xi1>
    %eq3A_2358 = arith.xori %not3A_2357, %eq3A_2329 : vector<128x8x128xi1>
    %eq3A_2359 = arith.constant dense<true> : vector<128x8x128xi1>
    %eq3A_2360 = arith.xori %eq3A_2358, %eq3A_2359 : vector<128x8x128xi1>
    %eq3A_2361 = arith.xori %or3A_2355, %eq3A_2360 : vector<128x8x128xi1>
    %eq3A_2362 = arith.constant dense<true> : vector<128x8x128xi1>
    %eq3A_2363 = arith.xori %eq3A_2361, %eq3A_2362 : vector<128x8x128xi1>
    %select_n3A_2364 = arith.select %eq3A_2363, %reshape3A_2303, %select_n3A_2336 : vector<128x8x128xi1>, vector<128x8x128xi32>
    %select_n3A_2365 = arith.select %eq3A_2363, %reshape3A_2307, %select_n3A_2343 : vector<128x8x128xi1>, vector<128x8x128xi32>
    %select_n3A_2366 = arith.select %eq3A_2363, %reshape3A_2311, %select_n3A_2350 : vector<128x8x128xi1>, vector<128x8x128xf32>
    %iota3A_2367 = tpu.iota {dimensions = array<i32: 1>} : vector<128x8x128xi32>
    %iota3A_2368 = tpu.iota {dimensions = array<i32: 0>} : vector<128x8x128xi32>
    %mul3A_2369 = arith.constant 8 : i32
    %mul3A_2370 = vector.broadcast %mul3A_2369 : i32 to vector<128x8x128xi32>
    %mul3A_2371 = arith.muli %iota3A_2368, %mul3A_2370 : vector<128x8x128xi32>
    %add3A_2372 = arith.addi %mul3A_2371, %iota3A_2367 : vector<128x8x128xi32>
    %and3A_2373 = arith.constant 2 : i32
    %and3A_2374 = vector.broadcast %and3A_2373 : i32 to vector<128x8x128xi32>
    %and3A_2375 = arith.andi %iota3A_2367, %and3A_2374 : vector<128x8x128xi32>
    %ne3A_2376 = arith.constant 0 : i32
    %ne3A_2377 = vector.broadcast %ne3A_2376 : i32 to vector<128x8x128xi32>
    %ne3A_2378 = arith.cmpi ne, %and3A_2375, %ne3A_2377 : vector<128x8x128xi32>
    %and3A_2379 = arith.constant 512 : i32
    %and3A_2380 = vector.broadcast %and3A_2379 : i32 to vector<128x8x128xi32>
    %and3A_2381 = arith.andi %add3A_2372, %and3A_2380 : vector<128x8x128xi32>
    %eq3A_2382 = arith.constant 0 : i32
    %eq3A_2383 = vector.broadcast %eq3A_2382 : i32 to vector<128x8x128xi32>
    %eq3A_2384 = arith.cmpi eq, %and3A_2381, %eq3A_2383 : vector<128x8x128xi32>
    %slice3A_2385 = vector.extract_strided_slice %select_n3A_2364 {offsets = [0, 6, 0], sizes = [128, 2, 128], strides = [1, 1, 1]} : vector<128x8x128xi32> to vector<128x2x128xi32>
    %slice3A_2386 = vector.extract_strided_slice %select_n3A_2364 {offsets = [0, 0, 0], sizes = [128, 6, 128], strides = [1, 1, 1]} : vector<128x8x128xi32> to vector<128x6x128xi32>
    %concatenate3A_2387 = tpu.concatenate %slice3A_2385, %slice3A_2386 in 1 : vector<128x2x128xi32>, vector<128x6x128xi32> -> vector<128x8x128xi32>
    %slice3A_2388 = vector.extract_strided_slice %select_n3A_2364 {offsets = [0, 2, 0], sizes = [128, 6, 128], strides = [1, 1, 1]} : vector<128x8x128xi32> to vector<128x6x128xi32>
    %slice3A_2389 = vector.extract_strided_slice %select_n3A_2364 {offsets = [0, 0, 0], sizes = [128, 2, 128], strides = [1, 1, 1]} : vector<128x8x128xi32> to vector<128x2x128xi32>
    %concatenate3A_2390 = tpu.concatenate %slice3A_2388, %slice3A_2389 in 1 : vector<128x6x128xi32>, vector<128x2x128xi32> -> vector<128x8x128xi32>
    %select_n3A_2391 = arith.select %ne3A_2378, %concatenate3A_2387, %concatenate3A_2390 : vector<128x8x128xi1>, vector<128x8x128xi32>
    %slice3A_2392 = vector.extract_strided_slice %select_n3A_2365 {offsets = [0, 6, 0], sizes = [128, 2, 128], strides = [1, 1, 1]} : vector<128x8x128xi32> to vector<128x2x128xi32>
    %slice3A_2393 = vector.extract_strided_slice %select_n3A_2365 {offsets = [0, 0, 0], sizes = [128, 6, 128], strides = [1, 1, 1]} : vector<128x8x128xi32> to vector<128x6x128xi32>
    %concatenate3A_2394 = tpu.concatenate %slice3A_2392, %slice3A_2393 in 1 : vector<128x2x128xi32>, vector<128x6x128xi32> -> vector<128x8x128xi32>
    %slice3A_2395 = vector.extract_strided_slice %select_n3A_2365 {offsets = [0, 2, 0], sizes = [128, 6, 128], strides = [1, 1, 1]} : vector<128x8x128xi32> to vector<128x6x128xi32>
    %slice3A_2396 = vector.extract_strided_slice %select_n3A_2365 {offsets = [0, 0, 0], sizes = [128, 2, 128], strides = [1, 1, 1]} : vector<128x8x128xi32> to vector<128x2x128xi32>
    %concatenate3A_2397 = tpu.concatenate %slice3A_2395, %slice3A_2396 in 1 : vector<128x6x128xi32>, vector<128x2x128xi32> -> vector<128x8x128xi32>
    %select_n3A_2398 = arith.select %ne3A_2378, %concatenate3A_2394, %concatenate3A_2397 : vector<128x8x128xi1>, vector<128x8x128xi32>
    %slice3A_2399 = vector.extract_strided_slice %select_n3A_2366 {offsets = [0, 6, 0], sizes = [128, 2, 128], strides = [1, 1, 1]} : vector<128x8x128xf32> to vector<128x2x128xf32>
    %slice3A_2400 = vector.extract_strided_slice %select_n3A_2366 {offsets = [0, 0, 0], sizes = [128, 6, 128], strides = [1, 1, 1]} : vector<128x8x128xf32> to vector<128x6x128xf32>
    %concatenate3A_2401 = tpu.concatenate %slice3A_2399, %slice3A_2400 in 1 : vector<128x2x128xf32>, vector<128x6x128xf32> -> vector<128x8x128xf32>
    %slice3A_2402 = vector.extract_strided_slice %select_n3A_2366 {offsets = [0, 2, 0], sizes = [128, 6, 128], strides = [1, 1, 1]} : vector<128x8x128xf32> to vector<128x6x128xf32>
    %slice3A_2403 = vector.extract_strided_slice %select_n3A_2366 {offsets = [0, 0, 0], sizes = [128, 2, 128], strides = [1, 1, 1]} : vector<128x8x128xf32> to vector<128x2x128xf32>
    %concatenate3A_2404 = tpu.concatenate %slice3A_2402, %slice3A_2403 in 1 : vector<128x6x128xf32>, vector<128x2x128xf32> -> vector<128x8x128xf32>
    %select_n3A_2405 = arith.select %ne3A_2378, %concatenate3A_2401, %concatenate3A_2404 : vector<128x8x128xi1>, vector<128x8x128xf32>
    %gt3A_2406 = arith.cmpi sgt, %select_n3A_2364, %select_n3A_2391 : vector<128x8x128xi32>
    %eq3A_2407 = arith.cmpi eq, %select_n3A_2364, %select_n3A_2391 : vector<128x8x128xi32>
    %lt3A_2408 = arith.cmpi slt, %select_n3A_2365, %select_n3A_2398 : vector<128x8x128xi32>
    %and3A_2409 = arith.andi %eq3A_2407, %lt3A_2408 : vector<128x8x128xi1>
    %or3A_2410 = arith.ori %gt3A_2406, %and3A_2409 : vector<128x8x128xi1>
    %not3A_2411 = arith.constant dense<true> : vector<128x8x128xi1>
    %not3A_2412 = arith.xori %ne3A_2378, %not3A_2411 : vector<128x8x128xi1>
    %eq3A_2413 = arith.xori %not3A_2412, %eq3A_2384 : vector<128x8x128xi1>
    %eq3A_2414 = arith.constant dense<true> : vector<128x8x128xi1>
    %eq3A_2415 = arith.xori %eq3A_2413, %eq3A_2414 : vector<128x8x128xi1>
    %eq3A_2416 = arith.xori %or3A_2410, %eq3A_2415 : vector<128x8x128xi1>
    %eq3A_2417 = arith.constant dense<true> : vector<128x8x128xi1>
    %eq3A_2418 = arith.xori %eq3A_2416, %eq3A_2417 : vector<128x8x128xi1>
    %select_n3A_2419 = arith.select %eq3A_2418, %select_n3A_2364, %select_n3A_2391 : vector<128x8x128xi1>, vector<128x8x128xi32>
    %select_n3A_2420 = arith.select %eq3A_2418, %select_n3A_2365, %select_n3A_2398 : vector<128x8x128xi1>, vector<128x8x128xi32>
    %select_n3A_2421 = arith.select %eq3A_2418, %select_n3A_2366, %select_n3A_2405 : vector<128x8x128xi1>, vector<128x8x128xf32>
    %iota3A_2422 = tpu.iota {dimensions = array<i32: 1>} : vector<128x8x128xi32>
    %iota3A_2423 = tpu.iota {dimensions = array<i32: 0>} : vector<128x8x128xi32>
    %mul3A_2424 = arith.constant 8 : i32
    %mul3A_2425 = vector.broadcast %mul3A_2424 : i32 to vector<128x8x128xi32>
    %mul3A_2426 = arith.muli %iota3A_2423, %mul3A_2425 : vector<128x8x128xi32>
    %add3A_2427 = arith.addi %mul3A_2426, %iota3A_2422 : vector<128x8x128xi32>
    %and3A_2428 = arith.constant 1 : i32
    %and3A_2429 = vector.broadcast %and3A_2428 : i32 to vector<128x8x128xi32>
    %and3A_2430 = arith.andi %iota3A_2422, %and3A_2429 : vector<128x8x128xi32>
    %ne3A_2431 = arith.constant 0 : i32
    %ne3A_2432 = vector.broadcast %ne3A_2431 : i32 to vector<128x8x128xi32>
    %ne3A_2433 = arith.cmpi ne, %and3A_2430, %ne3A_2432 : vector<128x8x128xi32>
    %and3A_2434 = arith.constant 512 : i32
    %and3A_2435 = vector.broadcast %and3A_2434 : i32 to vector<128x8x128xi32>
    %and3A_2436 = arith.andi %add3A_2427, %and3A_2435 : vector<128x8x128xi32>
    %eq3A_2437 = arith.constant 0 : i32
    %eq3A_2438 = vector.broadcast %eq3A_2437 : i32 to vector<128x8x128xi32>
    %eq3A_2439 = arith.cmpi eq, %and3A_2436, %eq3A_2438 : vector<128x8x128xi32>
    %slice3A_2440 = vector.extract_strided_slice %select_n3A_2419 {offsets = [0, 7, 0], sizes = [128, 1, 128], strides = [1, 1, 1]} : vector<128x8x128xi32> to vector<128x1x128xi32>
    %slice3A_2441 = vector.extract_strided_slice %select_n3A_2419 {offsets = [0, 0, 0], sizes = [128, 7, 128], strides = [1, 1, 1]} : vector<128x8x128xi32> to vector<128x7x128xi32>
    %concatenate3A_2442 = tpu.concatenate %slice3A_2440, %slice3A_2441 in 1 : vector<128x1x128xi32>, vector<128x7x128xi32> -> vector<128x8x128xi32>
    %slice3A_2443 = vector.extract_strided_slice %select_n3A_2419 {offsets = [0, 1, 0], sizes = [128, 7, 128], strides = [1, 1, 1]} : vector<128x8x128xi32> to vector<128x7x128xi32>
    %slice3A_2444 = vector.extract_strided_slice %select_n3A_2419 {offsets = [0, 0, 0], sizes = [128, 1, 128], strides = [1, 1, 1]} : vector<128x8x128xi32> to vector<128x1x128xi32>
    %concatenate3A_2445 = tpu.concatenate %slice3A_2443, %slice3A_2444 in 1 : vector<128x7x128xi32>, vector<128x1x128xi32> -> vector<128x8x128xi32>
    %select_n3A_2446 = arith.select %ne3A_2433, %concatenate3A_2442, %concatenate3A_2445 : vector<128x8x128xi1>, vector<128x8x128xi32>
    %slice3A_2447 = vector.extract_strided_slice %select_n3A_2420 {offsets = [0, 7, 0], sizes = [128, 1, 128], strides = [1, 1, 1]} : vector<128x8x128xi32> to vector<128x1x128xi32>
    %slice3A_2448 = vector.extract_strided_slice %select_n3A_2420 {offsets = [0, 0, 0], sizes = [128, 7, 128], strides = [1, 1, 1]} : vector<128x8x128xi32> to vector<128x7x128xi32>
    %concatenate3A_2449 = tpu.concatenate %slice3A_2447, %slice3A_2448 in 1 : vector<128x1x128xi32>, vector<128x7x128xi32> -> vector<128x8x128xi32>
    %slice3A_2450 = vector.extract_strided_slice %select_n3A_2420 {offsets = [0, 1, 0], sizes = [128, 7, 128], strides = [1, 1, 1]} : vector<128x8x128xi32> to vector<128x7x128xi32>
    %slice3A_2451 = vector.extract_strided_slice %select_n3A_2420 {offsets = [0, 0, 0], sizes = [128, 1, 128], strides = [1, 1, 1]} : vector<128x8x128xi32> to vector<128x1x128xi32>
    %concatenate3A_2452 = tpu.concatenate %slice3A_2450, %slice3A_2451 in 1 : vector<128x7x128xi32>, vector<128x1x128xi32> -> vector<128x8x128xi32>
    %select_n3A_2453 = arith.select %ne3A_2433, %concatenate3A_2449, %concatenate3A_2452 : vector<128x8x128xi1>, vector<128x8x128xi32>
    %slice3A_2454 = vector.extract_strided_slice %select_n3A_2421 {offsets = [0, 7, 0], sizes = [128, 1, 128], strides = [1, 1, 1]} : vector<128x8x128xf32> to vector<128x1x128xf32>
    %slice3A_2455 = vector.extract_strided_slice %select_n3A_2421 {offsets = [0, 0, 0], sizes = [128, 7, 128], strides = [1, 1, 1]} : vector<128x8x128xf32> to vector<128x7x128xf32>
    %concatenate3A_2456 = tpu.concatenate %slice3A_2454, %slice3A_2455 in 1 : vector<128x1x128xf32>, vector<128x7x128xf32> -> vector<128x8x128xf32>
    %slice3A_2457 = vector.extract_strided_slice %select_n3A_2421 {offsets = [0, 1, 0], sizes = [128, 7, 128], strides = [1, 1, 1]} : vector<128x8x128xf32> to vector<128x7x128xf32>
    %slice3A_2458 = vector.extract_strided_slice %select_n3A_2421 {offsets = [0, 0, 0], sizes = [128, 1, 128], strides = [1, 1, 1]} : vector<128x8x128xf32> to vector<128x1x128xf32>
    %concatenate3A_2459 = tpu.concatenate %slice3A_2457, %slice3A_2458 in 1 : vector<128x7x128xf32>, vector<128x1x128xf32> -> vector<128x8x128xf32>
    %select_n3A_2460 = arith.select %ne3A_2433, %concatenate3A_2456, %concatenate3A_2459 : vector<128x8x128xi1>, vector<128x8x128xf32>
    %gt3A_2461 = arith.cmpi sgt, %select_n3A_2419, %select_n3A_2446 : vector<128x8x128xi32>
    %eq3A_2462 = arith.cmpi eq, %select_n3A_2419, %select_n3A_2446 : vector<128x8x128xi32>
    %lt3A_2463 = arith.cmpi slt, %select_n3A_2420, %select_n3A_2453 : vector<128x8x128xi32>
    %and3A_2464 = arith.andi %eq3A_2462, %lt3A_2463 : vector<128x8x128xi1>
    %or3A_2465 = arith.ori %gt3A_2461, %and3A_2464 : vector<128x8x128xi1>
    %not3A_2466 = arith.constant dense<true> : vector<128x8x128xi1>
    %not3A_2467 = arith.xori %ne3A_2433, %not3A_2466 : vector<128x8x128xi1>
    %eq3A_2468 = arith.xori %not3A_2467, %eq3A_2439 : vector<128x8x128xi1>
    %eq3A_2469 = arith.constant dense<true> : vector<128x8x128xi1>
    %eq3A_2470 = arith.xori %eq3A_2468, %eq3A_2469 : vector<128x8x128xi1>
    %eq3A_2471 = arith.xori %or3A_2465, %eq3A_2470 : vector<128x8x128xi1>
    %eq3A_2472 = arith.constant dense<true> : vector<128x8x128xi1>
    %eq3A_2473 = arith.xori %eq3A_2471, %eq3A_2472 : vector<128x8x128xi1>
    %select_n3A_2474 = arith.select %eq3A_2473, %select_n3A_2419, %select_n3A_2446 : vector<128x8x128xi1>, vector<128x8x128xi32>
    %select_n3A_2475 = arith.select %eq3A_2473, %select_n3A_2420, %select_n3A_2453 : vector<128x8x128xi1>, vector<128x8x128xi32>
    %select_n3A_2476 = arith.select %eq3A_2473, %select_n3A_2421, %select_n3A_2460 : vector<128x8x128xi1>, vector<128x8x128xf32>
    %reshape3A_2477 = vector.shape_cast %select_n3A_2474 : vector<128x8x128xi32> to vector<1x2x64x8x128xi32>
    %reshape3A_2478 = vector.shape_cast %select_n3A_2475 : vector<128x8x128xi32> to vector<1x2x64x8x128xi32>
    %reshape3A_2479 = vector.shape_cast %select_n3A_2476 : vector<128x8x128xf32> to vector<1x2x64x8x128xf32>
    %slice3A_2480 = vector.extract_strided_slice %reshape3A_2477 {offsets = [0, 0, 0, 0, 0], sizes = [1, 1, 64, 8, 128], strides = [1, 1, 1, 1, 1]} : vector<1x2x64x8x128xi32> to vector<1x1x64x8x128xi32>
    %squeeze3A_2481 = vector.shape_cast %slice3A_2480 : vector<1x1x64x8x128xi32> to vector<1x64x8x128xi32>
    %slice3A_2482 = vector.extract_strided_slice %reshape3A_2477 {offsets = [0, 1, 0, 0, 0], sizes = [1, 1, 64, 8, 128], strides = [1, 1, 1, 1, 1]} : vector<1x2x64x8x128xi32> to vector<1x1x64x8x128xi32>
    %squeeze3A_2483 = vector.shape_cast %slice3A_2482 : vector<1x1x64x8x128xi32> to vector<1x64x8x128xi32>
    %slice3A_2484 = vector.extract_strided_slice %reshape3A_2478 {offsets = [0, 0, 0, 0, 0], sizes = [1, 1, 64, 8, 128], strides = [1, 1, 1, 1, 1]} : vector<1x2x64x8x128xi32> to vector<1x1x64x8x128xi32>
    %squeeze3A_2485 = vector.shape_cast %slice3A_2484 : vector<1x1x64x8x128xi32> to vector<1x64x8x128xi32>
    %slice3A_2486 = vector.extract_strided_slice %reshape3A_2478 {offsets = [0, 1, 0, 0, 0], sizes = [1, 1, 64, 8, 128], strides = [1, 1, 1, 1, 1]} : vector<1x2x64x8x128xi32> to vector<1x1x64x8x128xi32>
    %squeeze3A_2487 = vector.shape_cast %slice3A_2486 : vector<1x1x64x8x128xi32> to vector<1x64x8x128xi32>
    %slice3A_2488 = vector.extract_strided_slice %reshape3A_2479 {offsets = [0, 0, 0, 0, 0], sizes = [1, 1, 64, 8, 128], strides = [1, 1, 1, 1, 1]} : vector<1x2x64x8x128xf32> to vector<1x1x64x8x128xf32>
    %squeeze3A_2489 = vector.shape_cast %slice3A_2488 : vector<1x1x64x8x128xf32> to vector<1x64x8x128xf32>
    %slice3A_2490 = vector.extract_strided_slice %reshape3A_2479 {offsets = [0, 1, 0, 0, 0], sizes = [1, 1, 64, 8, 128], strides = [1, 1, 1, 1, 1]} : vector<1x2x64x8x128xf32> to vector<1x1x64x8x128xf32>
    %squeeze3A_2491 = vector.shape_cast %slice3A_2490 : vector<1x1x64x8x128xf32> to vector<1x64x8x128xf32>
    %iota3A_2492 = tpu.iota {dimensions = array<i32: 0>} : vector<1x64x8x128xi32>
    %mul3A_2493 = arith.constant 2 : i32
    %mul3A_2494 = vector.broadcast %mul3A_2493 : i32 to vector<1x64x8x128xi32>
    %mul3A_2495 = arith.muli %iota3A_2492, %mul3A_2494 : vector<1x64x8x128xi32>
    %mul3A_2496 = arith.constant 512 : i32
    %mul3A_2497 = vector.broadcast %mul3A_2496 : i32 to vector<1x64x8x128xi32>
    %mul3A_2498 = arith.muli %mul3A_2495, %mul3A_2497 : vector<1x64x8x128xi32>
    %and3A_2499 = arith.constant 1024 : i32
    %and3A_2500 = vector.broadcast %and3A_2499 : i32 to vector<1x64x8x128xi32>
    %and3A_2501 = arith.andi %mul3A_2498, %and3A_2500 : vector<1x64x8x128xi32>
    %eq3A_2502 = arith.constant 0 : i32
    %eq3A_2503 = vector.broadcast %eq3A_2502 : i32 to vector<1x64x8x128xi32>
    %eq3A_2504 = arith.cmpi eq, %and3A_2501, %eq3A_2503 : vector<1x64x8x128xi32>
    %gt3A_2505 = arith.cmpi sgt, %squeeze3A_2481, %squeeze3A_2483 : vector<1x64x8x128xi32>
    %eq3A_2506 = arith.cmpi eq, %squeeze3A_2481, %squeeze3A_2483 : vector<1x64x8x128xi32>
    %lt3A_2507 = arith.cmpi slt, %squeeze3A_2485, %squeeze3A_2487 : vector<1x64x8x128xi32>
    %and3A_2508 = arith.andi %eq3A_2506, %lt3A_2507 : vector<1x64x8x128xi1>
    %or3A_2509 = arith.ori %gt3A_2505, %and3A_2508 : vector<1x64x8x128xi1>
    %eq3A_2510 = arith.xori %or3A_2509, %eq3A_2504 : vector<1x64x8x128xi1>
    %eq3A_2511 = arith.constant dense<true> : vector<1x64x8x128xi1>
    %eq3A_2512 = arith.xori %eq3A_2510, %eq3A_2511 : vector<1x64x8x128xi1>
    %select_n3A_2513 = arith.select %eq3A_2512, %squeeze3A_2481, %squeeze3A_2483 : vector<1x64x8x128xi1>, vector<1x64x8x128xi32>
    %select_n3A_2514 = arith.select %eq3A_2512, %squeeze3A_2485, %squeeze3A_2487 : vector<1x64x8x128xi1>, vector<1x64x8x128xi32>
    %select_n3A_2515 = arith.select %eq3A_2512, %squeeze3A_2489, %squeeze3A_2491 : vector<1x64x8x128xi1>, vector<1x64x8x128xf32>
    %reshape3A_2516 = vector.shape_cast %select_n3A_2513 : vector<1x64x8x128xi32> to vector<64x8x128xi32>
    %reshape3A_2517 = vector.shape_cast %select_n3A_2514 : vector<1x64x8x128xi32> to vector<64x8x128xi32>
    %reshape3A_2518 = vector.shape_cast %select_n3A_2515 : vector<1x64x8x128xf32> to vector<64x8x128xf32>
    %reshape3A_2519 = vector.shape_cast %reshape3A_2516 : vector<64x8x128xi32> to vector<1x2x32x8x128xi32>
    %reshape3A_2520 = vector.shape_cast %reshape3A_2517 : vector<64x8x128xi32> to vector<1x2x32x8x128xi32>
    %reshape3A_2521 = vector.shape_cast %reshape3A_2518 : vector<64x8x128xf32> to vector<1x2x32x8x128xf32>
    %slice3A_2522 = vector.extract_strided_slice %reshape3A_2519 {offsets = [0, 0, 0, 0, 0], sizes = [1, 1, 32, 8, 128], strides = [1, 1, 1, 1, 1]} : vector<1x2x32x8x128xi32> to vector<1x1x32x8x128xi32>
    %squeeze3A_2523 = vector.shape_cast %slice3A_2522 : vector<1x1x32x8x128xi32> to vector<1x32x8x128xi32>
    %slice3A_2524 = vector.extract_strided_slice %reshape3A_2519 {offsets = [0, 1, 0, 0, 0], sizes = [1, 1, 32, 8, 128], strides = [1, 1, 1, 1, 1]} : vector<1x2x32x8x128xi32> to vector<1x1x32x8x128xi32>
    %squeeze3A_2525 = vector.shape_cast %slice3A_2524 : vector<1x1x32x8x128xi32> to vector<1x32x8x128xi32>
    %slice3A_2526 = vector.extract_strided_slice %reshape3A_2520 {offsets = [0, 0, 0, 0, 0], sizes = [1, 1, 32, 8, 128], strides = [1, 1, 1, 1, 1]} : vector<1x2x32x8x128xi32> to vector<1x1x32x8x128xi32>
    %squeeze3A_2527 = vector.shape_cast %slice3A_2526 : vector<1x1x32x8x128xi32> to vector<1x32x8x128xi32>
    %slice3A_2528 = vector.extract_strided_slice %reshape3A_2520 {offsets = [0, 1, 0, 0, 0], sizes = [1, 1, 32, 8, 128], strides = [1, 1, 1, 1, 1]} : vector<1x2x32x8x128xi32> to vector<1x1x32x8x128xi32>
    %squeeze3A_2529 = vector.shape_cast %slice3A_2528 : vector<1x1x32x8x128xi32> to vector<1x32x8x128xi32>
    %slice3A_2530 = vector.extract_strided_slice %reshape3A_2521 {offsets = [0, 0, 0, 0, 0], sizes = [1, 1, 32, 8, 128], strides = [1, 1, 1, 1, 1]} : vector<1x2x32x8x128xf32> to vector<1x1x32x8x128xf32>
    %squeeze3A_2531 = vector.shape_cast %slice3A_2530 : vector<1x1x32x8x128xf32> to vector<1x32x8x128xf32>
    %slice3A_2532 = vector.extract_strided_slice %reshape3A_2521 {offsets = [0, 1, 0, 0, 0], sizes = [1, 1, 32, 8, 128], strides = [1, 1, 1, 1, 1]} : vector<1x2x32x8x128xf32> to vector<1x1x32x8x128xf32>
    %squeeze3A_2533 = vector.shape_cast %slice3A_2532 : vector<1x1x32x8x128xf32> to vector<1x32x8x128xf32>
    %iota3A_2534 = tpu.iota {dimensions = array<i32: 0>} : vector<1x32x8x128xi32>
    %mul3A_2535 = arith.constant 2 : i32
    %mul3A_2536 = vector.broadcast %mul3A_2535 : i32 to vector<1x32x8x128xi32>
    %mul3A_2537 = arith.muli %iota3A_2534, %mul3A_2536 : vector<1x32x8x128xi32>
    %mul3A_2538 = arith.constant 256 : i32
    %mul3A_2539 = vector.broadcast %mul3A_2538 : i32 to vector<1x32x8x128xi32>
    %mul3A_2540 = arith.muli %mul3A_2537, %mul3A_2539 : vector<1x32x8x128xi32>
    %and3A_2541 = arith.constant 1024 : i32
    %and3A_2542 = vector.broadcast %and3A_2541 : i32 to vector<1x32x8x128xi32>
    %and3A_2543 = arith.andi %mul3A_2540, %and3A_2542 : vector<1x32x8x128xi32>
    %eq3A_2544 = arith.constant 0 : i32
    %eq3A_2545 = vector.broadcast %eq3A_2544 : i32 to vector<1x32x8x128xi32>
    %eq3A_2546 = arith.cmpi eq, %and3A_2543, %eq3A_2545 : vector<1x32x8x128xi32>
    %gt3A_2547 = arith.cmpi sgt, %squeeze3A_2523, %squeeze3A_2525 : vector<1x32x8x128xi32>
    %eq3A_2548 = arith.cmpi eq, %squeeze3A_2523, %squeeze3A_2525 : vector<1x32x8x128xi32>
    %lt3A_2549 = arith.cmpi slt, %squeeze3A_2527, %squeeze3A_2529 : vector<1x32x8x128xi32>
    %and3A_2550 = arith.andi %eq3A_2548, %lt3A_2549 : vector<1x32x8x128xi1>
    %or3A_2551 = arith.ori %gt3A_2547, %and3A_2550 : vector<1x32x8x128xi1>
    %eq3A_2552 = arith.xori %or3A_2551, %eq3A_2546 : vector<1x32x8x128xi1>
    %eq3A_2553 = arith.constant dense<true> : vector<1x32x8x128xi1>
    %eq3A_2554 = arith.xori %eq3A_2552, %eq3A_2553 : vector<1x32x8x128xi1>
    %select_n3A_2555 = arith.select %eq3A_2554, %squeeze3A_2523, %squeeze3A_2525 : vector<1x32x8x128xi1>, vector<1x32x8x128xi32>
    %select_n3A_2556 = arith.select %eq3A_2554, %squeeze3A_2527, %squeeze3A_2529 : vector<1x32x8x128xi1>, vector<1x32x8x128xi32>
    %select_n3A_2557 = arith.select %eq3A_2554, %squeeze3A_2531, %squeeze3A_2533 : vector<1x32x8x128xi1>, vector<1x32x8x128xf32>
    %select_n3A_2558 = arith.select %eq3A_2554, %squeeze3A_2525, %squeeze3A_2523 : vector<1x32x8x128xi1>, vector<1x32x8x128xi32>
    %select_n3A_2559 = arith.select %eq3A_2554, %squeeze3A_2529, %squeeze3A_2527 : vector<1x32x8x128xi1>, vector<1x32x8x128xi32>
    %select_n3A_2560 = arith.select %eq3A_2554, %squeeze3A_2533, %squeeze3A_2531 : vector<1x32x8x128xi1>, vector<1x32x8x128xf32>
    %stack3A_2561 = vector.shape_cast %select_n3A_2555 : vector<1x32x8x128xi32> to vector<1x1x32x8x128xi32>
    %stack3A_2562 = vector.shape_cast %select_n3A_2558 : vector<1x32x8x128xi32> to vector<1x1x32x8x128xi32>
    %stack3A_2563 = tpu.concatenate %stack3A_2561, %stack3A_2562 in 1 : vector<1x1x32x8x128xi32>, vector<1x1x32x8x128xi32> -> vector<1x2x32x8x128xi32>
    %reshape3A_2564 = vector.shape_cast %stack3A_2563 : vector<1x2x32x8x128xi32> to vector<64x8x128xi32>
    %stack3A_2565 = vector.shape_cast %select_n3A_2556 : vector<1x32x8x128xi32> to vector<1x1x32x8x128xi32>
    %stack3A_2566 = vector.shape_cast %select_n3A_2559 : vector<1x32x8x128xi32> to vector<1x1x32x8x128xi32>
    %stack3A_2567 = tpu.concatenate %stack3A_2565, %stack3A_2566 in 1 : vector<1x1x32x8x128xi32>, vector<1x1x32x8x128xi32> -> vector<1x2x32x8x128xi32>
    %reshape3A_2568 = vector.shape_cast %stack3A_2567 : vector<1x2x32x8x128xi32> to vector<64x8x128xi32>
    %stack3A_2569 = vector.shape_cast %select_n3A_2557 : vector<1x32x8x128xf32> to vector<1x1x32x8x128xf32>
    %stack3A_2570 = vector.shape_cast %select_n3A_2560 : vector<1x32x8x128xf32> to vector<1x1x32x8x128xf32>
    %stack3A_2571 = tpu.concatenate %stack3A_2569, %stack3A_2570 in 1 : vector<1x1x32x8x128xf32>, vector<1x1x32x8x128xf32> -> vector<1x2x32x8x128xf32>
    %reshape3A_2572 = vector.shape_cast %stack3A_2571 : vector<1x2x32x8x128xf32> to vector<64x8x128xf32>
    %reshape3A_2573 = vector.shape_cast %reshape3A_2564 : vector<64x8x128xi32> to vector<2x2x16x8x128xi32>
    %reshape3A_2574 = vector.shape_cast %reshape3A_2568 : vector<64x8x128xi32> to vector<2x2x16x8x128xi32>
    %reshape3A_2575 = vector.shape_cast %reshape3A_2572 : vector<64x8x128xf32> to vector<2x2x16x8x128xf32>
    %slice3A_2576 = vector.extract_strided_slice %reshape3A_2573 {offsets = [0, 0, 0, 0, 0], sizes = [2, 1, 16, 8, 128], strides = [1, 1, 1, 1, 1]} : vector<2x2x16x8x128xi32> to vector<2x1x16x8x128xi32>
    %squeeze3A_2577 = vector.shape_cast %slice3A_2576 : vector<2x1x16x8x128xi32> to vector<2x16x8x128xi32>
    %slice3A_2578 = vector.extract_strided_slice %reshape3A_2573 {offsets = [0, 1, 0, 0, 0], sizes = [2, 1, 16, 8, 128], strides = [1, 1, 1, 1, 1]} : vector<2x2x16x8x128xi32> to vector<2x1x16x8x128xi32>
    %squeeze3A_2579 = vector.shape_cast %slice3A_2578 : vector<2x1x16x8x128xi32> to vector<2x16x8x128xi32>
    %slice3A_2580 = vector.extract_strided_slice %reshape3A_2574 {offsets = [0, 0, 0, 0, 0], sizes = [2, 1, 16, 8, 128], strides = [1, 1, 1, 1, 1]} : vector<2x2x16x8x128xi32> to vector<2x1x16x8x128xi32>
    %squeeze3A_2581 = vector.shape_cast %slice3A_2580 : vector<2x1x16x8x128xi32> to vector<2x16x8x128xi32>
    %slice3A_2582 = vector.extract_strided_slice %reshape3A_2574 {offsets = [0, 1, 0, 0, 0], sizes = [2, 1, 16, 8, 128], strides = [1, 1, 1, 1, 1]} : vector<2x2x16x8x128xi32> to vector<2x1x16x8x128xi32>
    %squeeze3A_2583 = vector.shape_cast %slice3A_2582 : vector<2x1x16x8x128xi32> to vector<2x16x8x128xi32>
    %slice3A_2584 = vector.extract_strided_slice %reshape3A_2575 {offsets = [0, 0, 0, 0, 0], sizes = [2, 1, 16, 8, 128], strides = [1, 1, 1, 1, 1]} : vector<2x2x16x8x128xf32> to vector<2x1x16x8x128xf32>
    %squeeze3A_2585 = vector.shape_cast %slice3A_2584 : vector<2x1x16x8x128xf32> to vector<2x16x8x128xf32>
    %slice3A_2586 = vector.extract_strided_slice %reshape3A_2575 {offsets = [0, 1, 0, 0, 0], sizes = [2, 1, 16, 8, 128], strides = [1, 1, 1, 1, 1]} : vector<2x2x16x8x128xf32> to vector<2x1x16x8x128xf32>
    %squeeze3A_2587 = vector.shape_cast %slice3A_2586 : vector<2x1x16x8x128xf32> to vector<2x16x8x128xf32>
    %iota3A_2588 = tpu.iota {dimensions = array<i32: 0>} : vector<2x16x8x128xi32>
    %mul3A_2589 = arith.constant 2 : i32
    %mul3A_2590 = vector.broadcast %mul3A_2589 : i32 to vector<2x16x8x128xi32>
    %mul3A_2591 = arith.muli %iota3A_2588, %mul3A_2590 : vector<2x16x8x128xi32>
    %mul3A_2592 = arith.constant 128 : i32
    %mul3A_2593 = vector.broadcast %mul3A_2592 : i32 to vector<2x16x8x128xi32>
    %mul3A_2594 = arith.muli %mul3A_2591, %mul3A_2593 : vector<2x16x8x128xi32>
    %and3A_2595 = arith.constant 1024 : i32
    %and3A_2596 = vector.broadcast %and3A_2595 : i32 to vector<2x16x8x128xi32>
    %and3A_2597 = arith.andi %mul3A_2594, %and3A_2596 : vector<2x16x8x128xi32>
    %eq3A_2598 = arith.constant 0 : i32
    %eq3A_2599 = vector.broadcast %eq3A_2598 : i32 to vector<2x16x8x128xi32>
    %eq3A_2600 = arith.cmpi eq, %and3A_2597, %eq3A_2599 : vector<2x16x8x128xi32>
    %gt3A_2601 = arith.cmpi sgt, %squeeze3A_2577, %squeeze3A_2579 : vector<2x16x8x128xi32>
    %eq3A_2602 = arith.cmpi eq, %squeeze3A_2577, %squeeze3A_2579 : vector<2x16x8x128xi32>
    %lt3A_2603 = arith.cmpi slt, %squeeze3A_2581, %squeeze3A_2583 : vector<2x16x8x128xi32>
    %and3A_2604 = arith.andi %eq3A_2602, %lt3A_2603 : vector<2x16x8x128xi1>
    %or3A_2605 = arith.ori %gt3A_2601, %and3A_2604 : vector<2x16x8x128xi1>
    %eq3A_2606 = arith.xori %or3A_2605, %eq3A_2600 : vector<2x16x8x128xi1>
    %eq3A_2607 = arith.constant dense<true> : vector<2x16x8x128xi1>
    %eq3A_2608 = arith.xori %eq3A_2606, %eq3A_2607 : vector<2x16x8x128xi1>
    %select_n3A_2609 = arith.select %eq3A_2608, %squeeze3A_2577, %squeeze3A_2579 : vector<2x16x8x128xi1>, vector<2x16x8x128xi32>
    %select_n3A_2610 = arith.select %eq3A_2608, %squeeze3A_2581, %squeeze3A_2583 : vector<2x16x8x128xi1>, vector<2x16x8x128xi32>
    %select_n3A_2611 = arith.select %eq3A_2608, %squeeze3A_2585, %squeeze3A_2587 : vector<2x16x8x128xi1>, vector<2x16x8x128xf32>
    %select_n3A_2612 = arith.select %eq3A_2608, %squeeze3A_2579, %squeeze3A_2577 : vector<2x16x8x128xi1>, vector<2x16x8x128xi32>
    %select_n3A_2613 = arith.select %eq3A_2608, %squeeze3A_2583, %squeeze3A_2581 : vector<2x16x8x128xi1>, vector<2x16x8x128xi32>
    %select_n3A_2614 = arith.select %eq3A_2608, %squeeze3A_2587, %squeeze3A_2585 : vector<2x16x8x128xi1>, vector<2x16x8x128xf32>
    %stack3A_2615 = vector.shape_cast %select_n3A_2609 : vector<2x16x8x128xi32> to vector<2x1x16x8x128xi32>
    %stack3A_2616 = vector.shape_cast %select_n3A_2612 : vector<2x16x8x128xi32> to vector<2x1x16x8x128xi32>
    %stack3A_2617 = tpu.concatenate %stack3A_2615, %stack3A_2616 in 1 : vector<2x1x16x8x128xi32>, vector<2x1x16x8x128xi32> -> vector<2x2x16x8x128xi32>
    %reshape3A_2618 = vector.shape_cast %stack3A_2617 : vector<2x2x16x8x128xi32> to vector<64x8x128xi32>
    %stack3A_2619 = vector.shape_cast %select_n3A_2610 : vector<2x16x8x128xi32> to vector<2x1x16x8x128xi32>
    %stack3A_2620 = vector.shape_cast %select_n3A_2613 : vector<2x16x8x128xi32> to vector<2x1x16x8x128xi32>
    %stack3A_2621 = tpu.concatenate %stack3A_2619, %stack3A_2620 in 1 : vector<2x1x16x8x128xi32>, vector<2x1x16x8x128xi32> -> vector<2x2x16x8x128xi32>
    %reshape3A_2622 = vector.shape_cast %stack3A_2621 : vector<2x2x16x8x128xi32> to vector<64x8x128xi32>
    %stack3A_2623 = vector.shape_cast %select_n3A_2611 : vector<2x16x8x128xf32> to vector<2x1x16x8x128xf32>
    %stack3A_2624 = vector.shape_cast %select_n3A_2614 : vector<2x16x8x128xf32> to vector<2x1x16x8x128xf32>
    %stack3A_2625 = tpu.concatenate %stack3A_2623, %stack3A_2624 in 1 : vector<2x1x16x8x128xf32>, vector<2x1x16x8x128xf32> -> vector<2x2x16x8x128xf32>
    %reshape3A_2626 = vector.shape_cast %stack3A_2625 : vector<2x2x16x8x128xf32> to vector<64x8x128xf32>
    %slice3A_2627 = vector.extract_strided_slice %reshape3A_2618 {offsets = [0, 0, 0], sizes = [48, 8, 128], strides = [1, 1, 1]} : vector<64x8x128xi32> to vector<48x8x128xi32>
    %slice3A_2628 = vector.extract_strided_slice %reshape3A_2622 {offsets = [0, 0, 0], sizes = [48, 8, 128], strides = [1, 1, 1]} : vector<64x8x128xi32> to vector<48x8x128xi32>
    %slice3A_2629 = vector.extract_strided_slice %reshape3A_2626 {offsets = [0, 0, 0], sizes = [48, 8, 128], strides = [1, 1, 1]} : vector<64x8x128xf32> to vector<48x8x128xf32>
    %reshape3A_2630 = vector.shape_cast %slice3A_2627 : vector<48x8x128xi32> to vector<3x2x8x8x128xi32>
    %reshape3A_2631 = vector.shape_cast %slice3A_2628 : vector<48x8x128xi32> to vector<3x2x8x8x128xi32>
    %reshape3A_2632 = vector.shape_cast %slice3A_2629 : vector<48x8x128xf32> to vector<3x2x8x8x128xf32>
    %slice3A_2633 = vector.extract_strided_slice %reshape3A_2630 {offsets = [0, 0, 0, 0, 0], sizes = [3, 1, 8, 8, 128], strides = [1, 1, 1, 1, 1]} : vector<3x2x8x8x128xi32> to vector<3x1x8x8x128xi32>
    %squeeze3A_2634 = vector.shape_cast %slice3A_2633 : vector<3x1x8x8x128xi32> to vector<3x8x8x128xi32>
    %slice3A_2635 = vector.extract_strided_slice %reshape3A_2630 {offsets = [0, 1, 0, 0, 0], sizes = [3, 1, 8, 8, 128], strides = [1, 1, 1, 1, 1]} : vector<3x2x8x8x128xi32> to vector<3x1x8x8x128xi32>
    %squeeze3A_2636 = vector.shape_cast %slice3A_2635 : vector<3x1x8x8x128xi32> to vector<3x8x8x128xi32>
    %slice3A_2637 = vector.extract_strided_slice %reshape3A_2631 {offsets = [0, 0, 0, 0, 0], sizes = [3, 1, 8, 8, 128], strides = [1, 1, 1, 1, 1]} : vector<3x2x8x8x128xi32> to vector<3x1x8x8x128xi32>
    %squeeze3A_2638 = vector.shape_cast %slice3A_2637 : vector<3x1x8x8x128xi32> to vector<3x8x8x128xi32>
    %slice3A_2639 = vector.extract_strided_slice %reshape3A_2631 {offsets = [0, 1, 0, 0, 0], sizes = [3, 1, 8, 8, 128], strides = [1, 1, 1, 1, 1]} : vector<3x2x8x8x128xi32> to vector<3x1x8x8x128xi32>
    %squeeze3A_2640 = vector.shape_cast %slice3A_2639 : vector<3x1x8x8x128xi32> to vector<3x8x8x128xi32>
    %slice3A_2641 = vector.extract_strided_slice %reshape3A_2632 {offsets = [0, 0, 0, 0, 0], sizes = [3, 1, 8, 8, 128], strides = [1, 1, 1, 1, 1]} : vector<3x2x8x8x128xf32> to vector<3x1x8x8x128xf32>
    %squeeze3A_2642 = vector.shape_cast %slice3A_2641 : vector<3x1x8x8x128xf32> to vector<3x8x8x128xf32>
    %slice3A_2643 = vector.extract_strided_slice %reshape3A_2632 {offsets = [0, 1, 0, 0, 0], sizes = [3, 1, 8, 8, 128], strides = [1, 1, 1, 1, 1]} : vector<3x2x8x8x128xf32> to vector<3x1x8x8x128xf32>
    %squeeze3A_2644 = vector.shape_cast %slice3A_2643 : vector<3x1x8x8x128xf32> to vector<3x8x8x128xf32>
    %iota3A_2645 = tpu.iota {dimensions = array<i32: 0>} : vector<3x8x8x128xi32>
    %mul3A_2646 = arith.constant 2 : i32
    %mul3A_2647 = vector.broadcast %mul3A_2646 : i32 to vector<3x8x8x128xi32>
    %mul3A_2648 = arith.muli %iota3A_2645, %mul3A_2647 : vector<3x8x8x128xi32>
    %mul3A_2649 = arith.constant 64 : i32
    %mul3A_2650 = vector.broadcast %mul3A_2649 : i32 to vector<3x8x8x128xi32>
    %mul3A_2651 = arith.muli %mul3A_2648, %mul3A_2650 : vector<3x8x8x128xi32>
    %and3A_2652 = arith.constant 1024 : i32
    %and3A_2653 = vector.broadcast %and3A_2652 : i32 to vector<3x8x8x128xi32>
    %and3A_2654 = arith.andi %mul3A_2651, %and3A_2653 : vector<3x8x8x128xi32>
    %eq3A_2655 = arith.constant 0 : i32
    %eq3A_2656 = vector.broadcast %eq3A_2655 : i32 to vector<3x8x8x128xi32>
    %eq3A_2657 = arith.cmpi eq, %and3A_2654, %eq3A_2656 : vector<3x8x8x128xi32>
    %gt3A_2658 = arith.cmpi sgt, %squeeze3A_2634, %squeeze3A_2636 : vector<3x8x8x128xi32>
    %eq3A_2659 = arith.cmpi eq, %squeeze3A_2634, %squeeze3A_2636 : vector<3x8x8x128xi32>
    %lt3A_2660 = arith.cmpi slt, %squeeze3A_2638, %squeeze3A_2640 : vector<3x8x8x128xi32>
    %and3A_2661 = arith.andi %eq3A_2659, %lt3A_2660 : vector<3x8x8x128xi1>
    %or3A_2662 = arith.ori %gt3A_2658, %and3A_2661 : vector<3x8x8x128xi1>
    %eq3A_2663 = arith.xori %or3A_2662, %eq3A_2657 : vector<3x8x8x128xi1>
    %eq3A_2664 = arith.constant dense<true> : vector<3x8x8x128xi1>
    %eq3A_2665 = arith.xori %eq3A_2663, %eq3A_2664 : vector<3x8x8x128xi1>
    %select_n3A_2666 = arith.select %eq3A_2665, %squeeze3A_2634, %squeeze3A_2636 : vector<3x8x8x128xi1>, vector<3x8x8x128xi32>
    %select_n3A_2667 = arith.select %eq3A_2665, %squeeze3A_2638, %squeeze3A_2640 : vector<3x8x8x128xi1>, vector<3x8x8x128xi32>
    %select_n3A_2668 = arith.select %eq3A_2665, %squeeze3A_2642, %squeeze3A_2644 : vector<3x8x8x128xi1>, vector<3x8x8x128xf32>
    %select_n3A_2669 = arith.select %eq3A_2665, %squeeze3A_2636, %squeeze3A_2634 : vector<3x8x8x128xi1>, vector<3x8x8x128xi32>
    %select_n3A_2670 = arith.select %eq3A_2665, %squeeze3A_2640, %squeeze3A_2638 : vector<3x8x8x128xi1>, vector<3x8x8x128xi32>
    %select_n3A_2671 = arith.select %eq3A_2665, %squeeze3A_2644, %squeeze3A_2642 : vector<3x8x8x128xi1>, vector<3x8x8x128xf32>
    %stack3A_2672 = vector.shape_cast %select_n3A_2666 : vector<3x8x8x128xi32> to vector<3x1x8x8x128xi32>
    %stack3A_2673 = vector.shape_cast %select_n3A_2669 : vector<3x8x8x128xi32> to vector<3x1x8x8x128xi32>
    %stack3A_2674 = tpu.concatenate %stack3A_2672, %stack3A_2673 in 1 : vector<3x1x8x8x128xi32>, vector<3x1x8x8x128xi32> -> vector<3x2x8x8x128xi32>
    %reshape3A_2675 = vector.shape_cast %stack3A_2674 : vector<3x2x8x8x128xi32> to vector<48x8x128xi32>
    %stack3A_2676 = vector.shape_cast %select_n3A_2667 : vector<3x8x8x128xi32> to vector<3x1x8x8x128xi32>
    %stack3A_2677 = vector.shape_cast %select_n3A_2670 : vector<3x8x8x128xi32> to vector<3x1x8x8x128xi32>
    %stack3A_2678 = tpu.concatenate %stack3A_2676, %stack3A_2677 in 1 : vector<3x1x8x8x128xi32>, vector<3x1x8x8x128xi32> -> vector<3x2x8x8x128xi32>
    %reshape3A_2679 = vector.shape_cast %stack3A_2678 : vector<3x2x8x8x128xi32> to vector<48x8x128xi32>
    %stack3A_2680 = vector.shape_cast %select_n3A_2668 : vector<3x8x8x128xf32> to vector<3x1x8x8x128xf32>
    %stack3A_2681 = vector.shape_cast %select_n3A_2671 : vector<3x8x8x128xf32> to vector<3x1x8x8x128xf32>
    %stack3A_2682 = tpu.concatenate %stack3A_2680, %stack3A_2681 in 1 : vector<3x1x8x8x128xf32>, vector<3x1x8x8x128xf32> -> vector<3x2x8x8x128xf32>
    %reshape3A_2683 = vector.shape_cast %stack3A_2682 : vector<3x2x8x8x128xf32> to vector<48x8x128xf32>
    %reshape3A_2684 = vector.shape_cast %reshape3A_2675 : vector<48x8x128xi32> to vector<6x2x4x8x128xi32>
    %reshape3A_2685 = vector.shape_cast %reshape3A_2679 : vector<48x8x128xi32> to vector<6x2x4x8x128xi32>
    %reshape3A_2686 = vector.shape_cast %reshape3A_2683 : vector<48x8x128xf32> to vector<6x2x4x8x128xf32>
    %slice3A_2687 = vector.extract_strided_slice %reshape3A_2684 {offsets = [0, 0, 0, 0, 0], sizes = [6, 1, 4, 8, 128], strides = [1, 1, 1, 1, 1]} : vector<6x2x4x8x128xi32> to vector<6x1x4x8x128xi32>
    %squeeze3A_2688 = vector.shape_cast %slice3A_2687 : vector<6x1x4x8x128xi32> to vector<6x4x8x128xi32>
    %slice3A_2689 = vector.extract_strided_slice %reshape3A_2684 {offsets = [0, 1, 0, 0, 0], sizes = [6, 1, 4, 8, 128], strides = [1, 1, 1, 1, 1]} : vector<6x2x4x8x128xi32> to vector<6x1x4x8x128xi32>
    %squeeze3A_2690 = vector.shape_cast %slice3A_2689 : vector<6x1x4x8x128xi32> to vector<6x4x8x128xi32>
    %slice3A_2691 = vector.extract_strided_slice %reshape3A_2685 {offsets = [0, 0, 0, 0, 0], sizes = [6, 1, 4, 8, 128], strides = [1, 1, 1, 1, 1]} : vector<6x2x4x8x128xi32> to vector<6x1x4x8x128xi32>
    %squeeze3A_2692 = vector.shape_cast %slice3A_2691 : vector<6x1x4x8x128xi32> to vector<6x4x8x128xi32>
    %slice3A_2693 = vector.extract_strided_slice %reshape3A_2685 {offsets = [0, 1, 0, 0, 0], sizes = [6, 1, 4, 8, 128], strides = [1, 1, 1, 1, 1]} : vector<6x2x4x8x128xi32> to vector<6x1x4x8x128xi32>
    %squeeze3A_2694 = vector.shape_cast %slice3A_2693 : vector<6x1x4x8x128xi32> to vector<6x4x8x128xi32>
    %slice3A_2695 = vector.extract_strided_slice %reshape3A_2686 {offsets = [0, 0, 0, 0, 0], sizes = [6, 1, 4, 8, 128], strides = [1, 1, 1, 1, 1]} : vector<6x2x4x8x128xf32> to vector<6x1x4x8x128xf32>
    %squeeze3A_2696 = vector.shape_cast %slice3A_2695 : vector<6x1x4x8x128xf32> to vector<6x4x8x128xf32>
    %slice3A_2697 = vector.extract_strided_slice %reshape3A_2686 {offsets = [0, 1, 0, 0, 0], sizes = [6, 1, 4, 8, 128], strides = [1, 1, 1, 1, 1]} : vector<6x2x4x8x128xf32> to vector<6x1x4x8x128xf32>
    %squeeze3A_2698 = vector.shape_cast %slice3A_2697 : vector<6x1x4x8x128xf32> to vector<6x4x8x128xf32>
    %iota3A_2699 = tpu.iota {dimensions = array<i32: 0>} : vector<6x4x8x128xi32>
    %mul3A_2700 = arith.constant 2 : i32
    %mul3A_2701 = vector.broadcast %mul3A_2700 : i32 to vector<6x4x8x128xi32>
    %mul3A_2702 = arith.muli %iota3A_2699, %mul3A_2701 : vector<6x4x8x128xi32>
    %mul3A_2703 = arith.constant 32 : i32
    %mul3A_2704 = vector.broadcast %mul3A_2703 : i32 to vector<6x4x8x128xi32>
    %mul3A_2705 = arith.muli %mul3A_2702, %mul3A_2704 : vector<6x4x8x128xi32>
    %and3A_2706 = arith.constant 1024 : i32
    %and3A_2707 = vector.broadcast %and3A_2706 : i32 to vector<6x4x8x128xi32>
    %and3A_2708 = arith.andi %mul3A_2705, %and3A_2707 : vector<6x4x8x128xi32>
    %eq3A_2709 = arith.constant 0 : i32
    %eq3A_2710 = vector.broadcast %eq3A_2709 : i32 to vector<6x4x8x128xi32>
    %eq3A_2711 = arith.cmpi eq, %and3A_2708, %eq3A_2710 : vector<6x4x8x128xi32>
    %gt3A_2712 = arith.cmpi sgt, %squeeze3A_2688, %squeeze3A_2690 : vector<6x4x8x128xi32>
    %eq3A_2713 = arith.cmpi eq, %squeeze3A_2688, %squeeze3A_2690 : vector<6x4x8x128xi32>
    %lt3A_2714 = arith.cmpi slt, %squeeze3A_2692, %squeeze3A_2694 : vector<6x4x8x128xi32>
    %and3A_2715 = arith.andi %eq3A_2713, %lt3A_2714 : vector<6x4x8x128xi1>
    %or3A_2716 = arith.ori %gt3A_2712, %and3A_2715 : vector<6x4x8x128xi1>
    %eq3A_2717 = arith.xori %or3A_2716, %eq3A_2711 : vector<6x4x8x128xi1>
    %eq3A_2718 = arith.constant dense<true> : vector<6x4x8x128xi1>
    %eq3A_2719 = arith.xori %eq3A_2717, %eq3A_2718 : vector<6x4x8x128xi1>
    %select_n3A_2720 = arith.select %eq3A_2719, %squeeze3A_2688, %squeeze3A_2690 : vector<6x4x8x128xi1>, vector<6x4x8x128xi32>
    %select_n3A_2721 = arith.select %eq3A_2719, %squeeze3A_2692, %squeeze3A_2694 : vector<6x4x8x128xi1>, vector<6x4x8x128xi32>
    %select_n3A_2722 = arith.select %eq3A_2719, %squeeze3A_2696, %squeeze3A_2698 : vector<6x4x8x128xi1>, vector<6x4x8x128xf32>
    %select_n3A_2723 = arith.select %eq3A_2719, %squeeze3A_2690, %squeeze3A_2688 : vector<6x4x8x128xi1>, vector<6x4x8x128xi32>
    %select_n3A_2724 = arith.select %eq3A_2719, %squeeze3A_2694, %squeeze3A_2692 : vector<6x4x8x128xi1>, vector<6x4x8x128xi32>
    %select_n3A_2725 = arith.select %eq3A_2719, %squeeze3A_2698, %squeeze3A_2696 : vector<6x4x8x128xi1>, vector<6x4x8x128xf32>
    %stack3A_2726 = vector.shape_cast %select_n3A_2720 : vector<6x4x8x128xi32> to vector<6x1x4x8x128xi32>
    %stack3A_2727 = vector.shape_cast %select_n3A_2723 : vector<6x4x8x128xi32> to vector<6x1x4x8x128xi32>
    %stack3A_2728 = tpu.concatenate %stack3A_2726, %stack3A_2727 in 1 : vector<6x1x4x8x128xi32>, vector<6x1x4x8x128xi32> -> vector<6x2x4x8x128xi32>
    %reshape3A_2729 = vector.shape_cast %stack3A_2728 : vector<6x2x4x8x128xi32> to vector<48x8x128xi32>
    %stack3A_2730 = vector.shape_cast %select_n3A_2721 : vector<6x4x8x128xi32> to vector<6x1x4x8x128xi32>
    %stack3A_2731 = vector.shape_cast %select_n3A_2724 : vector<6x4x8x128xi32> to vector<6x1x4x8x128xi32>
    %stack3A_2732 = tpu.concatenate %stack3A_2730, %stack3A_2731 in 1 : vector<6x1x4x8x128xi32>, vector<6x1x4x8x128xi32> -> vector<6x2x4x8x128xi32>
    %reshape3A_2733 = vector.shape_cast %stack3A_2732 : vector<6x2x4x8x128xi32> to vector<48x8x128xi32>
    %stack3A_2734 = vector.shape_cast %select_n3A_2722 : vector<6x4x8x128xf32> to vector<6x1x4x8x128xf32>
    %stack3A_2735 = vector.shape_cast %select_n3A_2725 : vector<6x4x8x128xf32> to vector<6x1x4x8x128xf32>
    %stack3A_2736 = tpu.concatenate %stack3A_2734, %stack3A_2735 in 1 : vector<6x1x4x8x128xf32>, vector<6x1x4x8x128xf32> -> vector<6x2x4x8x128xf32>
    %reshape3A_2737 = vector.shape_cast %stack3A_2736 : vector<6x2x4x8x128xf32> to vector<48x8x128xf32>
    %reshape3A_2738 = vector.shape_cast %reshape3A_2729 : vector<48x8x128xi32> to vector<12x2x2x8x128xi32>
    %reshape3A_2739 = vector.shape_cast %reshape3A_2733 : vector<48x8x128xi32> to vector<12x2x2x8x128xi32>
    %reshape3A_2740 = vector.shape_cast %reshape3A_2737 : vector<48x8x128xf32> to vector<12x2x2x8x128xf32>
    %slice3A_2741 = vector.extract_strided_slice %reshape3A_2738 {offsets = [0, 0, 0, 0, 0], sizes = [12, 1, 2, 8, 128], strides = [1, 1, 1, 1, 1]} : vector<12x2x2x8x128xi32> to vector<12x1x2x8x128xi32>
    %squeeze3A_2742 = vector.shape_cast %slice3A_2741 : vector<12x1x2x8x128xi32> to vector<12x2x8x128xi32>
    %slice3A_2743 = vector.extract_strided_slice %reshape3A_2738 {offsets = [0, 1, 0, 0, 0], sizes = [12, 1, 2, 8, 128], strides = [1, 1, 1, 1, 1]} : vector<12x2x2x8x128xi32> to vector<12x1x2x8x128xi32>
    %squeeze3A_2744 = vector.shape_cast %slice3A_2743 : vector<12x1x2x8x128xi32> to vector<12x2x8x128xi32>
    %slice3A_2745 = vector.extract_strided_slice %reshape3A_2739 {offsets = [0, 0, 0, 0, 0], sizes = [12, 1, 2, 8, 128], strides = [1, 1, 1, 1, 1]} : vector<12x2x2x8x128xi32> to vector<12x1x2x8x128xi32>
    %squeeze3A_2746 = vector.shape_cast %slice3A_2745 : vector<12x1x2x8x128xi32> to vector<12x2x8x128xi32>
    %slice3A_2747 = vector.extract_strided_slice %reshape3A_2739 {offsets = [0, 1, 0, 0, 0], sizes = [12, 1, 2, 8, 128], strides = [1, 1, 1, 1, 1]} : vector<12x2x2x8x128xi32> to vector<12x1x2x8x128xi32>
    %squeeze3A_2748 = vector.shape_cast %slice3A_2747 : vector<12x1x2x8x128xi32> to vector<12x2x8x128xi32>
    %slice3A_2749 = vector.extract_strided_slice %reshape3A_2740 {offsets = [0, 0, 0, 0, 0], sizes = [12, 1, 2, 8, 128], strides = [1, 1, 1, 1, 1]} : vector<12x2x2x8x128xf32> to vector<12x1x2x8x128xf32>
    %squeeze3A_2750 = vector.shape_cast %slice3A_2749 : vector<12x1x2x8x128xf32> to vector<12x2x8x128xf32>
    %slice3A_2751 = vector.extract_strided_slice %reshape3A_2740 {offsets = [0, 1, 0, 0, 0], sizes = [12, 1, 2, 8, 128], strides = [1, 1, 1, 1, 1]} : vector<12x2x2x8x128xf32> to vector<12x1x2x8x128xf32>
    %squeeze3A_2752 = vector.shape_cast %slice3A_2751 : vector<12x1x2x8x128xf32> to vector<12x2x8x128xf32>
    %iota3A_2753 = tpu.iota {dimensions = array<i32: 0>} : vector<12x2x8x128xi32>
    %mul3A_2754 = arith.constant 2 : i32
    %mul3A_2755 = vector.broadcast %mul3A_2754 : i32 to vector<12x2x8x128xi32>
    %mul3A_2756 = arith.muli %iota3A_2753, %mul3A_2755 : vector<12x2x8x128xi32>
    %mul3A_2757 = arith.constant 16 : i32
    %mul3A_2758 = vector.broadcast %mul3A_2757 : i32 to vector<12x2x8x128xi32>
    %mul3A_2759 = arith.muli %mul3A_2756, %mul3A_2758 : vector<12x2x8x128xi32>
    %and3A_2760 = arith.constant 1024 : i32
    %and3A_2761 = vector.broadcast %and3A_2760 : i32 to vector<12x2x8x128xi32>
    %and3A_2762 = arith.andi %mul3A_2759, %and3A_2761 : vector<12x2x8x128xi32>
    %eq3A_2763 = arith.constant 0 : i32
    %eq3A_2764 = vector.broadcast %eq3A_2763 : i32 to vector<12x2x8x128xi32>
    %eq3A_2765 = arith.cmpi eq, %and3A_2762, %eq3A_2764 : vector<12x2x8x128xi32>
    %gt3A_2766 = arith.cmpi sgt, %squeeze3A_2742, %squeeze3A_2744 : vector<12x2x8x128xi32>
    %eq3A_2767 = arith.cmpi eq, %squeeze3A_2742, %squeeze3A_2744 : vector<12x2x8x128xi32>
    %lt3A_2768 = arith.cmpi slt, %squeeze3A_2746, %squeeze3A_2748 : vector<12x2x8x128xi32>
    %and3A_2769 = arith.andi %eq3A_2767, %lt3A_2768 : vector<12x2x8x128xi1>
    %or3A_2770 = arith.ori %gt3A_2766, %and3A_2769 : vector<12x2x8x128xi1>
    %eq3A_2771 = arith.xori %or3A_2770, %eq3A_2765 : vector<12x2x8x128xi1>
    %eq3A_2772 = arith.constant dense<true> : vector<12x2x8x128xi1>
    %eq3A_2773 = arith.xori %eq3A_2771, %eq3A_2772 : vector<12x2x8x128xi1>
    %select_n3A_2774 = arith.select %eq3A_2773, %squeeze3A_2742, %squeeze3A_2744 : vector<12x2x8x128xi1>, vector<12x2x8x128xi32>
    %select_n3A_2775 = arith.select %eq3A_2773, %squeeze3A_2746, %squeeze3A_2748 : vector<12x2x8x128xi1>, vector<12x2x8x128xi32>
    %select_n3A_2776 = arith.select %eq3A_2773, %squeeze3A_2750, %squeeze3A_2752 : vector<12x2x8x128xi1>, vector<12x2x8x128xf32>
    %select_n3A_2777 = arith.select %eq3A_2773, %squeeze3A_2744, %squeeze3A_2742 : vector<12x2x8x128xi1>, vector<12x2x8x128xi32>
    %select_n3A_2778 = arith.select %eq3A_2773, %squeeze3A_2748, %squeeze3A_2746 : vector<12x2x8x128xi1>, vector<12x2x8x128xi32>
    %select_n3A_2779 = arith.select %eq3A_2773, %squeeze3A_2752, %squeeze3A_2750 : vector<12x2x8x128xi1>, vector<12x2x8x128xf32>
    %stack3A_2780 = vector.shape_cast %select_n3A_2774 : vector<12x2x8x128xi32> to vector<12x1x2x8x128xi32>
    %stack3A_2781 = vector.shape_cast %select_n3A_2777 : vector<12x2x8x128xi32> to vector<12x1x2x8x128xi32>
    %stack3A_2782 = tpu.concatenate %stack3A_2780, %stack3A_2781 in 1 : vector<12x1x2x8x128xi32>, vector<12x1x2x8x128xi32> -> vector<12x2x2x8x128xi32>
    %reshape3A_2783 = vector.shape_cast %stack3A_2782 : vector<12x2x2x8x128xi32> to vector<48x8x128xi32>
    %stack3A_2784 = vector.shape_cast %select_n3A_2775 : vector<12x2x8x128xi32> to vector<12x1x2x8x128xi32>
    %stack3A_2785 = vector.shape_cast %select_n3A_2778 : vector<12x2x8x128xi32> to vector<12x1x2x8x128xi32>
    %stack3A_2786 = tpu.concatenate %stack3A_2784, %stack3A_2785 in 1 : vector<12x1x2x8x128xi32>, vector<12x1x2x8x128xi32> -> vector<12x2x2x8x128xi32>
    %reshape3A_2787 = vector.shape_cast %stack3A_2786 : vector<12x2x2x8x128xi32> to vector<48x8x128xi32>
    %stack3A_2788 = vector.shape_cast %select_n3A_2776 : vector<12x2x8x128xf32> to vector<12x1x2x8x128xf32>
    %stack3A_2789 = vector.shape_cast %select_n3A_2779 : vector<12x2x8x128xf32> to vector<12x1x2x8x128xf32>
    %stack3A_2790 = tpu.concatenate %stack3A_2788, %stack3A_2789 in 1 : vector<12x1x2x8x128xf32>, vector<12x1x2x8x128xf32> -> vector<12x2x2x8x128xf32>
    %reshape3A_2791 = vector.shape_cast %stack3A_2790 : vector<12x2x2x8x128xf32> to vector<48x8x128xf32>
    %reshape3A_2792 = vector.shape_cast %reshape3A_2783 : vector<48x8x128xi32> to vector<24x2x1x8x128xi32>
    %reshape3A_2793 = vector.shape_cast %reshape3A_2787 : vector<48x8x128xi32> to vector<24x2x1x8x128xi32>
    %reshape3A_2794 = vector.shape_cast %reshape3A_2791 : vector<48x8x128xf32> to vector<24x2x1x8x128xf32>
    %slice3A_2795 = vector.extract_strided_slice %reshape3A_2792 {offsets = [0, 0, 0, 0, 0], sizes = [24, 1, 1, 8, 128], strides = [1, 1, 1, 1, 1]} : vector<24x2x1x8x128xi32> to vector<24x1x1x8x128xi32>
    %squeeze3A_2796 = vector.shape_cast %slice3A_2795 : vector<24x1x1x8x128xi32> to vector<24x1x8x128xi32>
    %slice3A_2797 = vector.extract_strided_slice %reshape3A_2792 {offsets = [0, 1, 0, 0, 0], sizes = [24, 1, 1, 8, 128], strides = [1, 1, 1, 1, 1]} : vector<24x2x1x8x128xi32> to vector<24x1x1x8x128xi32>
    %squeeze3A_2798 = vector.shape_cast %slice3A_2797 : vector<24x1x1x8x128xi32> to vector<24x1x8x128xi32>
    %slice3A_2799 = vector.extract_strided_slice %reshape3A_2793 {offsets = [0, 0, 0, 0, 0], sizes = [24, 1, 1, 8, 128], strides = [1, 1, 1, 1, 1]} : vector<24x2x1x8x128xi32> to vector<24x1x1x8x128xi32>
    %squeeze3A_2800 = vector.shape_cast %slice3A_2799 : vector<24x1x1x8x128xi32> to vector<24x1x8x128xi32>
    %slice3A_2801 = vector.extract_strided_slice %reshape3A_2793 {offsets = [0, 1, 0, 0, 0], sizes = [24, 1, 1, 8, 128], strides = [1, 1, 1, 1, 1]} : vector<24x2x1x8x128xi32> to vector<24x1x1x8x128xi32>
    %squeeze3A_2802 = vector.shape_cast %slice3A_2801 : vector<24x1x1x8x128xi32> to vector<24x1x8x128xi32>
    %slice3A_2803 = vector.extract_strided_slice %reshape3A_2794 {offsets = [0, 0, 0, 0, 0], sizes = [24, 1, 1, 8, 128], strides = [1, 1, 1, 1, 1]} : vector<24x2x1x8x128xf32> to vector<24x1x1x8x128xf32>
    %squeeze3A_2804 = vector.shape_cast %slice3A_2803 : vector<24x1x1x8x128xf32> to vector<24x1x8x128xf32>
    %slice3A_2805 = vector.extract_strided_slice %reshape3A_2794 {offsets = [0, 1, 0, 0, 0], sizes = [24, 1, 1, 8, 128], strides = [1, 1, 1, 1, 1]} : vector<24x2x1x8x128xf32> to vector<24x1x1x8x128xf32>
    %squeeze3A_2806 = vector.shape_cast %slice3A_2805 : vector<24x1x1x8x128xf32> to vector<24x1x8x128xf32>
    %iota3A_2807 = tpu.iota {dimensions = array<i32: 0>} : vector<24x1x8x128xi32>
    %mul3A_2808 = arith.constant 2 : i32
    %mul3A_2809 = vector.broadcast %mul3A_2808 : i32 to vector<24x1x8x128xi32>
    %mul3A_2810 = arith.muli %iota3A_2807, %mul3A_2809 : vector<24x1x8x128xi32>
    %mul3A_2811 = arith.constant 8 : i32
    %mul3A_2812 = vector.broadcast %mul3A_2811 : i32 to vector<24x1x8x128xi32>
    %mul3A_2813 = arith.muli %mul3A_2810, %mul3A_2812 : vector<24x1x8x128xi32>
    %and3A_2814 = arith.constant 1024 : i32
    %and3A_2815 = vector.broadcast %and3A_2814 : i32 to vector<24x1x8x128xi32>
    %and3A_2816 = arith.andi %mul3A_2813, %and3A_2815 : vector<24x1x8x128xi32>
    %eq3A_2817 = arith.constant 0 : i32
    %eq3A_2818 = vector.broadcast %eq3A_2817 : i32 to vector<24x1x8x128xi32>
    %eq3A_2819 = arith.cmpi eq, %and3A_2816, %eq3A_2818 : vector<24x1x8x128xi32>
    %gt3A_2820 = arith.cmpi sgt, %squeeze3A_2796, %squeeze3A_2798 : vector<24x1x8x128xi32>
    %eq3A_2821 = arith.cmpi eq, %squeeze3A_2796, %squeeze3A_2798 : vector<24x1x8x128xi32>
    %lt3A_2822 = arith.cmpi slt, %squeeze3A_2800, %squeeze3A_2802 : vector<24x1x8x128xi32>
    %and3A_2823 = arith.andi %eq3A_2821, %lt3A_2822 : vector<24x1x8x128xi1>
    %or3A_2824 = arith.ori %gt3A_2820, %and3A_2823 : vector<24x1x8x128xi1>
    %eq3A_2825 = arith.xori %or3A_2824, %eq3A_2819 : vector<24x1x8x128xi1>
    %eq3A_2826 = arith.constant dense<true> : vector<24x1x8x128xi1>
    %eq3A_2827 = arith.xori %eq3A_2825, %eq3A_2826 : vector<24x1x8x128xi1>
    %select_n3A_2828 = arith.select %eq3A_2827, %squeeze3A_2796, %squeeze3A_2798 : vector<24x1x8x128xi1>, vector<24x1x8x128xi32>
    %select_n3A_2829 = arith.select %eq3A_2827, %squeeze3A_2800, %squeeze3A_2802 : vector<24x1x8x128xi1>, vector<24x1x8x128xi32>
    %select_n3A_2830 = arith.select %eq3A_2827, %squeeze3A_2804, %squeeze3A_2806 : vector<24x1x8x128xi1>, vector<24x1x8x128xf32>
    %select_n3A_2831 = arith.select %eq3A_2827, %squeeze3A_2798, %squeeze3A_2796 : vector<24x1x8x128xi1>, vector<24x1x8x128xi32>
    %select_n3A_2832 = arith.select %eq3A_2827, %squeeze3A_2802, %squeeze3A_2800 : vector<24x1x8x128xi1>, vector<24x1x8x128xi32>
    %select_n3A_2833 = arith.select %eq3A_2827, %squeeze3A_2806, %squeeze3A_2804 : vector<24x1x8x128xi1>, vector<24x1x8x128xf32>
    %stack3A_2834 = vector.shape_cast %select_n3A_2828 : vector<24x1x8x128xi32> to vector<24x1x1x8x128xi32>
    %stack3A_2835 = vector.shape_cast %select_n3A_2831 : vector<24x1x8x128xi32> to vector<24x1x1x8x128xi32>
    %stack3A_2836 = tpu.concatenate %stack3A_2834, %stack3A_2835 in 1 : vector<24x1x1x8x128xi32>, vector<24x1x1x8x128xi32> -> vector<24x2x1x8x128xi32>
    %reshape3A_2837 = vector.shape_cast %stack3A_2836 : vector<24x2x1x8x128xi32> to vector<48x8x128xi32>
    %stack3A_2838 = vector.shape_cast %select_n3A_2829 : vector<24x1x8x128xi32> to vector<24x1x1x8x128xi32>
    %stack3A_2839 = vector.shape_cast %select_n3A_2832 : vector<24x1x8x128xi32> to vector<24x1x1x8x128xi32>
    %stack3A_2840 = tpu.concatenate %stack3A_2838, %stack3A_2839 in 1 : vector<24x1x1x8x128xi32>, vector<24x1x1x8x128xi32> -> vector<24x2x1x8x128xi32>
    %reshape3A_2841 = vector.shape_cast %stack3A_2840 : vector<24x2x1x8x128xi32> to vector<48x8x128xi32>
    %stack3A_2842 = vector.shape_cast %select_n3A_2830 : vector<24x1x8x128xf32> to vector<24x1x1x8x128xf32>
    %stack3A_2843 = vector.shape_cast %select_n3A_2833 : vector<24x1x8x128xf32> to vector<24x1x1x8x128xf32>
    %stack3A_2844 = tpu.concatenate %stack3A_2842, %stack3A_2843 in 1 : vector<24x1x1x8x128xf32>, vector<24x1x1x8x128xf32> -> vector<24x2x1x8x128xf32>
    %reshape3A_2845 = vector.shape_cast %stack3A_2844 : vector<24x2x1x8x128xf32> to vector<48x8x128xf32>
    %iota3A_2846 = tpu.iota {dimensions = array<i32: 1>} : vector<48x8x128xi32>
    %iota3A_2847 = tpu.iota {dimensions = array<i32: 0>} : vector<48x8x128xi32>
    %mul3A_2848 = arith.constant 8 : i32
    %mul3A_2849 = vector.broadcast %mul3A_2848 : i32 to vector<48x8x128xi32>
    %mul3A_2850 = arith.muli %iota3A_2847, %mul3A_2849 : vector<48x8x128xi32>
    %add3A_2851 = arith.addi %mul3A_2850, %iota3A_2846 : vector<48x8x128xi32>
    %and3A_2852 = arith.constant 4 : i32
    %and3A_2853 = vector.broadcast %and3A_2852 : i32 to vector<48x8x128xi32>
    %and3A_2854 = arith.andi %iota3A_2846, %and3A_2853 : vector<48x8x128xi32>
    %ne3A_2855 = arith.constant 0 : i32
    %ne3A_2856 = vector.broadcast %ne3A_2855 : i32 to vector<48x8x128xi32>
    %ne3A_2857 = arith.cmpi ne, %and3A_2854, %ne3A_2856 : vector<48x8x128xi32>
    %and3A_2858 = arith.constant 1024 : i32
    %and3A_2859 = vector.broadcast %and3A_2858 : i32 to vector<48x8x128xi32>
    %and3A_2860 = arith.andi %add3A_2851, %and3A_2859 : vector<48x8x128xi32>
    %eq3A_2861 = arith.constant 0 : i32
    %eq3A_2862 = vector.broadcast %eq3A_2861 : i32 to vector<48x8x128xi32>
    %eq3A_2863 = arith.cmpi eq, %and3A_2860, %eq3A_2862 : vector<48x8x128xi32>
    %slice3A_2864 = vector.extract_strided_slice %reshape3A_2837 {offsets = [0, 4, 0], sizes = [48, 4, 128], strides = [1, 1, 1]} : vector<48x8x128xi32> to vector<48x4x128xi32>
    %slice3A_2865 = vector.extract_strided_slice %reshape3A_2837 {offsets = [0, 0, 0], sizes = [48, 4, 128], strides = [1, 1, 1]} : vector<48x8x128xi32> to vector<48x4x128xi32>
    %concatenate3A_2866 = tpu.concatenate %slice3A_2864, %slice3A_2865 in 1 : vector<48x4x128xi32>, vector<48x4x128xi32> -> vector<48x8x128xi32>
    %slice3A_2867 = vector.extract_strided_slice %reshape3A_2837 {offsets = [0, 4, 0], sizes = [48, 4, 128], strides = [1, 1, 1]} : vector<48x8x128xi32> to vector<48x4x128xi32>
    %slice3A_2868 = vector.extract_strided_slice %reshape3A_2837 {offsets = [0, 0, 0], sizes = [48, 4, 128], strides = [1, 1, 1]} : vector<48x8x128xi32> to vector<48x4x128xi32>
    %concatenate3A_2869 = tpu.concatenate %slice3A_2867, %slice3A_2868 in 1 : vector<48x4x128xi32>, vector<48x4x128xi32> -> vector<48x8x128xi32>
    %select_n3A_2870 = arith.select %ne3A_2857, %concatenate3A_2866, %concatenate3A_2869 : vector<48x8x128xi1>, vector<48x8x128xi32>
    %slice3A_2871 = vector.extract_strided_slice %reshape3A_2841 {offsets = [0, 4, 0], sizes = [48, 4, 128], strides = [1, 1, 1]} : vector<48x8x128xi32> to vector<48x4x128xi32>
    %slice3A_2872 = vector.extract_strided_slice %reshape3A_2841 {offsets = [0, 0, 0], sizes = [48, 4, 128], strides = [1, 1, 1]} : vector<48x8x128xi32> to vector<48x4x128xi32>
    %concatenate3A_2873 = tpu.concatenate %slice3A_2871, %slice3A_2872 in 1 : vector<48x4x128xi32>, vector<48x4x128xi32> -> vector<48x8x128xi32>
    %slice3A_2874 = vector.extract_strided_slice %reshape3A_2841 {offsets = [0, 4, 0], sizes = [48, 4, 128], strides = [1, 1, 1]} : vector<48x8x128xi32> to vector<48x4x128xi32>
    %slice3A_2875 = vector.extract_strided_slice %reshape3A_2841 {offsets = [0, 0, 0], sizes = [48, 4, 128], strides = [1, 1, 1]} : vector<48x8x128xi32> to vector<48x4x128xi32>
    %concatenate3A_2876 = tpu.concatenate %slice3A_2874, %slice3A_2875 in 1 : vector<48x4x128xi32>, vector<48x4x128xi32> -> vector<48x8x128xi32>
    %select_n3A_2877 = arith.select %ne3A_2857, %concatenate3A_2873, %concatenate3A_2876 : vector<48x8x128xi1>, vector<48x8x128xi32>
    %slice3A_2878 = vector.extract_strided_slice %reshape3A_2845 {offsets = [0, 4, 0], sizes = [48, 4, 128], strides = [1, 1, 1]} : vector<48x8x128xf32> to vector<48x4x128xf32>
    %slice3A_2879 = vector.extract_strided_slice %reshape3A_2845 {offsets = [0, 0, 0], sizes = [48, 4, 128], strides = [1, 1, 1]} : vector<48x8x128xf32> to vector<48x4x128xf32>
    %concatenate3A_2880 = tpu.concatenate %slice3A_2878, %slice3A_2879 in 1 : vector<48x4x128xf32>, vector<48x4x128xf32> -> vector<48x8x128xf32>
    %slice3A_2881 = vector.extract_strided_slice %reshape3A_2845 {offsets = [0, 4, 0], sizes = [48, 4, 128], strides = [1, 1, 1]} : vector<48x8x128xf32> to vector<48x4x128xf32>
    %slice3A_2882 = vector.extract_strided_slice %reshape3A_2845 {offsets = [0, 0, 0], sizes = [48, 4, 128], strides = [1, 1, 1]} : vector<48x8x128xf32> to vector<48x4x128xf32>
    %concatenate3A_2883 = tpu.concatenate %slice3A_2881, %slice3A_2882 in 1 : vector<48x4x128xf32>, vector<48x4x128xf32> -> vector<48x8x128xf32>
    %select_n3A_2884 = arith.select %ne3A_2857, %concatenate3A_2880, %concatenate3A_2883 : vector<48x8x128xi1>, vector<48x8x128xf32>
    %gt3A_2885 = arith.cmpi sgt, %reshape3A_2837, %select_n3A_2870 : vector<48x8x128xi32>
    %eq3A_2886 = arith.cmpi eq, %reshape3A_2837, %select_n3A_2870 : vector<48x8x128xi32>
    %lt3A_2887 = arith.cmpi slt, %reshape3A_2841, %select_n3A_2877 : vector<48x8x128xi32>
    %and3A_2888 = arith.andi %eq3A_2886, %lt3A_2887 : vector<48x8x128xi1>
    %or3A_2889 = arith.ori %gt3A_2885, %and3A_2888 : vector<48x8x128xi1>
    %not3A_2890 = arith.constant dense<true> : vector<48x8x128xi1>
    %not3A_2891 = arith.xori %ne3A_2857, %not3A_2890 : vector<48x8x128xi1>
    %eq3A_2892 = arith.xori %not3A_2891, %eq3A_2863 : vector<48x8x128xi1>
    %eq3A_2893 = arith.constant dense<true> : vector<48x8x128xi1>
    %eq3A_2894 = arith.xori %eq3A_2892, %eq3A_2893 : vector<48x8x128xi1>
    %eq3A_2895 = arith.xori %or3A_2889, %eq3A_2894 : vector<48x8x128xi1>
    %eq3A_2896 = arith.constant dense<true> : vector<48x8x128xi1>
    %eq3A_2897 = arith.xori %eq3A_2895, %eq3A_2896 : vector<48x8x128xi1>
    %select_n3A_2898 = arith.select %eq3A_2897, %reshape3A_2837, %select_n3A_2870 : vector<48x8x128xi1>, vector<48x8x128xi32>
    %select_n3A_2899 = arith.select %eq3A_2897, %reshape3A_2841, %select_n3A_2877 : vector<48x8x128xi1>, vector<48x8x128xi32>
    %select_n3A_2900 = arith.select %eq3A_2897, %reshape3A_2845, %select_n3A_2884 : vector<48x8x128xi1>, vector<48x8x128xf32>
    %iota3A_2901 = tpu.iota {dimensions = array<i32: 1>} : vector<48x8x128xi32>
    %iota3A_2902 = tpu.iota {dimensions = array<i32: 0>} : vector<48x8x128xi32>
    %mul3A_2903 = arith.constant 8 : i32
    %mul3A_2904 = vector.broadcast %mul3A_2903 : i32 to vector<48x8x128xi32>
    %mul3A_2905 = arith.muli %iota3A_2902, %mul3A_2904 : vector<48x8x128xi32>
    %add3A_2906 = arith.addi %mul3A_2905, %iota3A_2901 : vector<48x8x128xi32>
    %and3A_2907 = arith.constant 2 : i32
    %and3A_2908 = vector.broadcast %and3A_2907 : i32 to vector<48x8x128xi32>
    %and3A_2909 = arith.andi %iota3A_2901, %and3A_2908 : vector<48x8x128xi32>
    %ne3A_2910 = arith.constant 0 : i32
    %ne3A_2911 = vector.broadcast %ne3A_2910 : i32 to vector<48x8x128xi32>
    %ne3A_2912 = arith.cmpi ne, %and3A_2909, %ne3A_2911 : vector<48x8x128xi32>
    %and3A_2913 = arith.constant 1024 : i32
    %and3A_2914 = vector.broadcast %and3A_2913 : i32 to vector<48x8x128xi32>
    %and3A_2915 = arith.andi %add3A_2906, %and3A_2914 : vector<48x8x128xi32>
    %eq3A_2916 = arith.constant 0 : i32
    %eq3A_2917 = vector.broadcast %eq3A_2916 : i32 to vector<48x8x128xi32>
    %eq3A_2918 = arith.cmpi eq, %and3A_2915, %eq3A_2917 : vector<48x8x128xi32>
    %slice3A_2919 = vector.extract_strided_slice %select_n3A_2898 {offsets = [0, 6, 0], sizes = [48, 2, 128], strides = [1, 1, 1]} : vector<48x8x128xi32> to vector<48x2x128xi32>
    %slice3A_2920 = vector.extract_strided_slice %select_n3A_2898 {offsets = [0, 0, 0], sizes = [48, 6, 128], strides = [1, 1, 1]} : vector<48x8x128xi32> to vector<48x6x128xi32>
    %concatenate3A_2921 = tpu.concatenate %slice3A_2919, %slice3A_2920 in 1 : vector<48x2x128xi32>, vector<48x6x128xi32> -> vector<48x8x128xi32>
    %slice3A_2922 = vector.extract_strided_slice %select_n3A_2898 {offsets = [0, 2, 0], sizes = [48, 6, 128], strides = [1, 1, 1]} : vector<48x8x128xi32> to vector<48x6x128xi32>
    %slice3A_2923 = vector.extract_strided_slice %select_n3A_2898 {offsets = [0, 0, 0], sizes = [48, 2, 128], strides = [1, 1, 1]} : vector<48x8x128xi32> to vector<48x2x128xi32>
    %concatenate3A_2924 = tpu.concatenate %slice3A_2922, %slice3A_2923 in 1 : vector<48x6x128xi32>, vector<48x2x128xi32> -> vector<48x8x128xi32>
    %select_n3A_2925 = arith.select %ne3A_2912, %concatenate3A_2921, %concatenate3A_2924 : vector<48x8x128xi1>, vector<48x8x128xi32>
    %slice3A_2926 = vector.extract_strided_slice %select_n3A_2899 {offsets = [0, 6, 0], sizes = [48, 2, 128], strides = [1, 1, 1]} : vector<48x8x128xi32> to vector<48x2x128xi32>
    %slice3A_2927 = vector.extract_strided_slice %select_n3A_2899 {offsets = [0, 0, 0], sizes = [48, 6, 128], strides = [1, 1, 1]} : vector<48x8x128xi32> to vector<48x6x128xi32>
    %concatenate3A_2928 = tpu.concatenate %slice3A_2926, %slice3A_2927 in 1 : vector<48x2x128xi32>, vector<48x6x128xi32> -> vector<48x8x128xi32>
    %slice3A_2929 = vector.extract_strided_slice %select_n3A_2899 {offsets = [0, 2, 0], sizes = [48, 6, 128], strides = [1, 1, 1]} : vector<48x8x128xi32> to vector<48x6x128xi32>
    %slice3A_2930 = vector.extract_strided_slice %select_n3A_2899 {offsets = [0, 0, 0], sizes = [48, 2, 128], strides = [1, 1, 1]} : vector<48x8x128xi32> to vector<48x2x128xi32>
    %concatenate3A_2931 = tpu.concatenate %slice3A_2929, %slice3A_2930 in 1 : vector<48x6x128xi32>, vector<48x2x128xi32> -> vector<48x8x128xi32>
    %select_n3A_2932 = arith.select %ne3A_2912, %concatenate3A_2928, %concatenate3A_2931 : vector<48x8x128xi1>, vector<48x8x128xi32>
    %slice3A_2933 = vector.extract_strided_slice %select_n3A_2900 {offsets = [0, 6, 0], sizes = [48, 2, 128], strides = [1, 1, 1]} : vector<48x8x128xf32> to vector<48x2x128xf32>
    %slice3A_2934 = vector.extract_strided_slice %select_n3A_2900 {offsets = [0, 0, 0], sizes = [48, 6, 128], strides = [1, 1, 1]} : vector<48x8x128xf32> to vector<48x6x128xf32>
    %concatenate3A_2935 = tpu.concatenate %slice3A_2933, %slice3A_2934 in 1 : vector<48x2x128xf32>, vector<48x6x128xf32> -> vector<48x8x128xf32>
    %slice3A_2936 = vector.extract_strided_slice %select_n3A_2900 {offsets = [0, 2, 0], sizes = [48, 6, 128], strides = [1, 1, 1]} : vector<48x8x128xf32> to vector<48x6x128xf32>
    %slice3A_2937 = vector.extract_strided_slice %select_n3A_2900 {offsets = [0, 0, 0], sizes = [48, 2, 128], strides = [1, 1, 1]} : vector<48x8x128xf32> to vector<48x2x128xf32>
    %concatenate3A_2938 = tpu.concatenate %slice3A_2936, %slice3A_2937 in 1 : vector<48x6x128xf32>, vector<48x2x128xf32> -> vector<48x8x128xf32>
    %select_n3A_2939 = arith.select %ne3A_2912, %concatenate3A_2935, %concatenate3A_2938 : vector<48x8x128xi1>, vector<48x8x128xf32>
    %gt3A_2940 = arith.cmpi sgt, %select_n3A_2898, %select_n3A_2925 : vector<48x8x128xi32>
    %eq3A_2941 = arith.cmpi eq, %select_n3A_2898, %select_n3A_2925 : vector<48x8x128xi32>
    %lt3A_2942 = arith.cmpi slt, %select_n3A_2899, %select_n3A_2932 : vector<48x8x128xi32>
    %and3A_2943 = arith.andi %eq3A_2941, %lt3A_2942 : vector<48x8x128xi1>
    %or3A_2944 = arith.ori %gt3A_2940, %and3A_2943 : vector<48x8x128xi1>
    %not3A_2945 = arith.constant dense<true> : vector<48x8x128xi1>
    %not3A_2946 = arith.xori %ne3A_2912, %not3A_2945 : vector<48x8x128xi1>
    %eq3A_2947 = arith.xori %not3A_2946, %eq3A_2918 : vector<48x8x128xi1>
    %eq3A_2948 = arith.constant dense<true> : vector<48x8x128xi1>
    %eq3A_2949 = arith.xori %eq3A_2947, %eq3A_2948 : vector<48x8x128xi1>
    %eq3A_2950 = arith.xori %or3A_2944, %eq3A_2949 : vector<48x8x128xi1>
    %eq3A_2951 = arith.constant dense<true> : vector<48x8x128xi1>
    %eq3A_2952 = arith.xori %eq3A_2950, %eq3A_2951 : vector<48x8x128xi1>
    %select_n3A_2953 = arith.select %eq3A_2952, %select_n3A_2898, %select_n3A_2925 : vector<48x8x128xi1>, vector<48x8x128xi32>
    %select_n3A_2954 = arith.select %eq3A_2952, %select_n3A_2899, %select_n3A_2932 : vector<48x8x128xi1>, vector<48x8x128xi32>
    %select_n3A_2955 = arith.select %eq3A_2952, %select_n3A_2900, %select_n3A_2939 : vector<48x8x128xi1>, vector<48x8x128xf32>
    %iota3A_2956 = tpu.iota {dimensions = array<i32: 1>} : vector<48x8x128xi32>
    %iota3A_2957 = tpu.iota {dimensions = array<i32: 0>} : vector<48x8x128xi32>
    %mul3A_2958 = arith.constant 8 : i32
    %mul3A_2959 = vector.broadcast %mul3A_2958 : i32 to vector<48x8x128xi32>
    %mul3A_2960 = arith.muli %iota3A_2957, %mul3A_2959 : vector<48x8x128xi32>
    %add3A_2961 = arith.addi %mul3A_2960, %iota3A_2956 : vector<48x8x128xi32>
    %and3A_2962 = arith.constant 1 : i32
    %and3A_2963 = vector.broadcast %and3A_2962 : i32 to vector<48x8x128xi32>
    %and3A_2964 = arith.andi %iota3A_2956, %and3A_2963 : vector<48x8x128xi32>
    %ne3A_2965 = arith.constant 0 : i32
    %ne3A_2966 = vector.broadcast %ne3A_2965 : i32 to vector<48x8x128xi32>
    %ne3A_2967 = arith.cmpi ne, %and3A_2964, %ne3A_2966 : vector<48x8x128xi32>
    %and3A_2968 = arith.constant 1024 : i32
    %and3A_2969 = vector.broadcast %and3A_2968 : i32 to vector<48x8x128xi32>
    %and3A_2970 = arith.andi %add3A_2961, %and3A_2969 : vector<48x8x128xi32>
    %eq3A_2971 = arith.constant 0 : i32
    %eq3A_2972 = vector.broadcast %eq3A_2971 : i32 to vector<48x8x128xi32>
    %eq3A_2973 = arith.cmpi eq, %and3A_2970, %eq3A_2972 : vector<48x8x128xi32>
    %slice3A_2974 = vector.extract_strided_slice %select_n3A_2953 {offsets = [0, 7, 0], sizes = [48, 1, 128], strides = [1, 1, 1]} : vector<48x8x128xi32> to vector<48x1x128xi32>
    %slice3A_2975 = vector.extract_strided_slice %select_n3A_2953 {offsets = [0, 0, 0], sizes = [48, 7, 128], strides = [1, 1, 1]} : vector<48x8x128xi32> to vector<48x7x128xi32>
    %concatenate3A_2976 = tpu.concatenate %slice3A_2974, %slice3A_2975 in 1 : vector<48x1x128xi32>, vector<48x7x128xi32> -> vector<48x8x128xi32>
    %slice3A_2977 = vector.extract_strided_slice %select_n3A_2953 {offsets = [0, 1, 0], sizes = [48, 7, 128], strides = [1, 1, 1]} : vector<48x8x128xi32> to vector<48x7x128xi32>
    %slice3A_2978 = vector.extract_strided_slice %select_n3A_2953 {offsets = [0, 0, 0], sizes = [48, 1, 128], strides = [1, 1, 1]} : vector<48x8x128xi32> to vector<48x1x128xi32>
    %concatenate3A_2979 = tpu.concatenate %slice3A_2977, %slice3A_2978 in 1 : vector<48x7x128xi32>, vector<48x1x128xi32> -> vector<48x8x128xi32>
    %select_n3A_2980 = arith.select %ne3A_2967, %concatenate3A_2976, %concatenate3A_2979 : vector<48x8x128xi1>, vector<48x8x128xi32>
    %slice3A_2981 = vector.extract_strided_slice %select_n3A_2954 {offsets = [0, 7, 0], sizes = [48, 1, 128], strides = [1, 1, 1]} : vector<48x8x128xi32> to vector<48x1x128xi32>
    %slice3A_2982 = vector.extract_strided_slice %select_n3A_2954 {offsets = [0, 0, 0], sizes = [48, 7, 128], strides = [1, 1, 1]} : vector<48x8x128xi32> to vector<48x7x128xi32>
    %concatenate3A_2983 = tpu.concatenate %slice3A_2981, %slice3A_2982 in 1 : vector<48x1x128xi32>, vector<48x7x128xi32> -> vector<48x8x128xi32>
    %slice3A_2984 = vector.extract_strided_slice %select_n3A_2954 {offsets = [0, 1, 0], sizes = [48, 7, 128], strides = [1, 1, 1]} : vector<48x8x128xi32> to vector<48x7x128xi32>
    %slice3A_2985 = vector.extract_strided_slice %select_n3A_2954 {offsets = [0, 0, 0], sizes = [48, 1, 128], strides = [1, 1, 1]} : vector<48x8x128xi32> to vector<48x1x128xi32>
    %concatenate3A_2986 = tpu.concatenate %slice3A_2984, %slice3A_2985 in 1 : vector<48x7x128xi32>, vector<48x1x128xi32> -> vector<48x8x128xi32>
    %select_n3A_2987 = arith.select %ne3A_2967, %concatenate3A_2983, %concatenate3A_2986 : vector<48x8x128xi1>, vector<48x8x128xi32>
    %slice3A_2988 = vector.extract_strided_slice %select_n3A_2955 {offsets = [0, 7, 0], sizes = [48, 1, 128], strides = [1, 1, 1]} : vector<48x8x128xf32> to vector<48x1x128xf32>
    %slice3A_2989 = vector.extract_strided_slice %select_n3A_2955 {offsets = [0, 0, 0], sizes = [48, 7, 128], strides = [1, 1, 1]} : vector<48x8x128xf32> to vector<48x7x128xf32>
    %concatenate3A_2990 = tpu.concatenate %slice3A_2988, %slice3A_2989 in 1 : vector<48x1x128xf32>, vector<48x7x128xf32> -> vector<48x8x128xf32>
    %slice3A_2991 = vector.extract_strided_slice %select_n3A_2955 {offsets = [0, 1, 0], sizes = [48, 7, 128], strides = [1, 1, 1]} : vector<48x8x128xf32> to vector<48x7x128xf32>
    %slice3A_2992 = vector.extract_strided_slice %select_n3A_2955 {offsets = [0, 0, 0], sizes = [48, 1, 128], strides = [1, 1, 1]} : vector<48x8x128xf32> to vector<48x1x128xf32>
    %concatenate3A_2993 = tpu.concatenate %slice3A_2991, %slice3A_2992 in 1 : vector<48x7x128xf32>, vector<48x1x128xf32> -> vector<48x8x128xf32>
    %select_n3A_2994 = arith.select %ne3A_2967, %concatenate3A_2990, %concatenate3A_2993 : vector<48x8x128xi1>, vector<48x8x128xf32>
    %gt3A_2995 = arith.cmpi sgt, %select_n3A_2953, %select_n3A_2980 : vector<48x8x128xi32>
    %eq3A_2996 = arith.cmpi eq, %select_n3A_2953, %select_n3A_2980 : vector<48x8x128xi32>
    %lt3A_2997 = arith.cmpi slt, %select_n3A_2954, %select_n3A_2987 : vector<48x8x128xi32>
    %and3A_2998 = arith.andi %eq3A_2996, %lt3A_2997 : vector<48x8x128xi1>
    %or3A_2999 = arith.ori %gt3A_2995, %and3A_2998 : vector<48x8x128xi1>
    %not3A_3000 = arith.constant dense<true> : vector<48x8x128xi1>
    %not3A_3001 = arith.xori %ne3A_2967, %not3A_3000 : vector<48x8x128xi1>
    %eq3A_3002 = arith.xori %not3A_3001, %eq3A_2973 : vector<48x8x128xi1>
    %eq3A_3003 = arith.constant dense<true> : vector<48x8x128xi1>
    %eq3A_3004 = arith.xori %eq3A_3002, %eq3A_3003 : vector<48x8x128xi1>
    %eq3A_3005 = arith.xori %or3A_2999, %eq3A_3004 : vector<48x8x128xi1>
    %eq3A_3006 = arith.constant dense<true> : vector<48x8x128xi1>
    %eq3A_3007 = arith.xori %eq3A_3005, %eq3A_3006 : vector<48x8x128xi1>
    %select_n3A_3008 = arith.select %eq3A_3007, %select_n3A_2955, %select_n3A_2994 : vector<48x8x128xi1>, vector<48x8x128xf32>
    %reshape3A_3009 = vector.shape_cast %select_n3A_3008 : vector<48x8x128xf32> to vector<384x128xf32>
    %swap3A = arith.constant 0 : index
    %swap3A_3010 = arith.constant 0 : index
    %swap3A_3011 = vector.load %arg4[%swap3A, %swap3A_3010] : memref<384x128xf32, #tpu.memory_space<vmem>>, vector<384x128xf32>
    tpu.vector_store %arg4[%swap3A, %swap3A_3010], %reshape3A_3009 {strides = array<i32>} : memref<384x128xf32, #tpu.memory_space<vmem>>, vector<384x128xf32>,
    return
  }
  func.func @transform_0(%arg0: i32) -> (i32, i32) {
    %c0_i32 = arith.constant 0 : i32
    %c0_i32_0 = arith.constant 0 : i32
    return %c0_i32, %arg0 : i32, i32
  }
  func.func @transform_1(%arg0: i32) -> (i32, i32) {
    %c0_i32 = arith.constant 0 : i32
    %c0_i32_0 = arith.constant 0 : i32
    %c0_i32_1 = arith.constant 0 : i32
    return %c0_i32, %c0_i32_0 : i32, i32
  }
  func.func @transform_2(%arg0: i32) -> (i32, i32) {
    %c0_i32 = arith.constant 0 : i32
    %c0_i32_0 = arith.constant 0 : i32
    %c0_i32_1 = arith.constant 0 : i32
    return %c0_i32, %c0_i32_0 : i32, i32
  }
  func.func @transform_3(%arg0: i32) -> (i32, i32) {
    %c0_i32 = arith.constant 0 : i32
    %c0_i32_0 = arith.constant 0 : i32
    return %c0_i32, %arg0 : i32, i32
  }
}

</mosaic_0001>

<sc_bundles>
// kernel: sparse-core-data-format-call.1.cloned.1.call-start
scs
called_computation.1_lowered:
.L_overlay_start_0:
0x0: {  	s2 =	sld [smem:$0x3FD9]  }
0x1: {  	s3 =	sld [smem:$0x3FFE];
	_ =	sdelay $0x1  }
0x2: {  	s1 =	srdreg.scid  }
0x3: {  	s0 =	sand.u32 $0x1, s1  }
0x4: {  	s18 =	sshll.u32 s0, $0xA;
	s2 =	sadd.s32 s3, s2  }
0x5: {  	s2 =	sadd.s32 s2, s18  }
0x6: {  	[smem:$0x3FC5] =	sst s2  }
0x7: {  	_ = 	snop  }
0x8: {  	s2 =	sld [smem:$0x3FC9];
	(tm) =	ssettm $0x1  }
0x9: {  	s19 =	sld [smem:$0x3FFB];
	_ =	sdelay $0x3  }
0xa: {  	_ =	strace s19  }
0xb: {  	s3 =	sld [smem:$0x3FFC];
	_ =	sdelay $0x3  }
0xc: {  	_ =	strace s3  }
0xd: {  	s3 =	sld [smem:$0x3FFD];
	_ =	sdelay $0x3  }
0xe: {  	_ =	strace s3  }
0xf: {  	_ =	strace $0x8FFFFFFF  }
0x10: {  	s20 =	sld [smem:$0x3FDB];
	_ =	sdelay $0x1  }
0x11: {  	s4 =	simm.s32 $_scs_section_size  }
0x12: {  	s5 =	simm.s32 $_size__tile_overlayer_lowered;
	s6 =	simm.s32 $_tile_overlayer_lowered  }
0x13: {  	s23 =	simm.s32 $0x1BFF;
	s22 =	sshll.u32 s6, $0x1;
	s3 =	sadd.s32 s4, s20  }
0x14: {  	s7 =	simm.s32 $0x0;
	s21 =	sshll.u32 s5, $0x1;
	s5 =	sadd.s32 s22, s3  }
0x15: {  	[timem:s7], [sflag:s23] =	dma.local [hbm:s5], s21  }
0x16: {  	_ =	swait.ge [sflag:s23], s21  }
0x17: {  	s4 =	ssub.s32 $0x0, s21;
	[sflag:s23] =	ssyncset.done $0x0  }
0x18: {  	[sflag:s23] =	ssyncadd.s32 s4;
	_ =	sdelay $0x1  }
0x19: {  	s24 =	simm.s32 $0x1B8B  }
0x1a: {  	_ =	swait.ge [sflag:s24], $0x1  }
0x1b: {  	[sflag:s24] =	ssyncset.done $0x0  }
0x1c: {  	s26 =	simm.s32 $0x1B8E;
	s25 =	sld [smem:$0x3FFE];
	[sflag:s24] =	ssyncadd.s32 $0xFFFFFFFF  }
0x1d: {  	s27 =	simm.s32 $execute0_lowered;
	[smem:$0x3FD2] =	sst s26  }
0x1e: {  	s5 =	sshll.u32 s27, $0x1;
	_ =	strace $0x80000046;
	[dreg:$0x1] =	wrdreg $0xFFFFFFFF  }
0x1f: {  	s28 =	simm.s32 $_size_execute0_lowered;
	s3 =	sadd.s32 s3, s5;
	[dreg:$0x0] =	wrdreg $0x0  }
0x20: {  	s5 =	sshll.u32 s28, $0x1;
	[dreg:$0x2] =	wrdreg s3  }
0x21: {  	[dreg:$0x3] =	wrdreg s5  }
0x22: {  	[dreg:$0x4] =	wrdreg $0xC0  }
0x23: {  	_ =	task [dreg:s7], $0x5FFFF  }
0x24: {  	[dreg:$0x1] =	wrdreg $0xFFFFFFFF  }
0x25: {  	[dreg:$0x0] =	wrdreg $0x60  }
0x26: {  	[dreg:$0x2] =	wrdreg s2  }
0x27: {  	[dreg:$0x3] =	wrdreg s25  }
0x28: {  	[dreg:$0x4] =	wrdreg $0x9  }
0x29: {  	_ =	task.clear_ibuf [dreg:s7], $0x5FFFF;
	_ =	strace $0x90000046  }
0x2a: {  	s29 =	simm.s32 $0x9;
	_ =	strace $0x80000048  }
0x2b: {  	_ =	swait.ge [sflag:s29], $0x1  }
0x2c: {  	[sflag:s29] =	ssyncadd.s32 $0xFFFFFFFF  }
0x2d: {  	_ =	strace $0x90000048  }
0x2e: {  	_ =	sfence  }
0x2f: {  	s30 =	sld [smem:$0x0];
	_ =	sdelay $0x2  }
0x30: {  	s31 =	sshll.u32 s1, $0xD;
	s1 =	sshrl.u32 s1, $0x2  }
0x31: {  	s3 =	sand.u32 $0x4000, s31;
	s1 =	sadd.s32 s1, s30  }
0x32: {  	s0 =	sor.u32 s3, s0;
	s1 =	sshll.u32 s1, $0x11  }
0x33: {  	s0 =	sor.u32 s1, s0  }
0x34: {  	s0 =	sadd.s32 $0x8F2B, s0  }
0x35: {  	[sflag:s0] =	ssyncadd.remote.s32 $0x1  }
0x36: {  	_ =	sfence.sel $0xFFFF  }
0x37: {  	[dreg:$0x0] =	wrdreg $0xFFFFFFFF;
	(pc) =	sbr.abs _section_cstart, $3  }
0x38: {  	[dreg:$0x1] =	wrdreg $0xFFFFFFFF  }
0x39: {  	_ =	task.clear_ibuf [dreg:s7], $0x2FFFF;
	_ =	strace $0x9FFFFFFF  }
0x3a: {  	(tm) =	ssettm $0x7FFFFFFF  }
0x3b: {  	_ =	shalt  }
tec
execute0_lowered:
.L_overlay_start_1:
0x0: {  	(tag) =	ssettag $0x1  }
0x1: {  	s0 =	srdreg.scid  }
0x2: {  	s1 =	sshll.u32 s0, $0x4  }
0x3: {  	s0 =	stileid.u32;
	s1 =	sand.u32 $0x10, s1  }
0x4: {  	s3 =	rddreg [dreg:$0x0];
	s1 =	sor.u32 s0, s1  }
0x5: {  	s6 =	rddreg [dreg:$0x1];
	s2 =	sshll.u32 s1, $0x7  }
0x6: {  	s7 =	simm.s32 $0x2;
	s13 =	simm.s32 $0x0;
	s1 =	ssub.s32 $0x8000, s2  }
0x7: {  	s8 =	simm.s32 $0x40000;
	s12 =	simm.s32 $0x0;
	s4 =	sand.u32 $0xF80, s1  }
0x8: {  	s9 =	simm.s32 $0x0;
	p0 =	sne.s32 s4, $0x0;
	s4 =	simm.s32 $0x1  }
.Ltmp0:
0x9: {  	s5 =	sshrl.u32 s1, $0xC;
	s4 =	simm.s32 @!p0 $0x0;
	(pc) =	sbr.rel .LBB1_1-.Ltmp0, $4  }
0xa: {  	s11 =	simm.s32 $0x0;
	s1 =	rddreg [dreg:$0x2];
	s5 =	sadd.s32 s4, s5  }
0xb: {  	_ =	strace $0x80000047;
	s4 =	simm.s32 $0x1;
	s5 =	smul.u32 $0x6, s5  }
0xc: {  	s6 =	sadd.s32 $0xC00, s6;
	s10 =	smov.u32 s2;
	[sflag:s4] =	ssyncpa.u1 $0x0  }
0xd: {  	p0 =	por $0x0, $0x0;
	[sflag:s7] =	ssyncpa.u1 $0x0;
	s7 =	sor.u32 $0x1, s5  }
.LBB1_4:
0xe: {  	v5 =	vld [tilespmem:s16+$0xFFFFFFD0];
	[tilespmem:s17+$0x2040 ss:$0x81] =	vst.msk $0xffff, v3  }
0xf: {  	v58 =	vld [tilespmem:s16+$0xFFFFFFE0];
	[tilespmem:s17+$0x2850 ss:$0x81] =	vst.msk $0xffff, v4;
	s19 =	sshll.u32 s13, $0xF;
	s20 =	sshll.u32 s12, $0x3  }
0x10: {  	s18 =	sshra.s32 s18, $0x2;
	v59 =	vld [tilespmem:s16+$0xFFFFFFF0];
	[tilespmem:s17+$0x3060 ss:$0x81] =	vst.msk $0xffff, v2;
	s19 =	sand.u32 $0xFFFC0000, s19;
	s21 =	sand.u32 $0xFFFFFC00, s20  }
0x11: {  	[tilespmem:s17+$0x0 ss:$0x81] =	vst.msk $0xffff, v0;
	v60 =	vld [tilespmem:s16+$0x0];
	s15 =	sadd.s32 s18, s15;
	s25 =	sadd.s32 s21, s19  }
0x12: {  	v61 =	vld [tilespmem:s16+$0x10];
	[tilespmem:s15+$0x3870 ss:$0x81] =	vst.msk $0xffff, v1;
	s17 =	sshrl.u32 s25, $0xF  }
0x13: {  	v62 =	vld [tilespmem:s16+$0x20];
	s26 =	smulhi.u32 $0x555556, s17;
	[tilespmem:s15+$0x810 ss:$0x81] =	vst.msk $0xffff, v5  }
0x14: {  	v63 =	vld [tilespmem:s16+$0xFFFFFFC0];
	s27 =	sand.u32 $0x78, s12;
	s28 =	sshll.u32 s13, $0x7;
	s29 =	sand.u32 $0x7C00, s20;
	[tilespmem:s15+$0x1020 ss:$0x81] =	vst.msk $0xffff, v58  }
0x15: {  	s13 =	sand.u32 $0x380, s28;
	s16 =	sor.u32 s27, s29;
	[tilespmem:s15+$0x1830 ss:$0x81] =	vst.msk $0xffff, v59;
	s18 =	smul.u32 $0x300, s26  }
0x16: {  	s13 =	sor.u32 s13, s16;
	[tilespmem:s15+$0x2040 ss:$0x81] =	vst.msk $0xffff, v60  }
0x17: {  	s31 =	sand.u32 $0x7, s12;
	s13 =	sshrl.u32 s13, $0x3;
	[tilespmem:s15+$0x2850 ss:$0x81] =	vst.msk $0xffff, v61;
	s30 =	ssub.s32 s17, s18  }
0x18: {  	s12 =	sshll.u32 s31, $0x12;
	[tilespmem:s15+$0x3060 ss:$0x81] =	vst.msk $0xffff, v62;
	s13 =	sadd.s32 s6, s13;
	s16 =	sshll.u32 s30, $0xC  }
0x19: {  	s12 =	sor.u32 $0x400, s12;
	[tilespmem:s15+$0x0 ss:$0x81] =	vst.msk $0xffff, v63;
	s13 =	sadd.s32 s16, s13  }
0x1a: {  	[hbm4b:s13+s12] =	stream.strided.scatter [tilespmem:s14], [sflag:$0x2], $0x4000, s8, s12, $0x20;
	[tilespmem:$0x10100] =	vst v63  }
.LBB1_5:
0x1b: {  	s14 =	sadd.s32 $0x80, s9  }
0x1c: {  	s12 =	sadd.s32 $0x1000, s10;
	s16 =	smov.u32 s10;
	p2 =	sgt.s32 s14, $0x2FF  }
0x1d: {  	s16 =	smov.u32 @p2 s12  }
0x1e: {  	s14 =	simm.s32 @p2 $0x0;
	p2 =	sgt.s32 s16, $0x7FFF  }
0x1f: {  	s16 =	smov.u32 @p2 s2;
	p2 =	sne.s32 s11, s7  }
.Ltmp1:
0x20: {  	p1 =	slt.u32 s11, $0x2;
	(pc) =	sbr.rel @!p2 .LBB1_6-.Ltmp1, $4  }
0x21: {  	s15 =	simm.s32 @!p1 $0x2  }
0x22: {  	s13 =	smov.u32 s9;
	p0 =	por !p0, !p0;
	_ =	swait.ge @!p1 [sflag:s15], $0x4000  }
0x23: {  	s12 =	smov.u32 s10;
	[sflag:s15] =	ssyncset.done @!p1 $0x0;
	s9 =	smov.u32 s14  }
0x24: {  	s11 =	sadd.s32 $0x1, s11;
	[sflag:s15] =	ssyncadd.s32 @!p1 $0xFFFFC000;
	s10 =	smov.u32 s16  }
.LBB1_1:
0x25: {  	p1 =	sge.u32 s11, s5  }
0x26: {  	s14 =	sshrl.u32 @!p1 s10, $0x3  }
0x27: {  	s15 =	sshll.u32 @!p1 s9, $0x3;
	s14 =	smul.u32 @!p1 $0x1800, s14  }
0x28: {  	s16 =	sshll.u32 @!p1 s10, $0x7;
	s15 =	sand.u32 @!p1 $0xFFFFFC00, s15  }
0x29: {  	s14 =	sadd.s32 @!p1 s14, s15;
	s15 =	sand.u32 @!p1 $0x380, s16  }
0x2a: {  	s16 =	sand.u32 @!p1 $0x7F, s9;
	s14 =	sor.u32 @!p1 s15, s14  }
0x2b: {  	s15 =	sor.u32 @!p1 s16, s14  }
0x2c: {  	s16 =	smulhi.u32 @!p1 $0xAAAAAAAB, s15;
	_ =	sdelay $0x1  }
0x2d: {  	s14 =	smulhi.u32 @!p1 $0xAAAAAAAB, s14;
	s16 =	sshrl.u32 @!p1 s16, $0x9  }
0x2e: {  	s16 =	smul.u32 @!p1 $0x300, s16  }
0x2f: {  	s31 =	sadd.s32 $0xFFFFFFFF, s11;
	s17 =	sxor.u32 @!p1 $0xFFFFFFFF, s11;
	s14 =	sshrl.u32 @!p1 s14, $0x9  }
0x30: {  	s17 =	sshll.u32 @!p1 s17, $0xE;
	s14 =	sand.u32 @!p1 $0x7FFF, s14;
	s15 =	ssub.s32 @!p1 s15, s16  }
0x31: {  	s14 =	smul.u32 @!p1 $0x60, s14;
	s16 =	sshrl.u32 @!p1 s15, $0x3;
	s15 =	sand.u32 @!p1 $0x7, s15  }
0x32: {  	s17 =	sand.u32 @!p1 $0x4000, s17;
	s16 =	sadd.s32 @!p1 s3, s16;
	s15 =	sshll.u32 @!p1 s15, $0x12  }
0x33: {  	s14 =	sadd.s32 @!p1 s14, s16;
	s15 =	sor.u32 @!p1 $0x400, s15;
	s16 =	simm.s32 @!p1 $0x1800  }
0x34: {  	[tilespmem:s17], [sflag:$0x1] =	stream.strided.gather @!p1 [hbm4b:s14+s15], $0x4000, s16, s15, $0x38;
	[tilespmem:$0x10100] =	vst v63  }
0x35: {  	p1 =	sge.u32 s31, s5  }
.Ltmp2:
0x36: {  	_ = 	snop;
	(pc) =	sbr.rel @p1 .LBB1_5-.Ltmp2, $1  }
0x37: {  	_ =	sdelay $0x3  }
0x38: {  	s14 =	simm.s32 $0x1  }
0x39: {  	_ =	swait.ge [sflag:s4], $0x4000;
	s14 =	simm.s32 @!p0 $0x0  }
0x3a: {  	[sflag:s4] =	ssyncset.done $0x0;
	s15 =	sshll.u32 s14, $0xE  }
0x3b: {  	[sflag:s4] =	ssyncadd.s32 $0xFFFFC000;
	s16 =	sor.u32 $0x40, s15  }
0x3c: {  	s14 =	smul.u32 $0x10200, s14;
	v0 =	vld [tilespmem:s16+$0x30]  }
0x3d: {  	v1 =	vld [tilespmem:s16+$0xFFFFFFD0]  }
0x3e: {  	s14 =	sshrl.u32 s14, $0x2;
	v5 =	vld [tilespmem:s16+$0xFFFFFFE0]  }
0x3f: {  	v6 =	vld [tilespmem:s16+$0xFFFFFFF0];
	s15 =	sor.u32 $0x8000, s14  }
0x40: {  	s31 =	sand.u32 $0x1, s11;
	v3 =	vld [tilespmem:s16+$0x0];
	s17 =	sadd.s32 $0x0, s15  }
0x41: {  	v4 =	vld [tilespmem:s16+$0x10];
	s14 =	smul.u32 $0x10200, s31;
	[tilespmem:s17+$0x3870 ss:$0x81] =	vst.msk $0xffff, v0  }
0x42: {  	v2 =	vld [tilespmem:s16+$0x20];
	[tilespmem:s17+$0x810 ss:$0x81] =	vst.msk $0xffff, v1  }
0x43: {  	s14 =	sshrl.u32 s14, $0x2;
	v0 =	vld [tilespmem:s16+$0xFFFFFFC0];
	[tilespmem:s17+$0x1020 ss:$0x81] =	vst.msk $0xffff, v5;
	s16 =	sadd.s32 $0x80, s16  }
0x44: {  	s18 =	simm.s32 $0x4;
	s19 =	simm.s32 $0x8;
	s14 =	sor.u32 $0x8000, s14;
	[tilespmem:s17+$0x1830 ss:$0x81] =	vst.msk $0xffff, v6;
	v1 =	vld [tilespmem:s16+$0x30]  }
.LBB1_3:
0x45: {  	p1 =	sne.s32 s19, $0x1FC;
	v5 =	vld [tilespmem:s16+$0xFFFFFFD0];
	[tilespmem:s17+$0x2040 ss:$0x81] =	vst.msk $0xffff, v3  }
0x46: {  	v6 =	vld [tilespmem:s16+$0xFFFFFFE0];
	[tilespmem:s17+$0x2850 ss:$0x81] =	vst.msk $0xffff, v4  }
0x47: {  	s20 =	sshra.s32 s18, $0x2;
	s18 =	smov.u32 s19;
	v7 =	vld [tilespmem:s16+$0xFFFFFFF0];
	[tilespmem:s17+$0x3060 ss:$0x81] =	vst.msk $0xffff, v2  }
.Ltmp3:
0x48: {  	v3 =	vld [tilespmem:s16+$0x0];
	[tilespmem:s17+$0x0 ss:$0x81] =	vst.msk $0xffff, v0;
	s17 =	sadd.s32 s20, s15;
	(pc) =	sbr.rel @p1 .LBB1_3-.Ltmp3, $4  }
0x49: {  	v4 =	vld [tilespmem:s16+$0x10];
	[tilespmem:s17+$0x3870 ss:$0x81] =	vst.msk $0xffff, v1  }
0x4a: {  	[tilespmem:s17+$0x810 ss:$0x81] =	vst.msk $0xffff, v5;
	v2 =	vld [tilespmem:s16+$0x20]  }
0x4b: {  	v0 =	vld [tilespmem:s16+$0xFFFFFFC0];
	[tilespmem:s17+$0x1020 ss:$0x81] =	vst.msk $0xffff, v6;
	s16 =	sadd.s32 $0x80, s16  }
0x4c: {  	s19 =	sadd.s32 $0x4, s19;
	v1 =	vld [tilespmem:s16+$0x30];
	[tilespmem:s17+$0x1830 ss:$0x81] =	vst.msk $0xffff, v7  }
.Ltmp4:
0x4d: {  	_ = 	snop;
	(pc) =	sbr.rel .LBB1_4-.Ltmp4, $1  }
0x4e: {  	_ =	sdelay $0x3  }
.LBB1_6:
0x4f: {  	_ =	sfence.sel $0x180000  }
0x50: {  	s2 =	simm.s32 $0x1;
	[bflag:$0x0] =	sbarrier.arrive $0xFFFF  }
0x51: {  	s31 =	simm.s32 $0x2;
	[sflag:s2] =	ssyncpa.u1 $0x1  }
0x52: {  	[sflag:s31] =	ssyncpa.u1 $0x1  }
0x53: {  	p0 =	sne.s32 s0, $0x0;
	_ =	strace $0x90000047  }
0x54: {  	s0 =	sadd.s32 @!p0 $0x100000, s1;
	[bflag:$0x2] =	sbarrier.arrive $0xFFFF  }
0x55: {  	[sflag:s0] =	ssyncadd.tile.s32 @!p0 $0x1;
	_ =	shalt  }
.Lfunc_end1:
_tile_overlayer_lowered:
.L_overlay_start_2:
0x56: {  	(tag) =	ssettag $0x2  }
0x57: {  	s0 =	rddreg [dreg:$0x0];
	s2 =	stileid.u32  }
0x58: {  	s1 =	rddreg [dreg:$0x1];
	p0 =	sne.s32 s2, $0x0  }
0x59: {  	s3 =	rddreg [dreg:$0x2];
	[bflag:$0x3] =	sbarrier.arrive $0xFFFF;
	s2 =	simm.s32 @!p0 $0x1C01  }
0x5a: {  	[timem:s3], [sflag:s2] =	dma.local @!p0 [hbm:s0], s1  }
0x5b: {  	s0 =	simm.s32 @!p0 $0x1  }
0x5c: {  	_ =	swait.ge @!p0 [sflag:s0], s1  }
0x5d: {  	s1 =	ssub.s32 @!p0 $0x0, s1;
	[sflag:s0] =	ssyncset.done @!p0 $0x0  }
0x5e: {  	[sflag:s0] =	ssyncadd.s32 @!p0 s1  }
0x5f: {  	[bflag:$0x3] =	sbarrier.arrive $0xFFFF  }
0x60: {  	_ =	shalt  }

// kernel: sparse-core-data-format-call.cloned.1.call-start
scs
called_computation_lowered:
.L_overlay_start_0:
0x0: {  	s2 =	sld [smem:$0x3FD9]  }
0x1: {  	s3 =	sld [smem:$0x3FFE];
	_ =	sdelay $0x1  }
0x2: {  	s1 =	srdreg.scid  }
0x3: {  	s0 =	sand.u32 $0x1, s1  }
0x4: {  	s18 =	sshll.u32 s0, $0xA;
	s2 =	sadd.s32 s3, s2  }
0x5: {  	s2 =	sadd.s32 s2, s18  }
0x6: {  	[smem:$0x3FC5] =	sst s2  }
0x7: {  	_ = 	snop  }
0x8: {  	s2 =	sld [smem:$0x3FD0];
	(tm) =	ssettm $0x1  }
0x9: {  	s19 =	sld [smem:$0x3FFB];
	_ =	sdelay $0x3  }
0xa: {  	_ =	strace s19  }
0xb: {  	s3 =	sld [smem:$0x3FFC];
	_ =	sdelay $0x3  }
0xc: {  	_ =	strace s3  }
0xd: {  	s3 =	sld [smem:$0x3FFD];
	_ =	sdelay $0x3  }
0xe: {  	_ =	strace s3  }
0xf: {  	_ =	strace $0x8FFFFFFF  }
0x10: {  	s20 =	sld [smem:$0x3FDB];
	_ =	sdelay $0x1  }
0x11: {  	s4 =	simm.s32 $_scs_section_size  }
0x12: {  	s5 =	simm.s32 $_size__tile_overlayer_lowered;
	s6 =	simm.s32 $_tile_overlayer_lowered  }
0x13: {  	s23 =	simm.s32 $0x1BFF;
	s22 =	sshll.u32 s6, $0x1;
	s3 =	sadd.s32 s4, s20  }
0x14: {  	s7 =	simm.s32 $0x0;
	s21 =	sshll.u32 s5, $0x1;
	s5 =	sadd.s32 s22, s3  }
0x15: {  	[timem:s7], [sflag:s23] =	dma.local [hbm:s5], s21  }
0x16: {  	_ =	swait.ge [sflag:s23], s21  }
0x17: {  	s4 =	ssub.s32 $0x0, s21;
	[sflag:s23] =	ssyncset.done $0x0  }
0x18: {  	[sflag:s23] =	ssyncadd.s32 s4;
	_ =	sdelay $0x1  }
0x19: {  	s24 =	simm.s32 $0x1B8B  }
0x1a: {  	_ =	swait.ge [sflag:s24], $0x1  }
0x1b: {  	[sflag:s24] =	ssyncset.done $0x0  }
0x1c: {  	s26 =	simm.s32 $0x1B8E;
	s25 =	sld [smem:$0x3FFE];
	[sflag:s24] =	ssyncadd.s32 $0xFFFFFFFF  }
0x1d: {  	s27 =	simm.s32 $execute0_lowered;
	[smem:$0x3FD2] =	sst s26  }
0x1e: {  	s5 =	sshll.u32 s27, $0x1;
	_ =	strace $0x80000049;
	[dreg:$0x1] =	wrdreg $0xFFFFFFFF  }
0x1f: {  	s28 =	simm.s32 $_size_execute0_lowered;
	s3 =	sadd.s32 s3, s5;
	[dreg:$0x0] =	wrdreg $0x0  }
0x20: {  	s5 =	sshll.u32 s28, $0x1;
	[dreg:$0x2] =	wrdreg s3  }
0x21: {  	[dreg:$0x3] =	wrdreg s5  }
0x22: {  	[dreg:$0x4] =	wrdreg $0xC0  }
0x23: {  	_ =	task [dreg:s7], $0x5FFFF  }
0x24: {  	[dreg:$0x1] =	wrdreg $0xFFFFFFFF  }
0x25: {  	[dreg:$0x0] =	wrdreg $0x60  }
0x26: {  	[dreg:$0x2] =	wrdreg s25  }
0x27: {  	[dreg:$0x3] =	wrdreg s2  }
0x28: {  	[dreg:$0x4] =	wrdreg $0x9  }
0x29: {  	_ =	task.clear_ibuf [dreg:s7], $0x5FFFF;
	_ =	strace $0x90000049  }
0x2a: {  	s29 =	simm.s32 $0x9;
	_ =	strace $0x8000004B  }
0x2b: {  	_ =	swait.ge [sflag:s29], $0x1  }
0x2c: {  	[sflag:s29] =	ssyncadd.s32 $0xFFFFFFFF  }
0x2d: {  	_ =	strace $0x9000004B  }
0x2e: {  	_ =	sfence  }
0x2f: {  	s30 =	sld [smem:$0x0];
	_ =	sdelay $0x2  }
0x30: {  	s31 =	sshll.u32 s1, $0xD;
	s1 =	sshrl.u32 s1, $0x2  }
0x31: {  	s3 =	sand.u32 $0x4000, s31;
	s1 =	sadd.s32 s1, s30  }
0x32: {  	s0 =	sor.u32 s3, s0;
	s1 =	sshll.u32 s1, $0x11  }
0x33: {  	s0 =	sor.u32 s1, s0  }
0x34: {  	s0 =	sadd.s32 $0x8F2B, s0  }
0x35: {  	[sflag:s0] =	ssyncadd.remote.s32 $0x1  }
0x36: {  	_ =	sfence.sel $0xFFFF  }
0x37: {  	[dreg:$0x0] =	wrdreg $0xFFFFFFFF;
	(pc) =	sbr.abs _section_cstart, $3  }
0x38: {  	[dreg:$0x1] =	wrdreg $0xFFFFFFFF  }
0x39: {  	_ =	task.clear_ibuf [dreg:s7], $0x2FFFF;
	_ =	strace $0x9FFFFFFF  }
0x3a: {  	(tm) =	ssettm $0x7FFFFFFF  }
0x3b: {  	_ =	shalt  }
tec
execute0_lowered:
.L_overlay_start_1:
0x0: {  	(tag) =	ssettag $0x1  }
0x1: {  	s0 =	srdreg.scid  }
0x2: {  	s1 =	sshll.u32 s0, $0x4  }
0x3: {  	s0 =	stileid.u32;
	s1 =	sand.u32 $0x10, s1  }
0x4: {  	s1 =	sor.u32 s0, s1  }
0x5: {  	s6 =	rddreg [dreg:$0x0];
	s4 =	simm.s32 $0x1;
	s2 =	sshll.u32 s1, $0x7  }
0x6: {  	s7 =	simm.s32 $0x2;
	s13 =	simm.s32 $0x0;
	s1 =	ssub.s32 $0x8000, s2  }
0x7: {  	s8 =	simm.s32 $0xC00;
	s12 =	simm.s32 $0x0;
	s3 =	sand.u32 $0xF80, s1  }
0x8: {  	s10 =	simm.s32 $0x0;
	s5 =	sshrl.u32 s1, $0xC;
	p0 =	sne.s32 s3, $0x0  }
.Ltmp0:
0x9: {  	s1 =	rddreg [dreg:$0x2];
	s4 =	simm.s32 @!p0 $0x0;
	(pc) =	sbr.rel .LBB1_1-.Ltmp0, $4  }
0xa: {  	s11 =	simm.s32 $0x0;
	s3 =	rddreg [dreg:$0x1];
	s5 =	sadd.s32 s4, s5  }
0xb: {  	_ =	strace $0x8000004A;
	s4 =	simm.s32 $0x1;
	s5 =	smul.u32 $0x3, s5  }
0xc: {  	s6 =	sadd.s32 $0x300C00, s6;
	s9 =	smov.u32 s2;
	[sflag:s4] =	ssyncpa.u1 $0x0  }
0xd: {  	p0 =	por $0x0, $0x0;
	[sflag:s7] =	ssyncpa.u1 $0x0;
	s7 =	sadd.s32 $0x1, s5  }
.LBB1_4:
0xe: {  	s19 =	sshrl.u32 s13, $0x3  }
0xf: {  	s20 =	sshll.u32 s12, $0x3;
	s19 =	smul.u32 $0xC00, s19  }
0x10: {  	s29 =	sshll.u32 s13, $0x7;
	s20 =	sand.u32 $0xFFFFFC00, s20  }
0x11: {  	v5 =	vld [tilespmem:s17+$0xFFFFFFD0];
	[tilespmem:s16+$0x2040 ss:$0x81] =	vst.msk $0xffff, v4;
	s13 =	sand.u32 $0x380, s29;
	s19 =	sadd.s32 s20, s19  }
0x12: {  	v58 =	vld [tilespmem:s17+$0xFFFFFFE0];
	[tilespmem:s16+$0x2850 ss:$0x81] =	vst.msk $0xffff, v3;
	s30 =	sand.u32 $0x7F, s12;
	s13 =	sor.u32 s13, s19  }
0x13: {  	s18 =	sshra.s32 s18, $0x2;
	v59 =	vld [tilespmem:s17+$0xFFFFFFF0];
	[tilespmem:s16+$0x3060 ss:$0x81] =	vst.msk $0xffff, v2;
	s12 =	sor.u32 s30, s13  }
0x14: {  	v60 =	vld [tilespmem:s17+$0x0];
	[tilespmem:s16+$0x0 ss:$0x81] =	vst.msk $0xffff, v0;
	s15 =	sadd.s32 s18, s15;
	s31 =	smulhi.u32 $0xAAAAAAAB, s12  }
0x15: {  	v61 =	vld [tilespmem:s17+$0x10];
	[tilespmem:s15+$0x3870 ss:$0x81] =	vst.msk $0xffff, v1  }
0x16: {  	v62 =	vld [tilespmem:s17+$0x20];
	[tilespmem:s15+$0x810 ss:$0x81] =	vst.msk $0xffff, v5;
	s13 =	smulhi.u32 $0xAAAAAAAB, s13;
	s16 =	sshrl.u32 s31, $0x8  }
0x17: {  	v63 =	vld [tilespmem:s17+$0xFFFFFFC0];
	[tilespmem:s15+$0x1020 ss:$0x81] =	vst.msk $0xffff, v58;
	s16 =	smul.u32 $0x180, s16  }
0x18: {  	[tilespmem:s15+$0x1830 ss:$0x81] =	vst.msk $0xffff, v59;
	s13 =	sshrl.u32 s13, $0x8  }
0x19: {  	[tilespmem:s15+$0x2040 ss:$0x81] =	vst.msk $0xffff, v60;
	s13 =	sand.u32 $0x7FFF, s13;
	s12 =	ssub.s32 s12, s16  }
0x1a: {  	[tilespmem:s15+$0x2850 ss:$0x81] =	vst.msk $0xffff, v61;
	s13 =	smul.u32 $0x30, s13;
	s16 =	sshrl.u32 s12, $0x3;
	s12 =	sand.u32 $0x7, s12  }
0x1b: {  	[tilespmem:s15+$0x3060 ss:$0x81] =	vst.msk $0xffff, v62;
	s16 =	sadd.s32 s3, s16;
	s12 =	sshll.u32 s12, $0x12  }
0x1c: {  	[tilespmem:s15+$0x0 ss:$0x81] =	vst.msk $0xffff, v63;
	s13 =	sadd.s32 s13, s16;
	s12 =	sor.u32 $0x400, s12  }
0x1d: {  	[hbm4b:s13+s12] =	stream.strided.scatter [tilespmem:s14], [sflag:$0x2], $0x4000, s8, s12, $0x20;
	[tilespmem:$0x10100] =	vst v63  }
.LBB1_5:
0x1e: {  	s14 =	sadd.s32 $0x1000, s9  }
0x1f: {  	s12 =	sadd.s32 $0x80, s10;
	s16 =	smov.u32 s10;
	p2 =	sgt.s32 s14, $0x7FFF  }
0x20: {  	s16 =	smov.u32 @p2 s12  }
0x21: {  	s14 =	smov.u32 @p2 s2;
	p2 =	sgt.s32 s16, $0x17F  }
0x22: {  	s16 =	simm.s32 @p2 $0x0;
	p2 =	sne.s32 s11, s7  }
.Ltmp1:
0x23: {  	p1 =	slt.u32 s11, $0x2;
	(pc) =	sbr.rel @!p2 .LBB1_6-.Ltmp1, $4  }
0x24: {  	s15 =	simm.s32 @!p1 $0x2  }
0x25: {  	s13 =	smov.u32 s9;
	p0 =	por !p0, !p0;
	_ =	swait.ge @!p1 [sflag:s15], $0x4000  }
0x26: {  	s12 =	smov.u32 s10;
	[sflag:s15] =	ssyncset.done @!p1 $0x0;
	s9 =	smov.u32 s14  }
0x27: {  	s11 =	sadd.s32 $0x1, s11;
	[sflag:s15] =	ssyncadd.s32 @!p1 $0xFFFFC000;
	s10 =	smov.u32 s16  }
.LBB1_1:
0x28: {  	p1 =	sge.u32 s11, s5  }
0x29: {  	s14 =	sshll.u32 @!p1 s10, $0xF  }
0x2a: {  	s15 =	sshll.u32 @!p1 s9, $0x3;
	s14 =	sand.u32 @!p1 $0xFFFC0000, s14  }
0x2b: {  	s14 =	sadd.s32 @!p1 s14, s15  }
0x2c: {  	s16 =	sshll.u32 @!p1 s10, $0x7;
	s14 =	sshrl.u32 @!p1 s14, $0xF  }
0x2d: {  	s17 =	sand.u32 @!p1 $0x78, s9;
	s16 =	sand.u32 @!p1 $0x380, s16;
	s18 =	smulhi.u32 @!p1 $0xAAAAAB, s14  }
0x2e: {  	s31 =	sadd.s32 $0xFFFFFFFF, s11;
	s16 =	sor.u32 @!p1 s16, s17  }
0x2f: {  	s17 =	sxor.u32 @!p1 $0xFFFFFFFF, s11;
	s15 =	sand.u32 @!p1 $0x7C00, s15;
	s18 =	smul.u32 @!p1 $0x180, s18  }
0x30: {  	s17 =	sshll.u32 @!p1 s17, $0xE;
	s15 =	sor.u32 @!p1 s15, s16;
	s16 =	sand.u32 @!p1 $0x7, s9  }
0x31: {  	s17 =	sand.u32 @!p1 $0x4000, s17;
	s15 =	sshrl.u32 @!p1 s15, $0x3;
	s14 =	ssub.s32 @!p1 s14, s18  }
0x32: {  	s16 =	sshll.u32 @!p1 s16, $0x12;
	s15 =	sadd.s32 @!p1 s6, s15;
	s14 =	sshll.u32 @!p1 s14, $0xC  }
0x33: {  	s14 =	sadd.s32 @!p1 s14, s15;
	s15 =	sor.u32 @!p1 $0x400, s16;
	s16 =	simm.s32 @!p1 $0x40000  }
0x34: {  	[tilespmem:s17], [sflag:$0x1] =	stream.strided.gather @!p1 [hbm4b:s14+s15], $0x4000, s16, s15, $0x38;
	[tilespmem:$0x10100] =	vst v63  }
0x35: {  	p1 =	sge.u32 s31, s5  }
.Ltmp2:
0x36: {  	_ = 	snop;
	(pc) =	sbr.rel @p1 .LBB1_5-.Ltmp2, $1  }
0x37: {  	_ =	sdelay $0x3  }
0x38: {  	s14 =	simm.s32 $0x1  }
0x39: {  	_ =	swait.ge [sflag:s4], $0x4000;
	s14 =	simm.s32 @!p0 $0x0  }
0x3a: {  	[sflag:s4] =	ssyncset.done $0x0;
	s15 =	sshll.u32 s14, $0xE  }
0x3b: {  	[sflag:s4] =	ssyncadd.s32 $0xFFFFC000;
	s17 =	sor.u32 $0x40, s15  }
0x3c: {  	s14 =	smul.u32 $0x10200, s14;
	v0 =	vld [tilespmem:s17+$0x30]  }
0x3d: {  	v1 =	vld [tilespmem:s17+$0xFFFFFFD0]  }
0x3e: {  	s14 =	sshrl.u32 s14, $0x2;
	v5 =	vld [tilespmem:s17+$0xFFFFFFE0]  }
0x3f: {  	v6 =	vld [tilespmem:s17+$0xFFFFFFF0];
	s15 =	sor.u32 $0x8000, s14  }
0x40: {  	s31 =	sand.u32 $0x1, s11;
	v4 =	vld [tilespmem:s17+$0x0];
	s16 =	sadd.s32 $0x0, s15  }
0x41: {  	v3 =	vld [tilespmem:s17+$0x10];
	s14 =	smul.u32 $0x10200, s31;
	[tilespmem:s16+$0x3870 ss:$0x81] =	vst.msk $0xffff, v0  }
0x42: {  	v2 =	vld [tilespmem:s17+$0x20];
	[tilespmem:s16+$0x810 ss:$0x81] =	vst.msk $0xffff, v1  }
0x43: {  	s14 =	sshrl.u32 s14, $0x2;
	v0 =	vld [tilespmem:s17+$0xFFFFFFC0];
	[tilespmem:s16+$0x1020 ss:$0x81] =	vst.msk $0xffff, v5;
	s17 =	sadd.s32 $0x80, s17  }
0x44: {  	s18 =	simm.s32 $0x4;
	s19 =	simm.s32 $0x8;
	s14 =	sor.u32 $0x8000, s14;
	[tilespmem:s16+$0x1830 ss:$0x81] =	vst.msk $0xffff, v6;
	v1 =	vld [tilespmem:s17+$0x30]  }
.LBB1_3:
0x45: {  	p1 =	sne.s32 s19, $0x1FC;
	v5 =	vld [tilespmem:s17+$0xFFFFFFD0];
	[tilespmem:s16+$0x2040 ss:$0x81] =	vst.msk $0xffff, v4  }
0x46: {  	v6 =	vld [tilespmem:s17+$0xFFFFFFE0];
	[tilespmem:s16+$0x2850 ss:$0x81] =	vst.msk $0xffff, v3  }
0x47: {  	s20 =	sshra.s32 s18, $0x2;
	s18 =	smov.u32 s19;
	v7 =	vld [tilespmem:s17+$0xFFFFFFF0];
	[tilespmem:s16+$0x3060 ss:$0x81] =	vst.msk $0xffff, v2  }
.Ltmp3:
0x48: {  	v4 =	vld [tilespmem:s17+$0x0];
	[tilespmem:s16+$0x0 ss:$0x81] =	vst.msk $0xffff, v0;
	s16 =	sadd.s32 s20, s15;
	(pc) =	sbr.rel @p1 .LBB1_3-.Ltmp3, $4  }
0x49: {  	v3 =	vld [tilespmem:s17+$0x10];
	[tilespmem:s16+$0x3870 ss:$0x81] =	vst.msk $0xffff, v1  }
0x4a: {  	[tilespmem:s16+$0x810 ss:$0x81] =	vst.msk $0xffff, v5;
	v2 =	vld [tilespmem:s17+$0x20]  }
0x4b: {  	v0 =	vld [tilespmem:s17+$0xFFFFFFC0];
	[tilespmem:s16+$0x1020 ss:$0x81] =	vst.msk $0xffff, v6;
	s17 =	sadd.s32 $0x80, s17  }
0x4c: {  	s19 =	sadd.s32 $0x4, s19;
	v1 =	vld [tilespmem:s17+$0x30];
	[tilespmem:s16+$0x1830 ss:$0x81] =	vst.msk $0xffff, v7  }
.Ltmp4:
0x4d: {  	_ = 	snop;
	(pc) =	sbr.rel .LBB1_4-.Ltmp4, $1  }
0x4e: {  	_ =	sdelay $0x3  }
.LBB1_6:
0x4f: {  	_ =	sfence.sel $0x180000  }
0x50: {  	s2 =	simm.s32 $0x1;
	[bflag:$0x0] =	sbarrier.arrive $0xFFFF  }
0x51: {  	s31 =	simm.s32 $0x2;
	[sflag:s2] =	ssyncpa.u1 $0x1  }
0x52: {  	[sflag:s31] =	ssyncpa.u1 $0x1  }
0x53: {  	p0 =	sne.s32 s0, $0x0;
	_ =	strace $0x9000004A  }
0x54: {  	s0 =	sadd.s32 @!p0 $0x100000, s1;
	[bflag:$0x2] =	sbarrier.arrive $0xFFFF  }
0x55: {  	[sflag:s0] =	ssyncadd.tile.s32 @!p0 $0x1;
	_ =	shalt  }
.Lfunc_end1:
_tile_overlayer_lowered:
.L_overlay_start_2:
0x56: {  	(tag) =	ssettag $0x2  }
0x57: {  	s0 =	rddreg [dreg:$0x0];
	s2 =	stileid.u32  }
0x58: {  	s1 =	rddreg [dreg:$0x1];
	p0 =	sne.s32 s2, $0x0  }
0x59: {  	s3 =	rddreg [dreg:$0x2];
	[bflag:$0x3] =	sbarrier.arrive $0xFFFF;
	s2 =	simm.s32 @!p0 $0x1C01  }
0x5a: {  	[timem:s3], [sflag:s2] =	dma.local @!p0 [hbm:s0], s1  }
0x5b: {  	s0 =	simm.s32 @!p0 $0x1  }
0x5c: {  	_ =	swait.ge @!p0 [sflag:s0], s1  }
0x5d: {  	s1 =	ssub.s32 @!p0 $0x0, s1;
	[sflag:s0] =	ssyncset.done @!p0 $0x0  }
0x5e: {  	[sflag:s0] =	ssyncadd.s32 @!p0 s1  }
0x5f: {  	[bflag:$0x3] =	sbarrier.arrive $0xFFFF  }
0x60: {  	_ =	shalt  }

</sc_bundles>
